<compile_context>
chip_gen: v7x
topology: tpu7x:2x2x1
jax: 0.10.2.dev20260603
libtpu: 0.0.44.dev20260713+nightly
codegen_flags: <defaults>
</compile_context>

<pallas_src>
import functools

import numpy as np

import jax
import jax.numpy as jnp
from jax import lax
from jax.experimental import pallas as pl
from jax.experimental.pallas import tpu as pltpu
from jax.experimental.pallas import tpu_sc as plsc

B, N, E, D, DE = 8, 4096, 65536, 128, 16
DG, DOUT, DGOUT, H, A = 64, 128, 64, 256, 2
BN, BE = B * N, B * E

NC, NS, L = 2, 16, 16
BH = B // 2
GPC = BH // NC
EPS = E // NS
CE = 64
NCHUNK = EPS // CE
RPS = N // NS


def _mm_kernel(x_ref, w_ref, o_ref):
    o_ref[...] = jnp.dot(x_ref[...], w_ref[...],
                         preferred_element_type=jnp.float32)


def _ew_pack_kernel(x_ref, w_ref, b_ref, o_ref):
    f = jnp.dot(x_ref[...], w_ref[...],
                preferred_element_type=jnp.float32) + b_ref[...]
    lo = lax.bitcast_convert_type(
        f[:, :DOUT // 2].astype(jnp.bfloat16), jnp.uint16).astype(jnp.uint32)
    hi = lax.bitcast_convert_type(
        f[:, DOUT // 2:].astype(jnp.bfloat16), jnp.uint16).astype(jnp.uint32)
    o_ref[...] = lax.bitcast_convert_type(lo | (hi << 16), jnp.int32)


def _node_pool_kernel(x_ref, a_ref, wx_ref, wa_ref, b_ref, o_ref):
    i = pl.program_id(1)
    emb = jnp.dot(x_ref[0], wx_ref[...], preferred_element_type=jnp.float32)
    emb += jnp.dot(a_ref[0], wa_ref[...],
                   preferred_element_type=jnp.float32)
    emb = jnp.maximum(emb + b_ref[...], 0.0)
    s = jnp.sum(emb, axis=0)[None, None]

    @pl.when(i == 0)
    def _():
        o_ref[...] = s

    @pl.when(i != 0)
    def _():
        o_ref[...] += s


def _head_kernel(p_ref, gf_ref, wg_ref, bg_ref, w1p_ref, w1g_ref, b1_ref,
                 w2_ref, b2_ref, o_ref):
    pooled = p_ref[...] * (1.0 / N)
    eg = jnp.dot(gf_ref[...], wg_ref[...],
                 preferred_element_type=jnp.float32) + bg_ref[...]
    h = jnp.dot(pooled, w1p_ref[...], preferred_element_type=jnp.float32)
    h += jnp.dot(eg, w1g_ref[...], preferred_element_type=jnp.float32)
    h = jnp.maximum(h + b1_ref[...], 0.0)
    o_ref[...] = jnp.dot(h, w2_ref[...],
                         preferred_element_type=jnp.float32) + b2_ref[...]


def _sc_edge_body(g0, xw_hbm, ew_hbm, src_hbm, dst_hbm, agg_hbm,
                  src_v, dst_v, xw_v0, xw_v1, ew_v0, ew_v1, out_v0, out_v1,
                  agg_sh, sg0, sg1, se0, se1, ss0, ss1):
    cid = lax.axis_index("c")
    sid = lax.axis_index("s")
    xw_bufs = (xw_v0, xw_v1)
    ew_bufs = (ew_v0, ew_v1)
    out_bufs = (out_v0, out_v1)
    gsems = (sg0, sg1)
    esems = (se0, se1)
    ssems = (ss0, ss1)

    z = jnp.zeros((L,), jnp.float32)
    himask = jnp.full((L,), -65536, jnp.int32)

    for gi in range(GPC):
        g = cid * GPC + gi
        row = (g0 + g) * NS + sid
        pltpu.sync_copy(src_hbm.at[row], src_v)
        pltpu.sync_copy(dst_hbm.at[row], dst_v)

        goff = jnp.full((L,), (g0 + g) * N, jnp.int32)

        def orow(n, _):
            for d in range(CE // L):
                src_v[n, pl.ds(d * L, L)] = (
                    src_v[n, pl.ds(d * L, L)] + goff)
            return ()

        lax.fori_loop(0, NCHUNK, orow, ())

        def zrow(e, _):
            for d in range(DOUT // L):
                out_v0[e, pl.ds(d * L, L)] = z
            return ()

        lax.fori_loop(0, CE, zrow, ())
        for k in range(RPS // CE):
            pltpu.sync_copy(out_v0, agg_sh.at[pl.ds(sid * RPS + k * CE, CE)])
        plsc.subcore_barrier()

        ebase = g * E + sid * EPS
        pltpu.async_copy(xw_hbm.at[src_v.at[0]], xw_v0, sg0)
        pltpu.async_copy(ew_hbm.at[pl.ds(ebase, CE)], ew_v0, se0)

        def pair(i, _):
            for b in range(2):
                j = i * 2 + b
                nb = 1 - b

                @pl.when(j + 1 < NCHUNK)
                def _():
                    pltpu.async_copy(xw_hbm.at[src_v.at[j + 1]],
                                     xw_bufs[nb], gsems[nb])
                    pltpu.async_copy(ew_hbm.at[pl.ds(ebase + (j + 1) * CE, CE)],
                                     ew_bufs[nb], esems[nb])

                pltpu.make_async_copy(xw_hbm.at[src_v.at[j]],
                                      xw_bufs[b], gsems[b]).wait()
                pltpu.make_async_copy(ew_hbm.at[pl.ds(ebase, CE)],
                                      ew_bufs[b], esems[b]).wait()

                @pl.when(j >= 2)
                def _():
                    pltpu.make_async_copy(out_bufs[b],
                                          agg_sh.at[dst_v.at[j]],
                                          ssems[b]).wait()

                def edge(e, _):
                    for d in range(DOUT // (2 * L)):
                        vi = ew_bufs[b][e, pl.ds(d * L, L)]
                        clo = lax.bitcast_convert_type(
                            lax.shift_left(vi, 16), jnp.float32)
                        chi = lax.bitcast_convert_type(
                            lax.bitwise_and(vi, himask), jnp.float32)
                        a0 = xw_bufs[b][e, pl.ds(2 * d * L, L)]
                        a1 = xw_bufs[b][e, pl.ds((2 * d + 1) * L, L)]
                        out_bufs[b][e, pl.ds(2 * d * L, L)] = (
                            jnp.maximum(a0 + clo, 0.0))
                        out_bufs[b][e, pl.ds((2 * d + 1) * L, L)] = (
                            jnp.maximum(a1 + chi, 0.0))
                    return ()

                lax.fori_loop(0, CE, edge, ())
                pltpu.async_copy(out_bufs[b], agg_sh.at[dst_v.at[j]],
                                 ssems[b], add=True)
            return ()

        lax.fori_loop(0, NCHUNK // 2, pair, ())
        pltpu.make_async_copy(out_v0, agg_sh.at[dst_v.at[0]], ss0).wait()
        pltpu.make_async_copy(out_v1, agg_sh.at[dst_v.at[1]], ss1).wait()
        plsc.subcore_barrier()
        pltpu.sync_copy(agg_sh.at[pl.ds(sid * RPS, RPS)],
                        agg_hbm.at[pl.ds(g * N + sid * RPS, RPS)])
        plsc.subcore_barrier()


def _sc_edge_aggregate(xw, ew, src_g, dst_l, g0):
    mesh = plsc.VectorSubcoreMesh(core_axis_name="c", subcore_axis_name="s")
    return pl.kernel(
        functools.partial(_sc_edge_body, g0),
        out_type=jax.ShapeDtypeStruct((BH * N, DOUT), jnp.float32),
        mesh=mesh,
        scratch_types=(
            [pltpu.VMEM((NCHUNK, CE), jnp.int32),
             pltpu.VMEM((NCHUNK, CE), jnp.int32),
             pltpu.VMEM((CE, DOUT), jnp.float32),
             pltpu.VMEM((CE, DOUT), jnp.float32),
             pltpu.VMEM((CE, DOUT // 2), jnp.int32),
             pltpu.VMEM((CE, DOUT // 2), jnp.int32),
             pltpu.VMEM((CE, DOUT), jnp.float32),
             pltpu.VMEM((CE, DOUT), jnp.float32),
             pltpu.VMEM_SHARED((N, DOUT), jnp.float32)]
            + [pltpu.SemaphoreType.DMA] * 6
        ),
    )(xw, ew, src_g, dst_l)


def kernel(node_features, edge_features, graph_features, edges_src,
           edges_dst, W_msg, b_msg, W_node, b_node, W_g, b_g, W1, b1,
           W2, b2):
    x = node_features.reshape(BN, D)
    e = edge_features.reshape(BE, DE)

    src_g = edges_src.reshape(B * NS, NCHUNK, CE)
    dst_l = edges_dst.reshape(B * NS, NCHUNK, CE)

    Wx, We = W_msg[:D], W_msg[D:]
    Wnx, Wna = W_node[:D], W_node[D:]

    trueidx = np.empty(DOUT, np.int32)
    for d in range(DOUT // 32):
        for i in range(16):
            trueidx[16 * d + i] = 32 * d + i
            trueidx[64 + 16 * d + i] = 32 * d + 16 + i
    We = We[:, trueidx]
    b_ew = b_msg[trueidx]


    BLK = 2048
    xw = pl.pallas_call(
        _mm_kernel,
        grid=(BN // BLK,),
        in_specs=[pl.BlockSpec((BLK, D), lambda i: (i, 0)),
                  pl.BlockSpec((D, DOUT), lambda i: (0, 0))],
        out_specs=pl.BlockSpec((BLK, DOUT), lambda i: (i, 0)),
        out_shape=jax.ShapeDtypeStruct((BN, DOUT), jnp.float32),
    )(x, Wx)

    BLK2 = 4096
    BEH = BE // 2

    def ew_half(half):
        off = half * (BEH // BLK2)
        return pl.pallas_call(
            _ew_pack_kernel,
            grid=(BEH // BLK2,),
            in_specs=[pl.BlockSpec((BLK2, DE), lambda i: (i + off, 0)),
                      pl.BlockSpec((DE, DOUT), lambda i: (0, 0)),
                      pl.BlockSpec((1, DOUT), lambda i: (0, 0))],
            out_specs=pl.BlockSpec((BLK2, DOUT // 2), lambda i: (i, 0)),
            out_shape=jax.ShapeDtypeStruct((BEH, DOUT // 2), jnp.int32),
        )(e, We, b_ew.reshape(1, DOUT))

    BLK3 = 1024
    x3 = x.reshape(B, N, D)

    def pool_half(half, a3h):
        off = half * BH
        return pl.pallas_call(
            _node_pool_kernel,
            grid=(BH, N // BLK3),
            in_specs=[pl.BlockSpec((1, BLK3, D),
                                   lambda b, i: (b + off, i, 0)),
                      pl.BlockSpec((1, BLK3, DOUT), lambda b, i: (b, i, 0)),
                      pl.BlockSpec((D, DOUT), lambda b, i: (0, 0)),
                      pl.BlockSpec((DOUT, DOUT), lambda b, i: (0, 0)),
                      pl.BlockSpec((1, DOUT), lambda b, i: (0, 0))],
            out_specs=pl.BlockSpec((1, 1, DOUT), lambda b, i: (b, 0, 0)),
            out_shape=jax.ShapeDtypeStruct((BH, 1, DOUT), jnp.float32),
        )(x3, a3h, Wnx, Wna, b_node.reshape(1, DOUT))

    ew0 = ew_half(0)
    agg0 = _sc_edge_aggregate(xw, ew0, src_g, dst_l, 0)
    ew1 = ew_half(1)
    agg1 = _sc_edge_aggregate(xw, ew1, src_g, dst_l, BH)
    pooled0 = pool_half(0, agg0.reshape(BH, N, DOUT))
    pooled1 = pool_half(1, agg1.reshape(BH, N, DOUT))
    pooled = jnp.concatenate([pooled0, pooled1], axis=0).reshape(B, DOUT)

    logits = pl.pallas_call(
        _head_kernel,
        in_specs=[pl.BlockSpec((B, DOUT), lambda: (0, 0)),
                  pl.BlockSpec((B, DG), lambda: (0, 0)),
                  pl.BlockSpec((DG, DGOUT), lambda: (0, 0)),
                  pl.BlockSpec((1, DGOUT), lambda: (0, 0)),
                  pl.BlockSpec((DOUT, H), lambda: (0, 0)),
                  pl.BlockSpec((DGOUT, H), lambda: (0, 0)),
                  pl.BlockSpec((1, H), lambda: (0, 0)),
                  pl.BlockSpec((H, A), lambda: (0, 0)),
                  pl.BlockSpec((1, A), lambda: (0, 0))],
        out_specs=pl.BlockSpec((B, A), lambda: (0, 0)),
        out_shape=jax.ShapeDtypeStruct((B, A), jnp.float32),
    )(pooled, graph_features, W_g, b_g.reshape(1, DGOUT),
      W1[:DOUT], W1[DOUT:], b1.reshape(1, H), W2, b2.reshape(1, A))

    return logits

# --- scband reference (transcript-rebuilt; emitter-appended) ---
"""Pipeline reference for scband-gnnpolicy-64957085385220 (READ-ONLY COPY).

The authoritative reference and input builder live on the scoring server;
editing this copy changes nothing except your own understanding.
"""

import jax, jax.numpy as jnp
import numpy as np

B, N, E, D, DE = 8, 4096, 65536, 128, 16
DG, DOUT, DGOUT, H, A = 64, 128, 64, 256, 2


def setup_inputs(seed: int = 0) -> dict:
    key = jax.random.key(seed)
    ks = jax.random.split(key, 16)
    s = 0.05
    return {
        "node_features": jax.random.normal(ks[0], (B, N, D), jnp.float32),
        "edge_features": jax.random.normal(ks[1], (B, E, DE), jnp.float32),
        "graph_features": jax.random.normal(ks[2], (B, DG), jnp.float32),
        "edges_src": jax.random.randint(ks[3], (B, E), 0, N, dtype=jnp.int32),
        "edges_dst": jax.random.randint(ks[4], (B, E), 0, N, dtype=jnp.int32),
        "W_msg": jax.random.normal(ks[5], (D + DE, DOUT), jnp.float32) * s,
        "b_msg": jnp.zeros((DOUT,), jnp.float32),
        "W_node": jax.random.normal(ks[6], (D + DOUT, DOUT), jnp.float32) * s,
        "b_node": jnp.zeros((DOUT,), jnp.float32),
        "W_g": jax.random.normal(ks[7], (DG, DGOUT), jnp.float32) * s,
        "b_g": jnp.zeros((DGOUT,), jnp.float32),
        "W1": jax.random.normal(ks[8], (DOUT + DGOUT, H), jnp.float32) * s,
        "b1": jnp.zeros((H,), jnp.float32),
        "W2": jax.random.normal(ks[9], (H, A), jnp.float32) * s,
        "b2": jnp.zeros((A,), jnp.float32),
    }


def reference(node_features, edge_features, graph_features, edges_src, edges_dst,
              W_msg, b_msg, W_node, b_node, W_g, b_g, W1, b1, W2, b2):
    # dgl.batch: offset per-graph node indices into one big graph
    offsets = (jnp.arange(B, dtype=edges_src.dtype) * N)[:, None]
    src = (edges_src + offsets).reshape(-1)
    dst = (edges_dst + offsets).reshape(-1)
    x = node_features.reshape(B * N, D)
    e = edge_features.reshape(B * E, DE)
    # GNN message passing: msg_e = relu([x_src || e] W_msg + b); agg = sum over dst
    msg = jax.nn.relu(jnp.concatenate([jnp.take(x, src, axis=0), e], axis=-1) @ W_msg + b_msg)
    agg = jax.ops.segment_sum(msg, dst, num_segments=B * N)
    emb_nodes = jax.nn.relu(jnp.concatenate([x, agg], axis=-1) @ W_node + b_node)
    # reshape back and mean-pool over nodes per graph
    emb_nodes = emb_nodes.reshape(B, N, DOUT).mean(axis=1)
    # graph-level features through linear layer
    emb_graph = graph_features @ W_g + b_g
    final_emb = jnp.concatenate([emb_nodes, emb_graph], axis=1)
    # 2-layer FC logit head
    logits = jax.nn.relu(final_emb @ W1 + b1) @ W2 + b2
    return logits

if __name__ == "__main__":
    import jax
    _d = setup_inputs()
    print(jax.jit(kernel)(*tuple(_d.values())))

</pallas_src>

<mosaic_0001>
#map = affine_map<(d0, d1) -> (0, 0)>
#map1 = affine_map<(d0, d1) -> (0, 0, 0)>
module attributes {stable_mosaic.version = 14 : i64} {
  func.func @_sc_edge_body(%arg0: i32, %arg1: i32, %arg2: memref<32768x128xf32, #tpu.memory_space<hbm>>, %arg3: memref<262144x64xi32, #tpu.memory_space<hbm>>, %arg4: memref<128x64x64xi32, #tpu.memory_space<hbm>>, %arg5: memref<128x64x64xi32, #tpu.memory_space<hbm>>, %arg6: memref<16384x128xf32, #tpu.memory_space<hbm>>, %arg7: memref<64x64xi32, #tpu.memory_space<vmem>>, %arg8: memref<64x64xi32, #tpu.memory_space<vmem>>, %arg9: memref<64x128xf32, #tpu.memory_space<vmem>>, %arg10: memref<64x128xf32, #tpu.memory_space<vmem>>, %arg11: memref<64x64xi32, #tpu.memory_space<vmem>>, %arg12: memref<64x64xi32, #tpu.memory_space<vmem>>, %arg13: memref<64x128xf32, #tpu.memory_space<vmem>>, %arg14: memref<64x128xf32, #tpu.memory_space<vmem>>, %arg15: memref<4096x128xf32, #tpu.memory_space<vmem_shared>>, %arg16: memref<!tpu.dma_semaphore, #tpu.memory_space<semaphore_mem>>, %arg17: memref<!tpu.dma_semaphore, #tpu.memory_space<semaphore_mem>>, %arg18: memref<!tpu.dma_semaphore, #tpu.memory_space<semaphore_mem>>, %arg19: memref<!tpu.dma_semaphore, #tpu.memory_space<semaphore_mem>>, %arg20: memref<!tpu.dma_semaphore, #tpu.memory_space<semaphore_mem>>, %arg21: memref<!tpu.dma_semaphore, #tpu.memory_space<semaphore_mem>>) attributes {dimension_semantics = [#tpu.dimension_semantics<core_parallel>, #tpu.dimension_semantics<subcore_parallel>], iteration_bounds = array<i64: 2, 16>, scalar_prefetch = 0 : i64, scratch_operands = 15 : i64, tpu.core_type = #tpu.core_type<sc_vector_subcore>, window_params = [{transform_indices = #map}, {transform_indices = #map}, {transform_indices = #map1}, {transform_indices = #map1}, {transform_indices = #map}]} {
    %broadcast_in_dim3A = arith.constant 0.000000e+00 : f32
    %broadcast_in_dim3A_0 = vector.broadcast %broadcast_in_dim3A : f32 to vector<16xf32>
    %broadcast_in_dim3A_1 = arith.constant -65536 : i32
    %broadcast_in_dim3A_2 = vector.broadcast %broadcast_in_dim3A_1 : i32 to vector<16xi32>
    %mul3A = arith.constant 2 : i32
    %mul3A_3 = arith.muli %arg0, %mul3A : i32
    %add3A = arith.constant 0 : i32
    %add3A_4 = arith.addi %mul3A_3, %add3A : i32
    %add3A_5 = arith.constant 0 : i32
    %add3A_6 = arith.addi %add3A_5, %add3A_4 : i32
    %mul3A_7 = arith.constant 16 : i32
    %mul3A_8 = arith.muli %add3A_6, %mul3A_7 : i32
    %add3A_9 = arith.addi %mul3A_8, %arg1 : i32
    "tpu.region"() ({
      %run_scoped3A = tpu.sem_alloc : memref<!tpu.dma_semaphore, #tpu.memory_space<semaphore_mem>>
      %dma_start3A_167 = arith.constant 0 : i32
      %dma_start3A_168 = arith.constant 0 : i32
      %dma_start3A_169 = tpu.memref_slice %arg4[%add3A_9, %dma_start3A_167, %dma_start3A_168] : memref<128x64x64xi32, #tpu.memory_space<hbm>> -> memref<1x64x64xi32, #tpu.memory_space<hbm>>
      %dma_start3A_170 = tpu.memref_squeeze %dma_start3A_169 : memref<1x64x64xi32, #tpu.memory_space<hbm>> -> memref<64x64xi32, #tpu.memory_space<hbm>>
      %dma_start3A_171 = arith.constant 0 : i32
      %dma_start3A_172 = arith.constant 0 : i32
      %dma_start3A_173 = tpu.memref_slice %arg4[%add3A_9, %dma_start3A_171, %dma_start3A_172] : memref<128x64x64xi32, #tpu.memory_space<hbm>> -> memref<1x64x64xi32, #tpu.memory_space<hbm>>
      %dma_start3A_174 = tpu.memref_squeeze %dma_start3A_173 : memref<1x64x64xi32, #tpu.memory_space<hbm>> -> memref<64x64xi32, #tpu.memory_space<hbm>>
      tpu.enqueue_dma source(%dma_start3A_174 : memref<64x64xi32, #tpu.memory_space<hbm>>) target(%arg7 : memref<64x64xi32, #tpu.memory_space<vmem>>) target_semaphore(%run_scoped3A : memref<!tpu.dma_semaphore, #tpu.memory_space<semaphore_mem>>)
      %dma_wait3A_175 = arith.constant 0 : i32
      %dma_wait3A_176 = arith.constant 0 : i32
      %dma_wait3A_177 = tpu.memref_slice %arg4[%add3A_9, %dma_wait3A_175, %dma_wait3A_176] : memref<128x64x64xi32, #tpu.memory_space<hbm>> -> memref<1x64x64xi32, #tpu.memory_space<hbm>>
      %dma_wait3A_178 = tpu.memref_squeeze %dma_wait3A_177 : memref<1x64x64xi32, #tpu.memory_space<hbm>> -> memref<64x64xi32, #tpu.memory_space<hbm>>
      %dma_wait3A_179 = arith.constant 0 : i32
      %dma_wait3A_180 = arith.constant 0 : i32
      %dma_wait3A_181 = tpu.memref_slice %arg4[%add3A_9, %dma_wait3A_179, %dma_wait3A_180] : memref<128x64x64xi32, #tpu.memory_space<hbm>> -> memref<1x64x64xi32, #tpu.memory_space<hbm>>
      %dma_wait3A_182 = tpu.memref_squeeze %dma_wait3A_181 : memref<1x64x64xi32, #tpu.memory_space<hbm>> -> memref<64x64xi32, #tpu.memory_space<hbm>>
      tpu.wait_dma2 semaphore(%run_scoped3A : memref<!tpu.dma_semaphore, #tpu.memory_space<semaphore_mem>>) src(%dma_wait3A_182 : memref<64x64xi32, #tpu.memory_space<hbm>>) dst(%arg7 : memref<64x64xi32, #tpu.memory_space<vmem>>)
      tpu.yield
    }) : () -> ()
    "tpu.region"() ({
      %run_scoped3A = tpu.sem_alloc : memref<!tpu.dma_semaphore, #tpu.memory_space<semaphore_mem>>
      %dma_start3A_167 = arith.constant 0 : i32
      %dma_start3A_168 = arith.constant 0 : i32
      %dma_start3A_169 = tpu.memref_slice %arg5[%add3A_9, %dma_start3A_167, %dma_start3A_168] : memref<128x64x64xi32, #tpu.memory_space<hbm>> -> memref<1x64x64xi32, #tpu.memory_space<hbm>>
      %dma_start3A_170 = tpu.memref_squeeze %dma_start3A_169 : memref<1x64x64xi32, #tpu.memory_space<hbm>> -> memref<64x64xi32, #tpu.memory_space<hbm>>
      %dma_start3A_171 = arith.constant 0 : i32
      %dma_start3A_172 = arith.constant 0 : i32
      %dma_start3A_173 = tpu.memref_slice %arg5[%add3A_9, %dma_start3A_171, %dma_start3A_172] : memref<128x64x64xi32, #tpu.memory_space<hbm>> -> memref<1x64x64xi32, #tpu.memory_space<hbm>>
      %dma_start3A_174 = tpu.memref_squeeze %dma_start3A_173 : memref<1x64x64xi32, #tpu.memory_space<hbm>> -> memref<64x64xi32, #tpu.memory_space<hbm>>
      tpu.enqueue_dma source(%dma_start3A_174 : memref<64x64xi32, #tpu.memory_space<hbm>>) target(%arg8 : memref<64x64xi32, #tpu.memory_space<vmem>>) target_semaphore(%run_scoped3A : memref<!tpu.dma_semaphore, #tpu.memory_space<semaphore_mem>>)
      %dma_wait3A_175 = arith.constant 0 : i32
      %dma_wait3A_176 = arith.constant 0 : i32
      %dma_wait3A_177 = tpu.memref_slice %arg5[%add3A_9, %dma_wait3A_175, %dma_wait3A_176] : memref<128x64x64xi32, #tpu.memory_space<hbm>> -> memref<1x64x64xi32, #tpu.memory_space<hbm>>
      %dma_wait3A_178 = tpu.memref_squeeze %dma_wait3A_177 : memref<1x64x64xi32, #tpu.memory_space<hbm>> -> memref<64x64xi32, #tpu.memory_space<hbm>>
      %dma_wait3A_179 = arith.constant 0 : i32
      %dma_wait3A_180 = arith.constant 0 : i32
      %dma_wait3A_181 = tpu.memref_slice %arg5[%add3A_9, %dma_wait3A_179, %dma_wait3A_180] : memref<128x64x64xi32, #tpu.memory_space<hbm>> -> memref<1x64x64xi32, #tpu.memory_space<hbm>>
      %dma_wait3A_182 = tpu.memref_squeeze %dma_wait3A_181 : memref<1x64x64xi32, #tpu.memory_space<hbm>> -> memref<64x64xi32, #tpu.memory_space<hbm>>
      tpu.wait_dma2 semaphore(%run_scoped3A : memref<!tpu.dma_semaphore, #tpu.memory_space<semaphore_mem>>) src(%dma_wait3A_182 : memref<64x64xi32, #tpu.memory_space<hbm>>) dst(%arg8 : memref<64x64xi32, #tpu.memory_space<vmem>>)
      tpu.yield
    }) : () -> ()
    %add3A_10 = arith.constant 0 : i32
    %add3A_11 = arith.addi %add3A_10, %add3A_4 : i32
    %mul3A_12 = arith.constant 4096 : i32
    %mul3A_13 = arith.muli %add3A_11, %mul3A_12 : i32
    %broadcast_in_dim3A_14 = vector.broadcast %mul3A_13 : i32 to vector<16xi32>
    %scan3A = arith.constant 0 : i32
    %scan3A_15 = arith.constant 64 : i32
    %scan3A_16 = arith.addi %scan3A, %scan3A_15 : i32
    %scan3A_17 = arith.constant 1 : i32
    scf.for %scan3A_167 = %scan3A to %scan3A_16 step %scan3A_17  : i32 {
      %get3A = arith.index_cast %scan3A_167 : i32 to index
      %get3A_168 = arith.constant 0 : index
      %get3A_169 = tpu.vector_load %arg7[%get3A, %get3A_168] {strides = array<i32>} : memref<64x64xi32, #tpu.memory_space<vmem>>, vector<1x16xi32>,
      %get3A_170 = vector.shape_cast %get3A_169 : vector<1x16xi32> to vector<16xi32>
      %add3A_171 = arith.addi %get3A_170, %broadcast_in_dim3A_14 : vector<16xi32>
      %swap3A = arith.index_cast %scan3A_167 : i32 to index
      %swap3A_172 = arith.constant 0 : index
      %swap3A_173 = tpu.vector_load %arg7[%swap3A, %swap3A_172] {strides = array<i32>} : memref<64x64xi32, #tpu.memory_space<vmem>>, vector<1x16xi32>,
      %swap3A_174 = vector.shape_cast %swap3A_173 : vector<1x16xi32> to vector<16xi32>
      %swap3A_175 = vector.shape_cast %add3A_171 : vector<16xi32> to vector<1x16xi32>
      tpu.vector_store %arg7[%swap3A, %swap3A_172], %swap3A_175 {strides = array<i32>} : memref<64x64xi32, #tpu.memory_space<vmem>>, vector<1x16xi32>,
      %get3A_176 = arith.index_cast %scan3A_167 : i32 to index
      %get3A_177 = arith.constant 16 : index
      %get3A_178 = tpu.vector_load %arg7[%get3A_176, %get3A_177] {strides = array<i32>} : memref<64x64xi32, #tpu.memory_space<vmem>>, vector<1x16xi32>,
      %get3A_179 = vector.shape_cast %get3A_178 : vector<1x16xi32> to vector<16xi32>
      %add3A_180 = arith.addi %get3A_179, %broadcast_in_dim3A_14 : vector<16xi32>
      %swap3A_181 = arith.index_cast %scan3A_167 : i32 to index
      %swap3A_182 = arith.constant 16 : index
      %swap3A_183 = tpu.vector_load %arg7[%swap3A_181, %swap3A_182] {strides = array<i32>} : memref<64x64xi32, #tpu.memory_space<vmem>>, vector<1x16xi32>,
      %swap3A_184 = vector.shape_cast %swap3A_183 : vector<1x16xi32> to vector<16xi32>
      %swap3A_185 = vector.shape_cast %add3A_180 : vector<16xi32> to vector<1x16xi32>
      tpu.vector_store %arg7[%swap3A_181, %swap3A_182], %swap3A_185 {strides = array<i32>} : memref<64x64xi32, #tpu.memory_space<vmem>>, vector<1x16xi32>,
      %get3A_186 = arith.index_cast %scan3A_167 : i32 to index
      %get3A_187 = arith.constant 32 : index
      %get3A_188 = tpu.vector_load %arg7[%get3A_186, %get3A_187] {strides = array<i32>} : memref<64x64xi32, #tpu.memory_space<vmem>>, vector<1x16xi32>,
      %get3A_189 = vector.shape_cast %get3A_188 : vector<1x16xi32> to vector<16xi32>
      %add3A_190 = arith.addi %get3A_189, %broadcast_in_dim3A_14 : vector<16xi32>
      %swap3A_191 = arith.index_cast %scan3A_167 : i32 to index
      %swap3A_192 = arith.constant 32 : index
      %swap3A_193 = tpu.vector_load %arg7[%swap3A_191, %swap3A_192] {strides = array<i32>} : memref<64x64xi32, #tpu.memory_space<vmem>>, vector<1x16xi32>,
      %swap3A_194 = vector.shape_cast %swap3A_193 : vector<1x16xi32> to vector<16xi32>
      %swap3A_195 = vector.shape_cast %add3A_190 : vector<16xi32> to vector<1x16xi32>
      tpu.vector_store %arg7[%swap3A_191, %swap3A_192], %swap3A_195 {strides = array<i32>} : memref<64x64xi32, #tpu.memory_space<vmem>>, vector<1x16xi32>,
      %get3A_196 = arith.index_cast %scan3A_167 : i32 to index
      %get3A_197 = arith.constant 48 : index
      %get3A_198 = tpu.vector_load %arg7[%get3A_196, %get3A_197] {strides = array<i32>} : memref<64x64xi32, #tpu.memory_space<vmem>>, vector<1x16xi32>,
      %get3A_199 = vector.shape_cast %get3A_198 : vector<1x16xi32> to vector<16xi32>
      %add3A_200 = arith.addi %get3A_199, %broadcast_in_dim3A_14 : vector<16xi32>
      %swap3A_201 = arith.index_cast %scan3A_167 : i32 to index
      %swap3A_202 = arith.constant 48 : index
      %swap3A_203 = tpu.vector_load %arg7[%swap3A_201, %swap3A_202] {strides = array<i32>} : memref<64x64xi32, #tpu.memory_space<vmem>>, vector<1x16xi32>,
      %swap3A_204 = vector.shape_cast %swap3A_203 : vector<1x16xi32> to vector<16xi32>
      %swap3A_205 = vector.shape_cast %add3A_200 : vector<16xi32> to vector<1x16xi32>
      tpu.vector_store %arg7[%swap3A_201, %swap3A_202], %swap3A_205 {strides = array<i32>} : memref<64x64xi32, #tpu.memory_space<vmem>>, vector<1x16xi32>,
    }
    %scan3A_18 = arith.constant 64 : i32
    %scan3A_19 = arith.constant 0 : i32
    %scan3A_20 = arith.constant 64 : i32
    %scan3A_21 = arith.addi %scan3A_19, %scan3A_20 : i32
    %scan3A_22 = arith.constant 1 : i32
    scf.for %scan3A_167 = %scan3A_19 to %scan3A_21 step %scan3A_22  : i32 {
      %swap3A = arith.index_cast %scan3A_167 : i32 to index
      %swap3A_168 = arith.constant 0 : index
      %swap3A_169 = tpu.vector_load %arg13[%swap3A, %swap3A_168] {strides = array<i32>} : memref<64x128xf32, #tpu.memory_space<vmem>>, vector<1x16xf32>,
      %swap3A_170 = vector.shape_cast %swap3A_169 : vector<1x16xf32> to vector<16xf32>
      %swap3A_171 = vector.shape_cast %broadcast_in_dim3A_0 : vector<16xf32> to vector<1x16xf32>
      tpu.vector_store %arg13[%swap3A, %swap3A_168], %swap3A_171 {strides = array<i32>} : memref<64x128xf32, #tpu.memory_space<vmem>>, vector<1x16xf32>,
      %swap3A_172 = arith.index_cast %scan3A_167 : i32 to index
      %swap3A_173 = arith.constant 16 : index
      %swap3A_174 = tpu.vector_load %arg13[%swap3A_172, %swap3A_173] {strides = array<i32>} : memref<64x128xf32, #tpu.memory_space<vmem>>, vector<1x16xf32>,
      %swap3A_175 = vector.shape_cast %swap3A_174 : vector<1x16xf32> to vector<16xf32>
      %swap3A_176 = vector.shape_cast %broadcast_in_dim3A_0 : vector<16xf32> to vector<1x16xf32>
      tpu.vector_store %arg13[%swap3A_172, %swap3A_173], %swap3A_176 {strides = array<i32>} : memref<64x128xf32, #tpu.memory_space<vmem>>, vector<1x16xf32>,
      %swap3A_177 = arith.index_cast %scan3A_167 : i32 to index
      %swap3A_178 = arith.constant 32 : index
      %swap3A_179 = tpu.vector_load %arg13[%swap3A_177, %swap3A_178] {strides = array<i32>} : memref<64x128xf32, #tpu.memory_space<vmem>>, vector<1x16xf32>,
      %swap3A_180 = vector.shape_cast %swap3A_179 : vector<1x16xf32> to vector<16xf32>
      %swap3A_181 = vector.shape_cast %broadcast_in_dim3A_0 : vector<16xf32> to vector<1x16xf32>
      tpu.vector_store %arg13[%swap3A_177, %swap3A_178], %swap3A_181 {strides = array<i32>} : memref<64x128xf32, #tpu.memory_space<vmem>>, vector<1x16xf32>,
      %swap3A_182 = arith.index_cast %scan3A_167 : i32 to index
      %swap3A_183 = arith.constant 48 : index
      %swap3A_184 = tpu.vector_load %arg13[%swap3A_182, %swap3A_183] {strides = array<i32>} : memref<64x128xf32, #tpu.memory_space<vmem>>, vector<1x16xf32>,
      %swap3A_185 = vector.shape_cast %swap3A_184 : vector<1x16xf32> to vector<16xf32>
      %swap3A_186 = vector.shape_cast %broadcast_in_dim3A_0 : vector<16xf32> to vector<1x16xf32>
      tpu.vector_store %arg13[%swap3A_182, %swap3A_183], %swap3A_186 {strides = array<i32>} : memref<64x128xf32, #tpu.memory_space<vmem>>, vector<1x16xf32>,
      %swap3A_187 = arith.index_cast %scan3A_167 : i32 to index
      %swap3A_188 = arith.constant 64 : index
      %swap3A_189 = tpu.vector_load %arg13[%swap3A_187, %swap3A_188] {strides = array<i32>} : memref<64x128xf32, #tpu.memory_space<vmem>>, vector<1x16xf32>,
      %swap3A_190 = vector.shape_cast %swap3A_189 : vector<1x16xf32> to vector<16xf32>
      %swap3A_191 = vector.shape_cast %broadcast_in_dim3A_0 : vector<16xf32> to vector<1x16xf32>
      tpu.vector_store %arg13[%swap3A_187, %swap3A_188], %swap3A_191 {strides = array<i32>} : memref<64x128xf32, #tpu.memory_space<vmem>>, vector<1x16xf32>,
      %swap3A_192 = arith.index_cast %scan3A_167 : i32 to index
      %swap3A_193 = arith.constant 80 : index
      %swap3A_194 = tpu.vector_load %arg13[%swap3A_192, %swap3A_193] {strides = array<i32>} : memref<64x128xf32, #tpu.memory_space<vmem>>, vector<1x16xf32>,
      %swap3A_195 = vector.shape_cast %swap3A_194 : vector<1x16xf32> to vector<16xf32>
      %swap3A_196 = vector.shape_cast %broadcast_in_dim3A_0 : vector<16xf32> to vector<1x16xf32>
      tpu.vector_store %arg13[%swap3A_192, %swap3A_193], %swap3A_196 {strides = array<i32>} : memref<64x128xf32, #tpu.memory_space<vmem>>, vector<1x16xf32>,
      %swap3A_197 = arith.index_cast %scan3A_167 : i32 to index
      %swap3A_198 = arith.constant 96 : index
      %swap3A_199 = tpu.vector_load %arg13[%swap3A_197, %swap3A_198] {strides = array<i32>} : memref<64x128xf32, #tpu.memory_space<vmem>>, vector<1x16xf32>,
      %swap3A_200 = vector.shape_cast %swap3A_199 : vector<1x16xf32> to vector<16xf32>
      %swap3A_201 = vector.shape_cast %broadcast_in_dim3A_0 : vector<16xf32> to vector<1x16xf32>
      tpu.vector_store %arg13[%swap3A_197, %swap3A_198], %swap3A_201 {strides = array<i32>} : memref<64x128xf32, #tpu.memory_space<vmem>>, vector<1x16xf32>,
      %swap3A_202 = arith.index_cast %scan3A_167 : i32 to index
      %swap3A_203 = arith.constant 112 : index
      %swap3A_204 = tpu.vector_load %arg13[%swap3A_202, %swap3A_203] {strides = array<i32>} : memref<64x128xf32, #tpu.memory_space<vmem>>, vector<1x16xf32>,
      %swap3A_205 = vector.shape_cast %swap3A_204 : vector<1x16xf32> to vector<16xf32>
      %swap3A_206 = vector.shape_cast %broadcast_in_dim3A_0 : vector<16xf32> to vector<1x16xf32>
      tpu.vector_store %arg13[%swap3A_202, %swap3A_203], %swap3A_206 {strides = array<i32>} : memref<64x128xf32, #tpu.memory_space<vmem>>, vector<1x16xf32>,
    }
    %scan3A_23 = arith.constant 64 : i32
    %mul3A_24 = arith.constant 256 : i32
    %mul3A_25 = arith.muli %arg1, %mul3A_24 : i32
    %add3A_26 = arith.constant 0 : i32
    %add3A_27 = arith.addi %mul3A_25, %add3A_26 : i32
    "tpu.region"() ({
      %run_scoped3A = tpu.sem_alloc : memref<!tpu.dma_semaphore, #tpu.memory_space<semaphore_mem>>
      %dma_start3A_167 = arith.constant 0 : i32
      %dma_start3A_168 = tpu.memref_slice %arg15[%add3A_27, %dma_start3A_167] : memref<4096x128xf32, #tpu.memory_space<vmem_shared>> -> memref<64x128xf32, #tpu.memory_space<vmem_shared>>
      %dma_start3A_169 = arith.constant 0 : i32
      %dma_start3A_170 = tpu.memref_slice %arg15[%add3A_27, %dma_start3A_169] : memref<4096x128xf32, #tpu.memory_space<vmem_shared>> -> memref<64x128xf32, #tpu.memory_space<vmem_shared>>
      tpu.enqueue_dma source(%arg13 : memref<64x128xf32, #tpu.memory_space<vmem>>) target(%dma_start3A_170 : memref<64x128xf32, #tpu.memory_space<vmem_shared>>) target_semaphore(%run_scoped3A : memref<!tpu.dma_semaphore, #tpu.memory_space<semaphore_mem>>)
      %dma_wait3A_171 = arith.constant 0 : i32
      %dma_wait3A_172 = tpu.memref_slice %arg15[%add3A_27, %dma_wait3A_171] : memref<4096x128xf32, #tpu.memory_space<vmem_shared>> -> memref<64x128xf32, #tpu.memory_space<vmem_shared>>
      %dma_wait3A_173 = arith.constant 0 : i32
      %dma_wait3A_174 = tpu.memref_slice %arg15[%add3A_27, %dma_wait3A_173] : memref<4096x128xf32, #tpu.memory_space<vmem_shared>> -> memref<64x128xf32, #tpu.memory_space<vmem_shared>>
      tpu.wait_dma2 semaphore(%run_scoped3A : memref<!tpu.dma_semaphore, #tpu.memory_space<semaphore_mem>>) src(%arg13 : memref<64x128xf32, #tpu.memory_space<vmem>>) dst(%dma_wait3A_174 : memref<64x128xf32, #tpu.memory_space<vmem_shared>>)
      tpu.yield
    }) : () -> ()
    %mul3A_28 = arith.constant 256 : i32
    %mul3A_29 = arith.muli %arg1, %mul3A_28 : i32
    %add3A_30 = arith.constant 64 : i32
    %add3A_31 = arith.addi %mul3A_29, %add3A_30 : i32
    "tpu.region"() ({
      %run_scoped3A = tpu.sem_alloc : memref<!tpu.dma_semaphore, #tpu.memory_space<semaphore_mem>>
      %dma_start3A_167 = arith.constant 0 : i32
      %dma_start3A_168 = tpu.memref_slice %arg15[%add3A_31, %dma_start3A_167] : memref<4096x128xf32, #tpu.memory_space<vmem_shared>> -> memref<64x128xf32, #tpu.memory_space<vmem_shared>>
      %dma_start3A_169 = arith.constant 0 : i32
      %dma_start3A_170 = tpu.memref_slice %arg15[%add3A_31, %dma_start3A_169] : memref<4096x128xf32, #tpu.memory_space<vmem_shared>> -> memref<64x128xf32, #tpu.memory_space<vmem_shared>>
      tpu.enqueue_dma source(%arg13 : memref<64x128xf32, #tpu.memory_space<vmem>>) target(%dma_start3A_170 : memref<64x128xf32, #tpu.memory_space<vmem_shared>>) target_semaphore(%run_scoped3A : memref<!tpu.dma_semaphore, #tpu.memory_space<semaphore_mem>>)
      %dma_wait3A_171 = arith.constant 0 : i32
      %dma_wait3A_172 = tpu.memref_slice %arg15[%add3A_31, %dma_wait3A_171] : memref<4096x128xf32, #tpu.memory_space<vmem_shared>> -> memref<64x128xf32, #tpu.memory_space<vmem_shared>>
      %dma_wait3A_173 = arith.constant 0 : i32
      %dma_wait3A_174 = tpu.memref_slice %arg15[%add3A_31, %dma_wait3A_173] : memref<4096x128xf32, #tpu.memory_space<vmem_shared>> -> memref<64x128xf32, #tpu.memory_space<vmem_shared>>
      tpu.wait_dma2 semaphore(%run_scoped3A : memref<!tpu.dma_semaphore, #tpu.memory_space<semaphore_mem>>) src(%arg13 : memref<64x128xf32, #tpu.memory_space<vmem>>) dst(%dma_wait3A_174 : memref<64x128xf32, #tpu.memory_space<vmem_shared>>)
      tpu.yield
    }) : () -> ()
    %mul3A_32 = arith.constant 256 : i32
    %mul3A_33 = arith.muli %arg1, %mul3A_32 : i32
    %add3A_34 = arith.constant 128 : i32
    %add3A_35 = arith.addi %mul3A_33, %add3A_34 : i32
    "tpu.region"() ({
      %run_scoped3A = tpu.sem_alloc : memref<!tpu.dma_semaphore, #tpu.memory_space<semaphore_mem>>
      %dma_start3A_167 = arith.constant 0 : i32
      %dma_start3A_168 = tpu.memref_slice %arg15[%add3A_35, %dma_start3A_167] : memref<4096x128xf32, #tpu.memory_space<vmem_shared>> -> memref<64x128xf32, #tpu.memory_space<vmem_shared>>
      %dma_start3A_169 = arith.constant 0 : i32
      %dma_start3A_170 = tpu.memref_slice %arg15[%add3A_35, %dma_start3A_169] : memref<4096x128xf32, #tpu.memory_space<vmem_shared>> -> memref<64x128xf32, #tpu.memory_space<vmem_shared>>
      tpu.enqueue_dma source(%arg13 : memref<64x128xf32, #tpu.memory_space<vmem>>) target(%dma_start3A_170 : memref<64x128xf32, #tpu.memory_space<vmem_shared>>) target_semaphore(%run_scoped3A : memref<!tpu.dma_semaphore, #tpu.memory_space<semaphore_mem>>)
      %dma_wait3A_171 = arith.constant 0 : i32
      %dma_wait3A_172 = tpu.memref_slice %arg15[%add3A_35, %dma_wait3A_171] : memref<4096x128xf32, #tpu.memory_space<vmem_shared>> -> memref<64x128xf32, #tpu.memory_space<vmem_shared>>
      %dma_wait3A_173 = arith.constant 0 : i32
      %dma_wait3A_174 = tpu.memref_slice %arg15[%add3A_35, %dma_wait3A_173] : memref<4096x128xf32, #tpu.memory_space<vmem_shared>> -> memref<64x128xf32, #tpu.memory_space<vmem_shared>>
      tpu.wait_dma2 semaphore(%run_scoped3A : memref<!tpu.dma_semaphore, #tpu.memory_space<semaphore_mem>>) src(%arg13 : memref<64x128xf32, #tpu.memory_space<vmem>>) dst(%dma_wait3A_174 : memref<64x128xf32, #tpu.memory_space<vmem_shared>>)
      tpu.yield
    }) : () -> ()
    %mul3A_36 = arith.constant 256 : i32
    %mul3A_37 = arith.muli %arg1, %mul3A_36 : i32
    %add3A_38 = arith.constant 192 : i32
    %add3A_39 = arith.addi %mul3A_37, %add3A_38 : i32
    "tpu.region"() ({
      %run_scoped3A = tpu.sem_alloc : memref<!tpu.dma_semaphore, #tpu.memory_space<semaphore_mem>>
      %dma_start3A_167 = arith.constant 0 : i32
      %dma_start3A_168 = tpu.memref_slice %arg15[%add3A_39, %dma_start3A_167] : memref<4096x128xf32, #tpu.memory_space<vmem_shared>> -> memref<64x128xf32, #tpu.memory_space<vmem_shared>>
      %dma_start3A_169 = arith.constant 0 : i32
      %dma_start3A_170 = tpu.memref_slice %arg15[%add3A_39, %dma_start3A_169] : memref<4096x128xf32, #tpu.memory_space<vmem_shared>> -> memref<64x128xf32, #tpu.memory_space<vmem_shared>>
      tpu.enqueue_dma source(%arg13 : memref<64x128xf32, #tpu.memory_space<vmem>>) target(%dma_start3A_170 : memref<64x128xf32, #tpu.memory_space<vmem_shared>>) target_semaphore(%run_scoped3A : memref<!tpu.dma_semaphore, #tpu.memory_space<semaphore_mem>>)
      %dma_wait3A_171 = arith.constant 0 : i32
      %dma_wait3A_172 = tpu.memref_slice %arg15[%add3A_39, %dma_wait3A_171] : memref<4096x128xf32, #tpu.memory_space<vmem_shared>> -> memref<64x128xf32, #tpu.memory_space<vmem_shared>>
      %dma_wait3A_173 = arith.constant 0 : i32
      %dma_wait3A_174 = tpu.memref_slice %arg15[%add3A_39, %dma_wait3A_173] : memref<4096x128xf32, #tpu.memory_space<vmem_shared>> -> memref<64x128xf32, #tpu.memory_space<vmem_shared>>
      tpu.wait_dma2 semaphore(%run_scoped3A : memref<!tpu.dma_semaphore, #tpu.memory_space<semaphore_mem>>) src(%arg13 : memref<64x128xf32, #tpu.memory_space<vmem>>) dst(%dma_wait3A_174 : memref<64x128xf32, #tpu.memory_space<vmem_shared>>)
      tpu.yield
    }) : () -> ()
    %barrier3A = arith.constant 0 : index
    tpu.barrier barrier_id(%barrier3A)
    %mul3A_40 = arith.constant 65536 : i32
    %mul3A_41 = arith.muli %add3A_4, %mul3A_40 : i32
    %mul3A_42 = arith.constant 4096 : i32
    %mul3A_43 = arith.muli %arg1, %mul3A_42 : i32
    %add3A_44 = arith.addi %mul3A_41, %mul3A_43 : i32
    %dma_start3A = arith.constant 0 : i32
    %dma_start3A_45 = arith.constant 0 : i32
    %dma_start3A_46 = tpu.memref_slice %arg7[%dma_start3A, %dma_start3A_45] : memref<64x64xi32, #tpu.memory_space<vmem>> -> memref<1x64xi32, #tpu.memory_space<vmem>>
    %dma_start3A_47 = tpu.memref_squeeze %dma_start3A_46 : memref<1x64xi32, #tpu.memory_space<vmem>> -> memref<64xi32, #tpu.memory_space<vmem>>
    %dma_start3A_48 = arith.constant 0 : i32
    %dma_start3A_49 = arith.constant 0 : i32
    %dma_start3A_50 = tpu.memref_slice %arg2[%dma_start3A_48, %dma_start3A_49] : memref<32768x128xf32, #tpu.memory_space<hbm>> -> memref<32768x128xf32, #tpu.memory_space<hbm>>
    tpu.enqueue_indirect_dma source(%dma_start3A_50 : memref<32768x128xf32, #tpu.memory_space<hbm>>) target(%arg9 : memref<64x128xf32, #tpu.memory_space<vmem>>) offsets(%dma_start3A_47 : memref<64xi32, #tpu.memory_space<vmem>>) semaphore(%arg16 : memref<!tpu.dma_semaphore, #tpu.memory_space<semaphore_mem>>)
    %dma_start3A_51 = arith.constant 0 : i32
    %dma_start3A_52 = tpu.memref_slice %arg3[%add3A_44, %dma_start3A_51] : memref<262144x64xi32, #tpu.memory_space<hbm>> -> memref<64x64xi32, #tpu.memory_space<hbm>>
    %dma_start3A_53 = arith.constant 0 : i32
    %dma_start3A_54 = tpu.memref_slice %arg3[%add3A_44, %dma_start3A_53] : memref<262144x64xi32, #tpu.memory_space<hbm>> -> memref<64x64xi32, #tpu.memory_space<hbm>>
    tpu.enqueue_dma source(%dma_start3A_54 : memref<64x64xi32, #tpu.memory_space<hbm>>) target(%arg11 : memref<64x64xi32, #tpu.memory_space<vmem>>) target_semaphore(%arg18 : memref<!tpu.dma_semaphore, #tpu.memory_space<semaphore_mem>>)
    %scan3A_55 = arith.constant 0 : i32
    %scan3A_56 = arith.constant 32 : i32
    %scan3A_57 = arith.addi %scan3A_55, %scan3A_56 : i32
    %scan3A_58 = arith.constant 1 : i32
    scf.for %scan3A_167 = %scan3A_55 to %scan3A_57 step %scan3A_58  : i32 {
      %mul3A_168 = arith.constant 2 : i32
      %mul3A_169 = arith.muli %scan3A_167, %mul3A_168 : i32
      %add3A_170 = arith.constant 0 : i32
      %add3A_171 = arith.addi %mul3A_169, %add3A_170 : i32
      %add3A_172 = arith.constant 1 : i32
      %add3A_173 = arith.addi %add3A_171, %add3A_172 : i32
      %lt3A = arith.constant 64 : i32
      %lt3A_174 = arith.cmpi slt, %add3A_173, %lt3A : i32
      %convert_element_type3A = arith.extui %lt3A_174 : i1 to i32
      %cond3A = arith.constant 0 : i32
      %cond3A_175 = arith.cmpi ne, %convert_element_type3A, %cond3A : i32
      scf.if %cond3A_175 {
        %add3A_238 = arith.constant 1 : i32
        %add3A_239 = arith.addi %add3A_171, %add3A_238 : i32
        %dma_start3A_240 = arith.constant 0 : i32
        %dma_start3A_241 = tpu.memref_slice %arg7[%add3A_239, %dma_start3A_240] : memref<64x64xi32, #tpu.memory_space<vmem>> -> memref<1x64xi32, #tpu.memory_space<vmem>>
        %dma_start3A_242 = tpu.memref_squeeze %dma_start3A_241 : memref<1x64xi32, #tpu.memory_space<vmem>> -> memref<64xi32, #tpu.memory_space<vmem>>
        %dma_start3A_243 = arith.constant 0 : i32
        %dma_start3A_244 = arith.constant 0 : i32
        %dma_start3A_245 = tpu.memref_slice %arg2[%dma_start3A_243, %dma_start3A_244] : memref<32768x128xf32, #tpu.memory_space<hbm>> -> memref<32768x128xf32, #tpu.memory_space<hbm>>
        tpu.enqueue_indirect_dma source(%dma_start3A_245 : memref<32768x128xf32, #tpu.memory_space<hbm>>) target(%arg10 : memref<64x128xf32, #tpu.memory_space<vmem>>) offsets(%dma_start3A_242 : memref<64xi32, #tpu.memory_space<vmem>>) semaphore(%arg17 : memref<!tpu.dma_semaphore, #tpu.memory_space<semaphore_mem>>)
        %add3A_246 = arith.constant 1 : i32
        %add3A_247 = arith.addi %add3A_171, %add3A_246 : i32
        %mul3A_248 = arith.constant 64 : i32
        %mul3A_249 = arith.muli %add3A_247, %mul3A_248 : i32
        %add3A_250 = arith.addi %add3A_44, %mul3A_249 : i32
        %dma_start3A_251 = arith.constant 0 : i32
        %dma_start3A_252 = tpu.memref_slice %arg3[%add3A_250, %dma_start3A_251] : memref<262144x64xi32, #tpu.memory_space<hbm>> -> memref<64x64xi32, #tpu.memory_space<hbm>>
        %dma_start3A_253 = arith.constant 0 : i32
        %dma_start3A_254 = tpu.memref_slice %arg3[%add3A_250, %dma_start3A_253] : memref<262144x64xi32, #tpu.memory_space<hbm>> -> memref<64x64xi32, #tpu.memory_space<hbm>>
        tpu.enqueue_dma source(%dma_start3A_254 : memref<64x64xi32, #tpu.memory_space<hbm>>) target(%arg12 : memref<64x64xi32, #tpu.memory_space<vmem>>) target_semaphore(%arg19 : memref<!tpu.dma_semaphore, #tpu.memory_space<semaphore_mem>>)
      } else {
      }
      %dma_wait3A_176 = arith.constant 0 : i32
      %dma_wait3A_177 = tpu.memref_slice %arg7[%add3A_171, %dma_wait3A_176] : memref<64x64xi32, #tpu.memory_space<vmem>> -> memref<1x64xi32, #tpu.memory_space<vmem>>
      %dma_wait3A_178 = tpu.memref_squeeze %dma_wait3A_177 : memref<1x64xi32, #tpu.memory_space<vmem>> -> memref<64xi32, #tpu.memory_space<vmem>>
      %dma_wait3A_179 = arith.constant 0 : i32
      %dma_wait3A_180 = arith.constant 0 : i32
      %dma_wait3A_181 = tpu.memref_slice %arg2[%dma_wait3A_179, %dma_wait3A_180] : memref<32768x128xf32, #tpu.memory_space<hbm>> -> memref<32768x128xf32, #tpu.memory_space<hbm>>
      tpu.wait_indirect_dma semaphore(%arg16 : memref<!tpu.dma_semaphore, #tpu.memory_space<semaphore_mem>>) src(%dma_wait3A_181 : memref<32768x128xf32, #tpu.memory_space<hbm>>) dst(%arg9 : memref<64x128xf32, #tpu.memory_space<vmem>>)
      %dma_wait3A_182 = arith.constant 0 : i32
      %dma_wait3A_183 = tpu.memref_slice %arg3[%add3A_44, %dma_wait3A_182] : memref<262144x64xi32, #tpu.memory_space<hbm>> -> memref<64x64xi32, #tpu.memory_space<hbm>>
      %dma_wait3A_184 = arith.constant 0 : i32
      %dma_wait3A_185 = tpu.memref_slice %arg3[%add3A_44, %dma_wait3A_184] : memref<262144x64xi32, #tpu.memory_space<hbm>> -> memref<64x64xi32, #tpu.memory_space<hbm>>
      tpu.wait_dma2 semaphore(%arg18 : memref<!tpu.dma_semaphore, #tpu.memory_space<semaphore_mem>>) src(%dma_wait3A_185 : memref<64x64xi32, #tpu.memory_space<hbm>>) dst(%arg11 : memref<64x64xi32, #tpu.memory_space<vmem>>)
      %ge3A = arith.constant 2 : i32
      %ge3A_186 = arith.cmpi sge, %add3A_171, %ge3A : i32
      %convert_element_type3A_187 = arith.extui %ge3A_186 : i1 to i32
      %cond3A_188 = arith.constant 0 : i32
      %cond3A_189 = arith.cmpi ne, %convert_element_type3A_187, %cond3A_188 : i32
      scf.if %cond3A_189 {
        %dma_wait3A_238 = arith.constant 0 : i32
        %dma_wait3A_239 = tpu.memref_slice %arg8[%add3A_171, %dma_wait3A_238] : memref<64x64xi32, #tpu.memory_space<vmem>> -> memref<1x64xi32, #tpu.memory_space<vmem>>
        %dma_wait3A_240 = tpu.memref_squeeze %dma_wait3A_239 : memref<1x64xi32, #tpu.memory_space<vmem>> -> memref<64xi32, #tpu.memory_space<vmem>>
        %dma_wait3A_241 = arith.constant 0 : i32
        %dma_wait3A_242 = arith.constant 0 : i32
        %dma_wait3A_243 = tpu.memref_slice %arg15[%dma_wait3A_241, %dma_wait3A_242] : memref<4096x128xf32, #tpu.memory_space<vmem_shared>> -> memref<4096x128xf32, #tpu.memory_space<vmem_shared>>
        tpu.wait_indirect_dma semaphore(%arg20 : memref<!tpu.dma_semaphore, #tpu.memory_space<semaphore_mem>>) src(%arg13 : memref<64x128xf32, #tpu.memory_space<vmem>>) dst(%dma_wait3A_243 : memref<4096x128xf32, #tpu.memory_space<vmem_shared>>)
      } else {
      }
      %scan3A_190 = arith.constant 0 : i32
      %scan3A_191 = arith.constant 64 : i32
      %scan3A_192 = arith.addi %scan3A_190, %scan3A_191 : i32
      %scan3A_193 = arith.constant 1 : i32
      scf.for %scan3A_238 = %scan3A_190 to %scan3A_192 step %scan3A_193  : i32 {
        %get3A = arith.index_cast %scan3A_238 : i32 to index
        %get3A_239 = arith.constant 0 : index
        %get3A_240 = tpu.vector_load %arg11[%get3A, %get3A_239] {strides = array<i32>} : memref<64x64xi32, #tpu.memory_space<vmem>>, vector<1x16xi32>,
        %get3A_241 = vector.shape_cast %get3A_240 : vector<1x16xi32> to vector<16xi32>
        %shift_left3A = arith.constant 16 : i32
        %shift_left3A_242 = vector.broadcast %shift_left3A : i32 to vector<16xi32>
        %shift_left3A_243 = arith.shli %get3A_241, %shift_left3A_242 : vector<16xi32>
        %bitcast_convert_type3A = tpu.bitcast %shift_left3A_243 : vector<16xi32> -> vector<16xf32>
        %and3A = arith.andi %get3A_241, %broadcast_in_dim3A_2 : vector<16xi32>
        %bitcast_convert_type3A_244 = tpu.bitcast %and3A : vector<16xi32> -> vector<16xf32>
        %get3A_245 = arith.index_cast %scan3A_238 : i32 to index
        %get3A_246 = arith.constant 0 : index
        %get3A_247 = tpu.vector_load %arg9[%get3A_245, %get3A_246] {strides = array<i32>} : memref<64x128xf32, #tpu.memory_space<vmem>>, vector<1x16xf32>,
        %get3A_248 = vector.shape_cast %get3A_247 : vector<1x16xf32> to vector<16xf32>
        %get3A_249 = arith.index_cast %scan3A_238 : i32 to index
        %get3A_250 = arith.constant 16 : index
        %get3A_251 = tpu.vector_load %arg9[%get3A_249, %get3A_250] {strides = array<i32>} : memref<64x128xf32, #tpu.memory_space<vmem>>, vector<1x16xf32>,
        %get3A_252 = vector.shape_cast %get3A_251 : vector<1x16xf32> to vector<16xf32>
        %add3A_253 = arith.addf %get3A_248, %bitcast_convert_type3A : vector<16xf32>
        %max3A = arith.constant 0.000000e+00 : f32
        %max3A_254 = vector.broadcast %max3A : f32 to vector<16xf32>
        %max3A_255 = arith.maximumf %add3A_253, %max3A_254 : vector<16xf32>
        %swap3A = arith.index_cast %scan3A_238 : i32 to index
        %swap3A_256 = arith.constant 0 : index
        %swap3A_257 = tpu.vector_load %arg13[%swap3A, %swap3A_256] {strides = array<i32>} : memref<64x128xf32, #tpu.memory_space<vmem>>, vector<1x16xf32>,
        %swap3A_258 = vector.shape_cast %swap3A_257 : vector<1x16xf32> to vector<16xf32>
        %swap3A_259 = vector.shape_cast %max3A_255 : vector<16xf32> to vector<1x16xf32>
        tpu.vector_store %arg13[%swap3A, %swap3A_256], %swap3A_259 {strides = array<i32>} : memref<64x128xf32, #tpu.memory_space<vmem>>, vector<1x16xf32>,
        %add3A_260 = arith.addf %get3A_252, %bitcast_convert_type3A_244 : vector<16xf32>
        %max3A_261 = arith.constant 0.000000e+00 : f32
        %max3A_262 = vector.broadcast %max3A_261 : f32 to vector<16xf32>
        %max3A_263 = arith.maximumf %add3A_260, %max3A_262 : vector<16xf32>
        %swap3A_264 = arith.index_cast %scan3A_238 : i32 to index
        %swap3A_265 = arith.constant 16 : index
        %swap3A_266 = tpu.vector_load %arg13[%swap3A_264, %swap3A_265] {strides = array<i32>} : memref<64x128xf32, #tpu.memory_space<vmem>>, vector<1x16xf32>,
        %swap3A_267 = vector.shape_cast %swap3A_266 : vector<1x16xf32> to vector<16xf32>
        %swap3A_268 = vector.shape_cast %max3A_263 : vector<16xf32> to vector<1x16xf32>
        tpu.vector_store %arg13[%swap3A_264, %swap3A_265], %swap3A_268 {strides = array<i32>} : memref<64x128xf32, #tpu.memory_space<vmem>>, vector<1x16xf32>,
        %get3A_269 = arith.index_cast %scan3A_238 : i32 to index
        %get3A_270 = arith.constant 16 : index
        %get3A_271 = tpu.vector_load %arg11[%get3A_269, %get3A_270] {strides = array<i32>} : memref<64x64xi32, #tpu.memory_space<vmem>>, vector<1x16xi32>,
        %get3A_272 = vector.shape_cast %get3A_271 : vector<1x16xi32> to vector<16xi32>
        %shift_left3A_273 = arith.constant 16 : i32
        %shift_left3A_274 = vector.broadcast %shift_left3A_273 : i32 to vector<16xi32>
        %shift_left3A_275 = arith.shli %get3A_272, %shift_left3A_274 : vector<16xi32>
        %bitcast_convert_type3A_276 = tpu.bitcast %shift_left3A_275 : vector<16xi32> -> vector<16xf32>
        %and3A_277 = arith.andi %get3A_272, %broadcast_in_dim3A_2 : vector<16xi32>
        %bitcast_convert_type3A_278 = tpu.bitcast %and3A_277 : vector<16xi32> -> vector<16xf32>
        %get3A_279 = arith.index_cast %scan3A_238 : i32 to index
        %get3A_280 = arith.constant 32 : index
        %get3A_281 = tpu.vector_load %arg9[%get3A_279, %get3A_280] {strides = array<i32>} : memref<64x128xf32, #tpu.memory_space<vmem>>, vector<1x16xf32>,
        %get3A_282 = vector.shape_cast %get3A_281 : vector<1x16xf32> to vector<16xf32>
        %get3A_283 = arith.index_cast %scan3A_238 : i32 to index
        %get3A_284 = arith.constant 48 : index
        %get3A_285 = tpu.vector_load %arg9[%get3A_283, %get3A_284] {strides = array<i32>} : memref<64x128xf32, #tpu.memory_space<vmem>>, vector<1x16xf32>,
        %get3A_286 = vector.shape_cast %get3A_285 : vector<1x16xf32> to vector<16xf32>
        %add3A_287 = arith.addf %get3A_282, %bitcast_convert_type3A_276 : vector<16xf32>
        %max3A_288 = arith.constant 0.000000e+00 : f32
        %max3A_289 = vector.broadcast %max3A_288 : f32 to vector<16xf32>
        %max3A_290 = arith.maximumf %add3A_287, %max3A_289 : vector<16xf32>
        %swap3A_291 = arith.index_cast %scan3A_238 : i32 to index
        %swap3A_292 = arith.constant 32 : index
        %swap3A_293 = tpu.vector_load %arg13[%swap3A_291, %swap3A_292] {strides = array<i32>} : memref<64x128xf32, #tpu.memory_space<vmem>>, vector<1x16xf32>,
        %swap3A_294 = vector.shape_cast %swap3A_293 : vector<1x16xf32> to vector<16xf32>
        %swap3A_295 = vector.shape_cast %max3A_290 : vector<16xf32> to vector<1x16xf32>
        tpu.vector_store %arg13[%swap3A_291, %swap3A_292], %swap3A_295 {strides = array<i32>} : memref<64x128xf32, #tpu.memory_space<vmem>>, vector<1x16xf32>,
        %add3A_296 = arith.addf %get3A_286, %bitcast_convert_type3A_278 : vector<16xf32>
        %max3A_297 = arith.constant 0.000000e+00 : f32
        %max3A_298 = vector.broadcast %max3A_297 : f32 to vector<16xf32>
        %max3A_299 = arith.maximumf %add3A_296, %max3A_298 : vector<16xf32>
        %swap3A_300 = arith.index_cast %scan3A_238 : i32 to index
        %swap3A_301 = arith.constant 48 : index
        %swap3A_302 = tpu.vector_load %arg13[%swap3A_300, %swap3A_301] {strides = array<i32>} : memref<64x128xf32, #tpu.memory_space<vmem>>, vector<1x16xf32>,
        %swap3A_303 = vector.shape_cast %swap3A_302 : vector<1x16xf32> to vector<16xf32>
        %swap3A_304 = vector.shape_cast %max3A_299 : vector<16xf32> to vector<1x16xf32>
        tpu.vector_store %arg13[%swap3A_300, %swap3A_301], %swap3A_304 {strides = array<i32>} : memref<64x128xf32, #tpu.memory_space<vmem>>, vector<1x16xf32>,
        %get3A_305 = arith.index_cast %scan3A_238 : i32 to index
        %get3A_306 = arith.constant 32 : index
        %get3A_307 = tpu.vector_load %arg11[%get3A_305, %get3A_306] {strides = array<i32>} : memref<64x64xi32, #tpu.memory_space<vmem>>, vector<1x16xi32>,
        %get3A_308 = vector.shape_cast %get3A_307 : vector<1x16xi32> to vector<16xi32>
        %shift_left3A_309 = arith.constant 16 : i32
        %shift_left3A_310 = vector.broadcast %shift_left3A_309 : i32 to vector<16xi32>
        %shift_left3A_311 = arith.shli %get3A_308, %shift_left3A_310 : vector<16xi32>
        %bitcast_convert_type3A_312 = tpu.bitcast %shift_left3A_311 : vector<16xi32> -> vector<16xf32>
        %and3A_313 = arith.andi %get3A_308, %broadcast_in_dim3A_2 : vector<16xi32>
        %bitcast_convert_type3A_314 = tpu.bitcast %and3A_313 : vector<16xi32> -> vector<16xf32>
        %get3A_315 = arith.index_cast %scan3A_238 : i32 to index
        %get3A_316 = arith.constant 64 : index
        %get3A_317 = tpu.vector_load %arg9[%get3A_315, %get3A_316] {strides = array<i32>} : memref<64x128xf32, #tpu.memory_space<vmem>>, vector<1x16xf32>,
        %get3A_318 = vector.shape_cast %get3A_317 : vector<1x16xf32> to vector<16xf32>
        %get3A_319 = arith.index_cast %scan3A_238 : i32 to index
        %get3A_320 = arith.constant 80 : index
        %get3A_321 = tpu.vector_load %arg9[%get3A_319, %get3A_320] {strides = array<i32>} : memref<64x128xf32, #tpu.memory_space<vmem>>, vector<1x16xf32>,
        %get3A_322 = vector.shape_cast %get3A_321 : vector<1x16xf32> to vector<16xf32>
        %add3A_323 = arith.addf %get3A_318, %bitcast_convert_type3A_312 : vector<16xf32>
        %max3A_324 = arith.constant 0.000000e+00 : f32
        %max3A_325 = vector.broadcast %max3A_324 : f32 to vector<16xf32>
        %max3A_326 = arith.maximumf %add3A_323, %max3A_325 : vector<16xf32>
        %swap3A_327 = arith.index_cast %scan3A_238 : i32 to index
        %swap3A_328 = arith.constant 64 : index
        %swap3A_329 = tpu.vector_load %arg13[%swap3A_327, %swap3A_328] {strides = array<i32>} : memref<64x128xf32, #tpu.memory_space<vmem>>, vector<1x16xf32>,
        %swap3A_330 = vector.shape_cast %swap3A_329 : vector<1x16xf32> to vector<16xf32>
        %swap3A_331 = vector.shape_cast %max3A_326 : vector<16xf32> to vector<1x16xf32>
        tpu.vector_store %arg13[%swap3A_327, %swap3A_328], %swap3A_331 {strides = array<i32>} : memref<64x128xf32, #tpu.memory_space<vmem>>, vector<1x16xf32>,
        %add3A_332 = arith.addf %get3A_322, %bitcast_convert_type3A_314 : vector<16xf32>
        %max3A_333 = arith.constant 0.000000e+00 : f32
        %max3A_334 = vector.broadcast %max3A_333 : f32 to vector<16xf32>
        %max3A_335 = arith.maximumf %add3A_332, %max3A_334 : vector<16xf32>
        %swap3A_336 = arith.index_cast %scan3A_238 : i32 to index
        %swap3A_337 = arith.constant 80 : index
        %swap3A_338 = tpu.vector_load %arg13[%swap3A_336, %swap3A_337] {strides = array<i32>} : memref<64x128xf32, #tpu.memory_space<vmem>>, vector<1x16xf32>,
        %swap3A_339 = vector.shape_cast %swap3A_338 : vector<1x16xf32> to vector<16xf32>
        %swap3A_340 = vector.shape_cast %max3A_335 : vector<16xf32> to vector<1x16xf32>
        tpu.vector_store %arg13[%swap3A_336, %swap3A_337], %swap3A_340 {strides = array<i32>} : memref<64x128xf32, #tpu.memory_space<vmem>>, vector<1x16xf32>,
        %get3A_341 = arith.index_cast %scan3A_238 : i32 to index
        %get3A_342 = arith.constant 48 : index
        %get3A_343 = tpu.vector_load %arg11[%get3A_341, %get3A_342] {strides = array<i32>} : memref<64x64xi32, #tpu.memory_space<vmem>>, vector<1x16xi32>,
        %get3A_344 = vector.shape_cast %get3A_343 : vector<1x16xi32> to vector<16xi32>
        %shift_left3A_345 = arith.constant 16 : i32
        %shift_left3A_346 = vector.broadcast %shift_left3A_345 : i32 to vector<16xi32>
        %shift_left3A_347 = arith.shli %get3A_344, %shift_left3A_346 : vector<16xi32>
        %bitcast_convert_type3A_348 = tpu.bitcast %shift_left3A_347 : vector<16xi32> -> vector<16xf32>
        %and3A_349 = arith.andi %get3A_344, %broadcast_in_dim3A_2 : vector<16xi32>
        %bitcast_convert_type3A_350 = tpu.bitcast %and3A_349 : vector<16xi32> -> vector<16xf32>
        %get3A_351 = arith.index_cast %scan3A_238 : i32 to index
        %get3A_352 = arith.constant 96 : index
        %get3A_353 = tpu.vector_load %arg9[%get3A_351, %get3A_352] {strides = array<i32>} : memref<64x128xf32, #tpu.memory_space<vmem>>, vector<1x16xf32>,
        %get3A_354 = vector.shape_cast %get3A_353 : vector<1x16xf32> to vector<16xf32>
        %get3A_355 = arith.index_cast %scan3A_238 : i32 to index
        %get3A_356 = arith.constant 112 : index
        %get3A_357 = tpu.vector_load %arg9[%get3A_355, %get3A_356] {strides = array<i32>} : memref<64x128xf32, #tpu.memory_space<vmem>>, vector<1x16xf32>,
        %get3A_358 = vector.shape_cast %get3A_357 : vector<1x16xf32> to vector<16xf32>
        %add3A_359 = arith.addf %get3A_354, %bitcast_convert_type3A_348 : vector<16xf32>
        %max3A_360 = arith.constant 0.000000e+00 : f32
        %max3A_361 = vector.broadcast %max3A_360 : f32 to vector<16xf32>
        %max3A_362 = arith.maximumf %add3A_359, %max3A_361 : vector<16xf32>
        %swap3A_363 = arith.index_cast %scan3A_238 : i32 to index
        %swap3A_364 = arith.constant 96 : index
        %swap3A_365 = tpu.vector_load %arg13[%swap3A_363, %swap3A_364] {strides = array<i32>} : memref<64x128xf32, #tpu.memory_space<vmem>>, vector<1x16xf32>,
        %swap3A_366 = vector.shape_cast %swap3A_365 : vector<1x16xf32> to vector<16xf32>
        %swap3A_367 = vector.shape_cast %max3A_362 : vector<16xf32> to vector<1x16xf32>
        tpu.vector_store %arg13[%swap3A_363, %swap3A_364], %swap3A_367 {strides = array<i32>} : memref<64x128xf32, #tpu.memory_space<vmem>>, vector<1x16xf32>,
        %add3A_368 = arith.addf %get3A_358, %bitcast_convert_type3A_350 : vector<16xf32>
        %max3A_369 = arith.constant 0.000000e+00 : f32
        %max3A_370 = vector.broadcast %max3A_369 : f32 to vector<16xf32>
        %max3A_371 = arith.maximumf %add3A_368, %max3A_370 : vector<16xf32>
        %swap3A_372 = arith.index_cast %scan3A_238 : i32 to index
        %swap3A_373 = arith.constant 112 : index
        %swap3A_374 = tpu.vector_load %arg13[%swap3A_372, %swap3A_373] {strides = array<i32>} : memref<64x128xf32, #tpu.memory_space<vmem>>, vector<1x16xf32>,
        %swap3A_375 = vector.shape_cast %swap3A_374 : vector<1x16xf32> to vector<16xf32>
        %swap3A_376 = vector.shape_cast %max3A_371 : vector<16xf32> to vector<1x16xf32>
        tpu.vector_store %arg13[%swap3A_372, %swap3A_373], %swap3A_376 {strides = array<i32>} : memref<64x128xf32, #tpu.memory_space<vmem>>, vector<1x16xf32>,
      }
      %scan3A_194 = arith.constant 64 : i32
      %dma_start3A_195 = arith.constant 0 : i32
      %dma_start3A_196 = tpu.memref_slice %arg8[%add3A_171, %dma_start3A_195] : memref<64x64xi32, #tpu.memory_space<vmem>> -> memref<1x64xi32, #tpu.memory_space<vmem>>
      %dma_start3A_197 = tpu.memref_squeeze %dma_start3A_196 : memref<1x64xi32, #tpu.memory_space<vmem>> -> memref<64xi32, #tpu.memory_space<vmem>>
      %dma_start3A_198 = arith.constant 0 : i32
      %dma_start3A_199 = arith.constant 0 : i32
      %dma_start3A_200 = tpu.memref_slice %arg15[%dma_start3A_198, %dma_start3A_199] : memref<4096x128xf32, #tpu.memory_space<vmem_shared>> -> memref<4096x128xf32, #tpu.memory_space<vmem_shared>>
      tpu.enqueue_indirect_dma source(%arg13 : memref<64x128xf32, #tpu.memory_space<vmem>>) target(%dma_start3A_200 : memref<4096x128xf32, #tpu.memory_space<vmem_shared>>) offsets(%dma_start3A_197 : memref<64xi32, #tpu.memory_space<vmem>>) semaphore(%arg20 : memref<!tpu.dma_semaphore, #tpu.memory_space<semaphore_mem>>) {add = true}
      %mul3A_201 = arith.constant 2 : i32
      %mul3A_202 = arith.muli %scan3A_167, %mul3A_201 : i32
      %add3A_203 = arith.constant 1 : i32
      %add3A_204 = arith.addi %mul3A_202, %add3A_203 : i32
      %add3A_205 = arith.constant 1 : i32
      %add3A_206 = arith.addi %add3A_204, %add3A_205 : i32
      %lt3A_207 = arith.constant 64 : i32
      %lt3A_208 = arith.cmpi slt, %add3A_206, %lt3A_207 : i32
      %convert_element_type3A_209 = arith.extui %lt3A_208 : i1 to i32
      %cond3A_210 = arith.constant 0 : i32
      %cond3A_211 = arith.cmpi ne, %convert_element_type3A_209, %cond3A_210 : i32
      scf.if %cond3A_211 {
        %add3A_238 = arith.constant 1 : i32
        %add3A_239 = arith.addi %add3A_204, %add3A_238 : i32
        %dma_start3A_240 = arith.constant 0 : i32
        %dma_start3A_241 = tpu.memref_slice %arg7[%add3A_239, %dma_start3A_240] : memref<64x64xi32, #tpu.memory_space<vmem>> -> memref<1x64xi32, #tpu.memory_space<vmem>>
        %dma_start3A_242 = tpu.memref_squeeze %dma_start3A_241 : memref<1x64xi32, #tpu.memory_space<vmem>> -> memref<64xi32, #tpu.memory_space<vmem>>
        %dma_start3A_243 = arith.constant 0 : i32
        %dma_start3A_244 = arith.constant 0 : i32
        %dma_start3A_245 = tpu.memref_slice %arg2[%dma_start3A_243, %dma_start3A_244] : memref<32768x128xf32, #tpu.memory_space<hbm>> -> memref<32768x128xf32, #tpu.memory_space<hbm>>
        tpu.enqueue_indirect_dma source(%dma_start3A_245 : memref<32768x128xf32, #tpu.memory_space<hbm>>) target(%arg9 : memref<64x128xf32, #tpu.memory_space<vmem>>) offsets(%dma_start3A_242 : memref<64xi32, #tpu.memory_space<vmem>>) semaphore(%arg16 : memref<!tpu.dma_semaphore, #tpu.memory_space<semaphore_mem>>)
        %add3A_246 = arith.constant 1 : i32
        %add3A_247 = arith.addi %add3A_204, %add3A_246 : i32
        %mul3A_248 = arith.constant 64 : i32
        %mul3A_249 = arith.muli %add3A_247, %mul3A_248 : i32
        %add3A_250 = arith.addi %add3A_44, %mul3A_249 : i32
        %dma_start3A_251 = arith.constant 0 : i32
        %dma_start3A_252 = tpu.memref_slice %arg3[%add3A_250, %dma_start3A_251] : memref<262144x64xi32, #tpu.memory_space<hbm>> -> memref<64x64xi32, #tpu.memory_space<hbm>>
        %dma_start3A_253 = arith.constant 0 : i32
        %dma_start3A_254 = tpu.memref_slice %arg3[%add3A_250, %dma_start3A_253] : memref<262144x64xi32, #tpu.memory_space<hbm>> -> memref<64x64xi32, #tpu.memory_space<hbm>>
        tpu.enqueue_dma source(%dma_start3A_254 : memref<64x64xi32, #tpu.memory_space<hbm>>) target(%arg11 : memref<64x64xi32, #tpu.memory_space<vmem>>) target_semaphore(%arg18 : memref<!tpu.dma_semaphore, #tpu.memory_space<semaphore_mem>>)
      } else {
      }
      %dma_wait3A_212 = arith.constant 0 : i32
      %dma_wait3A_213 = tpu.memref_slice %arg7[%add3A_204, %dma_wait3A_212] : memref<64x64xi32, #tpu.memory_space<vmem>> -> memref<1x64xi32, #tpu.memory_space<vmem>>
      %dma_wait3A_214 = tpu.memref_squeeze %dma_wait3A_213 : memref<1x64xi32, #tpu.memory_space<vmem>> -> memref<64xi32, #tpu.memory_space<vmem>>
      %dma_wait3A_215 = arith.constant 0 : i32
      %dma_wait3A_216 = arith.constant 0 : i32
      %dma_wait3A_217 = tpu.memref_slice %arg2[%dma_wait3A_215, %dma_wait3A_216] : memref<32768x128xf32, #tpu.memory_space<hbm>> -> memref<32768x128xf32, #tpu.memory_space<hbm>>
      tpu.wait_indirect_dma semaphore(%arg17 : memref<!tpu.dma_semaphore, #tpu.memory_space<semaphore_mem>>) src(%dma_wait3A_217 : memref<32768x128xf32, #tpu.memory_space<hbm>>) dst(%arg10 : memref<64x128xf32, #tpu.memory_space<vmem>>)
      %dma_wait3A_218 = arith.constant 0 : i32
      %dma_wait3A_219 = tpu.memref_slice %arg3[%add3A_44, %dma_wait3A_218] : memref<262144x64xi32, #tpu.memory_space<hbm>> -> memref<64x64xi32, #tpu.memory_space<hbm>>
      %dma_wait3A_220 = arith.constant 0 : i32
      %dma_wait3A_221 = tpu.memref_slice %arg3[%add3A_44, %dma_wait3A_220] : memref<262144x64xi32, #tpu.memory_space<hbm>> -> memref<64x64xi32, #tpu.memory_space<hbm>>
      tpu.wait_dma2 semaphore(%arg19 : memref<!tpu.dma_semaphore, #tpu.memory_space<semaphore_mem>>) src(%dma_wait3A_221 : memref<64x64xi32, #tpu.memory_space<hbm>>) dst(%arg12 : memref<64x64xi32, #tpu.memory_space<vmem>>)
      %ge3A_222 = arith.constant 2 : i32
      %ge3A_223 = arith.cmpi sge, %add3A_204, %ge3A_222 : i32
      %convert_element_type3A_224 = arith.extui %ge3A_223 : i1 to i32
      %cond3A_225 = arith.constant 0 : i32
      %cond3A_226 = arith.cmpi ne, %convert_element_type3A_224, %cond3A_225 : i32
      scf.if %cond3A_226 {
        %dma_wait3A_238 = arith.constant 0 : i32
        %dma_wait3A_239 = tpu.memref_slice %arg8[%add3A_204, %dma_wait3A_238] : memref<64x64xi32, #tpu.memory_space<vmem>> -> memref<1x64xi32, #tpu.memory_space<vmem>>
        %dma_wait3A_240 = tpu.memref_squeeze %dma_wait3A_239 : memref<1x64xi32, #tpu.memory_space<vmem>> -> memref<64xi32, #tpu.memory_space<vmem>>
        %dma_wait3A_241 = arith.constant 0 : i32
        %dma_wait3A_242 = arith.constant 0 : i32
        %dma_wait3A_243 = tpu.memref_slice %arg15[%dma_wait3A_241, %dma_wait3A_242] : memref<4096x128xf32, #tpu.memory_space<vmem_shared>> -> memref<4096x128xf32, #tpu.memory_space<vmem_shared>>
        tpu.wait_indirect_dma semaphore(%arg21 : memref<!tpu.dma_semaphore, #tpu.memory_space<semaphore_mem>>) src(%arg14 : memref<64x128xf32, #tpu.memory_space<vmem>>) dst(%dma_wait3A_243 : memref<4096x128xf32, #tpu.memory_space<vmem_shared>>)
      } else {
      }
      %scan3A_227 = arith.constant 0 : i32
      %scan3A_228 = arith.constant 64 : i32
      %scan3A_229 = arith.addi %scan3A_227, %scan3A_228 : i32
      %scan3A_230 = arith.constant 1 : i32
      scf.for %scan3A_238 = %scan3A_227 to %scan3A_229 step %scan3A_230  : i32 {
        %get3A = arith.index_cast %scan3A_238 : i32 to index
        %get3A_239 = arith.constant 0 : index
        %get3A_240 = tpu.vector_load %arg12[%get3A, %get3A_239] {strides = array<i32>} : memref<64x64xi32, #tpu.memory_space<vmem>>, vector<1x16xi32>,
        %get3A_241 = vector.shape_cast %get3A_240 : vector<1x16xi32> to vector<16xi32>
        %shift_left3A = arith.constant 16 : i32
        %shift_left3A_242 = vector.broadcast %shift_left3A : i32 to vector<16xi32>
        %shift_left3A_243 = arith.shli %get3A_241, %shift_left3A_242 : vector<16xi32>
        %bitcast_convert_type3A = tpu.bitcast %shift_left3A_243 : vector<16xi32> -> vector<16xf32>
        %and3A = arith.andi %get3A_241, %broadcast_in_dim3A_2 : vector<16xi32>
        %bitcast_convert_type3A_244 = tpu.bitcast %and3A : vector<16xi32> -> vector<16xf32>
        %get3A_245 = arith.index_cast %scan3A_238 : i32 to index
        %get3A_246 = arith.constant 0 : index
        %get3A_247 = tpu.vector_load %arg10[%get3A_245, %get3A_246] {strides = array<i32>} : memref<64x128xf32, #tpu.memory_space<vmem>>, vector<1x16xf32>,
        %get3A_248 = vector.shape_cast %get3A_247 : vector<1x16xf32> to vector<16xf32>
        %get3A_249 = arith.index_cast %scan3A_238 : i32 to index
        %get3A_250 = arith.constant 16 : index
        %get3A_251 = tpu.vector_load %arg10[%get3A_249, %get3A_250] {strides = array<i32>} : memref<64x128xf32, #tpu.memory_space<vmem>>, vector<1x16xf32>,
        %get3A_252 = vector.shape_cast %get3A_251 : vector<1x16xf32> to vector<16xf32>
        %add3A_253 = arith.addf %get3A_248, %bitcast_convert_type3A : vector<16xf32>
        %max3A = arith.constant 0.000000e+00 : f32
        %max3A_254 = vector.broadcast %max3A : f32 to vector<16xf32>
        %max3A_255 = arith.maximumf %add3A_253, %max3A_254 : vector<16xf32>
        %swap3A = arith.index_cast %scan3A_238 : i32 to index
        %swap3A_256 = arith.constant 0 : index
        %swap3A_257 = tpu.vector_load %arg14[%swap3A, %swap3A_256] {strides = array<i32>} : memref<64x128xf32, #tpu.memory_space<vmem>>, vector<1x16xf32>,
        %swap3A_258 = vector.shape_cast %swap3A_257 : vector<1x16xf32> to vector<16xf32>
        %swap3A_259 = vector.shape_cast %max3A_255 : vector<16xf32> to vector<1x16xf32>
        tpu.vector_store %arg14[%swap3A, %swap3A_256], %swap3A_259 {strides = array<i32>} : memref<64x128xf32, #tpu.memory_space<vmem>>, vector<1x16xf32>,
        %add3A_260 = arith.addf %get3A_252, %bitcast_convert_type3A_244 : vector<16xf32>
        %max3A_261 = arith.constant 0.000000e+00 : f32
        %max3A_262 = vector.broadcast %max3A_261 : f32 to vector<16xf32>
        %max3A_263 = arith.maximumf %add3A_260, %max3A_262 : vector<16xf32>
        %swap3A_264 = arith.index_cast %scan3A_238 : i32 to index
        %swap3A_265 = arith.constant 16 : index
        %swap3A_266 = tpu.vector_load %arg14[%swap3A_264, %swap3A_265] {strides = array<i32>} : memref<64x128xf32, #tpu.memory_space<vmem>>, vector<1x16xf32>,
        %swap3A_267 = vector.shape_cast %swap3A_266 : vector<1x16xf32> to vector<16xf32>
        %swap3A_268 = vector.shape_cast %max3A_263 : vector<16xf32> to vector<1x16xf32>
        tpu.vector_store %arg14[%swap3A_264, %swap3A_265], %swap3A_268 {strides = array<i32>} : memref<64x128xf32, #tpu.memory_space<vmem>>, vector<1x16xf32>,
        %get3A_269 = arith.index_cast %scan3A_238 : i32 to index
        %get3A_270 = arith.constant 16 : index
        %get3A_271 = tpu.vector_load %arg12[%get3A_269, %get3A_270] {strides = array<i32>} : memref<64x64xi32, #tpu.memory_space<vmem>>, vector<1x16xi32>,
        %get3A_272 = vector.shape_cast %get3A_271 : vector<1x16xi32> to vector<16xi32>
        %shift_left3A_273 = arith.constant 16 : i32
        %shift_left3A_274 = vector.broadcast %shift_left3A_273 : i32 to vector<16xi32>
        %shift_left3A_275 = arith.shli %get3A_272, %shift_left3A_274 : vector<16xi32>
        %bitcast_convert_type3A_276 = tpu.bitcast %shift_left3A_275 : vector<16xi32> -> vector<16xf32>
        %and3A_277 = arith.andi %get3A_272, %broadcast_in_dim3A_2 : vector<16xi32>
        %bitcast_convert_type3A_278 = tpu.bitcast %and3A_277 : vector<16xi32> -> vector<16xf32>
        %get3A_279 = arith.index_cast %scan3A_238 : i32 to index
        %get3A_280 = arith.constant 32 : index
        %get3A_281 = tpu.vector_load %arg10[%get3A_279, %get3A_280] {strides = array<i32>} : memref<64x128xf32, #tpu.memory_space<vmem>>, vector<1x16xf32>,
        %get3A_282 = vector.shape_cast %get3A_281 : vector<1x16xf32> to vector<16xf32>
        %get3A_283 = arith.index_cast %scan3A_238 : i32 to index
        %get3A_284 = arith.constant 48 : index
        %get3A_285 = tpu.vector_load %arg10[%get3A_283, %get3A_284] {strides = array<i32>} : memref<64x128xf32, #tpu.memory_space<vmem>>, vector<1x16xf32>,
        %get3A_286 = vector.shape_cast %get3A_285 : vector<1x16xf32> to vector<16xf32>
        %add3A_287 = arith.addf %get3A_282, %bitcast_convert_type3A_276 : vector<16xf32>
        %max3A_288 = arith.constant 0.000000e+00 : f32
        %max3A_289 = vector.broadcast %max3A_288 : f32 to vector<16xf32>
        %max3A_290 = arith.maximumf %add3A_287, %max3A_289 : vector<16xf32>
        %swap3A_291 = arith.index_cast %scan3A_238 : i32 to index
        %swap3A_292 = arith.constant 32 : index
        %swap3A_293 = tpu.vector_load %arg14[%swap3A_291, %swap3A_292] {strides = array<i32>} : memref<64x128xf32, #tpu.memory_space<vmem>>, vector<1x16xf32>,
        %swap3A_294 = vector.shape_cast %swap3A_293 : vector<1x16xf32> to vector<16xf32>
        %swap3A_295 = vector.shape_cast %max3A_290 : vector<16xf32> to vector<1x16xf32>
        tpu.vector_store %arg14[%swap3A_291, %swap3A_292], %swap3A_295 {strides = array<i32>} : memref<64x128xf32, #tpu.memory_space<vmem>>, vector<1x16xf32>,
        %add3A_296 = arith.addf %get3A_286, %bitcast_convert_type3A_278 : vector<16xf32>
        %max3A_297 = arith.constant 0.000000e+00 : f32
        %max3A_298 = vector.broadcast %max3A_297 : f32 to vector<16xf32>
        %max3A_299 = arith.maximumf %add3A_296, %max3A_298 : vector<16xf32>
        %swap3A_300 = arith.index_cast %scan3A_238 : i32 to index
        %swap3A_301 = arith.constant 48 : index
        %swap3A_302 = tpu.vector_load %arg14[%swap3A_300, %swap3A_301] {strides = array<i32>} : memref<64x128xf32, #tpu.memory_space<vmem>>, vector<1x16xf32>,
        %swap3A_303 = vector.shape_cast %swap3A_302 : vector<1x16xf32> to vector<16xf32>
        %swap3A_304 = vector.shape_cast %max3A_299 : vector<16xf32> to vector<1x16xf32>
        tpu.vector_store %arg14[%swap3A_300, %swap3A_301], %swap3A_304 {strides = array<i32>} : memref<64x128xf32, #tpu.memory_space<vmem>>, vector<1x16xf32>,
        %get3A_305 = arith.index_cast %scan3A_238 : i32 to index
        %get3A_306 = arith.constant 32 : index
        %get3A_307 = tpu.vector_load %arg12[%get3A_305, %get3A_306] {strides = array<i32>} : memref<64x64xi32, #tpu.memory_space<vmem>>, vector<1x16xi32>,
        %get3A_308 = vector.shape_cast %get3A_307 : vector<1x16xi32> to vector<16xi32>
        %shift_left3A_309 = arith.constant 16 : i32
        %shift_left3A_310 = vector.broadcast %shift_left3A_309 : i32 to vector<16xi32>
        %shift_left3A_311 = arith.shli %get3A_308, %shift_left3A_310 : vector<16xi32>
        %bitcast_convert_type3A_312 = tpu.bitcast %shift_left3A_311 : vector<16xi32> -> vector<16xf32>
        %and3A_313 = arith.andi %get3A_308, %broadcast_in_dim3A_2 : vector<16xi32>
        %bitcast_convert_type3A_314 = tpu.bitcast %and3A_313 : vector<16xi32> -> vector<16xf32>
        %get3A_315 = arith.index_cast %scan3A_238 : i32 to index
        %get3A_316 = arith.constant 64 : index
        %get3A_317 = tpu.vector_load %arg10[%get3A_315, %get3A_316] {strides = array<i32>} : memref<64x128xf32, #tpu.memory_space<vmem>>, vector<1x16xf32>,
        %get3A_318 = vector.shape_cast %get3A_317 : vector<1x16xf32> to vector<16xf32>
        %get3A_319 = arith.index_cast %scan3A_238 : i32 to index
        %get3A_320 = arith.constant 80 : index
        %get3A_321 = tpu.vector_load %arg10[%get3A_319, %get3A_320] {strides = array<i32>} : memref<64x128xf32, #tpu.memory_space<vmem>>, vector<1x16xf32>,
        %get3A_322 = vector.shape_cast %get3A_321 : vector<1x16xf32> to vector<16xf32>
        %add3A_323 = arith.addf %get3A_318, %bitcast_convert_type3A_312 : vector<16xf32>
        %max3A_324 = arith.constant 0.000000e+00 : f32
        %max3A_325 = vector.broadcast %max3A_324 : f32 to vector<16xf32>
        %max3A_326 = arith.maximumf %add3A_323, %max3A_325 : vector<16xf32>
        %swap3A_327 = arith.index_cast %scan3A_238 : i32 to index
        %swap3A_328 = arith.constant 64 : index
        %swap3A_329 = tpu.vector_load %arg14[%swap3A_327, %swap3A_328] {strides = array<i32>} : memref<64x128xf32, #tpu.memory_space<vmem>>, vector<1x16xf32>,
        %swap3A_330 = vector.shape_cast %swap3A_329 : vector<1x16xf32> to vector<16xf32>
        %swap3A_331 = vector.shape_cast %max3A_326 : vector<16xf32> to vector<1x16xf32>
        tpu.vector_store %arg14[%swap3A_327, %swap3A_328], %swap3A_331 {strides = array<i32>} : memref<64x128xf32, #tpu.memory_space<vmem>>, vector<1x16xf32>,
        %add3A_332 = arith.addf %get3A_322, %bitcast_convert_type3A_314 : vector<16xf32>
        %max3A_333 = arith.constant 0.000000e+00 : f32
        %max3A_334 = vector.broadcast %max3A_333 : f32 to vector<16xf32>
        %max3A_335 = arith.maximumf %add3A_332, %max3A_334 : vector<16xf32>
        %swap3A_336 = arith.index_cast %scan3A_238 : i32 to index
        %swap3A_337 = arith.constant 80 : index
        %swap3A_338 = tpu.vector_load %arg14[%swap3A_336, %swap3A_337] {strides = array<i32>} : memref<64x128xf32, #tpu.memory_space<vmem>>, vector<1x16xf32>,
        %swap3A_339 = vector.shape_cast %swap3A_338 : vector<1x16xf32> to vector<16xf32>
        %swap3A_340 = vector.shape_cast %max3A_335 : vector<16xf32> to vector<1x16xf32>
        tpu.vector_store %arg14[%swap3A_336, %swap3A_337], %swap3A_340 {strides = array<i32>} : memref<64x128xf32, #tpu.memory_space<vmem>>, vector<1x16xf32>,
        %get3A_341 = arith.index_cast %scan3A_238 : i32 to index
        %get3A_342 = arith.constant 48 : index
        %get3A_343 = tpu.vector_load %arg12[%get3A_341, %get3A_342] {strides = array<i32>} : memref<64x64xi32, #tpu.memory_space<vmem>>, vector<1x16xi32>,
        %get3A_344 = vector.shape_cast %get3A_343 : vector<1x16xi32> to vector<16xi32>
        %shift_left3A_345 = arith.constant 16 : i32
        %shift_left3A_346 = vector.broadcast %shift_left3A_345 : i32 to vector<16xi32>
        %shift_left3A_347 = arith.shli %get3A_344, %shift_left3A_346 : vector<16xi32>
        %bitcast_convert_type3A_348 = tpu.bitcast %shift_left3A_347 : vector<16xi32> -> vector<16xf32>
        %and3A_349 = arith.andi %get3A_344, %broadcast_in_dim3A_2 : vector<16xi32>
        %bitcast_convert_type3A_350 = tpu.bitcast %and3A_349 : vector<16xi32> -> vector<16xf32>
        %get3A_351 = arith.index_cast %scan3A_238 : i32 to index
        %get3A_352 = arith.constant 96 : index
        %get3A_353 = tpu.vector_load %arg10[%get3A_351, %get3A_352] {strides = array<i32>} : memref<64x128xf32, #tpu.memory_space<vmem>>, vector<1x16xf32>,
        %get3A_354 = vector.shape_cast %get3A_353 : vector<1x16xf32> to vector<16xf32>
        %get3A_355 = arith.index_cast %scan3A_238 : i32 to index
        %get3A_356 = arith.constant 112 : index
        %get3A_357 = tpu.vector_load %arg10[%get3A_355, %get3A_356] {strides = array<i32>} : memref<64x128xf32, #tpu.memory_space<vmem>>, vector<1x16xf32>,
        %get3A_358 = vector.shape_cast %get3A_357 : vector<1x16xf32> to vector<16xf32>
        %add3A_359 = arith.addf %get3A_354, %bitcast_convert_type3A_348 : vector<16xf32>
        %max3A_360 = arith.constant 0.000000e+00 : f32
        %max3A_361 = vector.broadcast %max3A_360 : f32 to vector<16xf32>
        %max3A_362 = arith.maximumf %add3A_359, %max3A_361 : vector<16xf32>
        %swap3A_363 = arith.index_cast %scan3A_238 : i32 to index
        %swap3A_364 = arith.constant 96 : index
        %swap3A_365 = tpu.vector_load %arg14[%swap3A_363, %swap3A_364] {strides = array<i32>} : memref<64x128xf32, #tpu.memory_space<vmem>>, vector<1x16xf32>,
        %swap3A_366 = vector.shape_cast %swap3A_365 : vector<1x16xf32> to vector<16xf32>
        %swap3A_367 = vector.shape_cast %max3A_362 : vector<16xf32> to vector<1x16xf32>
        tpu.vector_store %arg14[%swap3A_363, %swap3A_364], %swap3A_367 {strides = array<i32>} : memref<64x128xf32, #tpu.memory_space<vmem>>, vector<1x16xf32>,
        %add3A_368 = arith.addf %get3A_358, %bitcast_convert_type3A_350 : vector<16xf32>
        %max3A_369 = arith.constant 0.000000e+00 : f32
        %max3A_370 = vector.broadcast %max3A_369 : f32 to vector<16xf32>
        %max3A_371 = arith.maximumf %add3A_368, %max3A_370 : vector<16xf32>
        %swap3A_372 = arith.index_cast %scan3A_238 : i32 to index
        %swap3A_373 = arith.constant 112 : index
        %swap3A_374 = tpu.vector_load %arg14[%swap3A_372, %swap3A_373] {strides = array<i32>} : memref<64x128xf32, #tpu.memory_space<vmem>>, vector<1x16xf32>,
        %swap3A_375 = vector.shape_cast %swap3A_374 : vector<1x16xf32> to vector<16xf32>
        %swap3A_376 = vector.shape_cast %max3A_371 : vector<16xf32> to vector<1x16xf32>
        tpu.vector_store %arg14[%swap3A_372, %swap3A_373], %swap3A_376 {strides = array<i32>} : memref<64x128xf32, #tpu.memory_space<vmem>>, vector<1x16xf32>,
      }
      %scan3A_231 = arith.constant 64 : i32
      %dma_start3A_232 = arith.constant 0 : i32
      %dma_start3A_233 = tpu.memref_slice %arg8[%add3A_204, %dma_start3A_232] : memref<64x64xi32, #tpu.memory_space<vmem>> -> memref<1x64xi32, #tpu.memory_space<vmem>>
      %dma_start3A_234 = tpu.memref_squeeze %dma_start3A_233 : memref<1x64xi32, #tpu.memory_space<vmem>> -> memref<64xi32, #tpu.memory_space<vmem>>
      %dma_start3A_235 = arith.constant 0 : i32
      %dma_start3A_236 = arith.constant 0 : i32
      %dma_start3A_237 = tpu.memref_slice %arg15[%dma_start3A_235, %dma_start3A_236] : memref<4096x128xf32, #tpu.memory_space<vmem_shared>> -> memref<4096x128xf32, #tpu.memory_space<vmem_shared>>
      tpu.enqueue_indirect_dma source(%arg14 : memref<64x128xf32, #tpu.memory_space<vmem>>) target(%dma_start3A_237 : memref<4096x128xf32, #tpu.memory_space<vmem_shared>>) offsets(%dma_start3A_234 : memref<64xi32, #tpu.memory_space<vmem>>) semaphore(%arg21 : memref<!tpu.dma_semaphore, #tpu.memory_space<semaphore_mem>>) {add = true}
    }
    %scan3A_59 = arith.constant 32 : i32
    %dma_wait3A = arith.constant 0 : i32
    %dma_wait3A_60 = arith.constant 0 : i32
    %dma_wait3A_61 = tpu.memref_slice %arg8[%dma_wait3A, %dma_wait3A_60] : memref<64x64xi32, #tpu.memory_space<vmem>> -> memref<1x64xi32, #tpu.memory_space<vmem>>
    %dma_wait3A_62 = tpu.memref_squeeze %dma_wait3A_61 : memref<1x64xi32, #tpu.memory_space<vmem>> -> memref<64xi32, #tpu.memory_space<vmem>>
    %dma_wait3A_63 = arith.constant 0 : i32
    %dma_wait3A_64 = arith.constant 0 : i32
    %dma_wait3A_65 = tpu.memref_slice %arg15[%dma_wait3A_63, %dma_wait3A_64] : memref<4096x128xf32, #tpu.memory_space<vmem_shared>> -> memref<4096x128xf32, #tpu.memory_space<vmem_shared>>
    tpu.wait_indirect_dma semaphore(%arg20 : memref<!tpu.dma_semaphore, #tpu.memory_space<semaphore_mem>>) src(%arg13 : memref<64x128xf32, #tpu.memory_space<vmem>>) dst(%dma_wait3A_65 : memref<4096x128xf32, #tpu.memory_space<vmem_shared>>)
    %dma_wait3A_66 = arith.constant 1 : i32
    %dma_wait3A_67 = arith.constant 0 : i32
    %dma_wait3A_68 = tpu.memref_slice %arg8[%dma_wait3A_66, %dma_wait3A_67] : memref<64x64xi32, #tpu.memory_space<vmem>> -> memref<1x64xi32, #tpu.memory_space<vmem>>
    %dma_wait3A_69 = tpu.memref_squeeze %dma_wait3A_68 : memref<1x64xi32, #tpu.memory_space<vmem>> -> memref<64xi32, #tpu.memory_space<vmem>>
    %dma_wait3A_70 = arith.constant 0 : i32
    %dma_wait3A_71 = arith.constant 0 : i32
    %dma_wait3A_72 = tpu.memref_slice %arg15[%dma_wait3A_70, %dma_wait3A_71] : memref<4096x128xf32, #tpu.memory_space<vmem_shared>> -> memref<4096x128xf32, #tpu.memory_space<vmem_shared>>
    tpu.wait_indirect_dma semaphore(%arg21 : memref<!tpu.dma_semaphore, #tpu.memory_space<semaphore_mem>>) src(%arg14 : memref<64x128xf32, #tpu.memory_space<vmem>>) dst(%dma_wait3A_72 : memref<4096x128xf32, #tpu.memory_space<vmem_shared>>)
    %barrier3A_73 = arith.constant 0 : index
    tpu.barrier barrier_id(%barrier3A_73)
    %mul3A_74 = arith.constant 256 : i32
    %mul3A_75 = arith.muli %arg1, %mul3A_74 : i32
    %mul3A_76 = arith.constant 4096 : i32
    %mul3A_77 = arith.muli %add3A_4, %mul3A_76 : i32
    %mul3A_78 = arith.constant 256 : i32
    %mul3A_79 = arith.muli %arg1, %mul3A_78 : i32
    %add3A_80 = arith.addi %mul3A_77, %mul3A_79 : i32
    "tpu.region"() ({
      %run_scoped3A = tpu.sem_alloc : memref<!tpu.dma_semaphore, #tpu.memory_space<semaphore_mem>>
      %dma_start3A_167 = arith.constant 0 : i32
      %dma_start3A_168 = tpu.memref_slice %arg6[%add3A_80, %dma_start3A_167] : memref<16384x128xf32, #tpu.memory_space<hbm>> -> memref<256x128xf32, #tpu.memory_space<hbm>>
      %dma_start3A_169 = arith.constant 0 : i32
      %dma_start3A_170 = tpu.memref_slice %arg15[%mul3A_75, %dma_start3A_169] : memref<4096x128xf32, #tpu.memory_space<vmem_shared>> -> memref<256x128xf32, #tpu.memory_space<vmem_shared>>
      tpu.enqueue_dma source(%dma_start3A_170 : memref<256x128xf32, #tpu.memory_space<vmem_shared>>) target(%dma_start3A_168 : memref<256x128xf32, #tpu.memory_space<hbm>>) target_semaphore(%run_scoped3A : memref<!tpu.dma_semaphore, #tpu.memory_space<semaphore_mem>>)
      %dma_wait3A_171 = arith.constant 0 : i32
      %dma_wait3A_172 = tpu.memref_slice %arg6[%add3A_80, %dma_wait3A_171] : memref<16384x128xf32, #tpu.memory_space<hbm>> -> memref<256x128xf32, #tpu.memory_space<hbm>>
      %dma_wait3A_173 = arith.constant 0 : i32
      %dma_wait3A_174 = tpu.memref_slice %arg15[%mul3A_75, %dma_wait3A_173] : memref<4096x128xf32, #tpu.memory_space<vmem_shared>> -> memref<256x128xf32, #tpu.memory_space<vmem_shared>>
      tpu.wait_dma2 semaphore(%run_scoped3A : memref<!tpu.dma_semaphore, #tpu.memory_space<semaphore_mem>>) src(%dma_wait3A_174 : memref<256x128xf32, #tpu.memory_space<vmem_shared>>) dst(%dma_wait3A_172 : memref<256x128xf32, #tpu.memory_space<hbm>>)
      tpu.yield
    }) : () -> ()
    %barrier3A_81 = arith.constant 0 : index
    tpu.barrier barrier_id(%barrier3A_81)
    %mul3A_82 = arith.constant 2 : i32
    %mul3A_83 = arith.muli %arg0, %mul3A_82 : i32
    %add3A_84 = arith.constant 1 : i32
    %add3A_85 = arith.addi %mul3A_83, %add3A_84 : i32
    %add3A_86 = arith.constant 0 : i32
    %add3A_87 = arith.addi %add3A_86, %add3A_85 : i32
    %mul3A_88 = arith.constant 16 : i32
    %mul3A_89 = arith.muli %add3A_87, %mul3A_88 : i32
    %add3A_90 = arith.addi %mul3A_89, %arg1 : i32
    "tpu.region"() ({
      %run_scoped3A = tpu.sem_alloc : memref<!tpu.dma_semaphore, #tpu.memory_space<semaphore_mem>>
      %dma_start3A_167 = arith.constant 0 : i32
      %dma_start3A_168 = arith.constant 0 : i32
      %dma_start3A_169 = tpu.memref_slice %arg4[%add3A_90, %dma_start3A_167, %dma_start3A_168] : memref<128x64x64xi32, #tpu.memory_space<hbm>> -> memref<1x64x64xi32, #tpu.memory_space<hbm>>
      %dma_start3A_170 = tpu.memref_squeeze %dma_start3A_169 : memref<1x64x64xi32, #tpu.memory_space<hbm>> -> memref<64x64xi32, #tpu.memory_space<hbm>>
      %dma_start3A_171 = arith.constant 0 : i32
      %dma_start3A_172 = arith.constant 0 : i32
      %dma_start3A_173 = tpu.memref_slice %arg4[%add3A_90, %dma_start3A_171, %dma_start3A_172] : memref<128x64x64xi32, #tpu.memory_space<hbm>> -> memref<1x64x64xi32, #tpu.memory_space<hbm>>
      %dma_start3A_174 = tpu.memref_squeeze %dma_start3A_173 : memref<1x64x64xi32, #tpu.memory_space<hbm>> -> memref<64x64xi32, #tpu.memory_space<hbm>>
      tpu.enqueue_dma source(%dma_start3A_174 : memref<64x64xi32, #tpu.memory_space<hbm>>) target(%arg7 : memref<64x64xi32, #tpu.memory_space<vmem>>) target_semaphore(%run_scoped3A : memref<!tpu.dma_semaphore, #tpu.memory_space<semaphore_mem>>)
      %dma_wait3A_175 = arith.constant 0 : i32
      %dma_wait3A_176 = arith.constant 0 : i32
      %dma_wait3A_177 = tpu.memref_slice %arg4[%add3A_90, %dma_wait3A_175, %dma_wait3A_176] : memref<128x64x64xi32, #tpu.memory_space<hbm>> -> memref<1x64x64xi32, #tpu.memory_space<hbm>>
      %dma_wait3A_178 = tpu.memref_squeeze %dma_wait3A_177 : memref<1x64x64xi32, #tpu.memory_space<hbm>> -> memref<64x64xi32, #tpu.memory_space<hbm>>
      %dma_wait3A_179 = arith.constant 0 : i32
      %dma_wait3A_180 = arith.constant 0 : i32
      %dma_wait3A_181 = tpu.memref_slice %arg4[%add3A_90, %dma_wait3A_179, %dma_wait3A_180] : memref<128x64x64xi32, #tpu.memory_space<hbm>> -> memref<1x64x64xi32, #tpu.memory_space<hbm>>
      %dma_wait3A_182 = tpu.memref_squeeze %dma_wait3A_181 : memref<1x64x64xi32, #tpu.memory_space<hbm>> -> memref<64x64xi32, #tpu.memory_space<hbm>>
      tpu.wait_dma2 semaphore(%run_scoped3A : memref<!tpu.dma_semaphore, #tpu.memory_space<semaphore_mem>>) src(%dma_wait3A_182 : memref<64x64xi32, #tpu.memory_space<hbm>>) dst(%arg7 : memref<64x64xi32, #tpu.memory_space<vmem>>)
      tpu.yield
    }) : () -> ()
    "tpu.region"() ({
      %run_scoped3A = tpu.sem_alloc : memref<!tpu.dma_semaphore, #tpu.memory_space<semaphore_mem>>
      %dma_start3A_167 = arith.constant 0 : i32
      %dma_start3A_168 = arith.constant 0 : i32
      %dma_start3A_169 = tpu.memref_slice %arg5[%add3A_90, %dma_start3A_167, %dma_start3A_168] : memref<128x64x64xi32, #tpu.memory_space<hbm>> -> memref<1x64x64xi32, #tpu.memory_space<hbm>>
      %dma_start3A_170 = tpu.memref_squeeze %dma_start3A_169 : memref<1x64x64xi32, #tpu.memory_space<hbm>> -> memref<64x64xi32, #tpu.memory_space<hbm>>
      %dma_start3A_171 = arith.constant 0 : i32
      %dma_start3A_172 = arith.constant 0 : i32
      %dma_start3A_173 = tpu.memref_slice %arg5[%add3A_90, %dma_start3A_171, %dma_start3A_172] : memref<128x64x64xi32, #tpu.memory_space<hbm>> -> memref<1x64x64xi32, #tpu.memory_space<hbm>>
      %dma_start3A_174 = tpu.memref_squeeze %dma_start3A_173 : memref<1x64x64xi32, #tpu.memory_space<hbm>> -> memref<64x64xi32, #tpu.memory_space<hbm>>
      tpu.enqueue_dma source(%dma_start3A_174 : memref<64x64xi32, #tpu.memory_space<hbm>>) target(%arg8 : memref<64x64xi32, #tpu.memory_space<vmem>>) target_semaphore(%run_scoped3A : memref<!tpu.dma_semaphore, #tpu.memory_space<semaphore_mem>>)
      %dma_wait3A_175 = arith.constant 0 : i32
      %dma_wait3A_176 = arith.constant 0 : i32
      %dma_wait3A_177 = tpu.memref_slice %arg5[%add3A_90, %dma_wait3A_175, %dma_wait3A_176] : memref<128x64x64xi32, #tpu.memory_space<hbm>> -> memref<1x64x64xi32, #tpu.memory_space<hbm>>
      %dma_wait3A_178 = tpu.memref_squeeze %dma_wait3A_177 : memref<1x64x64xi32, #tpu.memory_space<hbm>> -> memref<64x64xi32, #tpu.memory_space<hbm>>
      %dma_wait3A_179 = arith.constant 0 : i32
      %dma_wait3A_180 = arith.constant 0 : i32
      %dma_wait3A_181 = tpu.memref_slice %arg5[%add3A_90, %dma_wait3A_179, %dma_wait3A_180] : memref<128x64x64xi32, #tpu.memory_space<hbm>> -> memref<1x64x64xi32, #tpu.memory_space<hbm>>
      %dma_wait3A_182 = tpu.memref_squeeze %dma_wait3A_181 : memref<1x64x64xi32, #tpu.memory_space<hbm>> -> memref<64x64xi32, #tpu.memory_space<hbm>>
      tpu.wait_dma2 semaphore(%run_scoped3A : memref<!tpu.dma_semaphore, #tpu.memory_space<semaphore_mem>>) src(%dma_wait3A_182 : memref<64x64xi32, #tpu.memory_space<hbm>>) dst(%arg8 : memref<64x64xi32, #tpu.memory_space<vmem>>)
      tpu.yield
    }) : () -> ()
    %add3A_91 = arith.constant 0 : i32
    %add3A_92 = arith.addi %add3A_91, %add3A_85 : i32
    %mul3A_93 = arith.constant 4096 : i32
    %mul3A_94 = arith.muli %add3A_92, %mul3A_93 : i32
    %broadcast_in_dim3A_95 = vector.broadcast %mul3A_94 : i32 to vector<16xi32>
    %scan3A_96 = arith.constant 0 : i32
    %scan3A_97 = arith.constant 64 : i32
    %scan3A_98 = arith.addi %scan3A_96, %scan3A_97 : i32
    %scan3A_99 = arith.constant 1 : i32
    scf.for %scan3A_167 = %scan3A_96 to %scan3A_98 step %scan3A_99  : i32 {
      %get3A = arith.index_cast %scan3A_167 : i32 to index
      %get3A_168 = arith.constant 0 : index
      %get3A_169 = tpu.vector_load %arg7[%get3A, %get3A_168] {strides = array<i32>} : memref<64x64xi32, #tpu.memory_space<vmem>>, vector<1x16xi32>,
      %get3A_170 = vector.shape_cast %get3A_169 : vector<1x16xi32> to vector<16xi32>
      %add3A_171 = arith.addi %get3A_170, %broadcast_in_dim3A_95 : vector<16xi32>
      %swap3A = arith.index_cast %scan3A_167 : i32 to index
      %swap3A_172 = arith.constant 0 : index
      %swap3A_173 = tpu.vector_load %arg7[%swap3A, %swap3A_172] {strides = array<i32>} : memref<64x64xi32, #tpu.memory_space<vmem>>, vector<1x16xi32>,
      %swap3A_174 = vector.shape_cast %swap3A_173 : vector<1x16xi32> to vector<16xi32>
      %swap3A_175 = vector.shape_cast %add3A_171 : vector<16xi32> to vector<1x16xi32>
      tpu.vector_store %arg7[%swap3A, %swap3A_172], %swap3A_175 {strides = array<i32>} : memref<64x64xi32, #tpu.memory_space<vmem>>, vector<1x16xi32>,
      %get3A_176 = arith.index_cast %scan3A_167 : i32 to index
      %get3A_177 = arith.constant 16 : index
      %get3A_178 = tpu.vector_load %arg7[%get3A_176, %get3A_177] {strides = array<i32>} : memref<64x64xi32, #tpu.memory_space<vmem>>, vector<1x16xi32>,
      %get3A_179 = vector.shape_cast %get3A_178 : vector<1x16xi32> to vector<16xi32>
      %add3A_180 = arith.addi %get3A_179, %broadcast_in_dim3A_95 : vector<16xi32>
      %swap3A_181 = arith.index_cast %scan3A_167 : i32 to index
      %swap3A_182 = arith.constant 16 : index
      %swap3A_183 = tpu.vector_load %arg7[%swap3A_181, %swap3A_182] {strides = array<i32>} : memref<64x64xi32, #tpu.memory_space<vmem>>, vector<1x16xi32>,
      %swap3A_184 = vector.shape_cast %swap3A_183 : vector<1x16xi32> to vector<16xi32>
      %swap3A_185 = vector.shape_cast %add3A_180 : vector<16xi32> to vector<1x16xi32>
      tpu.vector_store %arg7[%swap3A_181, %swap3A_182], %swap3A_185 {strides = array<i32>} : memref<64x64xi32, #tpu.memory_space<vmem>>, vector<1x16xi32>,
      %get3A_186 = arith.index_cast %scan3A_167 : i32 to index
      %get3A_187 = arith.constant 32 : index
      %get3A_188 = tpu.vector_load %arg7[%get3A_186, %get3A_187] {strides = array<i32>} : memref<64x64xi32, #tpu.memory_space<vmem>>, vector<1x16xi32>,
      %get3A_189 = vector.shape_cast %get3A_188 : vector<1x16xi32> to vector<16xi32>
      %add3A_190 = arith.addi %get3A_189, %broadcast_in_dim3A_95 : vector<16xi32>
      %swap3A_191 = arith.index_cast %scan3A_167 : i32 to index
      %swap3A_192 = arith.constant 32 : index
      %swap3A_193 = tpu.vector_load %arg7[%swap3A_191, %swap3A_192] {strides = array<i32>} : memref<64x64xi32, #tpu.memory_space<vmem>>, vector<1x16xi32>,
      %swap3A_194 = vector.shape_cast %swap3A_193 : vector<1x16xi32> to vector<16xi32>
      %swap3A_195 = vector.shape_cast %add3A_190 : vector<16xi32> to vector<1x16xi32>
      tpu.vector_store %arg7[%swap3A_191, %swap3A_192], %swap3A_195 {strides = array<i32>} : memref<64x64xi32, #tpu.memory_space<vmem>>, vector<1x16xi32>,
      %get3A_196 = arith.index_cast %scan3A_167 : i32 to index
      %get3A_197 = arith.constant 48 : index
      %get3A_198 = tpu.vector_load %arg7[%get3A_196, %get3A_197] {strides = array<i32>} : memref<64x64xi32, #tpu.memory_space<vmem>>, vector<1x16xi32>,
      %get3A_199 = vector.shape_cast %get3A_198 : vector<1x16xi32> to vector<16xi32>
      %add3A_200 = arith.addi %get3A_199, %broadcast_in_dim3A_95 : vector<16xi32>
      %swap3A_201 = arith.index_cast %scan3A_167 : i32 to index
      %swap3A_202 = arith.constant 48 : index
      %swap3A_203 = tpu.vector_load %arg7[%swap3A_201, %swap3A_202] {strides = array<i32>} : memref<64x64xi32, #tpu.memory_space<vmem>>, vector<1x16xi32>,
      %swap3A_204 = vector.shape_cast %swap3A_203 : vector<1x16xi32> to vector<16xi32>
      %swap3A_205 = vector.shape_cast %add3A_200 : vector<16xi32> to vector<1x16xi32>
      tpu.vector_store %arg7[%swap3A_201, %swap3A_202], %swap3A_205 {strides = array<i32>} : memref<64x64xi32, #tpu.memory_space<vmem>>, vector<1x16xi32>,
    }
    %scan3A_100 = arith.constant 64 : i32
    %scan3A_101 = arith.constant 0 : i32
    %scan3A_102 = arith.constant 64 : i32
    %scan3A_103 = arith.addi %scan3A_101, %scan3A_102 : i32
    %scan3A_104 = arith.constant 1 : i32
    scf.for %scan3A_167 = %scan3A_101 to %scan3A_103 step %scan3A_104  : i32 {
      %swap3A = arith.index_cast %scan3A_167 : i32 to index
      %swap3A_168 = arith.constant 0 : index
      %swap3A_169 = tpu.vector_load %arg13[%swap3A, %swap3A_168] {strides = array<i32>} : memref<64x128xf32, #tpu.memory_space<vmem>>, vector<1x16xf32>,
      %swap3A_170 = vector.shape_cast %swap3A_169 : vector<1x16xf32> to vector<16xf32>
      %swap3A_171 = vector.shape_cast %broadcast_in_dim3A_0 : vector<16xf32> to vector<1x16xf32>
      tpu.vector_store %arg13[%swap3A, %swap3A_168], %swap3A_171 {strides = array<i32>} : memref<64x128xf32, #tpu.memory_space<vmem>>, vector<1x16xf32>,
      %swap3A_172 = arith.index_cast %scan3A_167 : i32 to index
      %swap3A_173 = arith.constant 16 : index
      %swap3A_174 = tpu.vector_load %arg13[%swap3A_172, %swap3A_173] {strides = array<i32>} : memref<64x128xf32, #tpu.memory_space<vmem>>, vector<1x16xf32>,
      %swap3A_175 = vector.shape_cast %swap3A_174 : vector<1x16xf32> to vector<16xf32>
      %swap3A_176 = vector.shape_cast %broadcast_in_dim3A_0 : vector<16xf32> to vector<1x16xf32>
      tpu.vector_store %arg13[%swap3A_172, %swap3A_173], %swap3A_176 {strides = array<i32>} : memref<64x128xf32, #tpu.memory_space<vmem>>, vector<1x16xf32>,
      %swap3A_177 = arith.index_cast %scan3A_167 : i32 to index
      %swap3A_178 = arith.constant 32 : index
      %swap3A_179 = tpu.vector_load %arg13[%swap3A_177, %swap3A_178] {strides = array<i32>} : memref<64x128xf32, #tpu.memory_space<vmem>>, vector<1x16xf32>,
      %swap3A_180 = vector.shape_cast %swap3A_179 : vector<1x16xf32> to vector<16xf32>
      %swap3A_181 = vector.shape_cast %broadcast_in_dim3A_0 : vector<16xf32> to vector<1x16xf32>
      tpu.vector_store %arg13[%swap3A_177, %swap3A_178], %swap3A_181 {strides = array<i32>} : memref<64x128xf32, #tpu.memory_space<vmem>>, vector<1x16xf32>,
      %swap3A_182 = arith.index_cast %scan3A_167 : i32 to index
      %swap3A_183 = arith.constant 48 : index
      %swap3A_184 = tpu.vector_load %arg13[%swap3A_182, %swap3A_183] {strides = array<i32>} : memref<64x128xf32, #tpu.memory_space<vmem>>, vector<1x16xf32>,
      %swap3A_185 = vector.shape_cast %swap3A_184 : vector<1x16xf32> to vector<16xf32>
      %swap3A_186 = vector.shape_cast %broadcast_in_dim3A_0 : vector<16xf32> to vector<1x16xf32>
      tpu.vector_store %arg13[%swap3A_182, %swap3A_183], %swap3A_186 {strides = array<i32>} : memref<64x128xf32, #tpu.memory_space<vmem>>, vector<1x16xf32>,
      %swap3A_187 = arith.index_cast %scan3A_167 : i32 to index
      %swap3A_188 = arith.constant 64 : index
      %swap3A_189 = tpu.vector_load %arg13[%swap3A_187, %swap3A_188] {strides = array<i32>} : memref<64x128xf32, #tpu.memory_space<vmem>>, vector<1x16xf32>,
      %swap3A_190 = vector.shape_cast %swap3A_189 : vector<1x16xf32> to vector<16xf32>
      %swap3A_191 = vector.shape_cast %broadcast_in_dim3A_0 : vector<16xf32> to vector<1x16xf32>
      tpu.vector_store %arg13[%swap3A_187, %swap3A_188], %swap3A_191 {strides = array<i32>} : memref<64x128xf32, #tpu.memory_space<vmem>>, vector<1x16xf32>,
      %swap3A_192 = arith.index_cast %scan3A_167 : i32 to index
      %swap3A_193 = arith.constant 80 : index
      %swap3A_194 = tpu.vector_load %arg13[%swap3A_192, %swap3A_193] {strides = array<i32>} : memref<64x128xf32, #tpu.memory_space<vmem>>, vector<1x16xf32>,
      %swap3A_195 = vector.shape_cast %swap3A_194 : vector<1x16xf32> to vector<16xf32>
      %swap3A_196 = vector.shape_cast %broadcast_in_dim3A_0 : vector<16xf32> to vector<1x16xf32>
      tpu.vector_store %arg13[%swap3A_192, %swap3A_193], %swap3A_196 {strides = array<i32>} : memref<64x128xf32, #tpu.memory_space<vmem>>, vector<1x16xf32>,
      %swap3A_197 = arith.index_cast %scan3A_167 : i32 to index
      %swap3A_198 = arith.constant 96 : index
      %swap3A_199 = tpu.vector_load %arg13[%swap3A_197, %swap3A_198] {strides = array<i32>} : memref<64x128xf32, #tpu.memory_space<vmem>>, vector<1x16xf32>,
      %swap3A_200 = vector.shape_cast %swap3A_199 : vector<1x16xf32> to vector<16xf32>
      %swap3A_201 = vector.shape_cast %broadcast_in_dim3A_0 : vector<16xf32> to vector<1x16xf32>
      tpu.vector_store %arg13[%swap3A_197, %swap3A_198], %swap3A_201 {strides = array<i32>} : memref<64x128xf32, #tpu.memory_space<vmem>>, vector<1x16xf32>,
      %swap3A_202 = arith.index_cast %scan3A_167 : i32 to index
      %swap3A_203 = arith.constant 112 : index
      %swap3A_204 = tpu.vector_load %arg13[%swap3A_202, %swap3A_203] {strides = array<i32>} : memref<64x128xf32, #tpu.memory_space<vmem>>, vector<1x16xf32>,
      %swap3A_205 = vector.shape_cast %swap3A_204 : vector<1x16xf32> to vector<16xf32>
      %swap3A_206 = vector.shape_cast %broadcast_in_dim3A_0 : vector<16xf32> to vector<1x16xf32>
      tpu.vector_store %arg13[%swap3A_202, %swap3A_203], %swap3A_206 {strides = array<i32>} : memref<64x128xf32, #tpu.memory_space<vmem>>, vector<1x16xf32>,
    }
    %scan3A_105 = arith.constant 64 : i32
    %mul3A_106 = arith.constant 256 : i32
    %mul3A_107 = arith.muli %arg1, %mul3A_106 : i32
    %add3A_108 = arith.constant 0 : i32
    %add3A_109 = arith.addi %mul3A_107, %add3A_108 : i32
    "tpu.region"() ({
      %run_scoped3A = tpu.sem_alloc : memref<!tpu.dma_semaphore, #tpu.memory_space<semaphore_mem>>
      %dma_start3A_167 = arith.constant 0 : i32
      %dma_start3A_168 = tpu.memref_slice %arg15[%add3A_109, %dma_start3A_167] : memref<4096x128xf32, #tpu.memory_space<vmem_shared>> -> memref<64x128xf32, #tpu.memory_space<vmem_shared>>
      %dma_start3A_169 = arith.constant 0 : i32
      %dma_start3A_170 = tpu.memref_slice %arg15[%add3A_109, %dma_start3A_169] : memref<4096x128xf32, #tpu.memory_space<vmem_shared>> -> memref<64x128xf32, #tpu.memory_space<vmem_shared>>
      tpu.enqueue_dma source(%arg13 : memref<64x128xf32, #tpu.memory_space<vmem>>) target(%dma_start3A_170 : memref<64x128xf32, #tpu.memory_space<vmem_shared>>) target_semaphore(%run_scoped3A : memref<!tpu.dma_semaphore, #tpu.memory_space<semaphore_mem>>)
      %dma_wait3A_171 = arith.constant 0 : i32
      %dma_wait3A_172 = tpu.memref_slice %arg15[%add3A_109, %dma_wait3A_171] : memref<4096x128xf32, #tpu.memory_space<vmem_shared>> -> memref<64x128xf32, #tpu.memory_space<vmem_shared>>
      %dma_wait3A_173 = arith.constant 0 : i32
      %dma_wait3A_174 = tpu.memref_slice %arg15[%add3A_109, %dma_wait3A_173] : memref<4096x128xf32, #tpu.memory_space<vmem_shared>> -> memref<64x128xf32, #tpu.memory_space<vmem_shared>>
      tpu.wait_dma2 semaphore(%run_scoped3A : memref<!tpu.dma_semaphore, #tpu.memory_space<semaphore_mem>>) src(%arg13 : memref<64x128xf32, #tpu.memory_space<vmem>>) dst(%dma_wait3A_174 : memref<64x128xf32, #tpu.memory_space<vmem_shared>>)
      tpu.yield
    }) : () -> ()
    %mul3A_110 = arith.constant 256 : i32
    %mul3A_111 = arith.muli %arg1, %mul3A_110 : i32
    %add3A_112 = arith.constant 64 : i32
    %add3A_113 = arith.addi %mul3A_111, %add3A_112 : i32
    "tpu.region"() ({
      %run_scoped3A = tpu.sem_alloc : memref<!tpu.dma_semaphore, #tpu.memory_space<semaphore_mem>>
      %dma_start3A_167 = arith.constant 0 : i32
      %dma_start3A_168 = tpu.memref_slice %arg15[%add3A_113, %dma_start3A_167] : memref<4096x128xf32, #tpu.memory_space<vmem_shared>> -> memref<64x128xf32, #tpu.memory_space<vmem_shared>>
      %dma_start3A_169 = arith.constant 0 : i32
      %dma_start3A_170 = tpu.memref_slice %arg15[%add3A_113, %dma_start3A_169] : memref<4096x128xf32, #tpu.memory_space<vmem_shared>> -> memref<64x128xf32, #tpu.memory_space<vmem_shared>>
      tpu.enqueue_dma source(%arg13 : memref<64x128xf32, #tpu.memory_space<vmem>>) target(%dma_start3A_170 : memref<64x128xf32, #tpu.memory_space<vmem_shared>>) target_semaphore(%run_scoped3A : memref<!tpu.dma_semaphore, #tpu.memory_space<semaphore_mem>>)
      %dma_wait3A_171 = arith.constant 0 : i32
      %dma_wait3A_172 = tpu.memref_slice %arg15[%add3A_113, %dma_wait3A_171] : memref<4096x128xf32, #tpu.memory_space<vmem_shared>> -> memref<64x128xf32, #tpu.memory_space<vmem_shared>>
      %dma_wait3A_173 = arith.constant 0 : i32
      %dma_wait3A_174 = tpu.memref_slice %arg15[%add3A_113, %dma_wait3A_173] : memref<4096x128xf32, #tpu.memory_space<vmem_shared>> -> memref<64x128xf32, #tpu.memory_space<vmem_shared>>
      tpu.wait_dma2 semaphore(%run_scoped3A : memref<!tpu.dma_semaphore, #tpu.memory_space<semaphore_mem>>) src(%arg13 : memref<64x128xf32, #tpu.memory_space<vmem>>) dst(%dma_wait3A_174 : memref<64x128xf32, #tpu.memory_space<vmem_shared>>)
      tpu.yield
    }) : () -> ()
    %mul3A_114 = arith.constant 256 : i32
    %mul3A_115 = arith.muli %arg1, %mul3A_114 : i32
    %add3A_116 = arith.constant 128 : i32
    %add3A_117 = arith.addi %mul3A_115, %add3A_116 : i32
    "tpu.region"() ({
      %run_scoped3A = tpu.sem_alloc : memref<!tpu.dma_semaphore, #tpu.memory_space<semaphore_mem>>
      %dma_start3A_167 = arith.constant 0 : i32
      %dma_start3A_168 = tpu.memref_slice %arg15[%add3A_117, %dma_start3A_167] : memref<4096x128xf32, #tpu.memory_space<vmem_shared>> -> memref<64x128xf32, #tpu.memory_space<vmem_shared>>
      %dma_start3A_169 = arith.constant 0 : i32
      %dma_start3A_170 = tpu.memref_slice %arg15[%add3A_117, %dma_start3A_169] : memref<4096x128xf32, #tpu.memory_space<vmem_shared>> -> memref<64x128xf32, #tpu.memory_space<vmem_shared>>
      tpu.enqueue_dma source(%arg13 : memref<64x128xf32, #tpu.memory_space<vmem>>) target(%dma_start3A_170 : memref<64x128xf32, #tpu.memory_space<vmem_shared>>) target_semaphore(%run_scoped3A : memref<!tpu.dma_semaphore, #tpu.memory_space<semaphore_mem>>)
      %dma_wait3A_171 = arith.constant 0 : i32
      %dma_wait3A_172 = tpu.memref_slice %arg15[%add3A_117, %dma_wait3A_171] : memref<4096x128xf32, #tpu.memory_space<vmem_shared>> -> memref<64x128xf32, #tpu.memory_space<vmem_shared>>
      %dma_wait3A_173 = arith.constant 0 : i32
      %dma_wait3A_174 = tpu.memref_slice %arg15[%add3A_117, %dma_wait3A_173] : memref<4096x128xf32, #tpu.memory_space<vmem_shared>> -> memref<64x128xf32, #tpu.memory_space<vmem_shared>>
      tpu.wait_dma2 semaphore(%run_scoped3A : memref<!tpu.dma_semaphore, #tpu.memory_space<semaphore_mem>>) src(%arg13 : memref<64x128xf32, #tpu.memory_space<vmem>>) dst(%dma_wait3A_174 : memref<64x128xf32, #tpu.memory_space<vmem_shared>>)
      tpu.yield
    }) : () -> ()
    %mul3A_118 = arith.constant 256 : i32
    %mul3A_119 = arith.muli %arg1, %mul3A_118 : i32
    %add3A_120 = arith.constant 192 : i32
    %add3A_121 = arith.addi %mul3A_119, %add3A_120 : i32
    "tpu.region"() ({
      %run_scoped3A = tpu.sem_alloc : memref<!tpu.dma_semaphore, #tpu.memory_space<semaphore_mem>>
      %dma_start3A_167 = arith.constant 0 : i32
      %dma_start3A_168 = tpu.memref_slice %arg15[%add3A_121, %dma_start3A_167] : memref<4096x128xf32, #tpu.memory_space<vmem_shared>> -> memref<64x128xf32, #tpu.memory_space<vmem_shared>>
      %dma_start3A_169 = arith.constant 0 : i32
      %dma_start3A_170 = tpu.memref_slice %arg15[%add3A_121, %dma_start3A_169] : memref<4096x128xf32, #tpu.memory_space<vmem_shared>> -> memref<64x128xf32, #tpu.memory_space<vmem_shared>>
      tpu.enqueue_dma source(%arg13 : memref<64x128xf32, #tpu.memory_space<vmem>>) target(%dma_start3A_170 : memref<64x128xf32, #tpu.memory_space<vmem_shared>>) target_semaphore(%run_scoped3A : memref<!tpu.dma_semaphore, #tpu.memory_space<semaphore_mem>>)
      %dma_wait3A_171 = arith.constant 0 : i32
      %dma_wait3A_172 = tpu.memref_slice %arg15[%add3A_121, %dma_wait3A_171] : memref<4096x128xf32, #tpu.memory_space<vmem_shared>> -> memref<64x128xf32, #tpu.memory_space<vmem_shared>>
      %dma_wait3A_173 = arith.constant 0 : i32
      %dma_wait3A_174 = tpu.memref_slice %arg15[%add3A_121, %dma_wait3A_173] : memref<4096x128xf32, #tpu.memory_space<vmem_shared>> -> memref<64x128xf32, #tpu.memory_space<vmem_shared>>
      tpu.wait_dma2 semaphore(%run_scoped3A : memref<!tpu.dma_semaphore, #tpu.memory_space<semaphore_mem>>) src(%arg13 : memref<64x128xf32, #tpu.memory_space<vmem>>) dst(%dma_wait3A_174 : memref<64x128xf32, #tpu.memory_space<vmem_shared>>)
      tpu.yield
    }) : () -> ()
    %barrier3A_122 = arith.constant 0 : index
    tpu.barrier barrier_id(%barrier3A_122)
    %mul3A_123 = arith.constant 65536 : i32
    %mul3A_124 = arith.muli %add3A_85, %mul3A_123 : i32
    %mul3A_125 = arith.constant 4096 : i32
    %mul3A_126 = arith.muli %arg1, %mul3A_125 : i32
    %add3A_127 = arith.addi %mul3A_124, %mul3A_126 : i32
    %dma_start3A_128 = arith.constant 0 : i32
    %dma_start3A_129 = arith.constant 0 : i32
    %dma_start3A_130 = tpu.memref_slice %arg7[%dma_start3A_128, %dma_start3A_129] : memref<64x64xi32, #tpu.memory_space<vmem>> -> memref<1x64xi32, #tpu.memory_space<vmem>>
    %dma_start3A_131 = tpu.memref_squeeze %dma_start3A_130 : memref<1x64xi32, #tpu.memory_space<vmem>> -> memref<64xi32, #tpu.memory_space<vmem>>
    %dma_start3A_132 = arith.constant 0 : i32
    %dma_start3A_133 = arith.constant 0 : i32
    %dma_start3A_134 = tpu.memref_slice %arg2[%dma_start3A_132, %dma_start3A_133] : memref<32768x128xf32, #tpu.memory_space<hbm>> -> memref<32768x128xf32, #tpu.memory_space<hbm>>
    tpu.enqueue_indirect_dma source(%dma_start3A_134 : memref<32768x128xf32, #tpu.memory_space<hbm>>) target(%arg9 : memref<64x128xf32, #tpu.memory_space<vmem>>) offsets(%dma_start3A_131 : memref<64xi32, #tpu.memory_space<vmem>>) semaphore(%arg16 : memref<!tpu.dma_semaphore, #tpu.memory_space<semaphore_mem>>)
    %dma_start3A_135 = arith.constant 0 : i32
    %dma_start3A_136 = tpu.memref_slice %arg3[%add3A_127, %dma_start3A_135] : memref<262144x64xi32, #tpu.memory_space<hbm>> -> memref<64x64xi32, #tpu.memory_space<hbm>>
    %dma_start3A_137 = arith.constant 0 : i32
    %dma_start3A_138 = tpu.memref_slice %arg3[%add3A_127, %dma_start3A_137] : memref<262144x64xi32, #tpu.memory_space<hbm>> -> memref<64x64xi32, #tpu.memory_space<hbm>>
    tpu.enqueue_dma source(%dma_start3A_138 : memref<64x64xi32, #tpu.memory_space<hbm>>) target(%arg11 : memref<64x64xi32, #tpu.memory_space<vmem>>) target_semaphore(%arg18 : memref<!tpu.dma_semaphore, #tpu.memory_space<semaphore_mem>>)
    %scan3A_139 = arith.constant 0 : i32
    %scan3A_140 = arith.constant 32 : i32
    %scan3A_141 = arith.addi %scan3A_139, %scan3A_140 : i32
    %scan3A_142 = arith.constant 1 : i32
    scf.for %scan3A_167 = %scan3A_139 to %scan3A_141 step %scan3A_142  : i32 {
      %mul3A_168 = arith.constant 2 : i32
      %mul3A_169 = arith.muli %scan3A_167, %mul3A_168 : i32
      %add3A_170 = arith.constant 0 : i32
      %add3A_171 = arith.addi %mul3A_169, %add3A_170 : i32
      %add3A_172 = arith.constant 1 : i32
      %add3A_173 = arith.addi %add3A_171, %add3A_172 : i32
      %lt3A = arith.constant 64 : i32
      %lt3A_174 = arith.cmpi slt, %add3A_173, %lt3A : i32
      %convert_element_type3A = arith.extui %lt3A_174 : i1 to i32
      %cond3A = arith.constant 0 : i32
      %cond3A_175 = arith.cmpi ne, %convert_element_type3A, %cond3A : i32
      scf.if %cond3A_175 {
        %add3A_238 = arith.constant 1 : i32
        %add3A_239 = arith.addi %add3A_171, %add3A_238 : i32
        %dma_start3A_240 = arith.constant 0 : i32
        %dma_start3A_241 = tpu.memref_slice %arg7[%add3A_239, %dma_start3A_240] : memref<64x64xi32, #tpu.memory_space<vmem>> -> memref<1x64xi32, #tpu.memory_space<vmem>>
        %dma_start3A_242 = tpu.memref_squeeze %dma_start3A_241 : memref<1x64xi32, #tpu.memory_space<vmem>> -> memref<64xi32, #tpu.memory_space<vmem>>
        %dma_start3A_243 = arith.constant 0 : i32
        %dma_start3A_244 = arith.constant 0 : i32
        %dma_start3A_245 = tpu.memref_slice %arg2[%dma_start3A_243, %dma_start3A_244] : memref<32768x128xf32, #tpu.memory_space<hbm>> -> memref<32768x128xf32, #tpu.memory_space<hbm>>
        tpu.enqueue_indirect_dma source(%dma_start3A_245 : memref<32768x128xf32, #tpu.memory_space<hbm>>) target(%arg10 : memref<64x128xf32, #tpu.memory_space<vmem>>) offsets(%dma_start3A_242 : memref<64xi32, #tpu.memory_space<vmem>>) semaphore(%arg17 : memref<!tpu.dma_semaphore, #tpu.memory_space<semaphore_mem>>)
        %add3A_246 = arith.constant 1 : i32
        %add3A_247 = arith.addi %add3A_171, %add3A_246 : i32
        %mul3A_248 = arith.constant 64 : i32
        %mul3A_249 = arith.muli %add3A_247, %mul3A_248 : i32
        %add3A_250 = arith.addi %add3A_127, %mul3A_249 : i32
        %dma_start3A_251 = arith.constant 0 : i32
        %dma_start3A_252 = tpu.memref_slice %arg3[%add3A_250, %dma_start3A_251] : memref<262144x64xi32, #tpu.memory_space<hbm>> -> memref<64x64xi32, #tpu.memory_space<hbm>>
        %dma_start3A_253 = arith.constant 0 : i32
        %dma_start3A_254 = tpu.memref_slice %arg3[%add3A_250, %dma_start3A_253] : memref<262144x64xi32, #tpu.memory_space<hbm>> -> memref<64x64xi32, #tpu.memory_space<hbm>>
        tpu.enqueue_dma source(%dma_start3A_254 : memref<64x64xi32, #tpu.memory_space<hbm>>) target(%arg12 : memref<64x64xi32, #tpu.memory_space<vmem>>) target_semaphore(%arg19 : memref<!tpu.dma_semaphore, #tpu.memory_space<semaphore_mem>>)
      } else {
      }
      %dma_wait3A_176 = arith.constant 0 : i32
      %dma_wait3A_177 = tpu.memref_slice %arg7[%add3A_171, %dma_wait3A_176] : memref<64x64xi32, #tpu.memory_space<vmem>> -> memref<1x64xi32, #tpu.memory_space<vmem>>
      %dma_wait3A_178 = tpu.memref_squeeze %dma_wait3A_177 : memref<1x64xi32, #tpu.memory_space<vmem>> -> memref<64xi32, #tpu.memory_space<vmem>>
      %dma_wait3A_179 = arith.constant 0 : i32
      %dma_wait3A_180 = arith.constant 0 : i32
      %dma_wait3A_181 = tpu.memref_slice %arg2[%dma_wait3A_179, %dma_wait3A_180] : memref<32768x128xf32, #tpu.memory_space<hbm>> -> memref<32768x128xf32, #tpu.memory_space<hbm>>
      tpu.wait_indirect_dma semaphore(%arg16 : memref<!tpu.dma_semaphore, #tpu.memory_space<semaphore_mem>>) src(%dma_wait3A_181 : memref<32768x128xf32, #tpu.memory_space<hbm>>) dst(%arg9 : memref<64x128xf32, #tpu.memory_space<vmem>>)
      %dma_wait3A_182 = arith.constant 0 : i32
      %dma_wait3A_183 = tpu.memref_slice %arg3[%add3A_127, %dma_wait3A_182] : memref<262144x64xi32, #tpu.memory_space<hbm>> -> memref<64x64xi32, #tpu.memory_space<hbm>>
      %dma_wait3A_184 = arith.constant 0 : i32
      %dma_wait3A_185 = tpu.memref_slice %arg3[%add3A_127, %dma_wait3A_184] : memref<262144x64xi32, #tpu.memory_space<hbm>> -> memref<64x64xi32, #tpu.memory_space<hbm>>
      tpu.wait_dma2 semaphore(%arg18 : memref<!tpu.dma_semaphore, #tpu.memory_space<semaphore_mem>>) src(%dma_wait3A_185 : memref<64x64xi32, #tpu.memory_space<hbm>>) dst(%arg11 : memref<64x64xi32, #tpu.memory_space<vmem>>)
      %ge3A = arith.constant 2 : i32
      %ge3A_186 = arith.cmpi sge, %add3A_171, %ge3A : i32
      %convert_element_type3A_187 = arith.extui %ge3A_186 : i1 to i32
      %cond3A_188 = arith.constant 0 : i32
      %cond3A_189 = arith.cmpi ne, %convert_element_type3A_187, %cond3A_188 : i32
      scf.if %cond3A_189 {
        %dma_wait3A_238 = arith.constant 0 : i32
        %dma_wait3A_239 = tpu.memref_slice %arg8[%add3A_171, %dma_wait3A_238] : memref<64x64xi32, #tpu.memory_space<vmem>> -> memref<1x64xi32, #tpu.memory_space<vmem>>
        %dma_wait3A_240 = tpu.memref_squeeze %dma_wait3A_239 : memref<1x64xi32, #tpu.memory_space<vmem>> -> memref<64xi32, #tpu.memory_space<vmem>>
        %dma_wait3A_241 = arith.constant 0 : i32
        %dma_wait3A_242 = arith.constant 0 : i32
        %dma_wait3A_243 = tpu.memref_slice %arg15[%dma_wait3A_241, %dma_wait3A_242] : memref<4096x128xf32, #tpu.memory_space<vmem_shared>> -> memref<4096x128xf32, #tpu.memory_space<vmem_shared>>
        tpu.wait_indirect_dma semaphore(%arg20 : memref<!tpu.dma_semaphore, #tpu.memory_space<semaphore_mem>>) src(%arg13 : memref<64x128xf32, #tpu.memory_space<vmem>>) dst(%dma_wait3A_243 : memref<4096x128xf32, #tpu.memory_space<vmem_shared>>)
      } else {
      }
      %scan3A_190 = arith.constant 0 : i32
      %scan3A_191 = arith.constant 64 : i32
      %scan3A_192 = arith.addi %scan3A_190, %scan3A_191 : i32
      %scan3A_193 = arith.constant 1 : i32
      scf.for %scan3A_238 = %scan3A_190 to %scan3A_192 step %scan3A_193  : i32 {
        %get3A = arith.index_cast %scan3A_238 : i32 to index
        %get3A_239 = arith.constant 0 : index
        %get3A_240 = tpu.vector_load %arg11[%get3A, %get3A_239] {strides = array<i32>} : memref<64x64xi32, #tpu.memory_space<vmem>>, vector<1x16xi32>,
        %get3A_241 = vector.shape_cast %get3A_240 : vector<1x16xi32> to vector<16xi32>
        %shift_left3A = arith.constant 16 : i32
        %shift_left3A_242 = vector.broadcast %shift_left3A : i32 to vector<16xi32>
        %shift_left3A_243 = arith.shli %get3A_241, %shift_left3A_242 : vector<16xi32>
        %bitcast_convert_type3A = tpu.bitcast %shift_left3A_243 : vector<16xi32> -> vector<16xf32>
        %and3A = arith.andi %get3A_241, %broadcast_in_dim3A_2 : vector<16xi32>
        %bitcast_convert_type3A_244 = tpu.bitcast %and3A : vector<16xi32> -> vector<16xf32>
        %get3A_245 = arith.index_cast %scan3A_238 : i32 to index
        %get3A_246 = arith.constant 0 : index
        %get3A_247 = tpu.vector_load %arg9[%get3A_245, %get3A_246] {strides = array<i32>} : memref<64x128xf32, #tpu.memory_space<vmem>>, vector<1x16xf32>,
        %get3A_248 = vector.shape_cast %get3A_247 : vector<1x16xf32> to vector<16xf32>
        %get3A_249 = arith.index_cast %scan3A_238 : i32 to index
        %get3A_250 = arith.constant 16 : index
        %get3A_251 = tpu.vector_load %arg9[%get3A_249, %get3A_250] {strides = array<i32>} : memref<64x128xf32, #tpu.memory_space<vmem>>, vector<1x16xf32>,
        %get3A_252 = vector.shape_cast %get3A_251 : vector<1x16xf32> to vector<16xf32>
        %add3A_253 = arith.addf %get3A_248, %bitcast_convert_type3A : vector<16xf32>
        %max3A = arith.constant 0.000000e+00 : f32
        %max3A_254 = vector.broadcast %max3A : f32 to vector<16xf32>
        %max3A_255 = arith.maximumf %add3A_253, %max3A_254 : vector<16xf32>
        %swap3A = arith.index_cast %scan3A_238 : i32 to index
        %swap3A_256 = arith.constant 0 : index
        %swap3A_257 = tpu.vector_load %arg13[%swap3A, %swap3A_256] {strides = array<i32>} : memref<64x128xf32, #tpu.memory_space<vmem>>, vector<1x16xf32>,
        %swap3A_258 = vector.shape_cast %swap3A_257 : vector<1x16xf32> to vector<16xf32>
        %swap3A_259 = vector.shape_cast %max3A_255 : vector<16xf32> to vector<1x16xf32>
        tpu.vector_store %arg13[%swap3A, %swap3A_256], %swap3A_259 {strides = array<i32>} : memref<64x128xf32, #tpu.memory_space<vmem>>, vector<1x16xf32>,
        %add3A_260 = arith.addf %get3A_252, %bitcast_convert_type3A_244 : vector<16xf32>
        %max3A_261 = arith.constant 0.000000e+00 : f32
        %max3A_262 = vector.broadcast %max3A_261 : f32 to vector<16xf32>
        %max3A_263 = arith.maximumf %add3A_260, %max3A_262 : vector<16xf32>
        %swap3A_264 = arith.index_cast %scan3A_238 : i32 to index
        %swap3A_265 = arith.constant 16 : index
        %swap3A_266 = tpu.vector_load %arg13[%swap3A_264, %swap3A_265] {strides = array<i32>} : memref<64x128xf32, #tpu.memory_space<vmem>>, vector<1x16xf32>,
        %swap3A_267 = vector.shape_cast %swap3A_266 : vector<1x16xf32> to vector<16xf32>
        %swap3A_268 = vector.shape_cast %max3A_263 : vector<16xf32> to vector<1x16xf32>
        tpu.vector_store %arg13[%swap3A_264, %swap3A_265], %swap3A_268 {strides = array<i32>} : memref<64x128xf32, #tpu.memory_space<vmem>>, vector<1x16xf32>,
        %get3A_269 = arith.index_cast %scan3A_238 : i32 to index
        %get3A_270 = arith.constant 16 : index
        %get3A_271 = tpu.vector_load %arg11[%get3A_269, %get3A_270] {strides = array<i32>} : memref<64x64xi32, #tpu.memory_space<vmem>>, vector<1x16xi32>,
        %get3A_272 = vector.shape_cast %get3A_271 : vector<1x16xi32> to vector<16xi32>
        %shift_left3A_273 = arith.constant 16 : i32
        %shift_left3A_274 = vector.broadcast %shift_left3A_273 : i32 to vector<16xi32>
        %shift_left3A_275 = arith.shli %get3A_272, %shift_left3A_274 : vector<16xi32>
        %bitcast_convert_type3A_276 = tpu.bitcast %shift_left3A_275 : vector<16xi32> -> vector<16xf32>
        %and3A_277 = arith.andi %get3A_272, %broadcast_in_dim3A_2 : vector<16xi32>
        %bitcast_convert_type3A_278 = tpu.bitcast %and3A_277 : vector<16xi32> -> vector<16xf32>
        %get3A_279 = arith.index_cast %scan3A_238 : i32 to index
        %get3A_280 = arith.constant 32 : index
        %get3A_281 = tpu.vector_load %arg9[%get3A_279, %get3A_280] {strides = array<i32>} : memref<64x128xf32, #tpu.memory_space<vmem>>, vector<1x16xf32>,
        %get3A_282 = vector.shape_cast %get3A_281 : vector<1x16xf32> to vector<16xf32>
        %get3A_283 = arith.index_cast %scan3A_238 : i32 to index
        %get3A_284 = arith.constant 48 : index
        %get3A_285 = tpu.vector_load %arg9[%get3A_283, %get3A_284] {strides = array<i32>} : memref<64x128xf32, #tpu.memory_space<vmem>>, vector<1x16xf32>,
        %get3A_286 = vector.shape_cast %get3A_285 : vector<1x16xf32> to vector<16xf32>
        %add3A_287 = arith.addf %get3A_282, %bitcast_convert_type3A_276 : vector<16xf32>
        %max3A_288 = arith.constant 0.000000e+00 : f32
        %max3A_289 = vector.broadcast %max3A_288 : f32 to vector<16xf32>
        %max3A_290 = arith.maximumf %add3A_287, %max3A_289 : vector<16xf32>
        %swap3A_291 = arith.index_cast %scan3A_238 : i32 to index
        %swap3A_292 = arith.constant 32 : index
        %swap3A_293 = tpu.vector_load %arg13[%swap3A_291, %swap3A_292] {strides = array<i32>} : memref<64x128xf32, #tpu.memory_space<vmem>>, vector<1x16xf32>,
        %swap3A_294 = vector.shape_cast %swap3A_293 : vector<1x16xf32> to vector<16xf32>
        %swap3A_295 = vector.shape_cast %max3A_290 : vector<16xf32> to vector<1x16xf32>
        tpu.vector_store %arg13[%swap3A_291, %swap3A_292], %swap3A_295 {strides = array<i32>} : memref<64x128xf32, #tpu.memory_space<vmem>>, vector<1x16xf32>,
        %add3A_296 = arith.addf %get3A_286, %bitcast_convert_type3A_278 : vector<16xf32>
        %max3A_297 = arith.constant 0.000000e+00 : f32
        %max3A_298 = vector.broadcast %max3A_297 : f32 to vector<16xf32>
        %max3A_299 = arith.maximumf %add3A_296, %max3A_298 : vector<16xf32>
        %swap3A_300 = arith.index_cast %scan3A_238 : i32 to index
        %swap3A_301 = arith.constant 48 : index
        %swap3A_302 = tpu.vector_load %arg13[%swap3A_300, %swap3A_301] {strides = array<i32>} : memref<64x128xf32, #tpu.memory_space<vmem>>, vector<1x16xf32>,
        %swap3A_303 = vector.shape_cast %swap3A_302 : vector<1x16xf32> to vector<16xf32>
        %swap3A_304 = vector.shape_cast %max3A_299 : vector<16xf32> to vector<1x16xf32>
        tpu.vector_store %arg13[%swap3A_300, %swap3A_301], %swap3A_304 {strides = array<i32>} : memref<64x128xf32, #tpu.memory_space<vmem>>, vector<1x16xf32>,
        %get3A_305 = arith.index_cast %scan3A_238 : i32 to index
        %get3A_306 = arith.constant 32 : index
        %get3A_307 = tpu.vector_load %arg11[%get3A_305, %get3A_306] {strides = array<i32>} : memref<64x64xi32, #tpu.memory_space<vmem>>, vector<1x16xi32>,
        %get3A_308 = vector.shape_cast %get3A_307 : vector<1x16xi32> to vector<16xi32>
        %shift_left3A_309 = arith.constant 16 : i32
        %shift_left3A_310 = vector.broadcast %shift_left3A_309 : i32 to vector<16xi32>
        %shift_left3A_311 = arith.shli %get3A_308, %shift_left3A_310 : vector<16xi32>
        %bitcast_convert_type3A_312 = tpu.bitcast %shift_left3A_311 : vector<16xi32> -> vector<16xf32>
        %and3A_313 = arith.andi %get3A_308, %broadcast_in_dim3A_2 : vector<16xi32>
        %bitcast_convert_type3A_314 = tpu.bitcast %and3A_313 : vector<16xi32> -> vector<16xf32>
        %get3A_315 = arith.index_cast %scan3A_238 : i32 to index
        %get3A_316 = arith.constant 64 : index
        %get3A_317 = tpu.vector_load %arg9[%get3A_315, %get3A_316] {strides = array<i32>} : memref<64x128xf32, #tpu.memory_space<vmem>>, vector<1x16xf32>,
        %get3A_318 = vector.shape_cast %get3A_317 : vector<1x16xf32> to vector<16xf32>
        %get3A_319 = arith.index_cast %scan3A_238 : i32 to index
        %get3A_320 = arith.constant 80 : index
        %get3A_321 = tpu.vector_load %arg9[%get3A_319, %get3A_320] {strides = array<i32>} : memref<64x128xf32, #tpu.memory_space<vmem>>, vector<1x16xf32>,
        %get3A_322 = vector.shape_cast %get3A_321 : vector<1x16xf32> to vector<16xf32>
        %add3A_323 = arith.addf %get3A_318, %bitcast_convert_type3A_312 : vector<16xf32>
        %max3A_324 = arith.constant 0.000000e+00 : f32
        %max3A_325 = vector.broadcast %max3A_324 : f32 to vector<16xf32>
        %max3A_326 = arith.maximumf %add3A_323, %max3A_325 : vector<16xf32>
        %swap3A_327 = arith.index_cast %scan3A_238 : i32 to index
        %swap3A_328 = arith.constant 64 : index
        %swap3A_329 = tpu.vector_load %arg13[%swap3A_327, %swap3A_328] {strides = array<i32>} : memref<64x128xf32, #tpu.memory_space<vmem>>, vector<1x16xf32>,
        %swap3A_330 = vector.shape_cast %swap3A_329 : vector<1x16xf32> to vector<16xf32>
        %swap3A_331 = vector.shape_cast %max3A_326 : vector<16xf32> to vector<1x16xf32>
        tpu.vector_store %arg13[%swap3A_327, %swap3A_328], %swap3A_331 {strides = array<i32>} : memref<64x128xf32, #tpu.memory_space<vmem>>, vector<1x16xf32>,
        %add3A_332 = arith.addf %get3A_322, %bitcast_convert_type3A_314 : vector<16xf32>
        %max3A_333 = arith.constant 0.000000e+00 : f32
        %max3A_334 = vector.broadcast %max3A_333 : f32 to vector<16xf32>
        %max3A_335 = arith.maximumf %add3A_332, %max3A_334 : vector<16xf32>
        %swap3A_336 = arith.index_cast %scan3A_238 : i32 to index
        %swap3A_337 = arith.constant 80 : index
        %swap3A_338 = tpu.vector_load %arg13[%swap3A_336, %swap3A_337] {strides = array<i32>} : memref<64x128xf32, #tpu.memory_space<vmem>>, vector<1x16xf32>,
        %swap3A_339 = vector.shape_cast %swap3A_338 : vector<1x16xf32> to vector<16xf32>
        %swap3A_340 = vector.shape_cast %max3A_335 : vector<16xf32> to vector<1x16xf32>
        tpu.vector_store %arg13[%swap3A_336, %swap3A_337], %swap3A_340 {strides = array<i32>} : memref<64x128xf32, #tpu.memory_space<vmem>>, vector<1x16xf32>,
        %get3A_341 = arith.index_cast %scan3A_238 : i32 to index
        %get3A_342 = arith.constant 48 : index
        %get3A_343 = tpu.vector_load %arg11[%get3A_341, %get3A_342] {strides = array<i32>} : memref<64x64xi32, #tpu.memory_space<vmem>>, vector<1x16xi32>,
        %get3A_344 = vector.shape_cast %get3A_343 : vector<1x16xi32> to vector<16xi32>
        %shift_left3A_345 = arith.constant 16 : i32
        %shift_left3A_346 = vector.broadcast %shift_left3A_345 : i32 to vector<16xi32>
        %shift_left3A_347 = arith.shli %get3A_344, %shift_left3A_346 : vector<16xi32>
        %bitcast_convert_type3A_348 = tpu.bitcast %shift_left3A_347 : vector<16xi32> -> vector<16xf32>
        %and3A_349 = arith.andi %get3A_344, %broadcast_in_dim3A_2 : vector<16xi32>
        %bitcast_convert_type3A_350 = tpu.bitcast %and3A_349 : vector<16xi32> -> vector<16xf32>
        %get3A_351 = arith.index_cast %scan3A_238 : i32 to index
        %get3A_352 = arith.constant 96 : index
        %get3A_353 = tpu.vector_load %arg9[%get3A_351, %get3A_352] {strides = array<i32>} : memref<64x128xf32, #tpu.memory_space<vmem>>, vector<1x16xf32>,
        %get3A_354 = vector.shape_cast %get3A_353 : vector<1x16xf32> to vector<16xf32>
        %get3A_355 = arith.index_cast %scan3A_238 : i32 to index
        %get3A_356 = arith.constant 112 : index
        %get3A_357 = tpu.vector_load %arg9[%get3A_355, %get3A_356] {strides = array<i32>} : memref<64x128xf32, #tpu.memory_space<vmem>>, vector<1x16xf32>,
        %get3A_358 = vector.shape_cast %get3A_357 : vector<1x16xf32> to vector<16xf32>
        %add3A_359 = arith.addf %get3A_354, %bitcast_convert_type3A_348 : vector<16xf32>
        %max3A_360 = arith.constant 0.000000e+00 : f32
        %max3A_361 = vector.broadcast %max3A_360 : f32 to vector<16xf32>
        %max3A_362 = arith.maximumf %add3A_359, %max3A_361 : vector<16xf32>
        %swap3A_363 = arith.index_cast %scan3A_238 : i32 to index
        %swap3A_364 = arith.constant 96 : index
        %swap3A_365 = tpu.vector_load %arg13[%swap3A_363, %swap3A_364] {strides = array<i32>} : memref<64x128xf32, #tpu.memory_space<vmem>>, vector<1x16xf32>,
        %swap3A_366 = vector.shape_cast %swap3A_365 : vector<1x16xf32> to vector<16xf32>
        %swap3A_367 = vector.shape_cast %max3A_362 : vector<16xf32> to vector<1x16xf32>
        tpu.vector_store %arg13[%swap3A_363, %swap3A_364], %swap3A_367 {strides = array<i32>} : memref<64x128xf32, #tpu.memory_space<vmem>>, vector<1x16xf32>,
        %add3A_368 = arith.addf %get3A_358, %bitcast_convert_type3A_350 : vector<16xf32>
        %max3A_369 = arith.constant 0.000000e+00 : f32
        %max3A_370 = vector.broadcast %max3A_369 : f32 to vector<16xf32>
        %max3A_371 = arith.maximumf %add3A_368, %max3A_370 : vector<16xf32>
        %swap3A_372 = arith.index_cast %scan3A_238 : i32 to index
        %swap3A_373 = arith.constant 112 : index
        %swap3A_374 = tpu.vector_load %arg13[%swap3A_372, %swap3A_373] {strides = array<i32>} : memref<64x128xf32, #tpu.memory_space<vmem>>, vector<1x16xf32>,
        %swap3A_375 = vector.shape_cast %swap3A_374 : vector<1x16xf32> to vector<16xf32>
        %swap3A_376 = vector.shape_cast %max3A_371 : vector<16xf32> to vector<1x16xf32>
        tpu.vector_store %arg13[%swap3A_372, %swap3A_373], %swap3A_376 {strides = array<i32>} : memref<64x128xf32, #tpu.memory_space<vmem>>, vector<1x16xf32>,
      }
      %scan3A_194 = arith.constant 64 : i32
      %dma_start3A_195 = arith.constant 0 : i32
      %dma_start3A_196 = tpu.memref_slice %arg8[%add3A_171, %dma_start3A_195] : memref<64x64xi32, #tpu.memory_space<vmem>> -> memref<1x64xi32, #tpu.memory_space<vmem>>
      %dma_start3A_197 = tpu.memref_squeeze %dma_start3A_196 : memref<1x64xi32, #tpu.memory_space<vmem>> -> memref<64xi32, #tpu.memory_space<vmem>>
      %dma_start3A_198 = arith.constant 0 : i32
      %dma_start3A_199 = arith.constant 0 : i32
      %dma_start3A_200 = tpu.memref_slice %arg15[%dma_start3A_198, %dma_start3A_199] : memref<4096x128xf32, #tpu.memory_space<vmem_shared>> -> memref<4096x128xf32, #tpu.memory_space<vmem_shared>>
      tpu.enqueue_indirect_dma source(%arg13 : memref<64x128xf32, #tpu.memory_space<vmem>>) target(%dma_start3A_200 : memref<4096x128xf32, #tpu.memory_space<vmem_shared>>) offsets(%dma_start3A_197 : memref<64xi32, #tpu.memory_space<vmem>>) semaphore(%arg20 : memref<!tpu.dma_semaphore, #tpu.memory_space<semaphore_mem>>) {add = true}
      %mul3A_201 = arith.constant 2 : i32
      %mul3A_202 = arith.muli %scan3A_167, %mul3A_201 : i32
      %add3A_203 = arith.constant 1 : i32
      %add3A_204 = arith.addi %mul3A_202, %add3A_203 : i32
      %add3A_205 = arith.constant 1 : i32
      %add3A_206 = arith.addi %add3A_204, %add3A_205 : i32
      %lt3A_207 = arith.constant 64 : i32
      %lt3A_208 = arith.cmpi slt, %add3A_206, %lt3A_207 : i32
      %convert_element_type3A_209 = arith.extui %lt3A_208 : i1 to i32
      %cond3A_210 = arith.constant 0 : i32
      %cond3A_211 = arith.cmpi ne, %convert_element_type3A_209, %cond3A_210 : i32
      scf.if %cond3A_211 {
        %add3A_238 = arith.constant 1 : i32
        %add3A_239 = arith.addi %add3A_204, %add3A_238 : i32
        %dma_start3A_240 = arith.constant 0 : i32
        %dma_start3A_241 = tpu.memref_slice %arg7[%add3A_239, %dma_start3A_240] : memref<64x64xi32, #tpu.memory_space<vmem>> -> memref<1x64xi32, #tpu.memory_space<vmem>>
        %dma_start3A_242 = tpu.memref_squeeze %dma_start3A_241 : memref<1x64xi32, #tpu.memory_space<vmem>> -> memref<64xi32, #tpu.memory_space<vmem>>
        %dma_start3A_243 = arith.constant 0 : i32
        %dma_start3A_244 = arith.constant 0 : i32
        %dma_start3A_245 = tpu.memref_slice %arg2[%dma_start3A_243, %dma_start3A_244] : memref<32768x128xf32, #tpu.memory_space<hbm>> -> memref<32768x128xf32, #tpu.memory_space<hbm>>
        tpu.enqueue_indirect_dma source(%dma_start3A_245 : memref<32768x128xf32, #tpu.memory_space<hbm>>) target(%arg9 : memref<64x128xf32, #tpu.memory_space<vmem>>) offsets(%dma_start3A_242 : memref<64xi32, #tpu.memory_space<vmem>>) semaphore(%arg16 : memref<!tpu.dma_semaphore, #tpu.memory_space<semaphore_mem>>)
        %add3A_246 = arith.constant 1 : i32
        %add3A_247 = arith.addi %add3A_204, %add3A_246 : i32
        %mul3A_248 = arith.constant 64 : i32
        %mul3A_249 = arith.muli %add3A_247, %mul3A_248 : i32
        %add3A_250 = arith.addi %add3A_127, %mul3A_249 : i32
        %dma_start3A_251 = arith.constant 0 : i32
        %dma_start3A_252 = tpu.memref_slice %arg3[%add3A_250, %dma_start3A_251] : memref<262144x64xi32, #tpu.memory_space<hbm>> -> memref<64x64xi32, #tpu.memory_space<hbm>>
        %dma_start3A_253 = arith.constant 0 : i32
        %dma_start3A_254 = tpu.memref_slice %arg3[%add3A_250, %dma_start3A_253] : memref<262144x64xi32, #tpu.memory_space<hbm>> -> memref<64x64xi32, #tpu.memory_space<hbm>>
        tpu.enqueue_dma source(%dma_start3A_254 : memref<64x64xi32, #tpu.memory_space<hbm>>) target(%arg11 : memref<64x64xi32, #tpu.memory_space<vmem>>) target_semaphore(%arg18 : memref<!tpu.dma_semaphore, #tpu.memory_space<semaphore_mem>>)
      } else {
      }
      %dma_wait3A_212 = arith.constant 0 : i32
      %dma_wait3A_213 = tpu.memref_slice %arg7[%add3A_204, %dma_wait3A_212] : memref<64x64xi32, #tpu.memory_space<vmem>> -> memref<1x64xi32, #tpu.memory_space<vmem>>
      %dma_wait3A_214 = tpu.memref_squeeze %dma_wait3A_213 : memref<1x64xi32, #tpu.memory_space<vmem>> -> memref<64xi32, #tpu.memory_space<vmem>>
      %dma_wait3A_215 = arith.constant 0 : i32
      %dma_wait3A_216 = arith.constant 0 : i32
      %dma_wait3A_217 = tpu.memref_slice %arg2[%dma_wait3A_215, %dma_wait3A_216] : memref<32768x128xf32, #tpu.memory_space<hbm>> -> memref<32768x128xf32, #tpu.memory_space<hbm>>
      tpu.wait_indirect_dma semaphore(%arg17 : memref<!tpu.dma_semaphore, #tpu.memory_space<semaphore_mem>>) src(%dma_wait3A_217 : memref<32768x128xf32, #tpu.memory_space<hbm>>) dst(%arg10 : memref<64x128xf32, #tpu.memory_space<vmem>>)
      %dma_wait3A_218 = arith.constant 0 : i32
      %dma_wait3A_219 = tpu.memref_slice %arg3[%add3A_127, %dma_wait3A_218] : memref<262144x64xi32, #tpu.memory_space<hbm>> -> memref<64x64xi32, #tpu.memory_space<hbm>>
      %dma_wait3A_220 = arith.constant 0 : i32
      %dma_wait3A_221 = tpu.memref_slice %arg3[%add3A_127, %dma_wait3A_220] : memref<262144x64xi32, #tpu.memory_space<hbm>> -> memref<64x64xi32, #tpu.memory_space<hbm>>
      tpu.wait_dma2 semaphore(%arg19 : memref<!tpu.dma_semaphore, #tpu.memory_space<semaphore_mem>>) src(%dma_wait3A_221 : memref<64x64xi32, #tpu.memory_space<hbm>>) dst(%arg12 : memref<64x64xi32, #tpu.memory_space<vmem>>)
      %ge3A_222 = arith.constant 2 : i32
      %ge3A_223 = arith.cmpi sge, %add3A_204, %ge3A_222 : i32
      %convert_element_type3A_224 = arith.extui %ge3A_223 : i1 to i32
      %cond3A_225 = arith.constant 0 : i32
      %cond3A_226 = arith.cmpi ne, %convert_element_type3A_224, %cond3A_225 : i32
      scf.if %cond3A_226 {
        %dma_wait3A_238 = arith.constant 0 : i32
        %dma_wait3A_239 = tpu.memref_slice %arg8[%add3A_204, %dma_wait3A_238] : memref<64x64xi32, #tpu.memory_space<vmem>> -> memref<1x64xi32, #tpu.memory_space<vmem>>
        %dma_wait3A_240 = tpu.memref_squeeze %dma_wait3A_239 : memref<1x64xi32, #tpu.memory_space<vmem>> -> memref<64xi32, #tpu.memory_space<vmem>>
        %dma_wait3A_241 = arith.constant 0 : i32
        %dma_wait3A_242 = arith.constant 0 : i32
        %dma_wait3A_243 = tpu.memref_slice %arg15[%dma_wait3A_241, %dma_wait3A_242] : memref<4096x128xf32, #tpu.memory_space<vmem_shared>> -> memref<4096x128xf32, #tpu.memory_space<vmem_shared>>
        tpu.wait_indirect_dma semaphore(%arg21 : memref<!tpu.dma_semaphore, #tpu.memory_space<semaphore_mem>>) src(%arg14 : memref<64x128xf32, #tpu.memory_space<vmem>>) dst(%dma_wait3A_243 : memref<4096x128xf32, #tpu.memory_space<vmem_shared>>)
      } else {
      }
      %scan3A_227 = arith.constant 0 : i32
      %scan3A_228 = arith.constant 64 : i32
      %scan3A_229 = arith.addi %scan3A_227, %scan3A_228 : i32
      %scan3A_230 = arith.constant 1 : i32
      scf.for %scan3A_238 = %scan3A_227 to %scan3A_229 step %scan3A_230  : i32 {
        %get3A = arith.index_cast %scan3A_238 : i32 to index
        %get3A_239 = arith.constant 0 : index
        %get3A_240 = tpu.vector_load %arg12[%get3A, %get3A_239] {strides = array<i32>} : memref<64x64xi32, #tpu.memory_space<vmem>>, vector<1x16xi32>,
        %get3A_241 = vector.shape_cast %get3A_240 : vector<1x16xi32> to vector<16xi32>
        %shift_left3A = arith.constant 16 : i32
        %shift_left3A_242 = vector.broadcast %shift_left3A : i32 to vector<16xi32>
        %shift_left3A_243 = arith.shli %get3A_241, %shift_left3A_242 : vector<16xi32>
        %bitcast_convert_type3A = tpu.bitcast %shift_left3A_243 : vector<16xi32> -> vector<16xf32>
        %and3A = arith.andi %get3A_241, %broadcast_in_dim3A_2 : vector<16xi32>
        %bitcast_convert_type3A_244 = tpu.bitcast %and3A : vector<16xi32> -> vector<16xf32>
        %get3A_245 = arith.index_cast %scan3A_238 : i32 to index
        %get3A_246 = arith.constant 0 : index
        %get3A_247 = tpu.vector_load %arg10[%get3A_245, %get3A_246] {strides = array<i32>} : memref<64x128xf32, #tpu.memory_space<vmem>>, vector<1x16xf32>,
        %get3A_248 = vector.shape_cast %get3A_247 : vector<1x16xf32> to vector<16xf32>
        %get3A_249 = arith.index_cast %scan3A_238 : i32 to index
        %get3A_250 = arith.constant 16 : index
        %get3A_251 = tpu.vector_load %arg10[%get3A_249, %get3A_250] {strides = array<i32>} : memref<64x128xf32, #tpu.memory_space<vmem>>, vector<1x16xf32>,
        %get3A_252 = vector.shape_cast %get3A_251 : vector<1x16xf32> to vector<16xf32>
        %add3A_253 = arith.addf %get3A_248, %bitcast_convert_type3A : vector<16xf32>
        %max3A = arith.constant 0.000000e+00 : f32
        %max3A_254 = vector.broadcast %max3A : f32 to vector<16xf32>
        %max3A_255 = arith.maximumf %add3A_253, %max3A_254 : vector<16xf32>
        %swap3A = arith.index_cast %scan3A_238 : i32 to index
        %swap3A_256 = arith.constant 0 : index
        %swap3A_257 = tpu.vector_load %arg14[%swap3A, %swap3A_256] {strides = array<i32>} : memref<64x128xf32, #tpu.memory_space<vmem>>, vector<1x16xf32>,
        %swap3A_258 = vector.shape_cast %swap3A_257 : vector<1x16xf32> to vector<16xf32>
        %swap3A_259 = vector.shape_cast %max3A_255 : vector<16xf32> to vector<1x16xf32>
        tpu.vector_store %arg14[%swap3A, %swap3A_256], %swap3A_259 {strides = array<i32>} : memref<64x128xf32, #tpu.memory_space<vmem>>, vector<1x16xf32>,
        %add3A_260 = arith.addf %get3A_252, %bitcast_convert_type3A_244 : vector<16xf32>
        %max3A_261 = arith.constant 0.000000e+00 : f32
        %max3A_262 = vector.broadcast %max3A_261 : f32 to vector<16xf32>
        %max3A_263 = arith.maximumf %add3A_260, %max3A_262 : vector<16xf32>
        %swap3A_264 = arith.index_cast %scan3A_238 : i32 to index
        %swap3A_265 = arith.constant 16 : index
        %swap3A_266 = tpu.vector_load %arg14[%swap3A_264, %swap3A_265] {strides = array<i32>} : memref<64x128xf32, #tpu.memory_space<vmem>>, vector<1x16xf32>,
        %swap3A_267 = vector.shape_cast %swap3A_266 : vector<1x16xf32> to vector<16xf32>
        %swap3A_268 = vector.shape_cast %max3A_263 : vector<16xf32> to vector<1x16xf32>
        tpu.vector_store %arg14[%swap3A_264, %swap3A_265], %swap3A_268 {strides = array<i32>} : memref<64x128xf32, #tpu.memory_space<vmem>>, vector<1x16xf32>,
        %get3A_269 = arith.index_cast %scan3A_238 : i32 to index
        %get3A_270 = arith.constant 16 : index
        %get3A_271 = tpu.vector_load %arg12[%get3A_269, %get3A_270] {strides = array<i32>} : memref<64x64xi32, #tpu.memory_space<vmem>>, vector<1x16xi32>,
        %get3A_272 = vector.shape_cast %get3A_271 : vector<1x16xi32> to vector<16xi32>
        %shift_left3A_273 = arith.constant 16 : i32
        %shift_left3A_274 = vector.broadcast %shift_left3A_273 : i32 to vector<16xi32>
        %shift_left3A_275 = arith.shli %get3A_272, %shift_left3A_274 : vector<16xi32>
        %bitcast_convert_type3A_276 = tpu.bitcast %shift_left3A_275 : vector<16xi32> -> vector<16xf32>
        %and3A_277 = arith.andi %get3A_272, %broadcast_in_dim3A_2 : vector<16xi32>
        %bitcast_convert_type3A_278 = tpu.bitcast %and3A_277 : vector<16xi32> -> vector<16xf32>
        %get3A_279 = arith.index_cast %scan3A_238 : i32 to index
        %get3A_280 = arith.constant 32 : index
        %get3A_281 = tpu.vector_load %arg10[%get3A_279, %get3A_280] {strides = array<i32>} : memref<64x128xf32, #tpu.memory_space<vmem>>, vector<1x16xf32>,
        %get3A_282 = vector.shape_cast %get3A_281 : vector<1x16xf32> to vector<16xf32>
        %get3A_283 = arith.index_cast %scan3A_238 : i32 to index
        %get3A_284 = arith.constant 48 : index
        %get3A_285 = tpu.vector_load %arg10[%get3A_283, %get3A_284] {strides = array<i32>} : memref<64x128xf32, #tpu.memory_space<vmem>>, vector<1x16xf32>,
        %get3A_286 = vector.shape_cast %get3A_285 : vector<1x16xf32> to vector<16xf32>
        %add3A_287 = arith.addf %get3A_282, %bitcast_convert_type3A_276 : vector<16xf32>
        %max3A_288 = arith.constant 0.000000e+00 : f32
        %max3A_289 = vector.broadcast %max3A_288 : f32 to vector<16xf32>
        %max3A_290 = arith.maximumf %add3A_287, %max3A_289 : vector<16xf32>
        %swap3A_291 = arith.index_cast %scan3A_238 : i32 to index
        %swap3A_292 = arith.constant 32 : index
        %swap3A_293 = tpu.vector_load %arg14[%swap3A_291, %swap3A_292] {strides = array<i32>} : memref<64x128xf32, #tpu.memory_space<vmem>>, vector<1x16xf32>,
        %swap3A_294 = vector.shape_cast %swap3A_293 : vector<1x16xf32> to vector<16xf32>
        %swap3A_295 = vector.shape_cast %max3A_290 : vector<16xf32> to vector<1x16xf32>
        tpu.vector_store %arg14[%swap3A_291, %swap3A_292], %swap3A_295 {strides = array<i32>} : memref<64x128xf32, #tpu.memory_space<vmem>>, vector<1x16xf32>,
        %add3A_296 = arith.addf %get3A_286, %bitcast_convert_type3A_278 : vector<16xf32>
        %max3A_297 = arith.constant 0.000000e+00 : f32
        %max3A_298 = vector.broadcast %max3A_297 : f32 to vector<16xf32>
        %max3A_299 = arith.maximumf %add3A_296, %max3A_298 : vector<16xf32>
        %swap3A_300 = arith.index_cast %scan3A_238 : i32 to index
        %swap3A_301 = arith.constant 48 : index
        %swap3A_302 = tpu.vector_load %arg14[%swap3A_300, %swap3A_301] {strides = array<i32>} : memref<64x128xf32, #tpu.memory_space<vmem>>, vector<1x16xf32>,
        %swap3A_303 = vector.shape_cast %swap3A_302 : vector<1x16xf32> to vector<16xf32>
        %swap3A_304 = vector.shape_cast %max3A_299 : vector<16xf32> to vector<1x16xf32>
        tpu.vector_store %arg14[%swap3A_300, %swap3A_301], %swap3A_304 {strides = array<i32>} : memref<64x128xf32, #tpu.memory_space<vmem>>, vector<1x16xf32>,
        %get3A_305 = arith.index_cast %scan3A_238 : i32 to index
        %get3A_306 = arith.constant 32 : index
        %get3A_307 = tpu.vector_load %arg12[%get3A_305, %get3A_306] {strides = array<i32>} : memref<64x64xi32, #tpu.memory_space<vmem>>, vector<1x16xi32>,
        %get3A_308 = vector.shape_cast %get3A_307 : vector<1x16xi32> to vector<16xi32>
        %shift_left3A_309 = arith.constant 16 : i32
        %shift_left3A_310 = vector.broadcast %shift_left3A_309 : i32 to vector<16xi32>
        %shift_left3A_311 = arith.shli %get3A_308, %shift_left3A_310 : vector<16xi32>
        %bitcast_convert_type3A_312 = tpu.bitcast %shift_left3A_311 : vector<16xi32> -> vector<16xf32>
        %and3A_313 = arith.andi %get3A_308, %broadcast_in_dim3A_2 : vector<16xi32>
        %bitcast_convert_type3A_314 = tpu.bitcast %and3A_313 : vector<16xi32> -> vector<16xf32>
        %get3A_315 = arith.index_cast %scan3A_238 : i32 to index
        %get3A_316 = arith.constant 64 : index
        %get3A_317 = tpu.vector_load %arg10[%get3A_315, %get3A_316] {strides = array<i32>} : memref<64x128xf32, #tpu.memory_space<vmem>>, vector<1x16xf32>,
        %get3A_318 = vector.shape_cast %get3A_317 : vector<1x16xf32> to vector<16xf32>
        %get3A_319 = arith.index_cast %scan3A_238 : i32 to index
        %get3A_320 = arith.constant 80 : index
        %get3A_321 = tpu.vector_load %arg10[%get3A_319, %get3A_320] {strides = array<i32>} : memref<64x128xf32, #tpu.memory_space<vmem>>, vector<1x16xf32>,
        %get3A_322 = vector.shape_cast %get3A_321 : vector<1x16xf32> to vector<16xf32>
        %add3A_323 = arith.addf %get3A_318, %bitcast_convert_type3A_312 : vector<16xf32>
        %max3A_324 = arith.constant 0.000000e+00 : f32
        %max3A_325 = vector.broadcast %max3A_324 : f32 to vector<16xf32>
        %max3A_326 = arith.maximumf %add3A_323, %max3A_325 : vector<16xf32>
        %swap3A_327 = arith.index_cast %scan3A_238 : i32 to index
        %swap3A_328 = arith.constant 64 : index
        %swap3A_329 = tpu.vector_load %arg14[%swap3A_327, %swap3A_328] {strides = array<i32>} : memref<64x128xf32, #tpu.memory_space<vmem>>, vector<1x16xf32>,
        %swap3A_330 = vector.shape_cast %swap3A_329 : vector<1x16xf32> to vector<16xf32>
        %swap3A_331 = vector.shape_cast %max3A_326 : vector<16xf32> to vector<1x16xf32>
        tpu.vector_store %arg14[%swap3A_327, %swap3A_328], %swap3A_331 {strides = array<i32>} : memref<64x128xf32, #tpu.memory_space<vmem>>, vector<1x16xf32>,
        %add3A_332 = arith.addf %get3A_322, %bitcast_convert_type3A_314 : vector<16xf32>
        %max3A_333 = arith.constant 0.000000e+00 : f32
        %max3A_334 = vector.broadcast %max3A_333 : f32 to vector<16xf32>
        %max3A_335 = arith.maximumf %add3A_332, %max3A_334 : vector<16xf32>
        %swap3A_336 = arith.index_cast %scan3A_238 : i32 to index
        %swap3A_337 = arith.constant 80 : index
        %swap3A_338 = tpu.vector_load %arg14[%swap3A_336, %swap3A_337] {strides = array<i32>} : memref<64x128xf32, #tpu.memory_space<vmem>>, vector<1x16xf32>,
        %swap3A_339 = vector.shape_cast %swap3A_338 : vector<1x16xf32> to vector<16xf32>
        %swap3A_340 = vector.shape_cast %max3A_335 : vector<16xf32> to vector<1x16xf32>
        tpu.vector_store %arg14[%swap3A_336, %swap3A_337], %swap3A_340 {strides = array<i32>} : memref<64x128xf32, #tpu.memory_space<vmem>>, vector<1x16xf32>,
        %get3A_341 = arith.index_cast %scan3A_238 : i32 to index
        %get3A_342 = arith.constant 48 : index
        %get3A_343 = tpu.vector_load %arg12[%get3A_341, %get3A_342] {strides = array<i32>} : memref<64x64xi32, #tpu.memory_space<vmem>>, vector<1x16xi32>,
        %get3A_344 = vector.shape_cast %get3A_343 : vector<1x16xi32> to vector<16xi32>
        %shift_left3A_345 = arith.constant 16 : i32
        %shift_left3A_346 = vector.broadcast %shift_left3A_345 : i32 to vector<16xi32>
        %shift_left3A_347 = arith.shli %get3A_344, %shift_left3A_346 : vector<16xi32>
        %bitcast_convert_type3A_348 = tpu.bitcast %shift_left3A_347 : vector<16xi32> -> vector<16xf32>
        %and3A_349 = arith.andi %get3A_344, %broadcast_in_dim3A_2 : vector<16xi32>
        %bitcast_convert_type3A_350 = tpu.bitcast %and3A_349 : vector<16xi32> -> vector<16xf32>
        %get3A_351 = arith.index_cast %scan3A_238 : i32 to index
        %get3A_352 = arith.constant 96 : index
        %get3A_353 = tpu.vector_load %arg10[%get3A_351, %get3A_352] {strides = array<i32>} : memref<64x128xf32, #tpu.memory_space<vmem>>, vector<1x16xf32>,
        %get3A_354 = vector.shape_cast %get3A_353 : vector<1x16xf32> to vector<16xf32>
        %get3A_355 = arith.index_cast %scan3A_238 : i32 to index
        %get3A_356 = arith.constant 112 : index
        %get3A_357 = tpu.vector_load %arg10[%get3A_355, %get3A_356] {strides = array<i32>} : memref<64x128xf32, #tpu.memory_space<vmem>>, vector<1x16xf32>,
        %get3A_358 = vector.shape_cast %get3A_357 : vector<1x16xf32> to vector<16xf32>
        %add3A_359 = arith.addf %get3A_354, %bitcast_convert_type3A_348 : vector<16xf32>
        %max3A_360 = arith.constant 0.000000e+00 : f32
        %max3A_361 = vector.broadcast %max3A_360 : f32 to vector<16xf32>
        %max3A_362 = arith.maximumf %add3A_359, %max3A_361 : vector<16xf32>
        %swap3A_363 = arith.index_cast %scan3A_238 : i32 to index
        %swap3A_364 = arith.constant 96 : index
        %swap3A_365 = tpu.vector_load %arg14[%swap3A_363, %swap3A_364] {strides = array<i32>} : memref<64x128xf32, #tpu.memory_space<vmem>>, vector<1x16xf32>,
        %swap3A_366 = vector.shape_cast %swap3A_365 : vector<1x16xf32> to vector<16xf32>
        %swap3A_367 = vector.shape_cast %max3A_362 : vector<16xf32> to vector<1x16xf32>
        tpu.vector_store %arg14[%swap3A_363, %swap3A_364], %swap3A_367 {strides = array<i32>} : memref<64x128xf32, #tpu.memory_space<vmem>>, vector<1x16xf32>,
        %add3A_368 = arith.addf %get3A_358, %bitcast_convert_type3A_350 : vector<16xf32>
        %max3A_369 = arith.constant 0.000000e+00 : f32
        %max3A_370 = vector.broadcast %max3A_369 : f32 to vector<16xf32>
        %max3A_371 = arith.maximumf %add3A_368, %max3A_370 : vector<16xf32>
        %swap3A_372 = arith.index_cast %scan3A_238 : i32 to index
        %swap3A_373 = arith.constant 112 : index
        %swap3A_374 = tpu.vector_load %arg14[%swap3A_372, %swap3A_373] {strides = array<i32>} : memref<64x128xf32, #tpu.memory_space<vmem>>, vector<1x16xf32>,
        %swap3A_375 = vector.shape_cast %swap3A_374 : vector<1x16xf32> to vector<16xf32>
        %swap3A_376 = vector.shape_cast %max3A_371 : vector<16xf32> to vector<1x16xf32>
        tpu.vector_store %arg14[%swap3A_372, %swap3A_373], %swap3A_376 {strides = array<i32>} : memref<64x128xf32, #tpu.memory_space<vmem>>, vector<1x16xf32>,
      }
      %scan3A_231 = arith.constant 64 : i32
      %dma_start3A_232 = arith.constant 0 : i32
      %dma_start3A_233 = tpu.memref_slice %arg8[%add3A_204, %dma_start3A_232] : memref<64x64xi32, #tpu.memory_space<vmem>> -> memref<1x64xi32, #tpu.memory_space<vmem>>
      %dma_start3A_234 = tpu.memref_squeeze %dma_start3A_233 : memref<1x64xi32, #tpu.memory_space<vmem>> -> memref<64xi32, #tpu.memory_space<vmem>>
      %dma_start3A_235 = arith.constant 0 : i32
      %dma_start3A_236 = arith.constant 0 : i32
      %dma_start3A_237 = tpu.memref_slice %arg15[%dma_start3A_235, %dma_start3A_236] : memref<4096x128xf32, #tpu.memory_space<vmem_shared>> -> memref<4096x128xf32, #tpu.memory_space<vmem_shared>>
      tpu.enqueue_indirect_dma source(%arg14 : memref<64x128xf32, #tpu.memory_space<vmem>>) target(%dma_start3A_237 : memref<4096x128xf32, #tpu.memory_space<vmem_shared>>) offsets(%dma_start3A_234 : memref<64xi32, #tpu.memory_space<vmem>>) semaphore(%arg21 : memref<!tpu.dma_semaphore, #tpu.memory_space<semaphore_mem>>) {add = true}
    }
    %scan3A_143 = arith.constant 32 : i32
    %dma_wait3A_144 = arith.constant 0 : i32
    %dma_wait3A_145 = arith.constant 0 : i32
    %dma_wait3A_146 = tpu.memref_slice %arg8[%dma_wait3A_144, %dma_wait3A_145] : memref<64x64xi32, #tpu.memory_space<vmem>> -> memref<1x64xi32, #tpu.memory_space<vmem>>
    %dma_wait3A_147 = tpu.memref_squeeze %dma_wait3A_146 : memref<1x64xi32, #tpu.memory_space<vmem>> -> memref<64xi32, #tpu.memory_space<vmem>>
    %dma_wait3A_148 = arith.constant 0 : i32
    %dma_wait3A_149 = arith.constant 0 : i32
    %dma_wait3A_150 = tpu.memref_slice %arg15[%dma_wait3A_148, %dma_wait3A_149] : memref<4096x128xf32, #tpu.memory_space<vmem_shared>> -> memref<4096x128xf32, #tpu.memory_space<vmem_shared>>
    tpu.wait_indirect_dma semaphore(%arg20 : memref<!tpu.dma_semaphore, #tpu.memory_space<semaphore_mem>>) src(%arg13 : memref<64x128xf32, #tpu.memory_space<vmem>>) dst(%dma_wait3A_150 : memref<4096x128xf32, #tpu.memory_space<vmem_shared>>)
    %dma_wait3A_151 = arith.constant 1 : i32
    %dma_wait3A_152 = arith.constant 0 : i32
    %dma_wait3A_153 = tpu.memref_slice %arg8[%dma_wait3A_151, %dma_wait3A_152] : memref<64x64xi32, #tpu.memory_space<vmem>> -> memref<1x64xi32, #tpu.memory_space<vmem>>
    %dma_wait3A_154 = tpu.memref_squeeze %dma_wait3A_153 : memref<1x64xi32, #tpu.memory_space<vmem>> -> memref<64xi32, #tpu.memory_space<vmem>>
    %dma_wait3A_155 = arith.constant 0 : i32
    %dma_wait3A_156 = arith.constant 0 : i32
    %dma_wait3A_157 = tpu.memref_slice %arg15[%dma_wait3A_155, %dma_wait3A_156] : memref<4096x128xf32, #tpu.memory_space<vmem_shared>> -> memref<4096x128xf32, #tpu.memory_space<vmem_shared>>
    tpu.wait_indirect_dma semaphore(%arg21 : memref<!tpu.dma_semaphore, #tpu.memory_space<semaphore_mem>>) src(%arg14 : memref<64x128xf32, #tpu.memory_space<vmem>>) dst(%dma_wait3A_157 : memref<4096x128xf32, #tpu.memory_space<vmem_shared>>)
    %barrier3A_158 = arith.constant 0 : index
    tpu.barrier barrier_id(%barrier3A_158)
    %mul3A_159 = arith.constant 256 : i32
    %mul3A_160 = arith.muli %arg1, %mul3A_159 : i32
    %mul3A_161 = arith.constant 4096 : i32
    %mul3A_162 = arith.muli %add3A_85, %mul3A_161 : i32
    %mul3A_163 = arith.constant 256 : i32
    %mul3A_164 = arith.muli %arg1, %mul3A_163 : i32
    %add3A_165 = arith.addi %mul3A_162, %mul3A_164 : i32
    "tpu.region"() ({
      %run_scoped3A = tpu.sem_alloc : memref<!tpu.dma_semaphore, #tpu.memory_space<semaphore_mem>>
      %dma_start3A_167 = arith.constant 0 : i32
      %dma_start3A_168 = tpu.memref_slice %arg6[%add3A_165, %dma_start3A_167] : memref<16384x128xf32, #tpu.memory_space<hbm>> -> memref<256x128xf32, #tpu.memory_space<hbm>>
      %dma_start3A_169 = arith.constant 0 : i32
      %dma_start3A_170 = tpu.memref_slice %arg15[%mul3A_160, %dma_start3A_169] : memref<4096x128xf32, #tpu.memory_space<vmem_shared>> -> memref<256x128xf32, #tpu.memory_space<vmem_shared>>
      tpu.enqueue_dma source(%dma_start3A_170 : memref<256x128xf32, #tpu.memory_space<vmem_shared>>) target(%dma_start3A_168 : memref<256x128xf32, #tpu.memory_space<hbm>>) target_semaphore(%run_scoped3A : memref<!tpu.dma_semaphore, #tpu.memory_space<semaphore_mem>>)
      %dma_wait3A_171 = arith.constant 0 : i32
      %dma_wait3A_172 = tpu.memref_slice %arg6[%add3A_165, %dma_wait3A_171] : memref<16384x128xf32, #tpu.memory_space<hbm>> -> memref<256x128xf32, #tpu.memory_space<hbm>>
      %dma_wait3A_173 = arith.constant 0 : i32
      %dma_wait3A_174 = tpu.memref_slice %arg15[%mul3A_160, %dma_wait3A_173] : memref<4096x128xf32, #tpu.memory_space<vmem_shared>> -> memref<256x128xf32, #tpu.memory_space<vmem_shared>>
      tpu.wait_dma2 semaphore(%run_scoped3A : memref<!tpu.dma_semaphore, #tpu.memory_space<semaphore_mem>>) src(%dma_wait3A_174 : memref<256x128xf32, #tpu.memory_space<vmem_shared>>) dst(%dma_wait3A_172 : memref<256x128xf32, #tpu.memory_space<hbm>>)
      tpu.yield
    }) : () -> ()
    %barrier3A_166 = arith.constant 0 : index
    tpu.barrier barrier_id(%barrier3A_166)
    return
  }
}

#map = affine_map<(d0, d1) -> (0, 0)>
#map1 = affine_map<(d0, d1) -> (0, 0, 0)>
module attributes {stable_mosaic.version = 14 : i64} {
  func.func @_sc_edge_body(%arg0: i32, %arg1: i32, %arg2: memref<32768x128xf32, #tpu.memory_space<hbm>>, %arg3: memref<262144x64xi32, #tpu.memory_space<hbm>>, %arg4: memref<128x64x64xi32, #tpu.memory_space<hbm>>, %arg5: memref<128x64x64xi32, #tpu.memory_space<hbm>>, %arg6: memref<16384x128xf32, #tpu.memory_space<hbm>>, %arg7: memref<64x64xi32, #tpu.memory_space<vmem>>, %arg8: memref<64x64xi32, #tpu.memory_space<vmem>>, %arg9: memref<64x128xf32, #tpu.memory_space<vmem>>, %arg10: memref<64x128xf32, #tpu.memory_space<vmem>>, %arg11: memref<64x64xi32, #tpu.memory_space<vmem>>, %arg12: memref<64x64xi32, #tpu.memory_space<vmem>>, %arg13: memref<64x128xf32, #tpu.memory_space<vmem>>, %arg14: memref<64x128xf32, #tpu.memory_space<vmem>>, %arg15: memref<4096x128xf32, #tpu.memory_space<vmem_shared>>, %arg16: memref<!tpu.dma_semaphore, #tpu.memory_space<semaphore_mem>>, %arg17: memref<!tpu.dma_semaphore, #tpu.memory_space<semaphore_mem>>, %arg18: memref<!tpu.dma_semaphore, #tpu.memory_space<semaphore_mem>>, %arg19: memref<!tpu.dma_semaphore, #tpu.memory_space<semaphore_mem>>, %arg20: memref<!tpu.dma_semaphore, #tpu.memory_space<semaphore_mem>>, %arg21: memref<!tpu.dma_semaphore, #tpu.memory_space<semaphore_mem>>) attributes {dimension_semantics = [#tpu.dimension_semantics<core_parallel>, #tpu.dimension_semantics<subcore_parallel>], iteration_bounds = array<i64: 2, 16>, scalar_prefetch = 0 : i64, scratch_operands = 15 : i64, tpu.core_type = #tpu.core_type<sc_vector_subcore>, window_params = [{transform_indices = #map}, {transform_indices = #map}, {transform_indices = #map1}, {transform_indices = #map1}, {transform_indices = #map}]} {
    %broadcast_in_dim3A = arith.constant 0.000000e+00 : f32
    %broadcast_in_dim3A_0 = vector.broadcast %broadcast_in_dim3A : f32 to vector<16xf32>
    %broadcast_in_dim3A_1 = arith.constant -65536 : i32
    %broadcast_in_dim3A_2 = vector.broadcast %broadcast_in_dim3A_1 : i32 to vector<16xi32>
    %mul3A = arith.constant 2 : i32
    %mul3A_3 = arith.muli %arg0, %mul3A : i32
    %add3A = arith.constant 0 : i32
    %add3A_4 = arith.addi %mul3A_3, %add3A : i32
    %add3A_5 = arith.constant 4 : i32
    %add3A_6 = arith.addi %add3A_5, %add3A_4 : i32
    %mul3A_7 = arith.constant 16 : i32
    %mul3A_8 = arith.muli %add3A_6, %mul3A_7 : i32
    %add3A_9 = arith.addi %mul3A_8, %arg1 : i32
    "tpu.region"() ({
      %run_scoped3A = tpu.sem_alloc : memref<!tpu.dma_semaphore, #tpu.memory_space<semaphore_mem>>
      %dma_start3A_167 = arith.constant 0 : i32
      %dma_start3A_168 = arith.constant 0 : i32
      %dma_start3A_169 = tpu.memref_slice %arg4[%add3A_9, %dma_start3A_167, %dma_start3A_168] : memref<128x64x64xi32, #tpu.memory_space<hbm>> -> memref<1x64x64xi32, #tpu.memory_space<hbm>>
      %dma_start3A_170 = tpu.memref_squeeze %dma_start3A_169 : memref<1x64x64xi32, #tpu.memory_space<hbm>> -> memref<64x64xi32, #tpu.memory_space<hbm>>
      %dma_start3A_171 = arith.constant 0 : i32
      %dma_start3A_172 = arith.constant 0 : i32
      %dma_start3A_173 = tpu.memref_slice %arg4[%add3A_9, %dma_start3A_171, %dma_start3A_172] : memref<128x64x64xi32, #tpu.memory_space<hbm>> -> memref<1x64x64xi32, #tpu.memory_space<hbm>>
      %dma_start3A_174 = tpu.memref_squeeze %dma_start3A_173 : memref<1x64x64xi32, #tpu.memory_space<hbm>> -> memref<64x64xi32, #tpu.memory_space<hbm>>
      tpu.enqueue_dma source(%dma_start3A_174 : memref<64x64xi32, #tpu.memory_space<hbm>>) target(%arg7 : memref<64x64xi32, #tpu.memory_space<vmem>>) target_semaphore(%run_scoped3A : memref<!tpu.dma_semaphore, #tpu.memory_space<semaphore_mem>>)
      %dma_wait3A_175 = arith.constant 0 : i32
      %dma_wait3A_176 = arith.constant 0 : i32
      %dma_wait3A_177 = tpu.memref_slice %arg4[%add3A_9, %dma_wait3A_175, %dma_wait3A_176] : memref<128x64x64xi32, #tpu.memory_space<hbm>> -> memref<1x64x64xi32, #tpu.memory_space<hbm>>
      %dma_wait3A_178 = tpu.memref_squeeze %dma_wait3A_177 : memref<1x64x64xi32, #tpu.memory_space<hbm>> -> memref<64x64xi32, #tpu.memory_space<hbm>>
      %dma_wait3A_179 = arith.constant 0 : i32
      %dma_wait3A_180 = arith.constant 0 : i32
      %dma_wait3A_181 = tpu.memref_slice %arg4[%add3A_9, %dma_wait3A_179, %dma_wait3A_180] : memref<128x64x64xi32, #tpu.memory_space<hbm>> -> memref<1x64x64xi32, #tpu.memory_space<hbm>>
      %dma_wait3A_182 = tpu.memref_squeeze %dma_wait3A_181 : memref<1x64x64xi32, #tpu.memory_space<hbm>> -> memref<64x64xi32, #tpu.memory_space<hbm>>
      tpu.wait_dma2 semaphore(%run_scoped3A : memref<!tpu.dma_semaphore, #tpu.memory_space<semaphore_mem>>) src(%dma_wait3A_182 : memref<64x64xi32, #tpu.memory_space<hbm>>) dst(%arg7 : memref<64x64xi32, #tpu.memory_space<vmem>>)
      tpu.yield
    }) : () -> ()
    "tpu.region"() ({
      %run_scoped3A = tpu.sem_alloc : memref<!tpu.dma_semaphore, #tpu.memory_space<semaphore_mem>>
      %dma_start3A_167 = arith.constant 0 : i32
      %dma_start3A_168 = arith.constant 0 : i32
      %dma_start3A_169 = tpu.memref_slice %arg5[%add3A_9, %dma_start3A_167, %dma_start3A_168] : memref<128x64x64xi32, #tpu.memory_space<hbm>> -> memref<1x64x64xi32, #tpu.memory_space<hbm>>
      %dma_start3A_170 = tpu.memref_squeeze %dma_start3A_169 : memref<1x64x64xi32, #tpu.memory_space<hbm>> -> memref<64x64xi32, #tpu.memory_space<hbm>>
      %dma_start3A_171 = arith.constant 0 : i32
      %dma_start3A_172 = arith.constant 0 : i32
      %dma_start3A_173 = tpu.memref_slice %arg5[%add3A_9, %dma_start3A_171, %dma_start3A_172] : memref<128x64x64xi32, #tpu.memory_space<hbm>> -> memref<1x64x64xi32, #tpu.memory_space<hbm>>
      %dma_start3A_174 = tpu.memref_squeeze %dma_start3A_173 : memref<1x64x64xi32, #tpu.memory_space<hbm>> -> memref<64x64xi32, #tpu.memory_space<hbm>>
      tpu.enqueue_dma source(%dma_start3A_174 : memref<64x64xi32, #tpu.memory_space<hbm>>) target(%arg8 : memref<64x64xi32, #tpu.memory_space<vmem>>) target_semaphore(%run_scoped3A : memref<!tpu.dma_semaphore, #tpu.memory_space<semaphore_mem>>)
      %dma_wait3A_175 = arith.constant 0 : i32
      %dma_wait3A_176 = arith.constant 0 : i32
      %dma_wait3A_177 = tpu.memref_slice %arg5[%add3A_9, %dma_wait3A_175, %dma_wait3A_176] : memref<128x64x64xi32, #tpu.memory_space<hbm>> -> memref<1x64x64xi32, #tpu.memory_space<hbm>>
      %dma_wait3A_178 = tpu.memref_squeeze %dma_wait3A_177 : memref<1x64x64xi32, #tpu.memory_space<hbm>> -> memref<64x64xi32, #tpu.memory_space<hbm>>
      %dma_wait3A_179 = arith.constant 0 : i32
      %dma_wait3A_180 = arith.constant 0 : i32
      %dma_wait3A_181 = tpu.memref_slice %arg5[%add3A_9, %dma_wait3A_179, %dma_wait3A_180] : memref<128x64x64xi32, #tpu.memory_space<hbm>> -> memref<1x64x64xi32, #tpu.memory_space<hbm>>
      %dma_wait3A_182 = tpu.memref_squeeze %dma_wait3A_181 : memref<1x64x64xi32, #tpu.memory_space<hbm>> -> memref<64x64xi32, #tpu.memory_space<hbm>>
      tpu.wait_dma2 semaphore(%run_scoped3A : memref<!tpu.dma_semaphore, #tpu.memory_space<semaphore_mem>>) src(%dma_wait3A_182 : memref<64x64xi32, #tpu.memory_space<hbm>>) dst(%arg8 : memref<64x64xi32, #tpu.memory_space<vmem>>)
      tpu.yield
    }) : () -> ()
    %add3A_10 = arith.constant 4 : i32
    %add3A_11 = arith.addi %add3A_10, %add3A_4 : i32
    %mul3A_12 = arith.constant 4096 : i32
    %mul3A_13 = arith.muli %add3A_11, %mul3A_12 : i32
    %broadcast_in_dim3A_14 = vector.broadcast %mul3A_13 : i32 to vector<16xi32>
    %scan3A = arith.constant 0 : i32
    %scan3A_15 = arith.constant 64 : i32
    %scan3A_16 = arith.addi %scan3A, %scan3A_15 : i32
    %scan3A_17 = arith.constant 1 : i32
    scf.for %scan3A_167 = %scan3A to %scan3A_16 step %scan3A_17  : i32 {
      %get3A = arith.index_cast %scan3A_167 : i32 to index
      %get3A_168 = arith.constant 0 : index
      %get3A_169 = tpu.vector_load %arg7[%get3A, %get3A_168] {strides = array<i32>} : memref<64x64xi32, #tpu.memory_space<vmem>>, vector<1x16xi32>,
      %get3A_170 = vector.shape_cast %get3A_169 : vector<1x16xi32> to vector<16xi32>
      %add3A_171 = arith.addi %get3A_170, %broadcast_in_dim3A_14 : vector<16xi32>
      %swap3A = arith.index_cast %scan3A_167 : i32 to index
      %swap3A_172 = arith.constant 0 : index
      %swap3A_173 = tpu.vector_load %arg7[%swap3A, %swap3A_172] {strides = array<i32>} : memref<64x64xi32, #tpu.memory_space<vmem>>, vector<1x16xi32>,
      %swap3A_174 = vector.shape_cast %swap3A_173 : vector<1x16xi32> to vector<16xi32>
      %swap3A_175 = vector.shape_cast %add3A_171 : vector<16xi32> to vector<1x16xi32>
      tpu.vector_store %arg7[%swap3A, %swap3A_172], %swap3A_175 {strides = array<i32>} : memref<64x64xi32, #tpu.memory_space<vmem>>, vector<1x16xi32>,
      %get3A_176 = arith.index_cast %scan3A_167 : i32 to index
      %get3A_177 = arith.constant 16 : index
      %get3A_178 = tpu.vector_load %arg7[%get3A_176, %get3A_177] {strides = array<i32>} : memref<64x64xi32, #tpu.memory_space<vmem>>, vector<1x16xi32>,
      %get3A_179 = vector.shape_cast %get3A_178 : vector<1x16xi32> to vector<16xi32>
      %add3A_180 = arith.addi %get3A_179, %broadcast_in_dim3A_14 : vector<16xi32>
      %swap3A_181 = arith.index_cast %scan3A_167 : i32 to index
      %swap3A_182 = arith.constant 16 : index
      %swap3A_183 = tpu.vector_load %arg7[%swap3A_181, %swap3A_182] {strides = array<i32>} : memref<64x64xi32, #tpu.memory_space<vmem>>, vector<1x16xi32>,
      %swap3A_184 = vector.shape_cast %swap3A_183 : vector<1x16xi32> to vector<16xi32>
      %swap3A_185 = vector.shape_cast %add3A_180 : vector<16xi32> to vector<1x16xi32>
      tpu.vector_store %arg7[%swap3A_181, %swap3A_182], %swap3A_185 {strides = array<i32>} : memref<64x64xi32, #tpu.memory_space<vmem>>, vector<1x16xi32>,
      %get3A_186 = arith.index_cast %scan3A_167 : i32 to index
      %get3A_187 = arith.constant 32 : index
      %get3A_188 = tpu.vector_load %arg7[%get3A_186, %get3A_187] {strides = array<i32>} : memref<64x64xi32, #tpu.memory_space<vmem>>, vector<1x16xi32>,
      %get3A_189 = vector.shape_cast %get3A_188 : vector<1x16xi32> to vector<16xi32>
      %add3A_190 = arith.addi %get3A_189, %broadcast_in_dim3A_14 : vector<16xi32>
      %swap3A_191 = arith.index_cast %scan3A_167 : i32 to index
      %swap3A_192 = arith.constant 32 : index
      %swap3A_193 = tpu.vector_load %arg7[%swap3A_191, %swap3A_192] {strides = array<i32>} : memref<64x64xi32, #tpu.memory_space<vmem>>, vector<1x16xi32>,
      %swap3A_194 = vector.shape_cast %swap3A_193 : vector<1x16xi32> to vector<16xi32>
      %swap3A_195 = vector.shape_cast %add3A_190 : vector<16xi32> to vector<1x16xi32>
      tpu.vector_store %arg7[%swap3A_191, %swap3A_192], %swap3A_195 {strides = array<i32>} : memref<64x64xi32, #tpu.memory_space<vmem>>, vector<1x16xi32>,
      %get3A_196 = arith.index_cast %scan3A_167 : i32 to index
      %get3A_197 = arith.constant 48 : index
      %get3A_198 = tpu.vector_load %arg7[%get3A_196, %get3A_197] {strides = array<i32>} : memref<64x64xi32, #tpu.memory_space<vmem>>, vector<1x16xi32>,
      %get3A_199 = vector.shape_cast %get3A_198 : vector<1x16xi32> to vector<16xi32>
      %add3A_200 = arith.addi %get3A_199, %broadcast_in_dim3A_14 : vector<16xi32>
      %swap3A_201 = arith.index_cast %scan3A_167 : i32 to index
      %swap3A_202 = arith.constant 48 : index
      %swap3A_203 = tpu.vector_load %arg7[%swap3A_201, %swap3A_202] {strides = array<i32>} : memref<64x64xi32, #tpu.memory_space<vmem>>, vector<1x16xi32>,
      %swap3A_204 = vector.shape_cast %swap3A_203 : vector<1x16xi32> to vector<16xi32>
      %swap3A_205 = vector.shape_cast %add3A_200 : vector<16xi32> to vector<1x16xi32>
      tpu.vector_store %arg7[%swap3A_201, %swap3A_202], %swap3A_205 {strides = array<i32>} : memref<64x64xi32, #tpu.memory_space<vmem>>, vector<1x16xi32>,
    }
    %scan3A_18 = arith.constant 64 : i32
    %scan3A_19 = arith.constant 0 : i32
    %scan3A_20 = arith.constant 64 : i32
    %scan3A_21 = arith.addi %scan3A_19, %scan3A_20 : i32
    %scan3A_22 = arith.constant 1 : i32
    scf.for %scan3A_167 = %scan3A_19 to %scan3A_21 step %scan3A_22  : i32 {
      %swap3A = arith.index_cast %scan3A_167 : i32 to index
      %swap3A_168 = arith.constant 0 : index
      %swap3A_169 = tpu.vector_load %arg13[%swap3A, %swap3A_168] {strides = array<i32>} : memref<64x128xf32, #tpu.memory_space<vmem>>, vector<1x16xf32>,
      %swap3A_170 = vector.shape_cast %swap3A_169 : vector<1x16xf32> to vector<16xf32>
      %swap3A_171 = vector.shape_cast %broadcast_in_dim3A_0 : vector<16xf32> to vector<1x16xf32>
      tpu.vector_store %arg13[%swap3A, %swap3A_168], %swap3A_171 {strides = array<i32>} : memref<64x128xf32, #tpu.memory_space<vmem>>, vector<1x16xf32>,
      %swap3A_172 = arith.index_cast %scan3A_167 : i32 to index
      %swap3A_173 = arith.constant 16 : index
      %swap3A_174 = tpu.vector_load %arg13[%swap3A_172, %swap3A_173] {strides = array<i32>} : memref<64x128xf32, #tpu.memory_space<vmem>>, vector<1x16xf32>,
      %swap3A_175 = vector.shape_cast %swap3A_174 : vector<1x16xf32> to vector<16xf32>
      %swap3A_176 = vector.shape_cast %broadcast_in_dim3A_0 : vector<16xf32> to vector<1x16xf32>
      tpu.vector_store %arg13[%swap3A_172, %swap3A_173], %swap3A_176 {strides = array<i32>} : memref<64x128xf32, #tpu.memory_space<vmem>>, vector<1x16xf32>,
      %swap3A_177 = arith.index_cast %scan3A_167 : i32 to index
      %swap3A_178 = arith.constant 32 : index
      %swap3A_179 = tpu.vector_load %arg13[%swap3A_177, %swap3A_178] {strides = array<i32>} : memref<64x128xf32, #tpu.memory_space<vmem>>, vector<1x16xf32>,
      %swap3A_180 = vector.shape_cast %swap3A_179 : vector<1x16xf32> to vector<16xf32>
      %swap3A_181 = vector.shape_cast %broadcast_in_dim3A_0 : vector<16xf32> to vector<1x16xf32>
      tpu.vector_store %arg13[%swap3A_177, %swap3A_178], %swap3A_181 {strides = array<i32>} : memref<64x128xf32, #tpu.memory_space<vmem>>, vector<1x16xf32>,
      %swap3A_182 = arith.index_cast %scan3A_167 : i32 to index
      %swap3A_183 = arith.constant 48 : index
      %swap3A_184 = tpu.vector_load %arg13[%swap3A_182, %swap3A_183] {strides = array<i32>} : memref<64x128xf32, #tpu.memory_space<vmem>>, vector<1x16xf32>,
      %swap3A_185 = vector.shape_cast %swap3A_184 : vector<1x16xf32> to vector<16xf32>
      %swap3A_186 = vector.shape_cast %broadcast_in_dim3A_0 : vector<16xf32> to vector<1x16xf32>
      tpu.vector_store %arg13[%swap3A_182, %swap3A_183], %swap3A_186 {strides = array<i32>} : memref<64x128xf32, #tpu.memory_space<vmem>>, vector<1x16xf32>,
      %swap3A_187 = arith.index_cast %scan3A_167 : i32 to index
      %swap3A_188 = arith.constant 64 : index
      %swap3A_189 = tpu.vector_load %arg13[%swap3A_187, %swap3A_188] {strides = array<i32>} : memref<64x128xf32, #tpu.memory_space<vmem>>, vector<1x16xf32>,
      %swap3A_190 = vector.shape_cast %swap3A_189 : vector<1x16xf32> to vector<16xf32>
      %swap3A_191 = vector.shape_cast %broadcast_in_dim3A_0 : vector<16xf32> to vector<1x16xf32>
      tpu.vector_store %arg13[%swap3A_187, %swap3A_188], %swap3A_191 {strides = array<i32>} : memref<64x128xf32, #tpu.memory_space<vmem>>, vector<1x16xf32>,
      %swap3A_192 = arith.index_cast %scan3A_167 : i32 to index
      %swap3A_193 = arith.constant 80 : index
      %swap3A_194 = tpu.vector_load %arg13[%swap3A_192, %swap3A_193] {strides = array<i32>} : memref<64x128xf32, #tpu.memory_space<vmem>>, vector<1x16xf32>,
      %swap3A_195 = vector.shape_cast %swap3A_194 : vector<1x16xf32> to vector<16xf32>
      %swap3A_196 = vector.shape_cast %broadcast_in_dim3A_0 : vector<16xf32> to vector<1x16xf32>
      tpu.vector_store %arg13[%swap3A_192, %swap3A_193], %swap3A_196 {strides = array<i32>} : memref<64x128xf32, #tpu.memory_space<vmem>>, vector<1x16xf32>,
      %swap3A_197 = arith.index_cast %scan3A_167 : i32 to index
      %swap3A_198 = arith.constant 96 : index
      %swap3A_199 = tpu.vector_load %arg13[%swap3A_197, %swap3A_198] {strides = array<i32>} : memref<64x128xf32, #tpu.memory_space<vmem>>, vector<1x16xf32>,
      %swap3A_200 = vector.shape_cast %swap3A_199 : vector<1x16xf32> to vector<16xf32>
      %swap3A_201 = vector.shape_cast %broadcast_in_dim3A_0 : vector<16xf32> to vector<1x16xf32>
      tpu.vector_store %arg13[%swap3A_197, %swap3A_198], %swap3A_201 {strides = array<i32>} : memref<64x128xf32, #tpu.memory_space<vmem>>, vector<1x16xf32>,
      %swap3A_202 = arith.index_cast %scan3A_167 : i32 to index
      %swap3A_203 = arith.constant 112 : index
      %swap3A_204 = tpu.vector_load %arg13[%swap3A_202, %swap3A_203] {strides = array<i32>} : memref<64x128xf32, #tpu.memory_space<vmem>>, vector<1x16xf32>,
      %swap3A_205 = vector.shape_cast %swap3A_204 : vector<1x16xf32> to vector<16xf32>
      %swap3A_206 = vector.shape_cast %broadcast_in_dim3A_0 : vector<16xf32> to vector<1x16xf32>
      tpu.vector_store %arg13[%swap3A_202, %swap3A_203], %swap3A_206 {strides = array<i32>} : memref<64x128xf32, #tpu.memory_space<vmem>>, vector<1x16xf32>,
    }
    %scan3A_23 = arith.constant 64 : i32
    %mul3A_24 = arith.constant 256 : i32
    %mul3A_25 = arith.muli %arg1, %mul3A_24 : i32
    %add3A_26 = arith.constant 0 : i32
    %add3A_27 = arith.addi %mul3A_25, %add3A_26 : i32
    "tpu.region"() ({
      %run_scoped3A = tpu.sem_alloc : memref<!tpu.dma_semaphore, #tpu.memory_space<semaphore_mem>>
      %dma_start3A_167 = arith.constant 0 : i32
      %dma_start3A_168 = tpu.memref_slice %arg15[%add3A_27, %dma_start3A_167] : memref<4096x128xf32, #tpu.memory_space<vmem_shared>> -> memref<64x128xf32, #tpu.memory_space<vmem_shared>>
      %dma_start3A_169 = arith.constant 0 : i32
      %dma_start3A_170 = tpu.memref_slice %arg15[%add3A_27, %dma_start3A_169] : memref<4096x128xf32, #tpu.memory_space<vmem_shared>> -> memref<64x128xf32, #tpu.memory_space<vmem_shared>>
      tpu.enqueue_dma source(%arg13 : memref<64x128xf32, #tpu.memory_space<vmem>>) target(%dma_start3A_170 : memref<64x128xf32, #tpu.memory_space<vmem_shared>>) target_semaphore(%run_scoped3A : memref<!tpu.dma_semaphore, #tpu.memory_space<semaphore_mem>>)
      %dma_wait3A_171 = arith.constant 0 : i32
      %dma_wait3A_172 = tpu.memref_slice %arg15[%add3A_27, %dma_wait3A_171] : memref<4096x128xf32, #tpu.memory_space<vmem_shared>> -> memref<64x128xf32, #tpu.memory_space<vmem_shared>>
      %dma_wait3A_173 = arith.constant 0 : i32
      %dma_wait3A_174 = tpu.memref_slice %arg15[%add3A_27, %dma_wait3A_173] : memref<4096x128xf32, #tpu.memory_space<vmem_shared>> -> memref<64x128xf32, #tpu.memory_space<vmem_shared>>
      tpu.wait_dma2 semaphore(%run_scoped3A : memref<!tpu.dma_semaphore, #tpu.memory_space<semaphore_mem>>) src(%arg13 : memref<64x128xf32, #tpu.memory_space<vmem>>) dst(%dma_wait3A_174 : memref<64x128xf32, #tpu.memory_space<vmem_shared>>)
      tpu.yield
    }) : () -> ()
    %mul3A_28 = arith.constant 256 : i32
    %mul3A_29 = arith.muli %arg1, %mul3A_28 : i32
    %add3A_30 = arith.constant 64 : i32
    %add3A_31 = arith.addi %mul3A_29, %add3A_30 : i32
    "tpu.region"() ({
      %run_scoped3A = tpu.sem_alloc : memref<!tpu.dma_semaphore, #tpu.memory_space<semaphore_mem>>
      %dma_start3A_167 = arith.constant 0 : i32
      %dma_start3A_168 = tpu.memref_slice %arg15[%add3A_31, %dma_start3A_167] : memref<4096x128xf32, #tpu.memory_space<vmem_shared>> -> memref<64x128xf32, #tpu.memory_space<vmem_shared>>
      %dma_start3A_169 = arith.constant 0 : i32
      %dma_start3A_170 = tpu.memref_slice %arg15[%add3A_31, %dma_start3A_169] : memref<4096x128xf32, #tpu.memory_space<vmem_shared>> -> memref<64x128xf32, #tpu.memory_space<vmem_shared>>
      tpu.enqueue_dma source(%arg13 : memref<64x128xf32, #tpu.memory_space<vmem>>) target(%dma_start3A_170 : memref<64x128xf32, #tpu.memory_space<vmem_shared>>) target_semaphore(%run_scoped3A : memref<!tpu.dma_semaphore, #tpu.memory_space<semaphore_mem>>)
      %dma_wait3A_171 = arith.constant 0 : i32
      %dma_wait3A_172 = tpu.memref_slice %arg15[%add3A_31, %dma_wait3A_171] : memref<4096x128xf32, #tpu.memory_space<vmem_shared>> -> memref<64x128xf32, #tpu.memory_space<vmem_shared>>
      %dma_wait3A_173 = arith.constant 0 : i32
      %dma_wait3A_174 = tpu.memref_slice %arg15[%add3A_31, %dma_wait3A_173] : memref<4096x128xf32, #tpu.memory_space<vmem_shared>> -> memref<64x128xf32, #tpu.memory_space<vmem_shared>>
      tpu.wait_dma2 semaphore(%run_scoped3A : memref<!tpu.dma_semaphore, #tpu.memory_space<semaphore_mem>>) src(%arg13 : memref<64x128xf32, #tpu.memory_space<vmem>>) dst(%dma_wait3A_174 : memref<64x128xf32, #tpu.memory_space<vmem_shared>>)
      tpu.yield
    }) : () -> ()
    %mul3A_32 = arith.constant 256 : i32
    %mul3A_33 = arith.muli %arg1, %mul3A_32 : i32
    %add3A_34 = arith.constant 128 : i32
    %add3A_35 = arith.addi %mul3A_33, %add3A_34 : i32
    "tpu.region"() ({
      %run_scoped3A = tpu.sem_alloc : memref<!tpu.dma_semaphore, #tpu.memory_space<semaphore_mem>>
      %dma_start3A_167 = arith.constant 0 : i32
      %dma_start3A_168 = tpu.memref_slice %arg15[%add3A_35, %dma_start3A_167] : memref<4096x128xf32, #tpu.memory_space<vmem_shared>> -> memref<64x128xf32, #tpu.memory_space<vmem_shared>>
      %dma_start3A_169 = arith.constant 0 : i32
      %dma_start3A_170 = tpu.memref_slice %arg15[%add3A_35, %dma_start3A_169] : memref<4096x128xf32, #tpu.memory_space<vmem_shared>> -> memref<64x128xf32, #tpu.memory_space<vmem_shared>>
      tpu.enqueue_dma source(%arg13 : memref<64x128xf32, #tpu.memory_space<vmem>>) target(%dma_start3A_170 : memref<64x128xf32, #tpu.memory_space<vmem_shared>>) target_semaphore(%run_scoped3A : memref<!tpu.dma_semaphore, #tpu.memory_space<semaphore_mem>>)
      %dma_wait3A_171 = arith.constant 0 : i32
      %dma_wait3A_172 = tpu.memref_slice %arg15[%add3A_35, %dma_wait3A_171] : memref<4096x128xf32, #tpu.memory_space<vmem_shared>> -> memref<64x128xf32, #tpu.memory_space<vmem_shared>>
      %dma_wait3A_173 = arith.constant 0 : i32
      %dma_wait3A_174 = tpu.memref_slice %arg15[%add3A_35, %dma_wait3A_173] : memref<4096x128xf32, #tpu.memory_space<vmem_shared>> -> memref<64x128xf32, #tpu.memory_space<vmem_shared>>
      tpu.wait_dma2 semaphore(%run_scoped3A : memref<!tpu.dma_semaphore, #tpu.memory_space<semaphore_mem>>) src(%arg13 : memref<64x128xf32, #tpu.memory_space<vmem>>) dst(%dma_wait3A_174 : memref<64x128xf32, #tpu.memory_space<vmem_shared>>)
      tpu.yield
    }) : () -> ()
    %mul3A_36 = arith.constant 256 : i32
    %mul3A_37 = arith.muli %arg1, %mul3A_36 : i32
    %add3A_38 = arith.constant 192 : i32
    %add3A_39 = arith.addi %mul3A_37, %add3A_38 : i32
    "tpu.region"() ({
      %run_scoped3A = tpu.sem_alloc : memref<!tpu.dma_semaphore, #tpu.memory_space<semaphore_mem>>
      %dma_start3A_167 = arith.constant 0 : i32
      %dma_start3A_168 = tpu.memref_slice %arg15[%add3A_39, %dma_start3A_167] : memref<4096x128xf32, #tpu.memory_space<vmem_shared>> -> memref<64x128xf32, #tpu.memory_space<vmem_shared>>
      %dma_start3A_169 = arith.constant 0 : i32
      %dma_start3A_170 = tpu.memref_slice %arg15[%add3A_39, %dma_start3A_169] : memref<4096x128xf32, #tpu.memory_space<vmem_shared>> -> memref<64x128xf32, #tpu.memory_space<vmem_shared>>
      tpu.enqueue_dma source(%arg13 : memref<64x128xf32, #tpu.memory_space<vmem>>) target(%dma_start3A_170 : memref<64x128xf32, #tpu.memory_space<vmem_shared>>) target_semaphore(%run_scoped3A : memref<!tpu.dma_semaphore, #tpu.memory_space<semaphore_mem>>)
      %dma_wait3A_171 = arith.constant 0 : i32
      %dma_wait3A_172 = tpu.memref_slice %arg15[%add3A_39, %dma_wait3A_171] : memref<4096x128xf32, #tpu.memory_space<vmem_shared>> -> memref<64x128xf32, #tpu.memory_space<vmem_shared>>
      %dma_wait3A_173 = arith.constant 0 : i32
      %dma_wait3A_174 = tpu.memref_slice %arg15[%add3A_39, %dma_wait3A_173] : memref<4096x128xf32, #tpu.memory_space<vmem_shared>> -> memref<64x128xf32, #tpu.memory_space<vmem_shared>>
      tpu.wait_dma2 semaphore(%run_scoped3A : memref<!tpu.dma_semaphore, #tpu.memory_space<semaphore_mem>>) src(%arg13 : memref<64x128xf32, #tpu.memory_space<vmem>>) dst(%dma_wait3A_174 : memref<64x128xf32, #tpu.memory_space<vmem_shared>>)
      tpu.yield
    }) : () -> ()
    %barrier3A = arith.constant 0 : index
    tpu.barrier barrier_id(%barrier3A)
    %mul3A_40 = arith.constant 65536 : i32
    %mul3A_41 = arith.muli %add3A_4, %mul3A_40 : i32
    %mul3A_42 = arith.constant 4096 : i32
    %mul3A_43 = arith.muli %arg1, %mul3A_42 : i32
    %add3A_44 = arith.addi %mul3A_41, %mul3A_43 : i32
    %dma_start3A = arith.constant 0 : i32
    %dma_start3A_45 = arith.constant 0 : i32
    %dma_start3A_46 = tpu.memref_slice %arg7[%dma_start3A, %dma_start3A_45] : memref<64x64xi32, #tpu.memory_space<vmem>> -> memref<1x64xi32, #tpu.memory_space<vmem>>
    %dma_start3A_47 = tpu.memref_squeeze %dma_start3A_46 : memref<1x64xi32, #tpu.memory_space<vmem>> -> memref<64xi32, #tpu.memory_space<vmem>>
    %dma_start3A_48 = arith.constant 0 : i32
    %dma_start3A_49 = arith.constant 0 : i32
    %dma_start3A_50 = tpu.memref_slice %arg2[%dma_start3A_48, %dma_start3A_49] : memref<32768x128xf32, #tpu.memory_space<hbm>> -> memref<32768x128xf32, #tpu.memory_space<hbm>>
    tpu.enqueue_indirect_dma source(%dma_start3A_50 : memref<32768x128xf32, #tpu.memory_space<hbm>>) target(%arg9 : memref<64x128xf32, #tpu.memory_space<vmem>>) offsets(%dma_start3A_47 : memref<64xi32, #tpu.memory_space<vmem>>) semaphore(%arg16 : memref<!tpu.dma_semaphore, #tpu.memory_space<semaphore_mem>>)
    %dma_start3A_51 = arith.constant 0 : i32
    %dma_start3A_52 = tpu.memref_slice %arg3[%add3A_44, %dma_start3A_51] : memref<262144x64xi32, #tpu.memory_space<hbm>> -> memref<64x64xi32, #tpu.memory_space<hbm>>
    %dma_start3A_53 = arith.constant 0 : i32
    %dma_start3A_54 = tpu.memref_slice %arg3[%add3A_44, %dma_start3A_53] : memref<262144x64xi32, #tpu.memory_space<hbm>> -> memref<64x64xi32, #tpu.memory_space<hbm>>
    tpu.enqueue_dma source(%dma_start3A_54 : memref<64x64xi32, #tpu.memory_space<hbm>>) target(%arg11 : memref<64x64xi32, #tpu.memory_space<vmem>>) target_semaphore(%arg18 : memref<!tpu.dma_semaphore, #tpu.memory_space<semaphore_mem>>)
    %scan3A_55 = arith.constant 0 : i32
    %scan3A_56 = arith.constant 32 : i32
    %scan3A_57 = arith.addi %scan3A_55, %scan3A_56 : i32
    %scan3A_58 = arith.constant 1 : i32
    scf.for %scan3A_167 = %scan3A_55 to %scan3A_57 step %scan3A_58  : i32 {
      %mul3A_168 = arith.constant 2 : i32
      %mul3A_169 = arith.muli %scan3A_167, %mul3A_168 : i32
      %add3A_170 = arith.constant 0 : i32
      %add3A_171 = arith.addi %mul3A_169, %add3A_170 : i32
      %add3A_172 = arith.constant 1 : i32
      %add3A_173 = arith.addi %add3A_171, %add3A_172 : i32
      %lt3A = arith.constant 64 : i32
      %lt3A_174 = arith.cmpi slt, %add3A_173, %lt3A : i32
      %convert_element_type3A = arith.extui %lt3A_174 : i1 to i32
      %cond3A = arith.constant 0 : i32
      %cond3A_175 = arith.cmpi ne, %convert_element_type3A, %cond3A : i32
      scf.if %cond3A_175 {
        %add3A_238 = arith.constant 1 : i32
        %add3A_239 = arith.addi %add3A_171, %add3A_238 : i32
        %dma_start3A_240 = arith.constant 0 : i32
        %dma_start3A_241 = tpu.memref_slice %arg7[%add3A_239, %dma_start3A_240] : memref<64x64xi32, #tpu.memory_space<vmem>> -> memref<1x64xi32, #tpu.memory_space<vmem>>
        %dma_start3A_242 = tpu.memref_squeeze %dma_start3A_241 : memref<1x64xi32, #tpu.memory_space<vmem>> -> memref<64xi32, #tpu.memory_space<vmem>>
        %dma_start3A_243 = arith.constant 0 : i32
        %dma_start3A_244 = arith.constant 0 : i32
        %dma_start3A_245 = tpu.memref_slice %arg2[%dma_start3A_243, %dma_start3A_244] : memref<32768x128xf32, #tpu.memory_space<hbm>> -> memref<32768x128xf32, #tpu.memory_space<hbm>>
        tpu.enqueue_indirect_dma source(%dma_start3A_245 : memref<32768x128xf32, #tpu.memory_space<hbm>>) target(%arg10 : memref<64x128xf32, #tpu.memory_space<vmem>>) offsets(%dma_start3A_242 : memref<64xi32, #tpu.memory_space<vmem>>) semaphore(%arg17 : memref<!tpu.dma_semaphore, #tpu.memory_space<semaphore_mem>>)
        %add3A_246 = arith.constant 1 : i32
        %add3A_247 = arith.addi %add3A_171, %add3A_246 : i32
        %mul3A_248 = arith.constant 64 : i32
        %mul3A_249 = arith.muli %add3A_247, %mul3A_248 : i32
        %add3A_250 = arith.addi %add3A_44, %mul3A_249 : i32
        %dma_start3A_251 = arith.constant 0 : i32
        %dma_start3A_252 = tpu.memref_slice %arg3[%add3A_250, %dma_start3A_251] : memref<262144x64xi32, #tpu.memory_space<hbm>> -> memref<64x64xi32, #tpu.memory_space<hbm>>
        %dma_start3A_253 = arith.constant 0 : i32
        %dma_start3A_254 = tpu.memref_slice %arg3[%add3A_250, %dma_start3A_253] : memref<262144x64xi32, #tpu.memory_space<hbm>> -> memref<64x64xi32, #tpu.memory_space<hbm>>
        tpu.enqueue_dma source(%dma_start3A_254 : memref<64x64xi32, #tpu.memory_space<hbm>>) target(%arg12 : memref<64x64xi32, #tpu.memory_space<vmem>>) target_semaphore(%arg19 : memref<!tpu.dma_semaphore, #tpu.memory_space<semaphore_mem>>)
      } else {
      }
      %dma_wait3A_176 = arith.constant 0 : i32
      %dma_wait3A_177 = tpu.memref_slice %arg7[%add3A_171, %dma_wait3A_176] : memref<64x64xi32, #tpu.memory_space<vmem>> -> memref<1x64xi32, #tpu.memory_space<vmem>>
      %dma_wait3A_178 = tpu.memref_squeeze %dma_wait3A_177 : memref<1x64xi32, #tpu.memory_space<vmem>> -> memref<64xi32, #tpu.memory_space<vmem>>
      %dma_wait3A_179 = arith.constant 0 : i32
      %dma_wait3A_180 = arith.constant 0 : i32
      %dma_wait3A_181 = tpu.memref_slice %arg2[%dma_wait3A_179, %dma_wait3A_180] : memref<32768x128xf32, #tpu.memory_space<hbm>> -> memref<32768x128xf32, #tpu.memory_space<hbm>>
      tpu.wait_indirect_dma semaphore(%arg16 : memref<!tpu.dma_semaphore, #tpu.memory_space<semaphore_mem>>) src(%dma_wait3A_181 : memref<32768x128xf32, #tpu.memory_space<hbm>>) dst(%arg9 : memref<64x128xf32, #tpu.memory_space<vmem>>)
      %dma_wait3A_182 = arith.constant 0 : i32
      %dma_wait3A_183 = tpu.memref_slice %arg3[%add3A_44, %dma_wait3A_182] : memref<262144x64xi32, #tpu.memory_space<hbm>> -> memref<64x64xi32, #tpu.memory_space<hbm>>
      %dma_wait3A_184 = arith.constant 0 : i32
      %dma_wait3A_185 = tpu.memref_slice %arg3[%add3A_44, %dma_wait3A_184] : memref<262144x64xi32, #tpu.memory_space<hbm>> -> memref<64x64xi32, #tpu.memory_space<hbm>>
      tpu.wait_dma2 semaphore(%arg18 : memref<!tpu.dma_semaphore, #tpu.memory_space<semaphore_mem>>) src(%dma_wait3A_185 : memref<64x64xi32, #tpu.memory_space<hbm>>) dst(%arg11 : memref<64x64xi32, #tpu.memory_space<vmem>>)
      %ge3A = arith.constant 2 : i32
      %ge3A_186 = arith.cmpi sge, %add3A_171, %ge3A : i32
      %convert_element_type3A_187 = arith.extui %ge3A_186 : i1 to i32
      %cond3A_188 = arith.constant 0 : i32
      %cond3A_189 = arith.cmpi ne, %convert_element_type3A_187, %cond3A_188 : i32
      scf.if %cond3A_189 {
        %dma_wait3A_238 = arith.constant 0 : i32
        %dma_wait3A_239 = tpu.memref_slice %arg8[%add3A_171, %dma_wait3A_238] : memref<64x64xi32, #tpu.memory_space<vmem>> -> memref<1x64xi32, #tpu.memory_space<vmem>>
        %dma_wait3A_240 = tpu.memref_squeeze %dma_wait3A_239 : memref<1x64xi32, #tpu.memory_space<vmem>> -> memref<64xi32, #tpu.memory_space<vmem>>
        %dma_wait3A_241 = arith.constant 0 : i32
        %dma_wait3A_242 = arith.constant 0 : i32
        %dma_wait3A_243 = tpu.memref_slice %arg15[%dma_wait3A_241, %dma_wait3A_242] : memref<4096x128xf32, #tpu.memory_space<vmem_shared>> -> memref<4096x128xf32, #tpu.memory_space<vmem_shared>>
        tpu.wait_indirect_dma semaphore(%arg20 : memref<!tpu.dma_semaphore, #tpu.memory_space<semaphore_mem>>) src(%arg13 : memref<64x128xf32, #tpu.memory_space<vmem>>) dst(%dma_wait3A_243 : memref<4096x128xf32, #tpu.memory_space<vmem_shared>>)
      } else {
      }
      %scan3A_190 = arith.constant 0 : i32
      %scan3A_191 = arith.constant 64 : i32
      %scan3A_192 = arith.addi %scan3A_190, %scan3A_191 : i32
      %scan3A_193 = arith.constant 1 : i32
      scf.for %scan3A_238 = %scan3A_190 to %scan3A_192 step %scan3A_193  : i32 {
        %get3A = arith.index_cast %scan3A_238 : i32 to index
        %get3A_239 = arith.constant 0 : index
        %get3A_240 = tpu.vector_load %arg11[%get3A, %get3A_239] {strides = array<i32>} : memref<64x64xi32, #tpu.memory_space<vmem>>, vector<1x16xi32>,
        %get3A_241 = vector.shape_cast %get3A_240 : vector<1x16xi32> to vector<16xi32>
        %shift_left3A = arith.constant 16 : i32
        %shift_left3A_242 = vector.broadcast %shift_left3A : i32 to vector<16xi32>
        %shift_left3A_243 = arith.shli %get3A_241, %shift_left3A_242 : vector<16xi32>
        %bitcast_convert_type3A = tpu.bitcast %shift_left3A_243 : vector<16xi32> -> vector<16xf32>
        %and3A = arith.andi %get3A_241, %broadcast_in_dim3A_2 : vector<16xi32>
        %bitcast_convert_type3A_244 = tpu.bitcast %and3A : vector<16xi32> -> vector<16xf32>
        %get3A_245 = arith.index_cast %scan3A_238 : i32 to index
        %get3A_246 = arith.constant 0 : index
        %get3A_247 = tpu.vector_load %arg9[%get3A_245, %get3A_246] {strides = array<i32>} : memref<64x128xf32, #tpu.memory_space<vmem>>, vector<1x16xf32>,
        %get3A_248 = vector.shape_cast %get3A_247 : vector<1x16xf32> to vector<16xf32>
        %get3A_249 = arith.index_cast %scan3A_238 : i32 to index
        %get3A_250 = arith.constant 16 : index
        %get3A_251 = tpu.vector_load %arg9[%get3A_249, %get3A_250] {strides = array<i32>} : memref<64x128xf32, #tpu.memory_space<vmem>>, vector<1x16xf32>,
        %get3A_252 = vector.shape_cast %get3A_251 : vector<1x16xf32> to vector<16xf32>
        %add3A_253 = arith.addf %get3A_248, %bitcast_convert_type3A : vector<16xf32>
        %max3A = arith.constant 0.000000e+00 : f32
        %max3A_254 = vector.broadcast %max3A : f32 to vector<16xf32>
        %max3A_255 = arith.maximumf %add3A_253, %max3A_254 : vector<16xf32>
        %swap3A = arith.index_cast %scan3A_238 : i32 to index
        %swap3A_256 = arith.constant 0 : index
        %swap3A_257 = tpu.vector_load %arg13[%swap3A, %swap3A_256] {strides = array<i32>} : memref<64x128xf32, #tpu.memory_space<vmem>>, vector<1x16xf32>,
        %swap3A_258 = vector.shape_cast %swap3A_257 : vector<1x16xf32> to vector<16xf32>
        %swap3A_259 = vector.shape_cast %max3A_255 : vector<16xf32> to vector<1x16xf32>
        tpu.vector_store %arg13[%swap3A, %swap3A_256], %swap3A_259 {strides = array<i32>} : memref<64x128xf32, #tpu.memory_space<vmem>>, vector<1x16xf32>,
        %add3A_260 = arith.addf %get3A_252, %bitcast_convert_type3A_244 : vector<16xf32>
        %max3A_261 = arith.constant 0.000000e+00 : f32
        %max3A_262 = vector.broadcast %max3A_261 : f32 to vector<16xf32>
        %max3A_263 = arith.maximumf %add3A_260, %max3A_262 : vector<16xf32>
        %swap3A_264 = arith.index_cast %scan3A_238 : i32 to index
        %swap3A_265 = arith.constant 16 : index
        %swap3A_266 = tpu.vector_load %arg13[%swap3A_264, %swap3A_265] {strides = array<i32>} : memref<64x128xf32, #tpu.memory_space<vmem>>, vector<1x16xf32>,
        %swap3A_267 = vector.shape_cast %swap3A_266 : vector<1x16xf32> to vector<16xf32>
        %swap3A_268 = vector.shape_cast %max3A_263 : vector<16xf32> to vector<1x16xf32>
        tpu.vector_store %arg13[%swap3A_264, %swap3A_265], %swap3A_268 {strides = array<i32>} : memref<64x128xf32, #tpu.memory_space<vmem>>, vector<1x16xf32>,
        %get3A_269 = arith.index_cast %scan3A_238 : i32 to index
        %get3A_270 = arith.constant 16 : index
        %get3A_271 = tpu.vector_load %arg11[%get3A_269, %get3A_270] {strides = array<i32>} : memref<64x64xi32, #tpu.memory_space<vmem>>, vector<1x16xi32>,
        %get3A_272 = vector.shape_cast %get3A_271 : vector<1x16xi32> to vector<16xi32>
        %shift_left3A_273 = arith.constant 16 : i32
        %shift_left3A_274 = vector.broadcast %shift_left3A_273 : i32 to vector<16xi32>
        %shift_left3A_275 = arith.shli %get3A_272, %shift_left3A_274 : vector<16xi32>
        %bitcast_convert_type3A_276 = tpu.bitcast %shift_left3A_275 : vector<16xi32> -> vector<16xf32>
        %and3A_277 = arith.andi %get3A_272, %broadcast_in_dim3A_2 : vector<16xi32>
        %bitcast_convert_type3A_278 = tpu.bitcast %and3A_277 : vector<16xi32> -> vector<16xf32>
        %get3A_279 = arith.index_cast %scan3A_238 : i32 to index
        %get3A_280 = arith.constant 32 : index
        %get3A_281 = tpu.vector_load %arg9[%get3A_279, %get3A_280] {strides = array<i32>} : memref<64x128xf32, #tpu.memory_space<vmem>>, vector<1x16xf32>,
        %get3A_282 = vector.shape_cast %get3A_281 : vector<1x16xf32> to vector<16xf32>
        %get3A_283 = arith.index_cast %scan3A_238 : i32 to index
        %get3A_284 = arith.constant 48 : index
        %get3A_285 = tpu.vector_load %arg9[%get3A_283, %get3A_284] {strides = array<i32>} : memref<64x128xf32, #tpu.memory_space<vmem>>, vector<1x16xf32>,
        %get3A_286 = vector.shape_cast %get3A_285 : vector<1x16xf32> to vector<16xf32>
        %add3A_287 = arith.addf %get3A_282, %bitcast_convert_type3A_276 : vector<16xf32>
        %max3A_288 = arith.constant 0.000000e+00 : f32
        %max3A_289 = vector.broadcast %max3A_288 : f32 to vector<16xf32>
        %max3A_290 = arith.maximumf %add3A_287, %max3A_289 : vector<16xf32>
        %swap3A_291 = arith.index_cast %scan3A_238 : i32 to index
        %swap3A_292 = arith.constant 32 : index
        %swap3A_293 = tpu.vector_load %arg13[%swap3A_291, %swap3A_292] {strides = array<i32>} : memref<64x128xf32, #tpu.memory_space<vmem>>, vector<1x16xf32>,
        %swap3A_294 = vector.shape_cast %swap3A_293 : vector<1x16xf32> to vector<16xf32>
        %swap3A_295 = vector.shape_cast %max3A_290 : vector<16xf32> to vector<1x16xf32>
        tpu.vector_store %arg13[%swap3A_291, %swap3A_292], %swap3A_295 {strides = array<i32>} : memref<64x128xf32, #tpu.memory_space<vmem>>, vector<1x16xf32>,
        %add3A_296 = arith.addf %get3A_286, %bitcast_convert_type3A_278 : vector<16xf32>
        %max3A_297 = arith.constant 0.000000e+00 : f32
        %max3A_298 = vector.broadcast %max3A_297 : f32 to vector<16xf32>
        %max3A_299 = arith.maximumf %add3A_296, %max3A_298 : vector<16xf32>
        %swap3A_300 = arith.index_cast %scan3A_238 : i32 to index
        %swap3A_301 = arith.constant 48 : index
        %swap3A_302 = tpu.vector_load %arg13[%swap3A_300, %swap3A_301] {strides = array<i32>} : memref<64x128xf32, #tpu.memory_space<vmem>>, vector<1x16xf32>,
        %swap3A_303 = vector.shape_cast %swap3A_302 : vector<1x16xf32> to vector<16xf32>
        %swap3A_304 = vector.shape_cast %max3A_299 : vector<16xf32> to vector<1x16xf32>
        tpu.vector_store %arg13[%swap3A_300, %swap3A_301], %swap3A_304 {strides = array<i32>} : memref<64x128xf32, #tpu.memory_space<vmem>>, vector<1x16xf32>,
        %get3A_305 = arith.index_cast %scan3A_238 : i32 to index
        %get3A_306 = arith.constant 32 : index
        %get3A_307 = tpu.vector_load %arg11[%get3A_305, %get3A_306] {strides = array<i32>} : memref<64x64xi32, #tpu.memory_space<vmem>>, vector<1x16xi32>,
        %get3A_308 = vector.shape_cast %get3A_307 : vector<1x16xi32> to vector<16xi32>
        %shift_left3A_309 = arith.constant 16 : i32
        %shift_left3A_310 = vector.broadcast %shift_left3A_309 : i32 to vector<16xi32>
        %shift_left3A_311 = arith.shli %get3A_308, %shift_left3A_310 : vector<16xi32>
        %bitcast_convert_type3A_312 = tpu.bitcast %shift_left3A_311 : vector<16xi32> -> vector<16xf32>
        %and3A_313 = arith.andi %get3A_308, %broadcast_in_dim3A_2 : vector<16xi32>
        %bitcast_convert_type3A_314 = tpu.bitcast %and3A_313 : vector<16xi32> -> vector<16xf32>
        %get3A_315 = arith.index_cast %scan3A_238 : i32 to index
        %get3A_316 = arith.constant 64 : index
        %get3A_317 = tpu.vector_load %arg9[%get3A_315, %get3A_316] {strides = array<i32>} : memref<64x128xf32, #tpu.memory_space<vmem>>, vector<1x16xf32>,
        %get3A_318 = vector.shape_cast %get3A_317 : vector<1x16xf32> to vector<16xf32>
        %get3A_319 = arith.index_cast %scan3A_238 : i32 to index
        %get3A_320 = arith.constant 80 : index
        %get3A_321 = tpu.vector_load %arg9[%get3A_319, %get3A_320] {strides = array<i32>} : memref<64x128xf32, #tpu.memory_space<vmem>>, vector<1x16xf32>,
        %get3A_322 = vector.shape_cast %get3A_321 : vector<1x16xf32> to vector<16xf32>
        %add3A_323 = arith.addf %get3A_318, %bitcast_convert_type3A_312 : vector<16xf32>
        %max3A_324 = arith.constant 0.000000e+00 : f32
        %max3A_325 = vector.broadcast %max3A_324 : f32 to vector<16xf32>
        %max3A_326 = arith.maximumf %add3A_323, %max3A_325 : vector<16xf32>
        %swap3A_327 = arith.index_cast %scan3A_238 : i32 to index
        %swap3A_328 = arith.constant 64 : index
        %swap3A_329 = tpu.vector_load %arg13[%swap3A_327, %swap3A_328] {strides = array<i32>} : memref<64x128xf32, #tpu.memory_space<vmem>>, vector<1x16xf32>,
        %swap3A_330 = vector.shape_cast %swap3A_329 : vector<1x16xf32> to vector<16xf32>
        %swap3A_331 = vector.shape_cast %max3A_326 : vector<16xf32> to vector<1x16xf32>
        tpu.vector_store %arg13[%swap3A_327, %swap3A_328], %swap3A_331 {strides = array<i32>} : memref<64x128xf32, #tpu.memory_space<vmem>>, vector<1x16xf32>,
        %add3A_332 = arith.addf %get3A_322, %bitcast_convert_type3A_314 : vector<16xf32>
        %max3A_333 = arith.constant 0.000000e+00 : f32
        %max3A_334 = vector.broadcast %max3A_333 : f32 to vector<16xf32>
        %max3A_335 = arith.maximumf %add3A_332, %max3A_334 : vector<16xf32>
        %swap3A_336 = arith.index_cast %scan3A_238 : i32 to index
        %swap3A_337 = arith.constant 80 : index
        %swap3A_338 = tpu.vector_load %arg13[%swap3A_336, %swap3A_337] {strides = array<i32>} : memref<64x128xf32, #tpu.memory_space<vmem>>, vector<1x16xf32>,
        %swap3A_339 = vector.shape_cast %swap3A_338 : vector<1x16xf32> to vector<16xf32>
        %swap3A_340 = vector.shape_cast %max3A_335 : vector<16xf32> to vector<1x16xf32>
        tpu.vector_store %arg13[%swap3A_336, %swap3A_337], %swap3A_340 {strides = array<i32>} : memref<64x128xf32, #tpu.memory_space<vmem>>, vector<1x16xf32>,
        %get3A_341 = arith.index_cast %scan3A_238 : i32 to index
        %get3A_342 = arith.constant 48 : index
        %get3A_343 = tpu.vector_load %arg11[%get3A_341, %get3A_342] {strides = array<i32>} : memref<64x64xi32, #tpu.memory_space<vmem>>, vector<1x16xi32>,
        %get3A_344 = vector.shape_cast %get3A_343 : vector<1x16xi32> to vector<16xi32>
        %shift_left3A_345 = arith.constant 16 : i32
        %shift_left3A_346 = vector.broadcast %shift_left3A_345 : i32 to vector<16xi32>
        %shift_left3A_347 = arith.shli %get3A_344, %shift_left3A_346 : vector<16xi32>
        %bitcast_convert_type3A_348 = tpu.bitcast %shift_left3A_347 : vector<16xi32> -> vector<16xf32>
        %and3A_349 = arith.andi %get3A_344, %broadcast_in_dim3A_2 : vector<16xi32>
        %bitcast_convert_type3A_350 = tpu.bitcast %and3A_349 : vector<16xi32> -> vector<16xf32>
        %get3A_351 = arith.index_cast %scan3A_238 : i32 to index
        %get3A_352 = arith.constant 96 : index
        %get3A_353 = tpu.vector_load %arg9[%get3A_351, %get3A_352] {strides = array<i32>} : memref<64x128xf32, #tpu.memory_space<vmem>>, vector<1x16xf32>,
        %get3A_354 = vector.shape_cast %get3A_353 : vector<1x16xf32> to vector<16xf32>
        %get3A_355 = arith.index_cast %scan3A_238 : i32 to index
        %get3A_356 = arith.constant 112 : index
        %get3A_357 = tpu.vector_load %arg9[%get3A_355, %get3A_356] {strides = array<i32>} : memref<64x128xf32, #tpu.memory_space<vmem>>, vector<1x16xf32>,
        %get3A_358 = vector.shape_cast %get3A_357 : vector<1x16xf32> to vector<16xf32>
        %add3A_359 = arith.addf %get3A_354, %bitcast_convert_type3A_348 : vector<16xf32>
        %max3A_360 = arith.constant 0.000000e+00 : f32
        %max3A_361 = vector.broadcast %max3A_360 : f32 to vector<16xf32>
        %max3A_362 = arith.maximumf %add3A_359, %max3A_361 : vector<16xf32>
        %swap3A_363 = arith.index_cast %scan3A_238 : i32 to index
        %swap3A_364 = arith.constant 96 : index
        %swap3A_365 = tpu.vector_load %arg13[%swap3A_363, %swap3A_364] {strides = array<i32>} : memref<64x128xf32, #tpu.memory_space<vmem>>, vector<1x16xf32>,
        %swap3A_366 = vector.shape_cast %swap3A_365 : vector<1x16xf32> to vector<16xf32>
        %swap3A_367 = vector.shape_cast %max3A_362 : vector<16xf32> to vector<1x16xf32>
        tpu.vector_store %arg13[%swap3A_363, %swap3A_364], %swap3A_367 {strides = array<i32>} : memref<64x128xf32, #tpu.memory_space<vmem>>, vector<1x16xf32>,
        %add3A_368 = arith.addf %get3A_358, %bitcast_convert_type3A_350 : vector<16xf32>
        %max3A_369 = arith.constant 0.000000e+00 : f32
        %max3A_370 = vector.broadcast %max3A_369 : f32 to vector<16xf32>
        %max3A_371 = arith.maximumf %add3A_368, %max3A_370 : vector<16xf32>
        %swap3A_372 = arith.index_cast %scan3A_238 : i32 to index
        %swap3A_373 = arith.constant 112 : index
        %swap3A_374 = tpu.vector_load %arg13[%swap3A_372, %swap3A_373] {strides = array<i32>} : memref<64x128xf32, #tpu.memory_space<vmem>>, vector<1x16xf32>,
        %swap3A_375 = vector.shape_cast %swap3A_374 : vector<1x16xf32> to vector<16xf32>
        %swap3A_376 = vector.shape_cast %max3A_371 : vector<16xf32> to vector<1x16xf32>
        tpu.vector_store %arg13[%swap3A_372, %swap3A_373], %swap3A_376 {strides = array<i32>} : memref<64x128xf32, #tpu.memory_space<vmem>>, vector<1x16xf32>,
      }
      %scan3A_194 = arith.constant 64 : i32
      %dma_start3A_195 = arith.constant 0 : i32
      %dma_start3A_196 = tpu.memref_slice %arg8[%add3A_171, %dma_start3A_195] : memref<64x64xi32, #tpu.memory_space<vmem>> -> memref<1x64xi32, #tpu.memory_space<vmem>>
      %dma_start3A_197 = tpu.memref_squeeze %dma_start3A_196 : memref<1x64xi32, #tpu.memory_space<vmem>> -> memref<64xi32, #tpu.memory_space<vmem>>
      %dma_start3A_198 = arith.constant 0 : i32
      %dma_start3A_199 = arith.constant 0 : i32
      %dma_start3A_200 = tpu.memref_slice %arg15[%dma_start3A_198, %dma_start3A_199] : memref<4096x128xf32, #tpu.memory_space<vmem_shared>> -> memref<4096x128xf32, #tpu.memory_space<vmem_shared>>
      tpu.enqueue_indirect_dma source(%arg13 : memref<64x128xf32, #tpu.memory_space<vmem>>) target(%dma_start3A_200 : memref<4096x128xf32, #tpu.memory_space<vmem_shared>>) offsets(%dma_start3A_197 : memref<64xi32, #tpu.memory_space<vmem>>) semaphore(%arg20 : memref<!tpu.dma_semaphore, #tpu.memory_space<semaphore_mem>>) {add = true}
      %mul3A_201 = arith.constant 2 : i32
      %mul3A_202 = arith.muli %scan3A_167, %mul3A_201 : i32
      %add3A_203 = arith.constant 1 : i32
      %add3A_204 = arith.addi %mul3A_202, %add3A_203 : i32
      %add3A_205 = arith.constant 1 : i32
      %add3A_206 = arith.addi %add3A_204, %add3A_205 : i32
      %lt3A_207 = arith.constant 64 : i32
      %lt3A_208 = arith.cmpi slt, %add3A_206, %lt3A_207 : i32
      %convert_element_type3A_209 = arith.extui %lt3A_208 : i1 to i32
      %cond3A_210 = arith.constant 0 : i32
      %cond3A_211 = arith.cmpi ne, %convert_element_type3A_209, %cond3A_210 : i32
      scf.if %cond3A_211 {
        %add3A_238 = arith.constant 1 : i32
        %add3A_239 = arith.addi %add3A_204, %add3A_238 : i32
        %dma_start3A_240 = arith.constant 0 : i32
        %dma_start3A_241 = tpu.memref_slice %arg7[%add3A_239, %dma_start3A_240] : memref<64x64xi32, #tpu.memory_space<vmem>> -> memref<1x64xi32, #tpu.memory_space<vmem>>
        %dma_start3A_242 = tpu.memref_squeeze %dma_start3A_241 : memref<1x64xi32, #tpu.memory_space<vmem>> -> memref<64xi32, #tpu.memory_space<vmem>>
        %dma_start3A_243 = arith.constant 0 : i32
        %dma_start3A_244 = arith.constant 0 : i32
        %dma_start3A_245 = tpu.memref_slice %arg2[%dma_start3A_243, %dma_start3A_244] : memref<32768x128xf32, #tpu.memory_space<hbm>> -> memref<32768x128xf32, #tpu.memory_space<hbm>>
        tpu.enqueue_indirect_dma source(%dma_start3A_245 : memref<32768x128xf32, #tpu.memory_space<hbm>>) target(%arg9 : memref<64x128xf32, #tpu.memory_space<vmem>>) offsets(%dma_start3A_242 : memref<64xi32, #tpu.memory_space<vmem>>) semaphore(%arg16 : memref<!tpu.dma_semaphore, #tpu.memory_space<semaphore_mem>>)
        %add3A_246 = arith.constant 1 : i32
        %add3A_247 = arith.addi %add3A_204, %add3A_246 : i32
        %mul3A_248 = arith.constant 64 : i32
        %mul3A_249 = arith.muli %add3A_247, %mul3A_248 : i32
        %add3A_250 = arith.addi %add3A_44, %mul3A_249 : i32
        %dma_start3A_251 = arith.constant 0 : i32
        %dma_start3A_252 = tpu.memref_slice %arg3[%add3A_250, %dma_start3A_251] : memref<262144x64xi32, #tpu.memory_space<hbm>> -> memref<64x64xi32, #tpu.memory_space<hbm>>
        %dma_start3A_253 = arith.constant 0 : i32
        %dma_start3A_254 = tpu.memref_slice %arg3[%add3A_250, %dma_start3A_253] : memref<262144x64xi32, #tpu.memory_space<hbm>> -> memref<64x64xi32, #tpu.memory_space<hbm>>
        tpu.enqueue_dma source(%dma_start3A_254 : memref<64x64xi32, #tpu.memory_space<hbm>>) target(%arg11 : memref<64x64xi32, #tpu.memory_space<vmem>>) target_semaphore(%arg18 : memref<!tpu.dma_semaphore, #tpu.memory_space<semaphore_mem>>)
      } else {
      }
      %dma_wait3A_212 = arith.constant 0 : i32
      %dma_wait3A_213 = tpu.memref_slice %arg7[%add3A_204, %dma_wait3A_212] : memref<64x64xi32, #tpu.memory_space<vmem>> -> memref<1x64xi32, #tpu.memory_space<vmem>>
      %dma_wait3A_214 = tpu.memref_squeeze %dma_wait3A_213 : memref<1x64xi32, #tpu.memory_space<vmem>> -> memref<64xi32, #tpu.memory_space<vmem>>
      %dma_wait3A_215 = arith.constant 0 : i32
      %dma_wait3A_216 = arith.constant 0 : i32
      %dma_wait3A_217 = tpu.memref_slice %arg2[%dma_wait3A_215, %dma_wait3A_216] : memref<32768x128xf32, #tpu.memory_space<hbm>> -> memref<32768x128xf32, #tpu.memory_space<hbm>>
      tpu.wait_indirect_dma semaphore(%arg17 : memref<!tpu.dma_semaphore, #tpu.memory_space<semaphore_mem>>) src(%dma_wait3A_217 : memref<32768x128xf32, #tpu.memory_space<hbm>>) dst(%arg10 : memref<64x128xf32, #tpu.memory_space<vmem>>)
      %dma_wait3A_218 = arith.constant 0 : i32
      %dma_wait3A_219 = tpu.memref_slice %arg3[%add3A_44, %dma_wait3A_218] : memref<262144x64xi32, #tpu.memory_space<hbm>> -> memref<64x64xi32, #tpu.memory_space<hbm>>
      %dma_wait3A_220 = arith.constant 0 : i32
      %dma_wait3A_221 = tpu.memref_slice %arg3[%add3A_44, %dma_wait3A_220] : memref<262144x64xi32, #tpu.memory_space<hbm>> -> memref<64x64xi32, #tpu.memory_space<hbm>>
      tpu.wait_dma2 semaphore(%arg19 : memref<!tpu.dma_semaphore, #tpu.memory_space<semaphore_mem>>) src(%dma_wait3A_221 : memref<64x64xi32, #tpu.memory_space<hbm>>) dst(%arg12 : memref<64x64xi32, #tpu.memory_space<vmem>>)
      %ge3A_222 = arith.constant 2 : i32
      %ge3A_223 = arith.cmpi sge, %add3A_204, %ge3A_222 : i32
      %convert_element_type3A_224 = arith.extui %ge3A_223 : i1 to i32
      %cond3A_225 = arith.constant 0 : i32
      %cond3A_226 = arith.cmpi ne, %convert_element_type3A_224, %cond3A_225 : i32
      scf.if %cond3A_226 {
        %dma_wait3A_238 = arith.constant 0 : i32
        %dma_wait3A_239 = tpu.memref_slice %arg8[%add3A_204, %dma_wait3A_238] : memref<64x64xi32, #tpu.memory_space<vmem>> -> memref<1x64xi32, #tpu.memory_space<vmem>>
        %dma_wait3A_240 = tpu.memref_squeeze %dma_wait3A_239 : memref<1x64xi32, #tpu.memory_space<vmem>> -> memref<64xi32, #tpu.memory_space<vmem>>
        %dma_wait3A_241 = arith.constant 0 : i32
        %dma_wait3A_242 = arith.constant 0 : i32
        %dma_wait3A_243 = tpu.memref_slice %arg15[%dma_wait3A_241, %dma_wait3A_242] : memref<4096x128xf32, #tpu.memory_space<vmem_shared>> -> memref<4096x128xf32, #tpu.memory_space<vmem_shared>>
        tpu.wait_indirect_dma semaphore(%arg21 : memref<!tpu.dma_semaphore, #tpu.memory_space<semaphore_mem>>) src(%arg14 : memref<64x128xf32, #tpu.memory_space<vmem>>) dst(%dma_wait3A_243 : memref<4096x128xf32, #tpu.memory_space<vmem_shared>>)
      } else {
      }
      %scan3A_227 = arith.constant 0 : i32
      %scan3A_228 = arith.constant 64 : i32
      %scan3A_229 = arith.addi %scan3A_227, %scan3A_228 : i32
      %scan3A_230 = arith.constant 1 : i32
      scf.for %scan3A_238 = %scan3A_227 to %scan3A_229 step %scan3A_230  : i32 {
        %get3A = arith.index_cast %scan3A_238 : i32 to index
        %get3A_239 = arith.constant 0 : index
        %get3A_240 = tpu.vector_load %arg12[%get3A, %get3A_239] {strides = array<i32>} : memref<64x64xi32, #tpu.memory_space<vmem>>, vector<1x16xi32>,
        %get3A_241 = vector.shape_cast %get3A_240 : vector<1x16xi32> to vector<16xi32>
        %shift_left3A = arith.constant 16 : i32
        %shift_left3A_242 = vector.broadcast %shift_left3A : i32 to vector<16xi32>
        %shift_left3A_243 = arith.shli %get3A_241, %shift_left3A_242 : vector<16xi32>
        %bitcast_convert_type3A = tpu.bitcast %shift_left3A_243 : vector<16xi32> -> vector<16xf32>
        %and3A = arith.andi %get3A_241, %broadcast_in_dim3A_2 : vector<16xi32>
        %bitcast_convert_type3A_244 = tpu.bitcast %and3A : vector<16xi32> -> vector<16xf32>
        %get3A_245 = arith.index_cast %scan3A_238 : i32 to index
        %get3A_246 = arith.constant 0 : index
        %get3A_247 = tpu.vector_load %arg10[%get3A_245, %get3A_246] {strides = array<i32>} : memref<64x128xf32, #tpu.memory_space<vmem>>, vector<1x16xf32>,
        %get3A_248 = vector.shape_cast %get3A_247 : vector<1x16xf32> to vector<16xf32>
        %get3A_249 = arith.index_cast %scan3A_238 : i32 to index
        %get3A_250 = arith.constant 16 : index
        %get3A_251 = tpu.vector_load %arg10[%get3A_249, %get3A_250] {strides = array<i32>} : memref<64x128xf32, #tpu.memory_space<vmem>>, vector<1x16xf32>,
        %get3A_252 = vector.shape_cast %get3A_251 : vector<1x16xf32> to vector<16xf32>
        %add3A_253 = arith.addf %get3A_248, %bitcast_convert_type3A : vector<16xf32>
        %max3A = arith.constant 0.000000e+00 : f32
        %max3A_254 = vector.broadcast %max3A : f32 to vector<16xf32>
        %max3A_255 = arith.maximumf %add3A_253, %max3A_254 : vector<16xf32>
        %swap3A = arith.index_cast %scan3A_238 : i32 to index
        %swap3A_256 = arith.constant 0 : index
        %swap3A_257 = tpu.vector_load %arg14[%swap3A, %swap3A_256] {strides = array<i32>} : memref<64x128xf32, #tpu.memory_space<vmem>>, vector<1x16xf32>,
        %swap3A_258 = vector.shape_cast %swap3A_257 : vector<1x16xf32> to vector<16xf32>
        %swap3A_259 = vector.shape_cast %max3A_255 : vector<16xf32> to vector<1x16xf32>
        tpu.vector_store %arg14[%swap3A, %swap3A_256], %swap3A_259 {strides = array<i32>} : memref<64x128xf32, #tpu.memory_space<vmem>>, vector<1x16xf32>,
        %add3A_260 = arith.addf %get3A_252, %bitcast_convert_type3A_244 : vector<16xf32>
        %max3A_261 = arith.constant 0.000000e+00 : f32
        %max3A_262 = vector.broadcast %max3A_261 : f32 to vector<16xf32>
        %max3A_263 = arith.maximumf %add3A_260, %max3A_262 : vector<16xf32>
        %swap3A_264 = arith.index_cast %scan3A_238 : i32 to index
        %swap3A_265 = arith.constant 16 : index
        %swap3A_266 = tpu.vector_load %arg14[%swap3A_264, %swap3A_265] {strides = array<i32>} : memref<64x128xf32, #tpu.memory_space<vmem>>, vector<1x16xf32>,
        %swap3A_267 = vector.shape_cast %swap3A_266 : vector<1x16xf32> to vector<16xf32>
        %swap3A_268 = vector.shape_cast %max3A_263 : vector<16xf32> to vector<1x16xf32>
        tpu.vector_store %arg14[%swap3A_264, %swap3A_265], %swap3A_268 {strides = array<i32>} : memref<64x128xf32, #tpu.memory_space<vmem>>, vector<1x16xf32>,
        %get3A_269 = arith.index_cast %scan3A_238 : i32 to index
        %get3A_270 = arith.constant 16 : index
        %get3A_271 = tpu.vector_load %arg12[%get3A_269, %get3A_270] {strides = array<i32>} : memref<64x64xi32, #tpu.memory_space<vmem>>, vector<1x16xi32>,
        %get3A_272 = vector.shape_cast %get3A_271 : vector<1x16xi32> to vector<16xi32>
        %shift_left3A_273 = arith.constant 16 : i32
        %shift_left3A_274 = vector.broadcast %shift_left3A_273 : i32 to vector<16xi32>
        %shift_left3A_275 = arith.shli %get3A_272, %shift_left3A_274 : vector<16xi32>
        %bitcast_convert_type3A_276 = tpu.bitcast %shift_left3A_275 : vector<16xi32> -> vector<16xf32>
        %and3A_277 = arith.andi %get3A_272, %broadcast_in_dim3A_2 : vector<16xi32>
        %bitcast_convert_type3A_278 = tpu.bitcast %and3A_277 : vector<16xi32> -> vector<16xf32>
        %get3A_279 = arith.index_cast %scan3A_238 : i32 to index
        %get3A_280 = arith.constant 32 : index
        %get3A_281 = tpu.vector_load %arg10[%get3A_279, %get3A_280] {strides = array<i32>} : memref<64x128xf32, #tpu.memory_space<vmem>>, vector<1x16xf32>,
        %get3A_282 = vector.shape_cast %get3A_281 : vector<1x16xf32> to vector<16xf32>
        %get3A_283 = arith.index_cast %scan3A_238 : i32 to index
        %get3A_284 = arith.constant 48 : index
        %get3A_285 = tpu.vector_load %arg10[%get3A_283, %get3A_284] {strides = array<i32>} : memref<64x128xf32, #tpu.memory_space<vmem>>, vector<1x16xf32>,
        %get3A_286 = vector.shape_cast %get3A_285 : vector<1x16xf32> to vector<16xf32>
        %add3A_287 = arith.addf %get3A_282, %bitcast_convert_type3A_276 : vector<16xf32>
        %max3A_288 = arith.constant 0.000000e+00 : f32
        %max3A_289 = vector.broadcast %max3A_288 : f32 to vector<16xf32>
        %max3A_290 = arith.maximumf %add3A_287, %max3A_289 : vector<16xf32>
        %swap3A_291 = arith.index_cast %scan3A_238 : i32 to index
        %swap3A_292 = arith.constant 32 : index
        %swap3A_293 = tpu.vector_load %arg14[%swap3A_291, %swap3A_292] {strides = array<i32>} : memref<64x128xf32, #tpu.memory_space<vmem>>, vector<1x16xf32>,
        %swap3A_294 = vector.shape_cast %swap3A_293 : vector<1x16xf32> to vector<16xf32>
        %swap3A_295 = vector.shape_cast %max3A_290 : vector<16xf32> to vector<1x16xf32>
        tpu.vector_store %arg14[%swap3A_291, %swap3A_292], %swap3A_295 {strides = array<i32>} : memref<64x128xf32, #tpu.memory_space<vmem>>, vector<1x16xf32>,
        %add3A_296 = arith.addf %get3A_286, %bitcast_convert_type3A_278 : vector<16xf32>
        %max3A_297 = arith.constant 0.000000e+00 : f32
        %max3A_298 = vector.broadcast %max3A_297 : f32 to vector<16xf32>
        %max3A_299 = arith.maximumf %add3A_296, %max3A_298 : vector<16xf32>
        %swap3A_300 = arith.index_cast %scan3A_238 : i32 to index
        %swap3A_301 = arith.constant 48 : index
        %swap3A_302 = tpu.vector_load %arg14[%swap3A_300, %swap3A_301] {strides = array<i32>} : memref<64x128xf32, #tpu.memory_space<vmem>>, vector<1x16xf32>,
        %swap3A_303 = vector.shape_cast %swap3A_302 : vector<1x16xf32> to vector<16xf32>
        %swap3A_304 = vector.shape_cast %max3A_299 : vector<16xf32> to vector<1x16xf32>
        tpu.vector_store %arg14[%swap3A_300, %swap3A_301], %swap3A_304 {strides = array<i32>} : memref<64x128xf32, #tpu.memory_space<vmem>>, vector<1x16xf32>,
        %get3A_305 = arith.index_cast %scan3A_238 : i32 to index
        %get3A_306 = arith.constant 32 : index
        %get3A_307 = tpu.vector_load %arg12[%get3A_305, %get3A_306] {strides = array<i32>} : memref<64x64xi32, #tpu.memory_space<vmem>>, vector<1x16xi32>,
        %get3A_308 = vector.shape_cast %get3A_307 : vector<1x16xi32> to vector<16xi32>
        %shift_left3A_309 = arith.constant 16 : i32
        %shift_left3A_310 = vector.broadcast %shift_left3A_309 : i32 to vector<16xi32>
        %shift_left3A_311 = arith.shli %get3A_308, %shift_left3A_310 : vector<16xi32>
        %bitcast_convert_type3A_312 = tpu.bitcast %shift_left3A_311 : vector<16xi32> -> vector<16xf32>
        %and3A_313 = arith.andi %get3A_308, %broadcast_in_dim3A_2 : vector<16xi32>
        %bitcast_convert_type3A_314 = tpu.bitcast %and3A_313 : vector<16xi32> -> vector<16xf32>
        %get3A_315 = arith.index_cast %scan3A_238 : i32 to index
        %get3A_316 = arith.constant 64 : index
        %get3A_317 = tpu.vector_load %arg10[%get3A_315, %get3A_316] {strides = array<i32>} : memref<64x128xf32, #tpu.memory_space<vmem>>, vector<1x16xf32>,
        %get3A_318 = vector.shape_cast %get3A_317 : vector<1x16xf32> to vector<16xf32>
        %get3A_319 = arith.index_cast %scan3A_238 : i32 to index
        %get3A_320 = arith.constant 80 : index
        %get3A_321 = tpu.vector_load %arg10[%get3A_319, %get3A_320] {strides = array<i32>} : memref<64x128xf32, #tpu.memory_space<vmem>>, vector<1x16xf32>,
        %get3A_322 = vector.shape_cast %get3A_321 : vector<1x16xf32> to vector<16xf32>
        %add3A_323 = arith.addf %get3A_318, %bitcast_convert_type3A_312 : vector<16xf32>
        %max3A_324 = arith.constant 0.000000e+00 : f32
        %max3A_325 = vector.broadcast %max3A_324 : f32 to vector<16xf32>
        %max3A_326 = arith.maximumf %add3A_323, %max3A_325 : vector<16xf32>
        %swap3A_327 = arith.index_cast %scan3A_238 : i32 to index
        %swap3A_328 = arith.constant 64 : index
        %swap3A_329 = tpu.vector_load %arg14[%swap3A_327, %swap3A_328] {strides = array<i32>} : memref<64x128xf32, #tpu.memory_space<vmem>>, vector<1x16xf32>,
        %swap3A_330 = vector.shape_cast %swap3A_329 : vector<1x16xf32> to vector<16xf32>
        %swap3A_331 = vector.shape_cast %max3A_326 : vector<16xf32> to vector<1x16xf32>
        tpu.vector_store %arg14[%swap3A_327, %swap3A_328], %swap3A_331 {strides = array<i32>} : memref<64x128xf32, #tpu.memory_space<vmem>>, vector<1x16xf32>,
        %add3A_332 = arith.addf %get3A_322, %bitcast_convert_type3A_314 : vector<16xf32>
        %max3A_333 = arith.constant 0.000000e+00 : f32
        %max3A_334 = vector.broadcast %max3A_333 : f32 to vector<16xf32>
        %max3A_335 = arith.maximumf %add3A_332, %max3A_334 : vector<16xf32>
        %swap3A_336 = arith.index_cast %scan3A_238 : i32 to index
        %swap3A_337 = arith.constant 80 : index
        %swap3A_338 = tpu.vector_load %arg14[%swap3A_336, %swap3A_337] {strides = array<i32>} : memref<64x128xf32, #tpu.memory_space<vmem>>, vector<1x16xf32>,
        %swap3A_339 = vector.shape_cast %swap3A_338 : vector<1x16xf32> to vector<16xf32>
        %swap3A_340 = vector.shape_cast %max3A_335 : vector<16xf32> to vector<1x16xf32>
        tpu.vector_store %arg14[%swap3A_336, %swap3A_337], %swap3A_340 {strides = array<i32>} : memref<64x128xf32, #tpu.memory_space<vmem>>, vector<1x16xf32>,
        %get3A_341 = arith.index_cast %scan3A_238 : i32 to index
        %get3A_342 = arith.constant 48 : index
        %get3A_343 = tpu.vector_load %arg12[%get3A_341, %get3A_342] {strides = array<i32>} : memref<64x64xi32, #tpu.memory_space<vmem>>, vector<1x16xi32>,
        %get3A_344 = vector.shape_cast %get3A_343 : vector<1x16xi32> to vector<16xi32>
        %shift_left3A_345 = arith.constant 16 : i32
        %shift_left3A_346 = vector.broadcast %shift_left3A_345 : i32 to vector<16xi32>
        %shift_left3A_347 = arith.shli %get3A_344, %shift_left3A_346 : vector<16xi32>
        %bitcast_convert_type3A_348 = tpu.bitcast %shift_left3A_347 : vector<16xi32> -> vector<16xf32>
        %and3A_349 = arith.andi %get3A_344, %broadcast_in_dim3A_2 : vector<16xi32>
        %bitcast_convert_type3A_350 = tpu.bitcast %and3A_349 : vector<16xi32> -> vector<16xf32>
        %get3A_351 = arith.index_cast %scan3A_238 : i32 to index
        %get3A_352 = arith.constant 96 : index
        %get3A_353 = tpu.vector_load %arg10[%get3A_351, %get3A_352] {strides = array<i32>} : memref<64x128xf32, #tpu.memory_space<vmem>>, vector<1x16xf32>,
        %get3A_354 = vector.shape_cast %get3A_353 : vector<1x16xf32> to vector<16xf32>
        %get3A_355 = arith.index_cast %scan3A_238 : i32 to index
        %get3A_356 = arith.constant 112 : index
        %get3A_357 = tpu.vector_load %arg10[%get3A_355, %get3A_356] {strides = array<i32>} : memref<64x128xf32, #tpu.memory_space<vmem>>, vector<1x16xf32>,
        %get3A_358 = vector.shape_cast %get3A_357 : vector<1x16xf32> to vector<16xf32>
        %add3A_359 = arith.addf %get3A_354, %bitcast_convert_type3A_348 : vector<16xf32>
        %max3A_360 = arith.constant 0.000000e+00 : f32
        %max3A_361 = vector.broadcast %max3A_360 : f32 to vector<16xf32>
        %max3A_362 = arith.maximumf %add3A_359, %max3A_361 : vector<16xf32>
        %swap3A_363 = arith.index_cast %scan3A_238 : i32 to index
        %swap3A_364 = arith.constant 96 : index
        %swap3A_365 = tpu.vector_load %arg14[%swap3A_363, %swap3A_364] {strides = array<i32>} : memref<64x128xf32, #tpu.memory_space<vmem>>, vector<1x16xf32>,
        %swap3A_366 = vector.shape_cast %swap3A_365 : vector<1x16xf32> to vector<16xf32>
        %swap3A_367 = vector.shape_cast %max3A_362 : vector<16xf32> to vector<1x16xf32>
        tpu.vector_store %arg14[%swap3A_363, %swap3A_364], %swap3A_367 {strides = array<i32>} : memref<64x128xf32, #tpu.memory_space<vmem>>, vector<1x16xf32>,
        %add3A_368 = arith.addf %get3A_358, %bitcast_convert_type3A_350 : vector<16xf32>
        %max3A_369 = arith.constant 0.000000e+00 : f32
        %max3A_370 = vector.broadcast %max3A_369 : f32 to vector<16xf32>
        %max3A_371 = arith.maximumf %add3A_368, %max3A_370 : vector<16xf32>
        %swap3A_372 = arith.index_cast %scan3A_238 : i32 to index
        %swap3A_373 = arith.constant 112 : index
        %swap3A_374 = tpu.vector_load %arg14[%swap3A_372, %swap3A_373] {strides = array<i32>} : memref<64x128xf32, #tpu.memory_space<vmem>>, vector<1x16xf32>,
        %swap3A_375 = vector.shape_cast %swap3A_374 : vector<1x16xf32> to vector<16xf32>
        %swap3A_376 = vector.shape_cast %max3A_371 : vector<16xf32> to vector<1x16xf32>
        tpu.vector_store %arg14[%swap3A_372, %swap3A_373], %swap3A_376 {strides = array<i32>} : memref<64x128xf32, #tpu.memory_space<vmem>>, vector<1x16xf32>,
      }
      %scan3A_231 = arith.constant 64 : i32
      %dma_start3A_232 = arith.constant 0 : i32
      %dma_start3A_233 = tpu.memref_slice %arg8[%add3A_204, %dma_start3A_232] : memref<64x64xi32, #tpu.memory_space<vmem>> -> memref<1x64xi32, #tpu.memory_space<vmem>>
      %dma_start3A_234 = tpu.memref_squeeze %dma_start3A_233 : memref<1x64xi32, #tpu.memory_space<vmem>> -> memref<64xi32, #tpu.memory_space<vmem>>
      %dma_start3A_235 = arith.constant 0 : i32
      %dma_start3A_236 = arith.constant 0 : i32
      %dma_start3A_237 = tpu.memref_slice %arg15[%dma_start3A_235, %dma_start3A_236] : memref<4096x128xf32, #tpu.memory_space<vmem_shared>> -> memref<4096x128xf32, #tpu.memory_space<vmem_shared>>
      tpu.enqueue_indirect_dma source(%arg14 : memref<64x128xf32, #tpu.memory_space<vmem>>) target(%dma_start3A_237 : memref<4096x128xf32, #tpu.memory_space<vmem_shared>>) offsets(%dma_start3A_234 : memref<64xi32, #tpu.memory_space<vmem>>) semaphore(%arg21 : memref<!tpu.dma_semaphore, #tpu.memory_space<semaphore_mem>>) {add = true}
    }
    %scan3A_59 = arith.constant 32 : i32
    %dma_wait3A = arith.constant 0 : i32
    %dma_wait3A_60 = arith.constant 0 : i32
    %dma_wait3A_61 = tpu.memref_slice %arg8[%dma_wait3A, %dma_wait3A_60] : memref<64x64xi32, #tpu.memory_space<vmem>> -> memref<1x64xi32, #tpu.memory_space<vmem>>
    %dma_wait3A_62 = tpu.memref_squeeze %dma_wait3A_61 : memref<1x64xi32, #tpu.memory_space<vmem>> -> memref<64xi32, #tpu.memory_space<vmem>>
    %dma_wait3A_63 = arith.constant 0 : i32
    %dma_wait3A_64 = arith.constant 0 : i32
    %dma_wait3A_65 = tpu.memref_slice %arg15[%dma_wait3A_63, %dma_wait3A_64] : memref<4096x128xf32, #tpu.memory_space<vmem_shared>> -> memref<4096x128xf32, #tpu.memory_space<vmem_shared>>
    tpu.wait_indirect_dma semaphore(%arg20 : memref<!tpu.dma_semaphore, #tpu.memory_space<semaphore_mem>>) src(%arg13 : memref<64x128xf32, #tpu.memory_space<vmem>>) dst(%dma_wait3A_65 : memref<4096x128xf32, #tpu.memory_space<vmem_shared>>)
    %dma_wait3A_66 = arith.constant 1 : i32
    %dma_wait3A_67 = arith.constant 0 : i32
    %dma_wait3A_68 = tpu.memref_slice %arg8[%dma_wait3A_66, %dma_wait3A_67] : memref<64x64xi32, #tpu.memory_space<vmem>> -> memref<1x64xi32, #tpu.memory_space<vmem>>
    %dma_wait3A_69 = tpu.memref_squeeze %dma_wait3A_68 : memref<1x64xi32, #tpu.memory_space<vmem>> -> memref<64xi32, #tpu.memory_space<vmem>>
    %dma_wait3A_70 = arith.constant 0 : i32
    %dma_wait3A_71 = arith.constant 0 : i32
    %dma_wait3A_72 = tpu.memref_slice %arg15[%dma_wait3A_70, %dma_wait3A_71] : memref<4096x128xf32, #tpu.memory_space<vmem_shared>> -> memref<4096x128xf32, #tpu.memory_space<vmem_shared>>
    tpu.wait_indirect_dma semaphore(%arg21 : memref<!tpu.dma_semaphore, #tpu.memory_space<semaphore_mem>>) src(%arg14 : memref<64x128xf32, #tpu.memory_space<vmem>>) dst(%dma_wait3A_72 : memref<4096x128xf32, #tpu.memory_space<vmem_shared>>)
    %barrier3A_73 = arith.constant 0 : index
    tpu.barrier barrier_id(%barrier3A_73)
    %mul3A_74 = arith.constant 256 : i32
    %mul3A_75 = arith.muli %arg1, %mul3A_74 : i32
    %mul3A_76 = arith.constant 4096 : i32
    %mul3A_77 = arith.muli %add3A_4, %mul3A_76 : i32
    %mul3A_78 = arith.constant 256 : i32
    %mul3A_79 = arith.muli %arg1, %mul3A_78 : i32
    %add3A_80 = arith.addi %mul3A_77, %mul3A_79 : i32
    "tpu.region"() ({
      %run_scoped3A = tpu.sem_alloc : memref<!tpu.dma_semaphore, #tpu.memory_space<semaphore_mem>>
      %dma_start3A_167 = arith.constant 0 : i32
      %dma_start3A_168 = tpu.memref_slice %arg6[%add3A_80, %dma_start3A_167] : memref<16384x128xf32, #tpu.memory_space<hbm>> -> memref<256x128xf32, #tpu.memory_space<hbm>>
      %dma_start3A_169 = arith.constant 0 : i32
      %dma_start3A_170 = tpu.memref_slice %arg15[%mul3A_75, %dma_start3A_169] : memref<4096x128xf32, #tpu.memory_space<vmem_shared>> -> memref<256x128xf32, #tpu.memory_space<vmem_shared>>
      tpu.enqueue_dma source(%dma_start3A_170 : memref<256x128xf32, #tpu.memory_space<vmem_shared>>) target(%dma_start3A_168 : memref<256x128xf32, #tpu.memory_space<hbm>>) target_semaphore(%run_scoped3A : memref<!tpu.dma_semaphore, #tpu.memory_space<semaphore_mem>>)
      %dma_wait3A_171 = arith.constant 0 : i32
      %dma_wait3A_172 = tpu.memref_slice %arg6[%add3A_80, %dma_wait3A_171] : memref<16384x128xf32, #tpu.memory_space<hbm>> -> memref<256x128xf32, #tpu.memory_space<hbm>>
      %dma_wait3A_173 = arith.constant 0 : i32
      %dma_wait3A_174 = tpu.memref_slice %arg15[%mul3A_75, %dma_wait3A_173] : memref<4096x128xf32, #tpu.memory_space<vmem_shared>> -> memref<256x128xf32, #tpu.memory_space<vmem_shared>>
      tpu.wait_dma2 semaphore(%run_scoped3A : memref<!tpu.dma_semaphore, #tpu.memory_space<semaphore_mem>>) src(%dma_wait3A_174 : memref<256x128xf32, #tpu.memory_space<vmem_shared>>) dst(%dma_wait3A_172 : memref<256x128xf32, #tpu.memory_space<hbm>>)
      tpu.yield
    }) : () -> ()
    %barrier3A_81 = arith.constant 0 : index
    tpu.barrier barrier_id(%barrier3A_81)
    %mul3A_82 = arith.constant 2 : i32
    %mul3A_83 = arith.muli %arg0, %mul3A_82 : i32
    %add3A_84 = arith.constant 1 : i32
    %add3A_85 = arith.addi %mul3A_83, %add3A_84 : i32
    %add3A_86 = arith.constant 4 : i32
    %add3A_87 = arith.addi %add3A_86, %add3A_85 : i32
    %mul3A_88 = arith.constant 16 : i32
    %mul3A_89 = arith.muli %add3A_87, %mul3A_88 : i32
    %add3A_90 = arith.addi %mul3A_89, %arg1 : i32
    "tpu.region"() ({
      %run_scoped3A = tpu.sem_alloc : memref<!tpu.dma_semaphore, #tpu.memory_space<semaphore_mem>>
      %dma_start3A_167 = arith.constant 0 : i32
      %dma_start3A_168 = arith.constant 0 : i32
      %dma_start3A_169 = tpu.memref_slice %arg4[%add3A_90, %dma_start3A_167, %dma_start3A_168] : memref<128x64x64xi32, #tpu.memory_space<hbm>> -> memref<1x64x64xi32, #tpu.memory_space<hbm>>
      %dma_start3A_170 = tpu.memref_squeeze %dma_start3A_169 : memref<1x64x64xi32, #tpu.memory_space<hbm>> -> memref<64x64xi32, #tpu.memory_space<hbm>>
      %dma_start3A_171 = arith.constant 0 : i32
      %dma_start3A_172 = arith.constant 0 : i32
      %dma_start3A_173 = tpu.memref_slice %arg4[%add3A_90, %dma_start3A_171, %dma_start3A_172] : memref<128x64x64xi32, #tpu.memory_space<hbm>> -> memref<1x64x64xi32, #tpu.memory_space<hbm>>
      %dma_start3A_174 = tpu.memref_squeeze %dma_start3A_173 : memref<1x64x64xi32, #tpu.memory_space<hbm>> -> memref<64x64xi32, #tpu.memory_space<hbm>>
      tpu.enqueue_dma source(%dma_start3A_174 : memref<64x64xi32, #tpu.memory_space<hbm>>) target(%arg7 : memref<64x64xi32, #tpu.memory_space<vmem>>) target_semaphore(%run_scoped3A : memref<!tpu.dma_semaphore, #tpu.memory_space<semaphore_mem>>)
      %dma_wait3A_175 = arith.constant 0 : i32
      %dma_wait3A_176 = arith.constant 0 : i32
      %dma_wait3A_177 = tpu.memref_slice %arg4[%add3A_90, %dma_wait3A_175, %dma_wait3A_176] : memref<128x64x64xi32, #tpu.memory_space<hbm>> -> memref<1x64x64xi32, #tpu.memory_space<hbm>>
      %dma_wait3A_178 = tpu.memref_squeeze %dma_wait3A_177 : memref<1x64x64xi32, #tpu.memory_space<hbm>> -> memref<64x64xi32, #tpu.memory_space<hbm>>
      %dma_wait3A_179 = arith.constant 0 : i32
      %dma_wait3A_180 = arith.constant 0 : i32
      %dma_wait3A_181 = tpu.memref_slice %arg4[%add3A_90, %dma_wait3A_179, %dma_wait3A_180] : memref<128x64x64xi32, #tpu.memory_space<hbm>> -> memref<1x64x64xi32, #tpu.memory_space<hbm>>
      %dma_wait3A_182 = tpu.memref_squeeze %dma_wait3A_181 : memref<1x64x64xi32, #tpu.memory_space<hbm>> -> memref<64x64xi32, #tpu.memory_space<hbm>>
      tpu.wait_dma2 semaphore(%run_scoped3A : memref<!tpu.dma_semaphore, #tpu.memory_space<semaphore_mem>>) src(%dma_wait3A_182 : memref<64x64xi32, #tpu.memory_space<hbm>>) dst(%arg7 : memref<64x64xi32, #tpu.memory_space<vmem>>)
      tpu.yield
    }) : () -> ()
    "tpu.region"() ({
      %run_scoped3A = tpu.sem_alloc : memref<!tpu.dma_semaphore, #tpu.memory_space<semaphore_mem>>
      %dma_start3A_167 = arith.constant 0 : i32
      %dma_start3A_168 = arith.constant 0 : i32
      %dma_start3A_169 = tpu.memref_slice %arg5[%add3A_90, %dma_start3A_167, %dma_start3A_168] : memref<128x64x64xi32, #tpu.memory_space<hbm>> -> memref<1x64x64xi32, #tpu.memory_space<hbm>>
      %dma_start3A_170 = tpu.memref_squeeze %dma_start3A_169 : memref<1x64x64xi32, #tpu.memory_space<hbm>> -> memref<64x64xi32, #tpu.memory_space<hbm>>
      %dma_start3A_171 = arith.constant 0 : i32
      %dma_start3A_172 = arith.constant 0 : i32
      %dma_start3A_173 = tpu.memref_slice %arg5[%add3A_90, %dma_start3A_171, %dma_start3A_172] : memref<128x64x64xi32, #tpu.memory_space<hbm>> -> memref<1x64x64xi32, #tpu.memory_space<hbm>>
      %dma_start3A_174 = tpu.memref_squeeze %dma_start3A_173 : memref<1x64x64xi32, #tpu.memory_space<hbm>> -> memref<64x64xi32, #tpu.memory_space<hbm>>
      tpu.enqueue_dma source(%dma_start3A_174 : memref<64x64xi32, #tpu.memory_space<hbm>>) target(%arg8 : memref<64x64xi32, #tpu.memory_space<vmem>>) target_semaphore(%run_scoped3A : memref<!tpu.dma_semaphore, #tpu.memory_space<semaphore_mem>>)
      %dma_wait3A_175 = arith.constant 0 : i32
      %dma_wait3A_176 = arith.constant 0 : i32
      %dma_wait3A_177 = tpu.memref_slice %arg5[%add3A_90, %dma_wait3A_175, %dma_wait3A_176] : memref<128x64x64xi32, #tpu.memory_space<hbm>> -> memref<1x64x64xi32, #tpu.memory_space<hbm>>
      %dma_wait3A_178 = tpu.memref_squeeze %dma_wait3A_177 : memref<1x64x64xi32, #tpu.memory_space<hbm>> -> memref<64x64xi32, #tpu.memory_space<hbm>>
      %dma_wait3A_179 = arith.constant 0 : i32
      %dma_wait3A_180 = arith.constant 0 : i32
      %dma_wait3A_181 = tpu.memref_slice %arg5[%add3A_90, %dma_wait3A_179, %dma_wait3A_180] : memref<128x64x64xi32, #tpu.memory_space<hbm>> -> memref<1x64x64xi32, #tpu.memory_space<hbm>>
      %dma_wait3A_182 = tpu.memref_squeeze %dma_wait3A_181 : memref<1x64x64xi32, #tpu.memory_space<hbm>> -> memref<64x64xi32, #tpu.memory_space<hbm>>
      tpu.wait_dma2 semaphore(%run_scoped3A : memref<!tpu.dma_semaphore, #tpu.memory_space<semaphore_mem>>) src(%dma_wait3A_182 : memref<64x64xi32, #tpu.memory_space<hbm>>) dst(%arg8 : memref<64x64xi32, #tpu.memory_space<vmem>>)
      tpu.yield
    }) : () -> ()
    %add3A_91 = arith.constant 4 : i32
    %add3A_92 = arith.addi %add3A_91, %add3A_85 : i32
    %mul3A_93 = arith.constant 4096 : i32
    %mul3A_94 = arith.muli %add3A_92, %mul3A_93 : i32
    %broadcast_in_dim3A_95 = vector.broadcast %mul3A_94 : i32 to vector<16xi32>
    %scan3A_96 = arith.constant 0 : i32
    %scan3A_97 = arith.constant 64 : i32
    %scan3A_98 = arith.addi %scan3A_96, %scan3A_97 : i32
    %scan3A_99 = arith.constant 1 : i32
    scf.for %scan3A_167 = %scan3A_96 to %scan3A_98 step %scan3A_99  : i32 {
      %get3A = arith.index_cast %scan3A_167 : i32 to index
      %get3A_168 = arith.constant 0 : index
      %get3A_169 = tpu.vector_load %arg7[%get3A, %get3A_168] {strides = array<i32>} : memref<64x64xi32, #tpu.memory_space<vmem>>, vector<1x16xi32>,
      %get3A_170 = vector.shape_cast %get3A_169 : vector<1x16xi32> to vector<16xi32>
      %add3A_171 = arith.addi %get3A_170, %broadcast_in_dim3A_95 : vector<16xi32>
      %swap3A = arith.index_cast %scan3A_167 : i32 to index
      %swap3A_172 = arith.constant 0 : index
      %swap3A_173 = tpu.vector_load %arg7[%swap3A, %swap3A_172] {strides = array<i32>} : memref<64x64xi32, #tpu.memory_space<vmem>>, vector<1x16xi32>,
      %swap3A_174 = vector.shape_cast %swap3A_173 : vector<1x16xi32> to vector<16xi32>
      %swap3A_175 = vector.shape_cast %add3A_171 : vector<16xi32> to vector<1x16xi32>
      tpu.vector_store %arg7[%swap3A, %swap3A_172], %swap3A_175 {strides = array<i32>} : memref<64x64xi32, #tpu.memory_space<vmem>>, vector<1x16xi32>,
      %get3A_176 = arith.index_cast %scan3A_167 : i32 to index
      %get3A_177 = arith.constant 16 : index
      %get3A_178 = tpu.vector_load %arg7[%get3A_176, %get3A_177] {strides = array<i32>} : memref<64x64xi32, #tpu.memory_space<vmem>>, vector<1x16xi32>,
      %get3A_179 = vector.shape_cast %get3A_178 : vector<1x16xi32> to vector<16xi32>
      %add3A_180 = arith.addi %get3A_179, %broadcast_in_dim3A_95 : vector<16xi32>
      %swap3A_181 = arith.index_cast %scan3A_167 : i32 to index
      %swap3A_182 = arith.constant 16 : index
      %swap3A_183 = tpu.vector_load %arg7[%swap3A_181, %swap3A_182] {strides = array<i32>} : memref<64x64xi32, #tpu.memory_space<vmem>>, vector<1x16xi32>,
      %swap3A_184 = vector.shape_cast %swap3A_183 : vector<1x16xi32> to vector<16xi32>
      %swap3A_185 = vector.shape_cast %add3A_180 : vector<16xi32> to vector<1x16xi32>
      tpu.vector_store %arg7[%swap3A_181, %swap3A_182], %swap3A_185 {strides = array<i32>} : memref<64x64xi32, #tpu.memory_space<vmem>>, vector<1x16xi32>,
      %get3A_186 = arith.index_cast %scan3A_167 : i32 to index
      %get3A_187 = arith.constant 32 : index
      %get3A_188 = tpu.vector_load %arg7[%get3A_186, %get3A_187] {strides = array<i32>} : memref<64x64xi32, #tpu.memory_space<vmem>>, vector<1x16xi32>,
      %get3A_189 = vector.shape_cast %get3A_188 : vector<1x16xi32> to vector<16xi32>
      %add3A_190 = arith.addi %get3A_189, %broadcast_in_dim3A_95 : vector<16xi32>
      %swap3A_191 = arith.index_cast %scan3A_167 : i32 to index
      %swap3A_192 = arith.constant 32 : index
      %swap3A_193 = tpu.vector_load %arg7[%swap3A_191, %swap3A_192] {strides = array<i32>} : memref<64x64xi32, #tpu.memory_space<vmem>>, vector<1x16xi32>,
      %swap3A_194 = vector.shape_cast %swap3A_193 : vector<1x16xi32> to vector<16xi32>
      %swap3A_195 = vector.shape_cast %add3A_190 : vector<16xi32> to vector<1x16xi32>
      tpu.vector_store %arg7[%swap3A_191, %swap3A_192], %swap3A_195 {strides = array<i32>} : memref<64x64xi32, #tpu.memory_space<vmem>>, vector<1x16xi32>,
      %get3A_196 = arith.index_cast %scan3A_167 : i32 to index
      %get3A_197 = arith.constant 48 : index
      %get3A_198 = tpu.vector_load %arg7[%get3A_196, %get3A_197] {strides = array<i32>} : memref<64x64xi32, #tpu.memory_space<vmem>>, vector<1x16xi32>,
      %get3A_199 = vector.shape_cast %get3A_198 : vector<1x16xi32> to vector<16xi32>
      %add3A_200 = arith.addi %get3A_199, %broadcast_in_dim3A_95 : vector<16xi32>
      %swap3A_201 = arith.index_cast %scan3A_167 : i32 to index
      %swap3A_202 = arith.constant 48 : index
      %swap3A_203 = tpu.vector_load %arg7[%swap3A_201, %swap3A_202] {strides = array<i32>} : memref<64x64xi32, #tpu.memory_space<vmem>>, vector<1x16xi32>,
      %swap3A_204 = vector.shape_cast %swap3A_203 : vector<1x16xi32> to vector<16xi32>
      %swap3A_205 = vector.shape_cast %add3A_200 : vector<16xi32> to vector<1x16xi32>
      tpu.vector_store %arg7[%swap3A_201, %swap3A_202], %swap3A_205 {strides = array<i32>} : memref<64x64xi32, #tpu.memory_space<vmem>>, vector<1x16xi32>,
    }
    %scan3A_100 = arith.constant 64 : i32
    %scan3A_101 = arith.constant 0 : i32
    %scan3A_102 = arith.constant 64 : i32
    %scan3A_103 = arith.addi %scan3A_101, %scan3A_102 : i32
    %scan3A_104 = arith.constant 1 : i32
    scf.for %scan3A_167 = %scan3A_101 to %scan3A_103 step %scan3A_104  : i32 {
      %swap3A = arith.index_cast %scan3A_167 : i32 to index
      %swap3A_168 = arith.constant 0 : index
      %swap3A_169 = tpu.vector_load %arg13[%swap3A, %swap3A_168] {strides = array<i32>} : memref<64x128xf32, #tpu.memory_space<vmem>>, vector<1x16xf32>,
      %swap3A_170 = vector.shape_cast %swap3A_169 : vector<1x16xf32> to vector<16xf32>
      %swap3A_171 = vector.shape_cast %broadcast_in_dim3A_0 : vector<16xf32> to vector<1x16xf32>
      tpu.vector_store %arg13[%swap3A, %swap3A_168], %swap3A_171 {strides = array<i32>} : memref<64x128xf32, #tpu.memory_space<vmem>>, vector<1x16xf32>,
      %swap3A_172 = arith.index_cast %scan3A_167 : i32 to index
      %swap3A_173 = arith.constant 16 : index
      %swap3A_174 = tpu.vector_load %arg13[%swap3A_172, %swap3A_173] {strides = array<i32>} : memref<64x128xf32, #tpu.memory_space<vmem>>, vector<1x16xf32>,
      %swap3A_175 = vector.shape_cast %swap3A_174 : vector<1x16xf32> to vector<16xf32>
      %swap3A_176 = vector.shape_cast %broadcast_in_dim3A_0 : vector<16xf32> to vector<1x16xf32>
      tpu.vector_store %arg13[%swap3A_172, %swap3A_173], %swap3A_176 {strides = array<i32>} : memref<64x128xf32, #tpu.memory_space<vmem>>, vector<1x16xf32>,
      %swap3A_177 = arith.index_cast %scan3A_167 : i32 to index
      %swap3A_178 = arith.constant 32 : index
      %swap3A_179 = tpu.vector_load %arg13[%swap3A_177, %swap3A_178] {strides = array<i32>} : memref<64x128xf32, #tpu.memory_space<vmem>>, vector<1x16xf32>,
      %swap3A_180 = vector.shape_cast %swap3A_179 : vector<1x16xf32> to vector<16xf32>
      %swap3A_181 = vector.shape_cast %broadcast_in_dim3A_0 : vector<16xf32> to vector<1x16xf32>
      tpu.vector_store %arg13[%swap3A_177, %swap3A_178], %swap3A_181 {strides = array<i32>} : memref<64x128xf32, #tpu.memory_space<vmem>>, vector<1x16xf32>,
      %swap3A_182 = arith.index_cast %scan3A_167 : i32 to index
      %swap3A_183 = arith.constant 48 : index
      %swap3A_184 = tpu.vector_load %arg13[%swap3A_182, %swap3A_183] {strides = array<i32>} : memref<64x128xf32, #tpu.memory_space<vmem>>, vector<1x16xf32>,
      %swap3A_185 = vector.shape_cast %swap3A_184 : vector<1x16xf32> to vector<16xf32>
      %swap3A_186 = vector.shape_cast %broadcast_in_dim3A_0 : vector<16xf32> to vector<1x16xf32>
      tpu.vector_store %arg13[%swap3A_182, %swap3A_183], %swap3A_186 {strides = array<i32>} : memref<64x128xf32, #tpu.memory_space<vmem>>, vector<1x16xf32>,
      %swap3A_187 = arith.index_cast %scan3A_167 : i32 to index
      %swap3A_188 = arith.constant 64 : index
      %swap3A_189 = tpu.vector_load %arg13[%swap3A_187, %swap3A_188] {strides = array<i32>} : memref<64x128xf32, #tpu.memory_space<vmem>>, vector<1x16xf32>,
      %swap3A_190 = vector.shape_cast %swap3A_189 : vector<1x16xf32> to vector<16xf32>
      %swap3A_191 = vector.shape_cast %broadcast_in_dim3A_0 : vector<16xf32> to vector<1x16xf32>
      tpu.vector_store %arg13[%swap3A_187, %swap3A_188], %swap3A_191 {strides = array<i32>} : memref<64x128xf32, #tpu.memory_space<vmem>>, vector<1x16xf32>,
      %swap3A_192 = arith.index_cast %scan3A_167 : i32 to index
      %swap3A_193 = arith.constant 80 : index
      %swap3A_194 = tpu.vector_load %arg13[%swap3A_192, %swap3A_193] {strides = array<i32>} : memref<64x128xf32, #tpu.memory_space<vmem>>, vector<1x16xf32>,
      %swap3A_195 = vector.shape_cast %swap3A_194 : vector<1x16xf32> to vector<16xf32>
      %swap3A_196 = vector.shape_cast %broadcast_in_dim3A_0 : vector<16xf32> to vector<1x16xf32>
      tpu.vector_store %arg13[%swap3A_192, %swap3A_193], %swap3A_196 {strides = array<i32>} : memref<64x128xf32, #tpu.memory_space<vmem>>, vector<1x16xf32>,
      %swap3A_197 = arith.index_cast %scan3A_167 : i32 to index
      %swap3A_198 = arith.constant 96 : index
      %swap3A_199 = tpu.vector_load %arg13[%swap3A_197, %swap3A_198] {strides = array<i32>} : memref<64x128xf32, #tpu.memory_space<vmem>>, vector<1x16xf32>,
      %swap3A_200 = vector.shape_cast %swap3A_199 : vector<1x16xf32> to vector<16xf32>
      %swap3A_201 = vector.shape_cast %broadcast_in_dim3A_0 : vector<16xf32> to vector<1x16xf32>
      tpu.vector_store %arg13[%swap3A_197, %swap3A_198], %swap3A_201 {strides = array<i32>} : memref<64x128xf32, #tpu.memory_space<vmem>>, vector<1x16xf32>,
      %swap3A_202 = arith.index_cast %scan3A_167 : i32 to index
      %swap3A_203 = arith.constant 112 : index
      %swap3A_204 = tpu.vector_load %arg13[%swap3A_202, %swap3A_203] {strides = array<i32>} : memref<64x128xf32, #tpu.memory_space<vmem>>, vector<1x16xf32>,
      %swap3A_205 = vector.shape_cast %swap3A_204 : vector<1x16xf32> to vector<16xf32>
      %swap3A_206 = vector.shape_cast %broadcast_in_dim3A_0 : vector<16xf32> to vector<1x16xf32>
      tpu.vector_store %arg13[%swap3A_202, %swap3A_203], %swap3A_206 {strides = array<i32>} : memref<64x128xf32, #tpu.memory_space<vmem>>, vector<1x16xf32>,
    }
    %scan3A_105 = arith.constant 64 : i32
    %mul3A_106 = arith.constant 256 : i32
    %mul3A_107 = arith.muli %arg1, %mul3A_106 : i32
    %add3A_108 = arith.constant 0 : i32
    %add3A_109 = arith.addi %mul3A_107, %add3A_108 : i32
    "tpu.region"() ({
      %run_scoped3A = tpu.sem_alloc : memref<!tpu.dma_semaphore, #tpu.memory_space<semaphore_mem>>
      %dma_start3A_167 = arith.constant 0 : i32
      %dma_start3A_168 = tpu.memref_slice %arg15[%add3A_109, %dma_start3A_167] : memref<4096x128xf32, #tpu.memory_space<vmem_shared>> -> memref<64x128xf32, #tpu.memory_space<vmem_shared>>
      %dma_start3A_169 = arith.constant 0 : i32
      %dma_start3A_170 = tpu.memref_slice %arg15[%add3A_109, %dma_start3A_169] : memref<4096x128xf32, #tpu.memory_space<vmem_shared>> -> memref<64x128xf32, #tpu.memory_space<vmem_shared>>
      tpu.enqueue_dma source(%arg13 : memref<64x128xf32, #tpu.memory_space<vmem>>) target(%dma_start3A_170 : memref<64x128xf32, #tpu.memory_space<vmem_shared>>) target_semaphore(%run_scoped3A : memref<!tpu.dma_semaphore, #tpu.memory_space<semaphore_mem>>)
      %dma_wait3A_171 = arith.constant 0 : i32
      %dma_wait3A_172 = tpu.memref_slice %arg15[%add3A_109, %dma_wait3A_171] : memref<4096x128xf32, #tpu.memory_space<vmem_shared>> -> memref<64x128xf32, #tpu.memory_space<vmem_shared>>
      %dma_wait3A_173 = arith.constant 0 : i32
      %dma_wait3A_174 = tpu.memref_slice %arg15[%add3A_109, %dma_wait3A_173] : memref<4096x128xf32, #tpu.memory_space<vmem_shared>> -> memref<64x128xf32, #tpu.memory_space<vmem_shared>>
      tpu.wait_dma2 semaphore(%run_scoped3A : memref<!tpu.dma_semaphore, #tpu.memory_space<semaphore_mem>>) src(%arg13 : memref<64x128xf32, #tpu.memory_space<vmem>>) dst(%dma_wait3A_174 : memref<64x128xf32, #tpu.memory_space<vmem_shared>>)
      tpu.yield
    }) : () -> ()
    %mul3A_110 = arith.constant 256 : i32
    %mul3A_111 = arith.muli %arg1, %mul3A_110 : i32
    %add3A_112 = arith.constant 64 : i32
    %add3A_113 = arith.addi %mul3A_111, %add3A_112 : i32
    "tpu.region"() ({
      %run_scoped3A = tpu.sem_alloc : memref<!tpu.dma_semaphore, #tpu.memory_space<semaphore_mem>>
      %dma_start3A_167 = arith.constant 0 : i32
      %dma_start3A_168 = tpu.memref_slice %arg15[%add3A_113, %dma_start3A_167] : memref<4096x128xf32, #tpu.memory_space<vmem_shared>> -> memref<64x128xf32, #tpu.memory_space<vmem_shared>>
      %dma_start3A_169 = arith.constant 0 : i32
      %dma_start3A_170 = tpu.memref_slice %arg15[%add3A_113, %dma_start3A_169] : memref<4096x128xf32, #tpu.memory_space<vmem_shared>> -> memref<64x128xf32, #tpu.memory_space<vmem_shared>>
      tpu.enqueue_dma source(%arg13 : memref<64x128xf32, #tpu.memory_space<vmem>>) target(%dma_start3A_170 : memref<64x128xf32, #tpu.memory_space<vmem_shared>>) target_semaphore(%run_scoped3A : memref<!tpu.dma_semaphore, #tpu.memory_space<semaphore_mem>>)
      %dma_wait3A_171 = arith.constant 0 : i32
      %dma_wait3A_172 = tpu.memref_slice %arg15[%add3A_113, %dma_wait3A_171] : memref<4096x128xf32, #tpu.memory_space<vmem_shared>> -> memref<64x128xf32, #tpu.memory_space<vmem_shared>>
      %dma_wait3A_173 = arith.constant 0 : i32
      %dma_wait3A_174 = tpu.memref_slice %arg15[%add3A_113, %dma_wait3A_173] : memref<4096x128xf32, #tpu.memory_space<vmem_shared>> -> memref<64x128xf32, #tpu.memory_space<vmem_shared>>
      tpu.wait_dma2 semaphore(%run_scoped3A : memref<!tpu.dma_semaphore, #tpu.memory_space<semaphore_mem>>) src(%arg13 : memref<64x128xf32, #tpu.memory_space<vmem>>) dst(%dma_wait3A_174 : memref<64x128xf32, #tpu.memory_space<vmem_shared>>)
      tpu.yield
    }) : () -> ()
    %mul3A_114 = arith.constant 256 : i32
    %mul3A_115 = arith.muli %arg1, %mul3A_114 : i32
    %add3A_116 = arith.constant 128 : i32
    %add3A_117 = arith.addi %mul3A_115, %add3A_116 : i32
    "tpu.region"() ({
      %run_scoped3A = tpu.sem_alloc : memref<!tpu.dma_semaphore, #tpu.memory_space<semaphore_mem>>
      %dma_start3A_167 = arith.constant 0 : i32
      %dma_start3A_168 = tpu.memref_slice %arg15[%add3A_117, %dma_start3A_167] : memref<4096x128xf32, #tpu.memory_space<vmem_shared>> -> memref<64x128xf32, #tpu.memory_space<vmem_shared>>
      %dma_start3A_169 = arith.constant 0 : i32
      %dma_start3A_170 = tpu.memref_slice %arg15[%add3A_117, %dma_start3A_169] : memref<4096x128xf32, #tpu.memory_space<vmem_shared>> -> memref<64x128xf32, #tpu.memory_space<vmem_shared>>
      tpu.enqueue_dma source(%arg13 : memref<64x128xf32, #tpu.memory_space<vmem>>) target(%dma_start3A_170 : memref<64x128xf32, #tpu.memory_space<vmem_shared>>) target_semaphore(%run_scoped3A : memref<!tpu.dma_semaphore, #tpu.memory_space<semaphore_mem>>)
      %dma_wait3A_171 = arith.constant 0 : i32
      %dma_wait3A_172 = tpu.memref_slice %arg15[%add3A_117, %dma_wait3A_171] : memref<4096x128xf32, #tpu.memory_space<vmem_shared>> -> memref<64x128xf32, #tpu.memory_space<vmem_shared>>
      %dma_wait3A_173 = arith.constant 0 : i32
      %dma_wait3A_174 = tpu.memref_slice %arg15[%add3A_117, %dma_wait3A_173] : memref<4096x128xf32, #tpu.memory_space<vmem_shared>> -> memref<64x128xf32, #tpu.memory_space<vmem_shared>>
      tpu.wait_dma2 semaphore(%run_scoped3A : memref<!tpu.dma_semaphore, #tpu.memory_space<semaphore_mem>>) src(%arg13 : memref<64x128xf32, #tpu.memory_space<vmem>>) dst(%dma_wait3A_174 : memref<64x128xf32, #tpu.memory_space<vmem_shared>>)
      tpu.yield
    }) : () -> ()
    %mul3A_118 = arith.constant 256 : i32
    %mul3A_119 = arith.muli %arg1, %mul3A_118 : i32
    %add3A_120 = arith.constant 192 : i32
    %add3A_121 = arith.addi %mul3A_119, %add3A_120 : i32
    "tpu.region"() ({
      %run_scoped3A = tpu.sem_alloc : memref<!tpu.dma_semaphore, #tpu.memory_space<semaphore_mem>>
      %dma_start3A_167 = arith.constant 0 : i32
      %dma_start3A_168 = tpu.memref_slice %arg15[%add3A_121, %dma_start3A_167] : memref<4096x128xf32, #tpu.memory_space<vmem_shared>> -> memref<64x128xf32, #tpu.memory_space<vmem_shared>>
      %dma_start3A_169 = arith.constant 0 : i32
      %dma_start3A_170 = tpu.memref_slice %arg15[%add3A_121, %dma_start3A_169] : memref<4096x128xf32, #tpu.memory_space<vmem_shared>> -> memref<64x128xf32, #tpu.memory_space<vmem_shared>>
      tpu.enqueue_dma source(%arg13 : memref<64x128xf32, #tpu.memory_space<vmem>>) target(%dma_start3A_170 : memref<64x128xf32, #tpu.memory_space<vmem_shared>>) target_semaphore(%run_scoped3A : memref<!tpu.dma_semaphore, #tpu.memory_space<semaphore_mem>>)
      %dma_wait3A_171 = arith.constant 0 : i32
      %dma_wait3A_172 = tpu.memref_slice %arg15[%add3A_121, %dma_wait3A_171] : memref<4096x128xf32, #tpu.memory_space<vmem_shared>> -> memref<64x128xf32, #tpu.memory_space<vmem_shared>>
      %dma_wait3A_173 = arith.constant 0 : i32
      %dma_wait3A_174 = tpu.memref_slice %arg15[%add3A_121, %dma_wait3A_173] : memref<4096x128xf32, #tpu.memory_space<vmem_shared>> -> memref<64x128xf32, #tpu.memory_space<vmem_shared>>
      tpu.wait_dma2 semaphore(%run_scoped3A : memref<!tpu.dma_semaphore, #tpu.memory_space<semaphore_mem>>) src(%arg13 : memref<64x128xf32, #tpu.memory_space<vmem>>) dst(%dma_wait3A_174 : memref<64x128xf32, #tpu.memory_space<vmem_shared>>)
      tpu.yield
    }) : () -> ()
    %barrier3A_122 = arith.constant 0 : index
    tpu.barrier barrier_id(%barrier3A_122)
    %mul3A_123 = arith.constant 65536 : i32
    %mul3A_124 = arith.muli %add3A_85, %mul3A_123 : i32
    %mul3A_125 = arith.constant 4096 : i32
    %mul3A_126 = arith.muli %arg1, %mul3A_125 : i32
    %add3A_127 = arith.addi %mul3A_124, %mul3A_126 : i32
    %dma_start3A_128 = arith.constant 0 : i32
    %dma_start3A_129 = arith.constant 0 : i32
    %dma_start3A_130 = tpu.memref_slice %arg7[%dma_start3A_128, %dma_start3A_129] : memref<64x64xi32, #tpu.memory_space<vmem>> -> memref<1x64xi32, #tpu.memory_space<vmem>>
    %dma_start3A_131 = tpu.memref_squeeze %dma_start3A_130 : memref<1x64xi32, #tpu.memory_space<vmem>> -> memref<64xi32, #tpu.memory_space<vmem>>
    %dma_start3A_132 = arith.constant 0 : i32
    %dma_start3A_133 = arith.constant 0 : i32
    %dma_start3A_134 = tpu.memref_slice %arg2[%dma_start3A_132, %dma_start3A_133] : memref<32768x128xf32, #tpu.memory_space<hbm>> -> memref<32768x128xf32, #tpu.memory_space<hbm>>
    tpu.enqueue_indirect_dma source(%dma_start3A_134 : memref<32768x128xf32, #tpu.memory_space<hbm>>) target(%arg9 : memref<64x128xf32, #tpu.memory_space<vmem>>) offsets(%dma_start3A_131 : memref<64xi32, #tpu.memory_space<vmem>>) semaphore(%arg16 : memref<!tpu.dma_semaphore, #tpu.memory_space<semaphore_mem>>)
    %dma_start3A_135 = arith.constant 0 : i32
    %dma_start3A_136 = tpu.memref_slice %arg3[%add3A_127, %dma_start3A_135] : memref<262144x64xi32, #tpu.memory_space<hbm>> -> memref<64x64xi32, #tpu.memory_space<hbm>>
    %dma_start3A_137 = arith.constant 0 : i32
    %dma_start3A_138 = tpu.memref_slice %arg3[%add3A_127, %dma_start3A_137] : memref<262144x64xi32, #tpu.memory_space<hbm>> -> memref<64x64xi32, #tpu.memory_space<hbm>>
    tpu.enqueue_dma source(%dma_start3A_138 : memref<64x64xi32, #tpu.memory_space<hbm>>) target(%arg11 : memref<64x64xi32, #tpu.memory_space<vmem>>) target_semaphore(%arg18 : memref<!tpu.dma_semaphore, #tpu.memory_space<semaphore_mem>>)
    %scan3A_139 = arith.constant 0 : i32
    %scan3A_140 = arith.constant 32 : i32
    %scan3A_141 = arith.addi %scan3A_139, %scan3A_140 : i32
    %scan3A_142 = arith.constant 1 : i32
    scf.for %scan3A_167 = %scan3A_139 to %scan3A_141 step %scan3A_142  : i32 {
      %mul3A_168 = arith.constant 2 : i32
      %mul3A_169 = arith.muli %scan3A_167, %mul3A_168 : i32
      %add3A_170 = arith.constant 0 : i32
      %add3A_171 = arith.addi %mul3A_169, %add3A_170 : i32
      %add3A_172 = arith.constant 1 : i32
      %add3A_173 = arith.addi %add3A_171, %add3A_172 : i32
      %lt3A = arith.constant 64 : i32
      %lt3A_174 = arith.cmpi slt, %add3A_173, %lt3A : i32
      %convert_element_type3A = arith.extui %lt3A_174 : i1 to i32
      %cond3A = arith.constant 0 : i32
      %cond3A_175 = arith.cmpi ne, %convert_element_type3A, %cond3A : i32
      scf.if %cond3A_175 {
        %add3A_238 = arith.constant 1 : i32
        %add3A_239 = arith.addi %add3A_171, %add3A_238 : i32
        %dma_start3A_240 = arith.constant 0 : i32
        %dma_start3A_241 = tpu.memref_slice %arg7[%add3A_239, %dma_start3A_240] : memref<64x64xi32, #tpu.memory_space<vmem>> -> memref<1x64xi32, #tpu.memory_space<vmem>>
        %dma_start3A_242 = tpu.memref_squeeze %dma_start3A_241 : memref<1x64xi32, #tpu.memory_space<vmem>> -> memref<64xi32, #tpu.memory_space<vmem>>
        %dma_start3A_243 = arith.constant 0 : i32
        %dma_start3A_244 = arith.constant 0 : i32
        %dma_start3A_245 = tpu.memref_slice %arg2[%dma_start3A_243, %dma_start3A_244] : memref<32768x128xf32, #tpu.memory_space<hbm>> -> memref<32768x128xf32, #tpu.memory_space<hbm>>
        tpu.enqueue_indirect_dma source(%dma_start3A_245 : memref<32768x128xf32, #tpu.memory_space<hbm>>) target(%arg10 : memref<64x128xf32, #tpu.memory_space<vmem>>) offsets(%dma_start3A_242 : memref<64xi32, #tpu.memory_space<vmem>>) semaphore(%arg17 : memref<!tpu.dma_semaphore, #tpu.memory_space<semaphore_mem>>)
        %add3A_246 = arith.constant 1 : i32
        %add3A_247 = arith.addi %add3A_171, %add3A_246 : i32
        %mul3A_248 = arith.constant 64 : i32
        %mul3A_249 = arith.muli %add3A_247, %mul3A_248 : i32
        %add3A_250 = arith.addi %add3A_127, %mul3A_249 : i32
        %dma_start3A_251 = arith.constant 0 : i32
        %dma_start3A_252 = tpu.memref_slice %arg3[%add3A_250, %dma_start3A_251] : memref<262144x64xi32, #tpu.memory_space<hbm>> -> memref<64x64xi32, #tpu.memory_space<hbm>>
        %dma_start3A_253 = arith.constant 0 : i32
        %dma_start3A_254 = tpu.memref_slice %arg3[%add3A_250, %dma_start3A_253] : memref<262144x64xi32, #tpu.memory_space<hbm>> -> memref<64x64xi32, #tpu.memory_space<hbm>>
        tpu.enqueue_dma source(%dma_start3A_254 : memref<64x64xi32, #tpu.memory_space<hbm>>) target(%arg12 : memref<64x64xi32, #tpu.memory_space<vmem>>) target_semaphore(%arg19 : memref<!tpu.dma_semaphore, #tpu.memory_space<semaphore_mem>>)
      } else {
      }
      %dma_wait3A_176 = arith.constant 0 : i32
      %dma_wait3A_177 = tpu.memref_slice %arg7[%add3A_171, %dma_wait3A_176] : memref<64x64xi32, #tpu.memory_space<vmem>> -> memref<1x64xi32, #tpu.memory_space<vmem>>
      %dma_wait3A_178 = tpu.memref_squeeze %dma_wait3A_177 : memref<1x64xi32, #tpu.memory_space<vmem>> -> memref<64xi32, #tpu.memory_space<vmem>>
      %dma_wait3A_179 = arith.constant 0 : i32
      %dma_wait3A_180 = arith.constant 0 : i32
      %dma_wait3A_181 = tpu.memref_slice %arg2[%dma_wait3A_179, %dma_wait3A_180] : memref<32768x128xf32, #tpu.memory_space<hbm>> -> memref<32768x128xf32, #tpu.memory_space<hbm>>
      tpu.wait_indirect_dma semaphore(%arg16 : memref<!tpu.dma_semaphore, #tpu.memory_space<semaphore_mem>>) src(%dma_wait3A_181 : memref<32768x128xf32, #tpu.memory_space<hbm>>) dst(%arg9 : memref<64x128xf32, #tpu.memory_space<vmem>>)
      %dma_wait3A_182 = arith.constant 0 : i32
      %dma_wait3A_183 = tpu.memref_slice %arg3[%add3A_127, %dma_wait3A_182] : memref<262144x64xi32, #tpu.memory_space<hbm>> -> memref<64x64xi32, #tpu.memory_space<hbm>>
      %dma_wait3A_184 = arith.constant 0 : i32
      %dma_wait3A_185 = tpu.memref_slice %arg3[%add3A_127, %dma_wait3A_184] : memref<262144x64xi32, #tpu.memory_space<hbm>> -> memref<64x64xi32, #tpu.memory_space<hbm>>
      tpu.wait_dma2 semaphore(%arg18 : memref<!tpu.dma_semaphore, #tpu.memory_space<semaphore_mem>>) src(%dma_wait3A_185 : memref<64x64xi32, #tpu.memory_space<hbm>>) dst(%arg11 : memref<64x64xi32, #tpu.memory_space<vmem>>)
      %ge3A = arith.constant 2 : i32
      %ge3A_186 = arith.cmpi sge, %add3A_171, %ge3A : i32
      %convert_element_type3A_187 = arith.extui %ge3A_186 : i1 to i32
      %cond3A_188 = arith.constant 0 : i32
      %cond3A_189 = arith.cmpi ne, %convert_element_type3A_187, %cond3A_188 : i32
      scf.if %cond3A_189 {
        %dma_wait3A_238 = arith.constant 0 : i32
        %dma_wait3A_239 = tpu.memref_slice %arg8[%add3A_171, %dma_wait3A_238] : memref<64x64xi32, #tpu.memory_space<vmem>> -> memref<1x64xi32, #tpu.memory_space<vmem>>
        %dma_wait3A_240 = tpu.memref_squeeze %dma_wait3A_239 : memref<1x64xi32, #tpu.memory_space<vmem>> -> memref<64xi32, #tpu.memory_space<vmem>>
        %dma_wait3A_241 = arith.constant 0 : i32
        %dma_wait3A_242 = arith.constant 0 : i32
        %dma_wait3A_243 = tpu.memref_slice %arg15[%dma_wait3A_241, %dma_wait3A_242] : memref<4096x128xf32, #tpu.memory_space<vmem_shared>> -> memref<4096x128xf32, #tpu.memory_space<vmem_shared>>
        tpu.wait_indirect_dma semaphore(%arg20 : memref<!tpu.dma_semaphore, #tpu.memory_space<semaphore_mem>>) src(%arg13 : memref<64x128xf32, #tpu.memory_space<vmem>>) dst(%dma_wait3A_243 : memref<4096x128xf32, #tpu.memory_space<vmem_shared>>)
      } else {
      }
      %scan3A_190 = arith.constant 0 : i32
      %scan3A_191 = arith.constant 64 : i32
      %scan3A_192 = arith.addi %scan3A_190, %scan3A_191 : i32
      %scan3A_193 = arith.constant 1 : i32
      scf.for %scan3A_238 = %scan3A_190 to %scan3A_192 step %scan3A_193  : i32 {
        %get3A = arith.index_cast %scan3A_238 : i32 to index
        %get3A_239 = arith.constant 0 : index
        %get3A_240 = tpu.vector_load %arg11[%get3A, %get3A_239] {strides = array<i32>} : memref<64x64xi32, #tpu.memory_space<vmem>>, vector<1x16xi32>,
        %get3A_241 = vector.shape_cast %get3A_240 : vector<1x16xi32> to vector<16xi32>
        %shift_left3A = arith.constant 16 : i32
        %shift_left3A_242 = vector.broadcast %shift_left3A : i32 to vector<16xi32>
        %shift_left3A_243 = arith.shli %get3A_241, %shift_left3A_242 : vector<16xi32>
        %bitcast_convert_type3A = tpu.bitcast %shift_left3A_243 : vector<16xi32> -> vector<16xf32>
        %and3A = arith.andi %get3A_241, %broadcast_in_dim3A_2 : vector<16xi32>
        %bitcast_convert_type3A_244 = tpu.bitcast %and3A : vector<16xi32> -> vector<16xf32>
        %get3A_245 = arith.index_cast %scan3A_238 : i32 to index
        %get3A_246 = arith.constant 0 : index
        %get3A_247 = tpu.vector_load %arg9[%get3A_245, %get3A_246] {strides = array<i32>} : memref<64x128xf32, #tpu.memory_space<vmem>>, vector<1x16xf32>,
        %get3A_248 = vector.shape_cast %get3A_247 : vector<1x16xf32> to vector<16xf32>
        %get3A_249 = arith.index_cast %scan3A_238 : i32 to index
        %get3A_250 = arith.constant 16 : index
        %get3A_251 = tpu.vector_load %arg9[%get3A_249, %get3A_250] {strides = array<i32>} : memref<64x128xf32, #tpu.memory_space<vmem>>, vector<1x16xf32>,
        %get3A_252 = vector.shape_cast %get3A_251 : vector<1x16xf32> to vector<16xf32>
        %add3A_253 = arith.addf %get3A_248, %bitcast_convert_type3A : vector<16xf32>
        %max3A = arith.constant 0.000000e+00 : f32
        %max3A_254 = vector.broadcast %max3A : f32 to vector<16xf32>
        %max3A_255 = arith.maximumf %add3A_253, %max3A_254 : vector<16xf32>
        %swap3A = arith.index_cast %scan3A_238 : i32 to index
        %swap3A_256 = arith.constant 0 : index
        %swap3A_257 = tpu.vector_load %arg13[%swap3A, %swap3A_256] {strides = array<i32>} : memref<64x128xf32, #tpu.memory_space<vmem>>, vector<1x16xf32>,
        %swap3A_258 = vector.shape_cast %swap3A_257 : vector<1x16xf32> to vector<16xf32>
        %swap3A_259 = vector.shape_cast %max3A_255 : vector<16xf32> to vector<1x16xf32>
        tpu.vector_store %arg13[%swap3A, %swap3A_256], %swap3A_259 {strides = array<i32>} : memref<64x128xf32, #tpu.memory_space<vmem>>, vector<1x16xf32>,
        %add3A_260 = arith.addf %get3A_252, %bitcast_convert_type3A_244 : vector<16xf32>
        %max3A_261 = arith.constant 0.000000e+00 : f32
        %max3A_262 = vector.broadcast %max3A_261 : f32 to vector<16xf32>
        %max3A_263 = arith.maximumf %add3A_260, %max3A_262 : vector<16xf32>
        %swap3A_264 = arith.index_cast %scan3A_238 : i32 to index
        %swap3A_265 = arith.constant 16 : index
        %swap3A_266 = tpu.vector_load %arg13[%swap3A_264, %swap3A_265] {strides = array<i32>} : memref<64x128xf32, #tpu.memory_space<vmem>>, vector<1x16xf32>,
        %swap3A_267 = vector.shape_cast %swap3A_266 : vector<1x16xf32> to vector<16xf32>
        %swap3A_268 = vector.shape_cast %max3A_263 : vector<16xf32> to vector<1x16xf32>
        tpu.vector_store %arg13[%swap3A_264, %swap3A_265], %swap3A_268 {strides = array<i32>} : memref<64x128xf32, #tpu.memory_space<vmem>>, vector<1x16xf32>,
        %get3A_269 = arith.index_cast %scan3A_238 : i32 to index
        %get3A_270 = arith.constant 16 : index
        %get3A_271 = tpu.vector_load %arg11[%get3A_269, %get3A_270] {strides = array<i32>} : memref<64x64xi32, #tpu.memory_space<vmem>>, vector<1x16xi32>,
        %get3A_272 = vector.shape_cast %get3A_271 : vector<1x16xi32> to vector<16xi32>
        %shift_left3A_273 = arith.constant 16 : i32
        %shift_left3A_274 = vector.broadcast %shift_left3A_273 : i32 to vector<16xi32>
        %shift_left3A_275 = arith.shli %get3A_272, %shift_left3A_274 : vector<16xi32>
        %bitcast_convert_type3A_276 = tpu.bitcast %shift_left3A_275 : vector<16xi32> -> vector<16xf32>
        %and3A_277 = arith.andi %get3A_272, %broadcast_in_dim3A_2 : vector<16xi32>
        %bitcast_convert_type3A_278 = tpu.bitcast %and3A_277 : vector<16xi32> -> vector<16xf32>
        %get3A_279 = arith.index_cast %scan3A_238 : i32 to index
        %get3A_280 = arith.constant 32 : index
        %get3A_281 = tpu.vector_load %arg9[%get3A_279, %get3A_280] {strides = array<i32>} : memref<64x128xf32, #tpu.memory_space<vmem>>, vector<1x16xf32>,
        %get3A_282 = vector.shape_cast %get3A_281 : vector<1x16xf32> to vector<16xf32>
        %get3A_283 = arith.index_cast %scan3A_238 : i32 to index
        %get3A_284 = arith.constant 48 : index
        %get3A_285 = tpu.vector_load %arg9[%get3A_283, %get3A_284] {strides = array<i32>} : memref<64x128xf32, #tpu.memory_space<vmem>>, vector<1x16xf32>,
        %get3A_286 = vector.shape_cast %get3A_285 : vector<1x16xf32> to vector<16xf32>
        %add3A_287 = arith.addf %get3A_282, %bitcast_convert_type3A_276 : vector<16xf32>
        %max3A_288 = arith.constant 0.000000e+00 : f32
        %max3A_289 = vector.broadcast %max3A_288 : f32 to vector<16xf32>
        %max3A_290 = arith.maximumf %add3A_287, %max3A_289 : vector<16xf32>
        %swap3A_291 = arith.index_cast %scan3A_238 : i32 to index
        %swap3A_292 = arith.constant 32 : index
        %swap3A_293 = tpu.vector_load %arg13[%swap3A_291, %swap3A_292] {strides = array<i32>} : memref<64x128xf32, #tpu.memory_space<vmem>>, vector<1x16xf32>,
        %swap3A_294 = vector.shape_cast %swap3A_293 : vector<1x16xf32> to vector<16xf32>
        %swap3A_295 = vector.shape_cast %max3A_290 : vector<16xf32> to vector<1x16xf32>
        tpu.vector_store %arg13[%swap3A_291, %swap3A_292], %swap3A_295 {strides = array<i32>} : memref<64x128xf32, #tpu.memory_space<vmem>>, vector<1x16xf32>,
        %add3A_296 = arith.addf %get3A_286, %bitcast_convert_type3A_278 : vector<16xf32>
        %max3A_297 = arith.constant 0.000000e+00 : f32
        %max3A_298 = vector.broadcast %max3A_297 : f32 to vector<16xf32>
        %max3A_299 = arith.maximumf %add3A_296, %max3A_298 : vector<16xf32>
        %swap3A_300 = arith.index_cast %scan3A_238 : i32 to index
        %swap3A_301 = arith.constant 48 : index
        %swap3A_302 = tpu.vector_load %arg13[%swap3A_300, %swap3A_301] {strides = array<i32>} : memref<64x128xf32, #tpu.memory_space<vmem>>, vector<1x16xf32>,
        %swap3A_303 = vector.shape_cast %swap3A_302 : vector<1x16xf32> to vector<16xf32>
        %swap3A_304 = vector.shape_cast %max3A_299 : vector<16xf32> to vector<1x16xf32>
        tpu.vector_store %arg13[%swap3A_300, %swap3A_301], %swap3A_304 {strides = array<i32>} : memref<64x128xf32, #tpu.memory_space<vmem>>, vector<1x16xf32>,
        %get3A_305 = arith.index_cast %scan3A_238 : i32 to index
        %get3A_306 = arith.constant 32 : index
        %get3A_307 = tpu.vector_load %arg11[%get3A_305, %get3A_306] {strides = array<i32>} : memref<64x64xi32, #tpu.memory_space<vmem>>, vector<1x16xi32>,
        %get3A_308 = vector.shape_cast %get3A_307 : vector<1x16xi32> to vector<16xi32>
        %shift_left3A_309 = arith.constant 16 : i32
        %shift_left3A_310 = vector.broadcast %shift_left3A_309 : i32 to vector<16xi32>
        %shift_left3A_311 = arith.shli %get3A_308, %shift_left3A_310 : vector<16xi32>
        %bitcast_convert_type3A_312 = tpu.bitcast %shift_left3A_311 : vector<16xi32> -> vector<16xf32>
        %and3A_313 = arith.andi %get3A_308, %broadcast_in_dim3A_2 : vector<16xi32>
        %bitcast_convert_type3A_314 = tpu.bitcast %and3A_313 : vector<16xi32> -> vector<16xf32>
        %get3A_315 = arith.index_cast %scan3A_238 : i32 to index
        %get3A_316 = arith.constant 64 : index
        %get3A_317 = tpu.vector_load %arg9[%get3A_315, %get3A_316] {strides = array<i32>} : memref<64x128xf32, #tpu.memory_space<vmem>>, vector<1x16xf32>,
        %get3A_318 = vector.shape_cast %get3A_317 : vector<1x16xf32> to vector<16xf32>
        %get3A_319 = arith.index_cast %scan3A_238 : i32 to index
        %get3A_320 = arith.constant 80 : index
        %get3A_321 = tpu.vector_load %arg9[%get3A_319, %get3A_320] {strides = array<i32>} : memref<64x128xf32, #tpu.memory_space<vmem>>, vector<1x16xf32>,
        %get3A_322 = vector.shape_cast %get3A_321 : vector<1x16xf32> to vector<16xf32>
        %add3A_323 = arith.addf %get3A_318, %bitcast_convert_type3A_312 : vector<16xf32>
        %max3A_324 = arith.constant 0.000000e+00 : f32
        %max3A_325 = vector.broadcast %max3A_324 : f32 to vector<16xf32>
        %max3A_326 = arith.maximumf %add3A_323, %max3A_325 : vector<16xf32>
        %swap3A_327 = arith.index_cast %scan3A_238 : i32 to index
        %swap3A_328 = arith.constant 64 : index
        %swap3A_329 = tpu.vector_load %arg13[%swap3A_327, %swap3A_328] {strides = array<i32>} : memref<64x128xf32, #tpu.memory_space<vmem>>, vector<1x16xf32>,
        %swap3A_330 = vector.shape_cast %swap3A_329 : vector<1x16xf32> to vector<16xf32>
        %swap3A_331 = vector.shape_cast %max3A_326 : vector<16xf32> to vector<1x16xf32>
        tpu.vector_store %arg13[%swap3A_327, %swap3A_328], %swap3A_331 {strides = array<i32>} : memref<64x128xf32, #tpu.memory_space<vmem>>, vector<1x16xf32>,
        %add3A_332 = arith.addf %get3A_322, %bitcast_convert_type3A_314 : vector<16xf32>
        %max3A_333 = arith.constant 0.000000e+00 : f32
        %max3A_334 = vector.broadcast %max3A_333 : f32 to vector<16xf32>
        %max3A_335 = arith.maximumf %add3A_332, %max3A_334 : vector<16xf32>
        %swap3A_336 = arith.index_cast %scan3A_238 : i32 to index
        %swap3A_337 = arith.constant 80 : index
        %swap3A_338 = tpu.vector_load %arg13[%swap3A_336, %swap3A_337] {strides = array<i32>} : memref<64x128xf32, #tpu.memory_space<vmem>>, vector<1x16xf32>,
        %swap3A_339 = vector.shape_cast %swap3A_338 : vector<1x16xf32> to vector<16xf32>
        %swap3A_340 = vector.shape_cast %max3A_335 : vector<16xf32> to vector<1x16xf32>
        tpu.vector_store %arg13[%swap3A_336, %swap3A_337], %swap3A_340 {strides = array<i32>} : memref<64x128xf32, #tpu.memory_space<vmem>>, vector<1x16xf32>,
        %get3A_341 = arith.index_cast %scan3A_238 : i32 to index
        %get3A_342 = arith.constant 48 : index
        %get3A_343 = tpu.vector_load %arg11[%get3A_341, %get3A_342] {strides = array<i32>} : memref<64x64xi32, #tpu.memory_space<vmem>>, vector<1x16xi32>,
        %get3A_344 = vector.shape_cast %get3A_343 : vector<1x16xi32> to vector<16xi32>
        %shift_left3A_345 = arith.constant 16 : i32
        %shift_left3A_346 = vector.broadcast %shift_left3A_345 : i32 to vector<16xi32>
        %shift_left3A_347 = arith.shli %get3A_344, %shift_left3A_346 : vector<16xi32>
        %bitcast_convert_type3A_348 = tpu.bitcast %shift_left3A_347 : vector<16xi32> -> vector<16xf32>
        %and3A_349 = arith.andi %get3A_344, %broadcast_in_dim3A_2 : vector<16xi32>
        %bitcast_convert_type3A_350 = tpu.bitcast %and3A_349 : vector<16xi32> -> vector<16xf32>
        %get3A_351 = arith.index_cast %scan3A_238 : i32 to index
        %get3A_352 = arith.constant 96 : index
        %get3A_353 = tpu.vector_load %arg9[%get3A_351, %get3A_352] {strides = array<i32>} : memref<64x128xf32, #tpu.memory_space<vmem>>, vector<1x16xf32>,
        %get3A_354 = vector.shape_cast %get3A_353 : vector<1x16xf32> to vector<16xf32>
        %get3A_355 = arith.index_cast %scan3A_238 : i32 to index
        %get3A_356 = arith.constant 112 : index
        %get3A_357 = tpu.vector_load %arg9[%get3A_355, %get3A_356] {strides = array<i32>} : memref<64x128xf32, #tpu.memory_space<vmem>>, vector<1x16xf32>,
        %get3A_358 = vector.shape_cast %get3A_357 : vector<1x16xf32> to vector<16xf32>
        %add3A_359 = arith.addf %get3A_354, %bitcast_convert_type3A_348 : vector<16xf32>
        %max3A_360 = arith.constant 0.000000e+00 : f32
        %max3A_361 = vector.broadcast %max3A_360 : f32 to vector<16xf32>
        %max3A_362 = arith.maximumf %add3A_359, %max3A_361 : vector<16xf32>
        %swap3A_363 = arith.index_cast %scan3A_238 : i32 to index
        %swap3A_364 = arith.constant 96 : index
        %swap3A_365 = tpu.vector_load %arg13[%swap3A_363, %swap3A_364] {strides = array<i32>} : memref<64x128xf32, #tpu.memory_space<vmem>>, vector<1x16xf32>,
        %swap3A_366 = vector.shape_cast %swap3A_365 : vector<1x16xf32> to vector<16xf32>
        %swap3A_367 = vector.shape_cast %max3A_362 : vector<16xf32> to vector<1x16xf32>
        tpu.vector_store %arg13[%swap3A_363, %swap3A_364], %swap3A_367 {strides = array<i32>} : memref<64x128xf32, #tpu.memory_space<vmem>>, vector<1x16xf32>,
        %add3A_368 = arith.addf %get3A_358, %bitcast_convert_type3A_350 : vector<16xf32>
        %max3A_369 = arith.constant 0.000000e+00 : f32
        %max3A_370 = vector.broadcast %max3A_369 : f32 to vector<16xf32>
        %max3A_371 = arith.maximumf %add3A_368, %max3A_370 : vector<16xf32>
        %swap3A_372 = arith.index_cast %scan3A_238 : i32 to index
        %swap3A_373 = arith.constant 112 : index
        %swap3A_374 = tpu.vector_load %arg13[%swap3A_372, %swap3A_373] {strides = array<i32>} : memref<64x128xf32, #tpu.memory_space<vmem>>, vector<1x16xf32>,
        %swap3A_375 = vector.shape_cast %swap3A_374 : vector<1x16xf32> to vector<16xf32>
        %swap3A_376 = vector.shape_cast %max3A_371 : vector<16xf32> to vector<1x16xf32>
        tpu.vector_store %arg13[%swap3A_372, %swap3A_373], %swap3A_376 {strides = array<i32>} : memref<64x128xf32, #tpu.memory_space<vmem>>, vector<1x16xf32>,
      }
      %scan3A_194 = arith.constant 64 : i32
      %dma_start3A_195 = arith.constant 0 : i32
      %dma_start3A_196 = tpu.memref_slice %arg8[%add3A_171, %dma_start3A_195] : memref<64x64xi32, #tpu.memory_space<vmem>> -> memref<1x64xi32, #tpu.memory_space<vmem>>
      %dma_start3A_197 = tpu.memref_squeeze %dma_start3A_196 : memref<1x64xi32, #tpu.memory_space<vmem>> -> memref<64xi32, #tpu.memory_space<vmem>>
      %dma_start3A_198 = arith.constant 0 : i32
      %dma_start3A_199 = arith.constant 0 : i32
      %dma_start3A_200 = tpu.memref_slice %arg15[%dma_start3A_198, %dma_start3A_199] : memref<4096x128xf32, #tpu.memory_space<vmem_shared>> -> memref<4096x128xf32, #tpu.memory_space<vmem_shared>>
      tpu.enqueue_indirect_dma source(%arg13 : memref<64x128xf32, #tpu.memory_space<vmem>>) target(%dma_start3A_200 : memref<4096x128xf32, #tpu.memory_space<vmem_shared>>) offsets(%dma_start3A_197 : memref<64xi32, #tpu.memory_space<vmem>>) semaphore(%arg20 : memref<!tpu.dma_semaphore, #tpu.memory_space<semaphore_mem>>) {add = true}
      %mul3A_201 = arith.constant 2 : i32
      %mul3A_202 = arith.muli %scan3A_167, %mul3A_201 : i32
      %add3A_203 = arith.constant 1 : i32
      %add3A_204 = arith.addi %mul3A_202, %add3A_203 : i32
      %add3A_205 = arith.constant 1 : i32
      %add3A_206 = arith.addi %add3A_204, %add3A_205 : i32
      %lt3A_207 = arith.constant 64 : i32
      %lt3A_208 = arith.cmpi slt, %add3A_206, %lt3A_207 : i32
      %convert_element_type3A_209 = arith.extui %lt3A_208 : i1 to i32
      %cond3A_210 = arith.constant 0 : i32
      %cond3A_211 = arith.cmpi ne, %convert_element_type3A_209, %cond3A_210 : i32
      scf.if %cond3A_211 {
        %add3A_238 = arith.constant 1 : i32
        %add3A_239 = arith.addi %add3A_204, %add3A_238 : i32
        %dma_start3A_240 = arith.constant 0 : i32
        %dma_start3A_241 = tpu.memref_slice %arg7[%add3A_239, %dma_start3A_240] : memref<64x64xi32, #tpu.memory_space<vmem>> -> memref<1x64xi32, #tpu.memory_space<vmem>>
        %dma_start3A_242 = tpu.memref_squeeze %dma_start3A_241 : memref<1x64xi32, #tpu.memory_space<vmem>> -> memref<64xi32, #tpu.memory_space<vmem>>
        %dma_start3A_243 = arith.constant 0 : i32
        %dma_start3A_244 = arith.constant 0 : i32
        %dma_start3A_245 = tpu.memref_slice %arg2[%dma_start3A_243, %dma_start3A_244] : memref<32768x128xf32, #tpu.memory_space<hbm>> -> memref<32768x128xf32, #tpu.memory_space<hbm>>
        tpu.enqueue_indirect_dma source(%dma_start3A_245 : memref<32768x128xf32, #tpu.memory_space<hbm>>) target(%arg9 : memref<64x128xf32, #tpu.memory_space<vmem>>) offsets(%dma_start3A_242 : memref<64xi32, #tpu.memory_space<vmem>>) semaphore(%arg16 : memref<!tpu.dma_semaphore, #tpu.memory_space<semaphore_mem>>)
        %add3A_246 = arith.constant 1 : i32
        %add3A_247 = arith.addi %add3A_204, %add3A_246 : i32
        %mul3A_248 = arith.constant 64 : i32
        %mul3A_249 = arith.muli %add3A_247, %mul3A_248 : i32
        %add3A_250 = arith.addi %add3A_127, %mul3A_249 : i32
        %dma_start3A_251 = arith.constant 0 : i32
        %dma_start3A_252 = tpu.memref_slice %arg3[%add3A_250, %dma_start3A_251] : memref<262144x64xi32, #tpu.memory_space<hbm>> -> memref<64x64xi32, #tpu.memory_space<hbm>>
        %dma_start3A_253 = arith.constant 0 : i32
        %dma_start3A_254 = tpu.memref_slice %arg3[%add3A_250, %dma_start3A_253] : memref<262144x64xi32, #tpu.memory_space<hbm>> -> memref<64x64xi32, #tpu.memory_space<hbm>>
        tpu.enqueue_dma source(%dma_start3A_254 : memref<64x64xi32, #tpu.memory_space<hbm>>) target(%arg11 : memref<64x64xi32, #tpu.memory_space<vmem>>) target_semaphore(%arg18 : memref<!tpu.dma_semaphore, #tpu.memory_space<semaphore_mem>>)
      } else {
      }
      %dma_wait3A_212 = arith.constant 0 : i32
      %dma_wait3A_213 = tpu.memref_slice %arg7[%add3A_204, %dma_wait3A_212] : memref<64x64xi32, #tpu.memory_space<vmem>> -> memref<1x64xi32, #tpu.memory_space<vmem>>
      %dma_wait3A_214 = tpu.memref_squeeze %dma_wait3A_213 : memref<1x64xi32, #tpu.memory_space<vmem>> -> memref<64xi32, #tpu.memory_space<vmem>>
      %dma_wait3A_215 = arith.constant 0 : i32
      %dma_wait3A_216 = arith.constant 0 : i32
      %dma_wait3A_217 = tpu.memref_slice %arg2[%dma_wait3A_215, %dma_wait3A_216] : memref<32768x128xf32, #tpu.memory_space<hbm>> -> memref<32768x128xf32, #tpu.memory_space<hbm>>
      tpu.wait_indirect_dma semaphore(%arg17 : memref<!tpu.dma_semaphore, #tpu.memory_space<semaphore_mem>>) src(%dma_wait3A_217 : memref<32768x128xf32, #tpu.memory_space<hbm>>) dst(%arg10 : memref<64x128xf32, #tpu.memory_space<vmem>>)
      %dma_wait3A_218 = arith.constant 0 : i32
      %dma_wait3A_219 = tpu.memref_slice %arg3[%add3A_127, %dma_wait3A_218] : memref<262144x64xi32, #tpu.memory_space<hbm>> -> memref<64x64xi32, #tpu.memory_space<hbm>>
      %dma_wait3A_220 = arith.constant 0 : i32
      %dma_wait3A_221 = tpu.memref_slice %arg3[%add3A_127, %dma_wait3A_220] : memref<262144x64xi32, #tpu.memory_space<hbm>> -> memref<64x64xi32, #tpu.memory_space<hbm>>
      tpu.wait_dma2 semaphore(%arg19 : memref<!tpu.dma_semaphore, #tpu.memory_space<semaphore_mem>>) src(%dma_wait3A_221 : memref<64x64xi32, #tpu.memory_space<hbm>>) dst(%arg12 : memref<64x64xi32, #tpu.memory_space<vmem>>)
      %ge3A_222 = arith.constant 2 : i32
      %ge3A_223 = arith.cmpi sge, %add3A_204, %ge3A_222 : i32
      %convert_element_type3A_224 = arith.extui %ge3A_223 : i1 to i32
      %cond3A_225 = arith.constant 0 : i32
      %cond3A_226 = arith.cmpi ne, %convert_element_type3A_224, %cond3A_225 : i32
      scf.if %cond3A_226 {
        %dma_wait3A_238 = arith.constant 0 : i32
        %dma_wait3A_239 = tpu.memref_slice %arg8[%add3A_204, %dma_wait3A_238] : memref<64x64xi32, #tpu.memory_space<vmem>> -> memref<1x64xi32, #tpu.memory_space<vmem>>
        %dma_wait3A_240 = tpu.memref_squeeze %dma_wait3A_239 : memref<1x64xi32, #tpu.memory_space<vmem>> -> memref<64xi32, #tpu.memory_space<vmem>>
        %dma_wait3A_241 = arith.constant 0 : i32
        %dma_wait3A_242 = arith.constant 0 : i32
        %dma_wait3A_243 = tpu.memref_slice %arg15[%dma_wait3A_241, %dma_wait3A_242] : memref<4096x128xf32, #tpu.memory_space<vmem_shared>> -> memref<4096x128xf32, #tpu.memory_space<vmem_shared>>
        tpu.wait_indirect_dma semaphore(%arg21 : memref<!tpu.dma_semaphore, #tpu.memory_space<semaphore_mem>>) src(%arg14 : memref<64x128xf32, #tpu.memory_space<vmem>>) dst(%dma_wait3A_243 : memref<4096x128xf32, #tpu.memory_space<vmem_shared>>)
      } else {
      }
      %scan3A_227 = arith.constant 0 : i32
      %scan3A_228 = arith.constant 64 : i32
      %scan3A_229 = arith.addi %scan3A_227, %scan3A_228 : i32
      %scan3A_230 = arith.constant 1 : i32
      scf.for %scan3A_238 = %scan3A_227 to %scan3A_229 step %scan3A_230  : i32 {
        %get3A = arith.index_cast %scan3A_238 : i32 to index
        %get3A_239 = arith.constant 0 : index
        %get3A_240 = tpu.vector_load %arg12[%get3A, %get3A_239] {strides = array<i32>} : memref<64x64xi32, #tpu.memory_space<vmem>>, vector<1x16xi32>,
        %get3A_241 = vector.shape_cast %get3A_240 : vector<1x16xi32> to vector<16xi32>
        %shift_left3A = arith.constant 16 : i32
        %shift_left3A_242 = vector.broadcast %shift_left3A : i32 to vector<16xi32>
        %shift_left3A_243 = arith.shli %get3A_241, %shift_left3A_242 : vector<16xi32>
        %bitcast_convert_type3A = tpu.bitcast %shift_left3A_243 : vector<16xi32> -> vector<16xf32>
        %and3A = arith.andi %get3A_241, %broadcast_in_dim3A_2 : vector<16xi32>
        %bitcast_convert_type3A_244 = tpu.bitcast %and3A : vector<16xi32> -> vector<16xf32>
        %get3A_245 = arith.index_cast %scan3A_238 : i32 to index
        %get3A_246 = arith.constant 0 : index
        %get3A_247 = tpu.vector_load %arg10[%get3A_245, %get3A_246] {strides = array<i32>} : memref<64x128xf32, #tpu.memory_space<vmem>>, vector<1x16xf32>,
        %get3A_248 = vector.shape_cast %get3A_247 : vector<1x16xf32> to vector<16xf32>
        %get3A_249 = arith.index_cast %scan3A_238 : i32 to index
        %get3A_250 = arith.constant 16 : index
        %get3A_251 = tpu.vector_load %arg10[%get3A_249, %get3A_250] {strides = array<i32>} : memref<64x128xf32, #tpu.memory_space<vmem>>, vector<1x16xf32>,
        %get3A_252 = vector.shape_cast %get3A_251 : vector<1x16xf32> to vector<16xf32>
        %add3A_253 = arith.addf %get3A_248, %bitcast_convert_type3A : vector<16xf32>
        %max3A = arith.constant 0.000000e+00 : f32
        %max3A_254 = vector.broadcast %max3A : f32 to vector<16xf32>
        %max3A_255 = arith.maximumf %add3A_253, %max3A_254 : vector<16xf32>
        %swap3A = arith.index_cast %scan3A_238 : i32 to index
        %swap3A_256 = arith.constant 0 : index
        %swap3A_257 = tpu.vector_load %arg14[%swap3A, %swap3A_256] {strides = array<i32>} : memref<64x128xf32, #tpu.memory_space<vmem>>, vector<1x16xf32>,
        %swap3A_258 = vector.shape_cast %swap3A_257 : vector<1x16xf32> to vector<16xf32>
        %swap3A_259 = vector.shape_cast %max3A_255 : vector<16xf32> to vector<1x16xf32>
        tpu.vector_store %arg14[%swap3A, %swap3A_256], %swap3A_259 {strides = array<i32>} : memref<64x128xf32, #tpu.memory_space<vmem>>, vector<1x16xf32>,
        %add3A_260 = arith.addf %get3A_252, %bitcast_convert_type3A_244 : vector<16xf32>
        %max3A_261 = arith.constant 0.000000e+00 : f32
        %max3A_262 = vector.broadcast %max3A_261 : f32 to vector<16xf32>
        %max3A_263 = arith.maximumf %add3A_260, %max3A_262 : vector<16xf32>
        %swap3A_264 = arith.index_cast %scan3A_238 : i32 to index
        %swap3A_265 = arith.constant 16 : index
        %swap3A_266 = tpu.vector_load %arg14[%swap3A_264, %swap3A_265] {strides = array<i32>} : memref<64x128xf32, #tpu.memory_space<vmem>>, vector<1x16xf32>,
        %swap3A_267 = vector.shape_cast %swap3A_266 : vector<1x16xf32> to vector<16xf32>
        %swap3A_268 = vector.shape_cast %max3A_263 : vector<16xf32> to vector<1x16xf32>
        tpu.vector_store %arg14[%swap3A_264, %swap3A_265], %swap3A_268 {strides = array<i32>} : memref<64x128xf32, #tpu.memory_space<vmem>>, vector<1x16xf32>,
        %get3A_269 = arith.index_cast %scan3A_238 : i32 to index
        %get3A_270 = arith.constant 16 : index
        %get3A_271 = tpu.vector_load %arg12[%get3A_269, %get3A_270] {strides = array<i32>} : memref<64x64xi32, #tpu.memory_space<vmem>>, vector<1x16xi32>,
        %get3A_272 = vector.shape_cast %get3A_271 : vector<1x16xi32> to vector<16xi32>
        %shift_left3A_273 = arith.constant 16 : i32
        %shift_left3A_274 = vector.broadcast %shift_left3A_273 : i32 to vector<16xi32>
        %shift_left3A_275 = arith.shli %get3A_272, %shift_left3A_274 : vector<16xi32>
        %bitcast_convert_type3A_276 = tpu.bitcast %shift_left3A_275 : vector<16xi32> -> vector<16xf32>
        %and3A_277 = arith.andi %get3A_272, %broadcast_in_dim3A_2 : vector<16xi32>
        %bitcast_convert_type3A_278 = tpu.bitcast %and3A_277 : vector<16xi32> -> vector<16xf32>
        %get3A_279 = arith.index_cast %scan3A_238 : i32 to index
        %get3A_280 = arith.constant 32 : index
        %get3A_281 = tpu.vector_load %arg10[%get3A_279, %get3A_280] {strides = array<i32>} : memref<64x128xf32, #tpu.memory_space<vmem>>, vector<1x16xf32>,
        %get3A_282 = vector.shape_cast %get3A_281 : vector<1x16xf32> to vector<16xf32>
        %get3A_283 = arith.index_cast %scan3A_238 : i32 to index
        %get3A_284 = arith.constant 48 : index
        %get3A_285 = tpu.vector_load %arg10[%get3A_283, %get3A_284] {strides = array<i32>} : memref<64x128xf32, #tpu.memory_space<vmem>>, vector<1x16xf32>,
        %get3A_286 = vector.shape_cast %get3A_285 : vector<1x16xf32> to vector<16xf32>
        %add3A_287 = arith.addf %get3A_282, %bitcast_convert_type3A_276 : vector<16xf32>
        %max3A_288 = arith.constant 0.000000e+00 : f32
        %max3A_289 = vector.broadcast %max3A_288 : f32 to vector<16xf32>
        %max3A_290 = arith.maximumf %add3A_287, %max3A_289 : vector<16xf32>
        %swap3A_291 = arith.index_cast %scan3A_238 : i32 to index
        %swap3A_292 = arith.constant 32 : index
        %swap3A_293 = tpu.vector_load %arg14[%swap3A_291, %swap3A_292] {strides = array<i32>} : memref<64x128xf32, #tpu.memory_space<vmem>>, vector<1x16xf32>,
        %swap3A_294 = vector.shape_cast %swap3A_293 : vector<1x16xf32> to vector<16xf32>
        %swap3A_295 = vector.shape_cast %max3A_290 : vector<16xf32> to vector<1x16xf32>
        tpu.vector_store %arg14[%swap3A_291, %swap3A_292], %swap3A_295 {strides = array<i32>} : memref<64x128xf32, #tpu.memory_space<vmem>>, vector<1x16xf32>,
        %add3A_296 = arith.addf %get3A_286, %bitcast_convert_type3A_278 : vector<16xf32>
        %max3A_297 = arith.constant 0.000000e+00 : f32
        %max3A_298 = vector.broadcast %max3A_297 : f32 to vector<16xf32>
        %max3A_299 = arith.maximumf %add3A_296, %max3A_298 : vector<16xf32>
        %swap3A_300 = arith.index_cast %scan3A_238 : i32 to index
        %swap3A_301 = arith.constant 48 : index
        %swap3A_302 = tpu.vector_load %arg14[%swap3A_300, %swap3A_301] {strides = array<i32>} : memref<64x128xf32, #tpu.memory_space<vmem>>, vector<1x16xf32>,
        %swap3A_303 = vector.shape_cast %swap3A_302 : vector<1x16xf32> to vector<16xf32>
        %swap3A_304 = vector.shape_cast %max3A_299 : vector<16xf32> to vector<1x16xf32>
        tpu.vector_store %arg14[%swap3A_300, %swap3A_301], %swap3A_304 {strides = array<i32>} : memref<64x128xf32, #tpu.memory_space<vmem>>, vector<1x16xf32>,
        %get3A_305 = arith.index_cast %scan3A_238 : i32 to index
        %get3A_306 = arith.constant 32 : index
        %get3A_307 = tpu.vector_load %arg12[%get3A_305, %get3A_306] {strides = array<i32>} : memref<64x64xi32, #tpu.memory_space<vmem>>, vector<1x16xi32>,
        %get3A_308 = vector.shape_cast %get3A_307 : vector<1x16xi32> to vector<16xi32>
        %shift_left3A_309 = arith.constant 16 : i32
        %shift_left3A_310 = vector.broadcast %shift_left3A_309 : i32 to vector<16xi32>
        %shift_left3A_311 = arith.shli %get3A_308, %shift_left3A_310 : vector<16xi32>
        %bitcast_convert_type3A_312 = tpu.bitcast %shift_left3A_311 : vector<16xi32> -> vector<16xf32>
        %and3A_313 = arith.andi %get3A_308, %broadcast_in_dim3A_2 : vector<16xi32>
        %bitcast_convert_type3A_314 = tpu.bitcast %and3A_313 : vector<16xi32> -> vector<16xf32>
        %get3A_315 = arith.index_cast %scan3A_238 : i32 to index
        %get3A_316 = arith.constant 64 : index
        %get3A_317 = tpu.vector_load %arg10[%get3A_315, %get3A_316] {strides = array<i32>} : memref<64x128xf32, #tpu.memory_space<vmem>>, vector<1x16xf32>,
        %get3A_318 = vector.shape_cast %get3A_317 : vector<1x16xf32> to vector<16xf32>
        %get3A_319 = arith.index_cast %scan3A_238 : i32 to index
        %get3A_320 = arith.constant 80 : index
        %get3A_321 = tpu.vector_load %arg10[%get3A_319, %get3A_320] {strides = array<i32>} : memref<64x128xf32, #tpu.memory_space<vmem>>, vector<1x16xf32>,
        %get3A_322 = vector.shape_cast %get3A_321 : vector<1x16xf32> to vector<16xf32>
        %add3A_323 = arith.addf %get3A_318, %bitcast_convert_type3A_312 : vector<16xf32>
        %max3A_324 = arith.constant 0.000000e+00 : f32
        %max3A_325 = vector.broadcast %max3A_324 : f32 to vector<16xf32>
        %max3A_326 = arith.maximumf %add3A_323, %max3A_325 : vector<16xf32>
        %swap3A_327 = arith.index_cast %scan3A_238 : i32 to index
        %swap3A_328 = arith.constant 64 : index
        %swap3A_329 = tpu.vector_load %arg14[%swap3A_327, %swap3A_328] {strides = array<i32>} : memref<64x128xf32, #tpu.memory_space<vmem>>, vector<1x16xf32>,
        %swap3A_330 = vector.shape_cast %swap3A_329 : vector<1x16xf32> to vector<16xf32>
        %swap3A_331 = vector.shape_cast %max3A_326 : vector<16xf32> to vector<1x16xf32>
        tpu.vector_store %arg14[%swap3A_327, %swap3A_328], %swap3A_331 {strides = array<i32>} : memref<64x128xf32, #tpu.memory_space<vmem>>, vector<1x16xf32>,
        %add3A_332 = arith.addf %get3A_322, %bitcast_convert_type3A_314 : vector<16xf32>
        %max3A_333 = arith.constant 0.000000e+00 : f32
        %max3A_334 = vector.broadcast %max3A_333 : f32 to vector<16xf32>
        %max3A_335 = arith.maximumf %add3A_332, %max3A_334 : vector<16xf32>
        %swap3A_336 = arith.index_cast %scan3A_238 : i32 to index
        %swap3A_337 = arith.constant 80 : index
        %swap3A_338 = tpu.vector_load %arg14[%swap3A_336, %swap3A_337] {strides = array<i32>} : memref<64x128xf32, #tpu.memory_space<vmem>>, vector<1x16xf32>,
        %swap3A_339 = vector.shape_cast %swap3A_338 : vector<1x16xf32> to vector<16xf32>
        %swap3A_340 = vector.shape_cast %max3A_335 : vector<16xf32> to vector<1x16xf32>
        tpu.vector_store %arg14[%swap3A_336, %swap3A_337], %swap3A_340 {strides = array<i32>} : memref<64x128xf32, #tpu.memory_space<vmem>>, vector<1x16xf32>,
        %get3A_341 = arith.index_cast %scan3A_238 : i32 to index
        %get3A_342 = arith.constant 48 : index
        %get3A_343 = tpu.vector_load %arg12[%get3A_341, %get3A_342] {strides = array<i32>} : memref<64x64xi32, #tpu.memory_space<vmem>>, vector<1x16xi32>,
        %get3A_344 = vector.shape_cast %get3A_343 : vector<1x16xi32> to vector<16xi32>
        %shift_left3A_345 = arith.constant 16 : i32
        %shift_left3A_346 = vector.broadcast %shift_left3A_345 : i32 to vector<16xi32>
        %shift_left3A_347 = arith.shli %get3A_344, %shift_left3A_346 : vector<16xi32>
        %bitcast_convert_type3A_348 = tpu.bitcast %shift_left3A_347 : vector<16xi32> -> vector<16xf32>
        %and3A_349 = arith.andi %get3A_344, %broadcast_in_dim3A_2 : vector<16xi32>
        %bitcast_convert_type3A_350 = tpu.bitcast %and3A_349 : vector<16xi32> -> vector<16xf32>
        %get3A_351 = arith.index_cast %scan3A_238 : i32 to index
        %get3A_352 = arith.constant 96 : index
        %get3A_353 = tpu.vector_load %arg10[%get3A_351, %get3A_352] {strides = array<i32>} : memref<64x128xf32, #tpu.memory_space<vmem>>, vector<1x16xf32>,
        %get3A_354 = vector.shape_cast %get3A_353 : vector<1x16xf32> to vector<16xf32>
        %get3A_355 = arith.index_cast %scan3A_238 : i32 to index
        %get3A_356 = arith.constant 112 : index
        %get3A_357 = tpu.vector_load %arg10[%get3A_355, %get3A_356] {strides = array<i32>} : memref<64x128xf32, #tpu.memory_space<vmem>>, vector<1x16xf32>,
        %get3A_358 = vector.shape_cast %get3A_357 : vector<1x16xf32> to vector<16xf32>
        %add3A_359 = arith.addf %get3A_354, %bitcast_convert_type3A_348 : vector<16xf32>
        %max3A_360 = arith.constant 0.000000e+00 : f32
        %max3A_361 = vector.broadcast %max3A_360 : f32 to vector<16xf32>
        %max3A_362 = arith.maximumf %add3A_359, %max3A_361 : vector<16xf32>
        %swap3A_363 = arith.index_cast %scan3A_238 : i32 to index
        %swap3A_364 = arith.constant 96 : index
        %swap3A_365 = tpu.vector_load %arg14[%swap3A_363, %swap3A_364] {strides = array<i32>} : memref<64x128xf32, #tpu.memory_space<vmem>>, vector<1x16xf32>,
        %swap3A_366 = vector.shape_cast %swap3A_365 : vector<1x16xf32> to vector<16xf32>
        %swap3A_367 = vector.shape_cast %max3A_362 : vector<16xf32> to vector<1x16xf32>
        tpu.vector_store %arg14[%swap3A_363, %swap3A_364], %swap3A_367 {strides = array<i32>} : memref<64x128xf32, #tpu.memory_space<vmem>>, vector<1x16xf32>,
        %add3A_368 = arith.addf %get3A_358, %bitcast_convert_type3A_350 : vector<16xf32>
        %max3A_369 = arith.constant 0.000000e+00 : f32
        %max3A_370 = vector.broadcast %max3A_369 : f32 to vector<16xf32>
        %max3A_371 = arith.maximumf %add3A_368, %max3A_370 : vector<16xf32>
        %swap3A_372 = arith.index_cast %scan3A_238 : i32 to index
        %swap3A_373 = arith.constant 112 : index
        %swap3A_374 = tpu.vector_load %arg14[%swap3A_372, %swap3A_373] {strides = array<i32>} : memref<64x128xf32, #tpu.memory_space<vmem>>, vector<1x16xf32>,
        %swap3A_375 = vector.shape_cast %swap3A_374 : vector<1x16xf32> to vector<16xf32>
        %swap3A_376 = vector.shape_cast %max3A_371 : vector<16xf32> to vector<1x16xf32>
        tpu.vector_store %arg14[%swap3A_372, %swap3A_373], %swap3A_376 {strides = array<i32>} : memref<64x128xf32, #tpu.memory_space<vmem>>, vector<1x16xf32>,
      }
      %scan3A_231 = arith.constant 64 : i32
      %dma_start3A_232 = arith.constant 0 : i32
      %dma_start3A_233 = tpu.memref_slice %arg8[%add3A_204, %dma_start3A_232] : memref<64x64xi32, #tpu.memory_space<vmem>> -> memref<1x64xi32, #tpu.memory_space<vmem>>
      %dma_start3A_234 = tpu.memref_squeeze %dma_start3A_233 : memref<1x64xi32, #tpu.memory_space<vmem>> -> memref<64xi32, #tpu.memory_space<vmem>>
      %dma_start3A_235 = arith.constant 0 : i32
      %dma_start3A_236 = arith.constant 0 : i32
      %dma_start3A_237 = tpu.memref_slice %arg15[%dma_start3A_235, %dma_start3A_236] : memref<4096x128xf32, #tpu.memory_space<vmem_shared>> -> memref<4096x128xf32, #tpu.memory_space<vmem_shared>>
      tpu.enqueue_indirect_dma source(%arg14 : memref<64x128xf32, #tpu.memory_space<vmem>>) target(%dma_start3A_237 : memref<4096x128xf32, #tpu.memory_space<vmem_shared>>) offsets(%dma_start3A_234 : memref<64xi32, #tpu.memory_space<vmem>>) semaphore(%arg21 : memref<!tpu.dma_semaphore, #tpu.memory_space<semaphore_mem>>) {add = true}
    }
    %scan3A_143 = arith.constant 32 : i32
    %dma_wait3A_144 = arith.constant 0 : i32
    %dma_wait3A_145 = arith.constant 0 : i32
    %dma_wait3A_146 = tpu.memref_slice %arg8[%dma_wait3A_144, %dma_wait3A_145] : memref<64x64xi32, #tpu.memory_space<vmem>> -> memref<1x64xi32, #tpu.memory_space<vmem>>
    %dma_wait3A_147 = tpu.memref_squeeze %dma_wait3A_146 : memref<1x64xi32, #tpu.memory_space<vmem>> -> memref<64xi32, #tpu.memory_space<vmem>>
    %dma_wait3A_148 = arith.constant 0 : i32
    %dma_wait3A_149 = arith.constant 0 : i32
    %dma_wait3A_150 = tpu.memref_slice %arg15[%dma_wait3A_148, %dma_wait3A_149] : memref<4096x128xf32, #tpu.memory_space<vmem_shared>> -> memref<4096x128xf32, #tpu.memory_space<vmem_shared>>
    tpu.wait_indirect_dma semaphore(%arg20 : memref<!tpu.dma_semaphore, #tpu.memory_space<semaphore_mem>>) src(%arg13 : memref<64x128xf32, #tpu.memory_space<vmem>>) dst(%dma_wait3A_150 : memref<4096x128xf32, #tpu.memory_space<vmem_shared>>)
    %dma_wait3A_151 = arith.constant 1 : i32
    %dma_wait3A_152 = arith.constant 0 : i32
    %dma_wait3A_153 = tpu.memref_slice %arg8[%dma_wait3A_151, %dma_wait3A_152] : memref<64x64xi32, #tpu.memory_space<vmem>> -> memref<1x64xi32, #tpu.memory_space<vmem>>
    %dma_wait3A_154 = tpu.memref_squeeze %dma_wait3A_153 : memref<1x64xi32, #tpu.memory_space<vmem>> -> memref<64xi32, #tpu.memory_space<vmem>>
    %dma_wait3A_155 = arith.constant 0 : i32
    %dma_wait3A_156 = arith.constant 0 : i32
    %dma_wait3A_157 = tpu.memref_slice %arg15[%dma_wait3A_155, %dma_wait3A_156] : memref<4096x128xf32, #tpu.memory_space<vmem_shared>> -> memref<4096x128xf32, #tpu.memory_space<vmem_shared>>
    tpu.wait_indirect_dma semaphore(%arg21 : memref<!tpu.dma_semaphore, #tpu.memory_space<semaphore_mem>>) src(%arg14 : memref<64x128xf32, #tpu.memory_space<vmem>>) dst(%dma_wait3A_157 : memref<4096x128xf32, #tpu.memory_space<vmem_shared>>)
    %barrier3A_158 = arith.constant 0 : index
    tpu.barrier barrier_id(%barrier3A_158)
    %mul3A_159 = arith.constant 256 : i32
    %mul3A_160 = arith.muli %arg1, %mul3A_159 : i32
    %mul3A_161 = arith.constant 4096 : i32
    %mul3A_162 = arith.muli %add3A_85, %mul3A_161 : i32
    %mul3A_163 = arith.constant 256 : i32
    %mul3A_164 = arith.muli %arg1, %mul3A_163 : i32
    %add3A_165 = arith.addi %mul3A_162, %mul3A_164 : i32
    "tpu.region"() ({
      %run_scoped3A = tpu.sem_alloc : memref<!tpu.dma_semaphore, #tpu.memory_space<semaphore_mem>>
      %dma_start3A_167 = arith.constant 0 : i32
      %dma_start3A_168 = tpu.memref_slice %arg6[%add3A_165, %dma_start3A_167] : memref<16384x128xf32, #tpu.memory_space<hbm>> -> memref<256x128xf32, #tpu.memory_space<hbm>>
      %dma_start3A_169 = arith.constant 0 : i32
      %dma_start3A_170 = tpu.memref_slice %arg15[%mul3A_160, %dma_start3A_169] : memref<4096x128xf32, #tpu.memory_space<vmem_shared>> -> memref<256x128xf32, #tpu.memory_space<vmem_shared>>
      tpu.enqueue_dma source(%dma_start3A_170 : memref<256x128xf32, #tpu.memory_space<vmem_shared>>) target(%dma_start3A_168 : memref<256x128xf32, #tpu.memory_space<hbm>>) target_semaphore(%run_scoped3A : memref<!tpu.dma_semaphore, #tpu.memory_space<semaphore_mem>>)
      %dma_wait3A_171 = arith.constant 0 : i32
      %dma_wait3A_172 = tpu.memref_slice %arg6[%add3A_165, %dma_wait3A_171] : memref<16384x128xf32, #tpu.memory_space<hbm>> -> memref<256x128xf32, #tpu.memory_space<hbm>>
      %dma_wait3A_173 = arith.constant 0 : i32
      %dma_wait3A_174 = tpu.memref_slice %arg15[%mul3A_160, %dma_wait3A_173] : memref<4096x128xf32, #tpu.memory_space<vmem_shared>> -> memref<256x128xf32, #tpu.memory_space<vmem_shared>>
      tpu.wait_dma2 semaphore(%run_scoped3A : memref<!tpu.dma_semaphore, #tpu.memory_space<semaphore_mem>>) src(%dma_wait3A_174 : memref<256x128xf32, #tpu.memory_space<vmem_shared>>) dst(%dma_wait3A_172 : memref<256x128xf32, #tpu.memory_space<hbm>>)
      tpu.yield
    }) : () -> ()
    %barrier3A_166 = arith.constant 0 : index
    tpu.barrier barrier_id(%barrier3A_166)
    return
  }
}

module attributes {stable_mosaic.version = 14 : i64} {
  func.func @_mm_kernel(%arg0: i32, %arg1: memref<2048x128xf32, #tpu.memory_space<vmem>>, %arg2: memref<128x128xf32, #tpu.memory_space<vmem>>, %arg3: memref<2048x128xf32, #tpu.memory_space<vmem>>) attributes {dimension_semantics = [#tpu.dimension_semantics<arbitrary>], iteration_bounds = array<i64: 16>, scalar_prefetch = 0 : i64, scratch_operands = 0 : i64, tpu.core_type = #tpu.core_type<tc>, window_params = [{transform_indices = @transform_0, window_bounds = array<i64: 2048, 128>}, {pipeline_mode = #tpu.pipeline_mode<synchronous>, transform_indices = @transform_1, window_bounds = array<i64: 128, 128>}, {transform_indices = @transform_2, window_bounds = array<i64: 2048, 128>}]} {
    %get3A = arith.constant 0 : index
    %get3A_0 = arith.constant 0 : index
    %get3A_1 = vector.load %arg1[%get3A, %get3A_0] : memref<2048x128xf32, #tpu.memory_space<vmem>>, vector<2048x128xf32>
    %get3A_2 = arith.constant 0 : index
    %get3A_3 = arith.constant 0 : index
    %get3A_4 = vector.load %arg2[%get3A_2, %get3A_3] : memref<128x128xf32, #tpu.memory_space<vmem>>, vector<128x128xf32>
    %dot_general3A = arith.constant dense<0.000000e+00> : vector<2048x128xf32>
    %dot_general3A_5 = tpu.matmul %get3A_1, %get3A_4, %dot_general3A {dimension_numbers = #tpu.dot_dimension_numbers<[1], [0], [0], [1], [0, 0, 1, 1], [], []>, transpose_lhs_hint = false} : vector<2048x128xf32>, vector<128x128xf32>, vector<2048x128xf32> -> vector<2048x128xf32>
    %swap3A = arith.constant 0 : index
    %swap3A_6 = arith.constant 0 : index
    %swap3A_7 = vector.load %arg3[%swap3A, %swap3A_6] : memref<2048x128xf32, #tpu.memory_space<vmem>>, vector<2048x128xf32>
    tpu.vector_store %arg3[%swap3A, %swap3A_6], %dot_general3A_5 {strides = array<i32>} : memref<2048x128xf32, #tpu.memory_space<vmem>>, vector<2048x128xf32>,
    return
  }
  func.func @transform_0(%arg0: i32) -> (i32, i32) {
    %c0_i32 = arith.constant 0 : i32
    %c0_i32_0 = arith.constant 0 : i32
    return %arg0, %c0_i32 : i32, i32
  }
  func.func @transform_1(%arg0: i32) -> (i32, i32) {
    %c0_i32 = arith.constant 0 : i32
    %c0_i32_0 = arith.constant 0 : i32
    %c0_i32_1 = arith.constant 0 : i32
    return %c0_i32, %c0_i32_0 : i32, i32
  }
  func.func @transform_2(%arg0: i32) -> (i32, i32) {
    %c0_i32 = arith.constant 0 : i32
    %c0_i32_0 = arith.constant 0 : i32
    return %arg0, %c0_i32 : i32, i32
  }
}

module attributes {stable_mosaic.version = 14 : i64} {
  func.func @_ew_pack_kernel(%arg0: i32, %arg1: memref<4096x16xf32, #tpu.memory_space<vmem>>, %arg2: memref<16x128xf32, #tpu.memory_space<vmem>>, %arg3: memref<1x128xf32, #tpu.memory_space<vmem>>, %arg4: memref<4096x64xi32, #tpu.memory_space<vmem>>) attributes {dimension_semantics = [#tpu.dimension_semantics<arbitrary>], iteration_bounds = array<i64: 64>, scalar_prefetch = 0 : i64, scratch_operands = 0 : i64, tpu.core_type = #tpu.core_type<tc>, window_params = [{transform_indices = @transform_0, window_bounds = array<i64: 4096, 16>}, {pipeline_mode = #tpu.pipeline_mode<synchronous>, transform_indices = @transform_1, window_bounds = array<i64: 16, 128>}, {pipeline_mode = #tpu.pipeline_mode<synchronous>, transform_indices = @transform_2, window_bounds = array<i64: 1, 128>}, {transform_indices = @transform_3, window_bounds = array<i64: 4096, 64>}]} {
    %get3A = arith.constant 0 : index
    %get3A_0 = arith.constant 0 : index
    %get3A_1 = vector.load %arg1[%get3A, %get3A_0] : memref<4096x16xf32, #tpu.memory_space<vmem>>, vector<4096x16xf32>
    %get3A_2 = arith.constant 0 : index
    %get3A_3 = arith.constant 0 : index
    %get3A_4 = vector.load %arg2[%get3A_2, %get3A_3] : memref<16x128xf32, #tpu.memory_space<vmem>>, vector<16x128xf32>
    %dot_general3A = arith.constant dense<0.000000e+00> : vector<4096x128xf32>
    %dot_general3A_5 = tpu.matmul %get3A_1, %get3A_4, %dot_general3A {dimension_numbers = #tpu.dot_dimension_numbers<[1], [0], [0], [1], [0, 0, 1, 1], [], []>, transpose_lhs_hint = false} : vector<4096x16xf32>, vector<16x128xf32>, vector<4096x128xf32> -> vector<4096x128xf32>
    %get3A_6 = arith.constant 0 : index
    %get3A_7 = arith.constant 0 : index
    %get3A_8 = vector.load %arg3[%get3A_6, %get3A_7] : memref<1x128xf32, #tpu.memory_space<vmem>>, vector<1x128xf32>
    %add3A = vector.broadcast %get3A_8 : vector<1x128xf32> to vector<4096x128xf32>
    %add3A_9 = arith.addf %dot_general3A_5, %add3A : vector<4096x128xf32>
    %slice3A = vector.extract_strided_slice %add3A_9 {offsets = [0, 0], sizes = [4096, 64], strides = [1, 1]} : vector<4096x128xf32> to vector<4096x64xf32>
    %convert_element_type3A = arith.truncf %slice3A : vector<4096x64xf32> to vector<4096x64xbf16>
    %bitcast_convert_type3A = tpu.bitcast %convert_element_type3A : vector<4096x64xbf16> -> vector<4096x64xi16>
    %convert_element_type3A_10 = arith.extui %bitcast_convert_type3A : vector<4096x64xi16> to vector<4096x64xi32>
    %slice3A_11 = vector.extract_strided_slice %add3A_9 {offsets = [0, 64], sizes = [4096, 64], strides = [1, 1]} : vector<4096x128xf32> to vector<4096x64xf32>
    %convert_element_type3A_12 = arith.truncf %slice3A_11 : vector<4096x64xf32> to vector<4096x64xbf16>
    %bitcast_convert_type3A_13 = tpu.bitcast %convert_element_type3A_12 : vector<4096x64xbf16> -> vector<4096x64xi16>
    %convert_element_type3A_14 = arith.extui %bitcast_convert_type3A_13 : vector<4096x64xi16> to vector<4096x64xi32>
    %shift_left3A = arith.constant 16 : i32
    %shift_left3A_15 = vector.broadcast %shift_left3A : i32 to vector<4096x64xi32>
    %shift_left3A_16 = arith.shli %convert_element_type3A_14, %shift_left3A_15 : vector<4096x64xi32>
    %or3A = arith.ori %convert_element_type3A_10, %shift_left3A_16 : vector<4096x64xi32>
    %bitcast_convert_type3A_17 = tpu.bitcast %or3A : vector<4096x64xi32> -> vector<4096x64xi32>
    %swap3A = arith.constant 0 : index
    %swap3A_18 = arith.constant 0 : index
    %swap3A_19 = vector.load %arg4[%swap3A, %swap3A_18] : memref<4096x64xi32, #tpu.memory_space<vmem>>, vector<4096x64xi32>
    tpu.vector_store %arg4[%swap3A, %swap3A_18], %bitcast_convert_type3A_17 {strides = array<i32>} : memref<4096x64xi32, #tpu.memory_space<vmem>>, vector<4096x64xi32>,
    return
  }
  func.func @transform_0(%arg0: i32) -> (i32, i32) {
    %add3A = arith.constant 0 : i32
    %add3A_0 = arith.addi %arg0, %add3A : i32
    %c0_i32 = arith.constant 0 : i32
    %c0_i32_1 = arith.constant 0 : i32
    return %add3A_0, %c0_i32 : i32, i32
  }
  func.func @transform_1(%arg0: i32) -> (i32, i32) {
    %c0_i32 = arith.constant 0 : i32
    %c0_i32_0 = arith.constant 0 : i32
    %c0_i32_1 = arith.constant 0 : i32
    return %c0_i32, %c0_i32_0 : i32, i32
  }
  func.func @transform_2(%arg0: i32) -> (i32, i32) {
    %c0_i32 = arith.constant 0 : i32
    %c0_i32_0 = arith.constant 0 : i32
    %c0_i32_1 = arith.constant 0 : i32
    return %c0_i32, %c0_i32_0 : i32, i32
  }
  func.func @transform_3(%arg0: i32) -> (i32, i32) {
    %c0_i32 = arith.constant 0 : i32
    %c0_i32_0 = arith.constant 0 : i32
    return %arg0, %c0_i32 : i32, i32
  }
}

module attributes {stable_mosaic.version = 14 : i64} {
  func.func @_ew_pack_kernel(%arg0: i32, %arg1: memref<4096x16xf32, #tpu.memory_space<vmem>>, %arg2: memref<16x128xf32, #tpu.memory_space<vmem>>, %arg3: memref<1x128xf32, #tpu.memory_space<vmem>>, %arg4: memref<4096x64xi32, #tpu.memory_space<vmem>>) attributes {dimension_semantics = [#tpu.dimension_semantics<arbitrary>], iteration_bounds = array<i64: 64>, scalar_prefetch = 0 : i64, scratch_operands = 0 : i64, tpu.core_type = #tpu.core_type<tc>, window_params = [{transform_indices = @transform_0, window_bounds = array<i64: 4096, 16>}, {pipeline_mode = #tpu.pipeline_mode<synchronous>, transform_indices = @transform_1, window_bounds = array<i64: 16, 128>}, {pipeline_mode = #tpu.pipeline_mode<synchronous>, transform_indices = @transform_2, window_bounds = array<i64: 1, 128>}, {transform_indices = @transform_3, window_bounds = array<i64: 4096, 64>}]} {
    %get3A = arith.constant 0 : index
    %get3A_0 = arith.constant 0 : index
    %get3A_1 = vector.load %arg1[%get3A, %get3A_0] : memref<4096x16xf32, #tpu.memory_space<vmem>>, vector<4096x16xf32>
    %get3A_2 = arith.constant 0 : index
    %get3A_3 = arith.constant 0 : index
    %get3A_4 = vector.load %arg2[%get3A_2, %get3A_3] : memref<16x128xf32, #tpu.memory_space<vmem>>, vector<16x128xf32>
    %dot_general3A = arith.constant dense<0.000000e+00> : vector<4096x128xf32>
    %dot_general3A_5 = tpu.matmul %get3A_1, %get3A_4, %dot_general3A {dimension_numbers = #tpu.dot_dimension_numbers<[1], [0], [0], [1], [0, 0, 1, 1], [], []>, transpose_lhs_hint = false} : vector<4096x16xf32>, vector<16x128xf32>, vector<4096x128xf32> -> vector<4096x128xf32>
    %get3A_6 = arith.constant 0 : index
    %get3A_7 = arith.constant 0 : index
    %get3A_8 = vector.load %arg3[%get3A_6, %get3A_7] : memref<1x128xf32, #tpu.memory_space<vmem>>, vector<1x128xf32>
    %add3A = vector.broadcast %get3A_8 : vector<1x128xf32> to vector<4096x128xf32>
    %add3A_9 = arith.addf %dot_general3A_5, %add3A : vector<4096x128xf32>
    %slice3A = vector.extract_strided_slice %add3A_9 {offsets = [0, 0], sizes = [4096, 64], strides = [1, 1]} : vector<4096x128xf32> to vector<4096x64xf32>
    %convert_element_type3A = arith.truncf %slice3A : vector<4096x64xf32> to vector<4096x64xbf16>
    %bitcast_convert_type3A = tpu.bitcast %convert_element_type3A : vector<4096x64xbf16> -> vector<4096x64xi16>
    %convert_element_type3A_10 = arith.extui %bitcast_convert_type3A : vector<4096x64xi16> to vector<4096x64xi32>
    %slice3A_11 = vector.extract_strided_slice %add3A_9 {offsets = [0, 64], sizes = [4096, 64], strides = [1, 1]} : vector<4096x128xf32> to vector<4096x64xf32>
    %convert_element_type3A_12 = arith.truncf %slice3A_11 : vector<4096x64xf32> to vector<4096x64xbf16>
    %bitcast_convert_type3A_13 = tpu.bitcast %convert_element_type3A_12 : vector<4096x64xbf16> -> vector<4096x64xi16>
    %convert_element_type3A_14 = arith.extui %bitcast_convert_type3A_13 : vector<4096x64xi16> to vector<4096x64xi32>
    %shift_left3A = arith.constant 16 : i32
    %shift_left3A_15 = vector.broadcast %shift_left3A : i32 to vector<4096x64xi32>
    %shift_left3A_16 = arith.shli %convert_element_type3A_14, %shift_left3A_15 : vector<4096x64xi32>
    %or3A = arith.ori %convert_element_type3A_10, %shift_left3A_16 : vector<4096x64xi32>
    %bitcast_convert_type3A_17 = tpu.bitcast %or3A : vector<4096x64xi32> -> vector<4096x64xi32>
    %swap3A = arith.constant 0 : index
    %swap3A_18 = arith.constant 0 : index
    %swap3A_19 = vector.load %arg4[%swap3A, %swap3A_18] : memref<4096x64xi32, #tpu.memory_space<vmem>>, vector<4096x64xi32>
    tpu.vector_store %arg4[%swap3A, %swap3A_18], %bitcast_convert_type3A_17 {strides = array<i32>} : memref<4096x64xi32, #tpu.memory_space<vmem>>, vector<4096x64xi32>,
    return
  }
  func.func @transform_0(%arg0: i32) -> (i32, i32) {
    %add3A = arith.constant 64 : i32
    %add3A_0 = arith.addi %arg0, %add3A : i32
    %c0_i32 = arith.constant 0 : i32
    %c0_i32_1 = arith.constant 0 : i32
    return %add3A_0, %c0_i32 : i32, i32
  }
  func.func @transform_1(%arg0: i32) -> (i32, i32) {
    %c0_i32 = arith.constant 0 : i32
    %c0_i32_0 = arith.constant 0 : i32
    %c0_i32_1 = arith.constant 0 : i32
    return %c0_i32, %c0_i32_0 : i32, i32
  }
  func.func @transform_2(%arg0: i32) -> (i32, i32) {
    %c0_i32 = arith.constant 0 : i32
    %c0_i32_0 = arith.constant 0 : i32
    %c0_i32_1 = arith.constant 0 : i32
    return %c0_i32, %c0_i32_0 : i32, i32
  }
  func.func @transform_3(%arg0: i32) -> (i32, i32) {
    %c0_i32 = arith.constant 0 : i32
    %c0_i32_0 = arith.constant 0 : i32
    return %arg0, %c0_i32 : i32, i32
  }
}

module attributes {stable_mosaic.version = 14 : i64} {
  func.func @_node_pool_kernel(%arg0: i32, %arg1: i32, %arg2: memref<1x1024x128xf32, #tpu.memory_space<vmem>>, %arg3: memref<1x1024x128xf32, #tpu.memory_space<vmem>>, %arg4: memref<128x128xf32, #tpu.memory_space<vmem>>, %arg5: memref<128x128xf32, #tpu.memory_space<vmem>>, %arg6: memref<1x128xf32, #tpu.memory_space<vmem>>, %arg7: memref<1x1x128xf32, #tpu.memory_space<vmem>>) attributes {dimension_semantics = [#tpu.dimension_semantics<arbitrary>, #tpu.dimension_semantics<arbitrary>], iteration_bounds = array<i64: 4, 4>, scalar_prefetch = 0 : i64, scratch_operands = 0 : i64, tpu.core_type = #tpu.core_type<tc>, window_params = [{transform_indices = @transform_0, window_bounds = array<i64: 1, 1024, 128>}, {transform_indices = @transform_1, window_bounds = array<i64: 1, 1024, 128>}, {pipeline_mode = #tpu.pipeline_mode<synchronous>, transform_indices = @transform_2, window_bounds = array<i64: 128, 128>}, {pipeline_mode = #tpu.pipeline_mode<synchronous>, transform_indices = @transform_3, window_bounds = array<i64: 128, 128>}, {pipeline_mode = #tpu.pipeline_mode<synchronous>, transform_indices = @transform_4, window_bounds = array<i64: 1, 128>}, {transform_indices = @transform_5, window_bounds = array<i64: 1, 1, 128>}]} {
    %get3A = arith.constant 0 : index
    %get3A_0 = arith.constant 0 : index
    %get3A_1 = arith.constant 0 : index
    %get3A_2 = vector.load %arg2[%get3A, %get3A_0, %get3A_1] : memref<1x1024x128xf32, #tpu.memory_space<vmem>>, vector<1x1024x128xf32>
    %get3A_3 = vector.shape_cast %get3A_2 : vector<1x1024x128xf32> to vector<1024x128xf32>
    %get3A_4 = arith.constant 0 : index
    %get3A_5 = arith.constant 0 : index
    %get3A_6 = vector.load %arg4[%get3A_4, %get3A_5] : memref<128x128xf32, #tpu.memory_space<vmem>>, vector<128x128xf32>
    %dot_general3A = arith.constant dense<0.000000e+00> : vector<1024x128xf32>
    %dot_general3A_7 = tpu.matmul %get3A_3, %get3A_6, %dot_general3A {dimension_numbers = #tpu.dot_dimension_numbers<[1], [0], [0], [1], [0, 0, 1, 1], [], []>, transpose_lhs_hint = false} : vector<1024x128xf32>, vector<128x128xf32>, vector<1024x128xf32> -> vector<1024x128xf32>
    %get3A_8 = arith.constant 0 : index
    %get3A_9 = arith.constant 0 : index
    %get3A_10 = arith.constant 0 : index
    %get3A_11 = vector.load %arg3[%get3A_8, %get3A_9, %get3A_10] : memref<1x1024x128xf32, #tpu.memory_space<vmem>>, vector<1x1024x128xf32>
    %get3A_12 = vector.shape_cast %get3A_11 : vector<1x1024x128xf32> to vector<1024x128xf32>
    %get3A_13 = arith.constant 0 : index
    %get3A_14 = arith.constant 0 : index
    %get3A_15 = vector.load %arg5[%get3A_13, %get3A_14] : memref<128x128xf32, #tpu.memory_space<vmem>>, vector<128x128xf32>
    %dot_general3A_16 = arith.constant dense<0.000000e+00> : vector<1024x128xf32>
    %dot_general3A_17 = tpu.matmul %get3A_12, %get3A_15, %dot_general3A_16 {dimension_numbers = #tpu.dot_dimension_numbers<[1], [0], [0], [1], [0, 0, 1, 1], [], []>, transpose_lhs_hint = false} : vector<1024x128xf32>, vector<128x128xf32>, vector<1024x128xf32> -> vector<1024x128xf32>
    %add3A = arith.addf %dot_general3A_7, %dot_general3A_17 : vector<1024x128xf32>
    %get3A_18 = arith.constant 0 : index
    %get3A_19 = arith.constant 0 : index
    %get3A_20 = vector.load %arg6[%get3A_18, %get3A_19] : memref<1x128xf32, #tpu.memory_space<vmem>>, vector<1x128xf32>
    %add3A_21 = vector.broadcast %get3A_20 : vector<1x128xf32> to vector<1024x128xf32>
    %add3A_22 = arith.addf %add3A, %add3A_21 : vector<1024x128xf32>
    %max3A = arith.constant 0.000000e+00 : f32
    %max3A_23 = vector.broadcast %max3A : f32 to vector<1024x128xf32>
    %max3A_24 = arith.maximumf %add3A_22, %max3A_23 : vector<1024x128xf32>
    %reduce_sum3A = arith.constant dense<0.000000e+00> : vector<128xf32>
    %reduce_sum3A_25 = vector.multi_reduction <add>, %max3A_24, %reduce_sum3A [0] : vector<1024x128xf32> to vector<128xf32>
    %broadcast_in_dim3A = vector.shape_cast %reduce_sum3A_25 : vector<128xf32> to vector<1x1x128xf32>
    %eq3A = arith.constant 0 : i32
    %eq3A_26 = arith.cmpi eq, %arg1, %eq3A : i32
    %convert_element_type3A = arith.extui %eq3A_26 : i1 to i32
    %cond3A = arith.constant 0 : i32
    %cond3A_27 = arith.cmpi ne, %convert_element_type3A, %cond3A : i32
    scf.if %cond3A_27 {
      %swap3A = arith.constant 0 : index
      %swap3A_32 = arith.constant 0 : index
      %swap3A_33 = arith.constant 0 : index
      %swap3A_34 = vector.load %arg7[%swap3A, %swap3A_32, %swap3A_33] : memref<1x1x128xf32, #tpu.memory_space<vmem>>, vector<1x1x128xf32>
      tpu.vector_store %arg7[%swap3A, %swap3A_32, %swap3A_33], %broadcast_in_dim3A {strides = array<i32>} : memref<1x1x128xf32, #tpu.memory_space<vmem>>, vector<1x1x128xf32>,
    } else {
    }
    %ne3A = arith.constant 0 : i32
    %ne3A_28 = arith.cmpi ne, %arg1, %ne3A : i32
    %convert_element_type3A_29 = arith.extui %ne3A_28 : i1 to i32
    %cond3A_30 = arith.constant 0 : i32
    %cond3A_31 = arith.cmpi ne, %convert_element_type3A_29, %cond3A_30 : i32
    scf.if %cond3A_31 {
      %get3A_32 = arith.constant 0 : index
      %get3A_33 = arith.constant 0 : index
      %get3A_34 = arith.constant 0 : index
      %get3A_35 = vector.load %arg7[%get3A_32, %get3A_33, %get3A_34] : memref<1x1x128xf32, #tpu.memory_space<vmem>>, vector<1x1x128xf32>
      %add3A_36 = arith.addf %get3A_35, %broadcast_in_dim3A : vector<1x1x128xf32>
      %swap3A = arith.constant 0 : index
      %swap3A_37 = arith.constant 0 : index
      %swap3A_38 = arith.constant 0 : index
      %swap3A_39 = vector.load %arg7[%swap3A, %swap3A_37, %swap3A_38] : memref<1x1x128xf32, #tpu.memory_space<vmem>>, vector<1x1x128xf32>
      tpu.vector_store %arg7[%swap3A, %swap3A_37, %swap3A_38], %add3A_36 {strides = array<i32>} : memref<1x1x128xf32, #tpu.memory_space<vmem>>, vector<1x1x128xf32>,
    } else {
    }
    return
  }
  func.func @transform_0(%arg0: i32, %arg1: i32) -> (i32, i32, i32) {
    %add3A = arith.constant 0 : i32
    %add3A_0 = arith.addi %arg0, %add3A : i32
    %c0_i32 = arith.constant 0 : i32
    %c0_i32_1 = arith.constant 0 : i32
    return %add3A_0, %arg1, %c0_i32 : i32, i32, i32
  }
  func.func @transform_1(%arg0: i32, %arg1: i32) -> (i32, i32, i32) {
    %c0_i32 = arith.constant 0 : i32
    %c0_i32_0 = arith.constant 0 : i32
    return %arg0, %arg1, %c0_i32 : i32, i32, i32
  }
  func.func @transform_2(%arg0: i32, %arg1: i32) -> (i32, i32) {
    %c0_i32 = arith.constant 0 : i32
    %c0_i32_0 = arith.constant 0 : i32
    %c0_i32_1 = arith.constant 0 : i32
    return %c0_i32, %c0_i32_0 : i32, i32
  }
  func.func @transform_3(%arg0: i32, %arg1: i32) -> (i32, i32) {
    %c0_i32 = arith.constant 0 : i32
    %c0_i32_0 = arith.constant 0 : i32
    %c0_i32_1 = arith.constant 0 : i32
    return %c0_i32, %c0_i32_0 : i32, i32
  }
  func.func @transform_4(%arg0: i32, %arg1: i32) -> (i32, i32) {
    %c0_i32 = arith.constant 0 : i32
    %c0_i32_0 = arith.constant 0 : i32
    %c0_i32_1 = arith.constant 0 : i32
    return %c0_i32, %c0_i32_0 : i32, i32
  }
  func.func @transform_5(%arg0: i32, %arg1: i32) -> (i32, i32, i32) {
    %c0_i32 = arith.constant 0 : i32
    %c0_i32_0 = arith.constant 0 : i32
    %c0_i32_1 = arith.constant 0 : i32
    return %arg0, %c0_i32, %c0_i32_0 : i32, i32, i32
  }
}

module attributes {stable_mosaic.version = 14 : i64} {
  func.func @_node_pool_kernel(%arg0: i32, %arg1: i32, %arg2: memref<1x1024x128xf32, #tpu.memory_space<vmem>>, %arg3: memref<1x1024x128xf32, #tpu.memory_space<vmem>>, %arg4: memref<128x128xf32, #tpu.memory_space<vmem>>, %arg5: memref<128x128xf32, #tpu.memory_space<vmem>>, %arg6: memref<1x128xf32, #tpu.memory_space<vmem>>, %arg7: memref<1x1x128xf32, #tpu.memory_space<vmem>>) attributes {dimension_semantics = [#tpu.dimension_semantics<arbitrary>, #tpu.dimension_semantics<arbitrary>], iteration_bounds = array<i64: 4, 4>, scalar_prefetch = 0 : i64, scratch_operands = 0 : i64, tpu.core_type = #tpu.core_type<tc>, window_params = [{transform_indices = @transform_0, window_bounds = array<i64: 1, 1024, 128>}, {transform_indices = @transform_1, window_bounds = array<i64: 1, 1024, 128>}, {pipeline_mode = #tpu.pipeline_mode<synchronous>, transform_indices = @transform_2, window_bounds = array<i64: 128, 128>}, {pipeline_mode = #tpu.pipeline_mode<synchronous>, transform_indices = @transform_3, window_bounds = array<i64: 128, 128>}, {pipeline_mode = #tpu.pipeline_mode<synchronous>, transform_indices = @transform_4, window_bounds = array<i64: 1, 128>}, {transform_indices = @transform_5, window_bounds = array<i64: 1, 1, 128>}]} {
    %get3A = arith.constant 0 : index
    %get3A_0 = arith.constant 0 : index
    %get3A_1 = arith.constant 0 : index
    %get3A_2 = vector.load %arg2[%get3A, %get3A_0, %get3A_1] : memref<1x1024x128xf32, #tpu.memory_space<vmem>>, vector<1x1024x128xf32>
    %get3A_3 = vector.shape_cast %get3A_2 : vector<1x1024x128xf32> to vector<1024x128xf32>
    %get3A_4 = arith.constant 0 : index
    %get3A_5 = arith.constant 0 : index
    %get3A_6 = vector.load %arg4[%get3A_4, %get3A_5] : memref<128x128xf32, #tpu.memory_space<vmem>>, vector<128x128xf32>
    %dot_general3A = arith.constant dense<0.000000e+00> : vector<1024x128xf32>
    %dot_general3A_7 = tpu.matmul %get3A_3, %get3A_6, %dot_general3A {dimension_numbers = #tpu.dot_dimension_numbers<[1], [0], [0], [1], [0, 0, 1, 1], [], []>, transpose_lhs_hint = false} : vector<1024x128xf32>, vector<128x128xf32>, vector<1024x128xf32> -> vector<1024x128xf32>
    %get3A_8 = arith.constant 0 : index
    %get3A_9 = arith.constant 0 : index
    %get3A_10 = arith.constant 0 : index
    %get3A_11 = vector.load %arg3[%get3A_8, %get3A_9, %get3A_10] : memref<1x1024x128xf32, #tpu.memory_space<vmem>>, vector<1x1024x128xf32>
    %get3A_12 = vector.shape_cast %get3A_11 : vector<1x1024x128xf32> to vector<1024x128xf32>
    %get3A_13 = arith.constant 0 : index
    %get3A_14 = arith.constant 0 : index
    %get3A_15 = vector.load %arg5[%get3A_13, %get3A_14] : memref<128x128xf32, #tpu.memory_space<vmem>>, vector<128x128xf32>
    %dot_general3A_16 = arith.constant dense<0.000000e+00> : vector<1024x128xf32>
    %dot_general3A_17 = tpu.matmul %get3A_12, %get3A_15, %dot_general3A_16 {dimension_numbers = #tpu.dot_dimension_numbers<[1], [0], [0], [1], [0, 0, 1, 1], [], []>, transpose_lhs_hint = false} : vector<1024x128xf32>, vector<128x128xf32>, vector<1024x128xf32> -> vector<1024x128xf32>
    %add3A = arith.addf %dot_general3A_7, %dot_general3A_17 : vector<1024x128xf32>
    %get3A_18 = arith.constant 0 : index
    %get3A_19 = arith.constant 0 : index
    %get3A_20 = vector.load %arg6[%get3A_18, %get3A_19] : memref<1x128xf32, #tpu.memory_space<vmem>>, vector<1x128xf32>
    %add3A_21 = vector.broadcast %get3A_20 : vector<1x128xf32> to vector<1024x128xf32>
    %add3A_22 = arith.addf %add3A, %add3A_21 : vector<1024x128xf32>
    %max3A = arith.constant 0.000000e+00 : f32
    %max3A_23 = vector.broadcast %max3A : f32 to vector<1024x128xf32>
    %max3A_24 = arith.maximumf %add3A_22, %max3A_23 : vector<1024x128xf32>
    %reduce_sum3A = arith.constant dense<0.000000e+00> : vector<128xf32>
    %reduce_sum3A_25 = vector.multi_reduction <add>, %max3A_24, %reduce_sum3A [0] : vector<1024x128xf32> to vector<128xf32>
    %broadcast_in_dim3A = vector.shape_cast %reduce_sum3A_25 : vector<128xf32> to vector<1x1x128xf32>
    %eq3A = arith.constant 0 : i32
    %eq3A_26 = arith.cmpi eq, %arg1, %eq3A : i32
    %convert_element_type3A = arith.extui %eq3A_26 : i1 to i32
    %cond3A = arith.constant 0 : i32
    %cond3A_27 = arith.cmpi ne, %convert_element_type3A, %cond3A : i32
    scf.if %cond3A_27 {
      %swap3A = arith.constant 0 : index
      %swap3A_32 = arith.constant 0 : index
      %swap3A_33 = arith.constant 0 : index
      %swap3A_34 = vector.load %arg7[%swap3A, %swap3A_32, %swap3A_33] : memref<1x1x128xf32, #tpu.memory_space<vmem>>, vector<1x1x128xf32>
      tpu.vector_store %arg7[%swap3A, %swap3A_32, %swap3A_33], %broadcast_in_dim3A {strides = array<i32>} : memref<1x1x128xf32, #tpu.memory_space<vmem>>, vector<1x1x128xf32>,
    } else {
    }
    %ne3A = arith.constant 0 : i32
    %ne3A_28 = arith.cmpi ne, %arg1, %ne3A : i32
    %convert_element_type3A_29 = arith.extui %ne3A_28 : i1 to i32
    %cond3A_30 = arith.constant 0 : i32
    %cond3A_31 = arith.cmpi ne, %convert_element_type3A_29, %cond3A_30 : i32
    scf.if %cond3A_31 {
      %get3A_32 = arith.constant 0 : index
      %get3A_33 = arith.constant 0 : index
      %get3A_34 = arith.constant 0 : index
      %get3A_35 = vector.load %arg7[%get3A_32, %get3A_33, %get3A_34] : memref<1x1x128xf32, #tpu.memory_space<vmem>>, vector<1x1x128xf32>
      %add3A_36 = arith.addf %get3A_35, %broadcast_in_dim3A : vector<1x1x128xf32>
      %swap3A = arith.constant 0 : index
      %swap3A_37 = arith.constant 0 : index
      %swap3A_38 = arith.constant 0 : index
      %swap3A_39 = vector.load %arg7[%swap3A, %swap3A_37, %swap3A_38] : memref<1x1x128xf32, #tpu.memory_space<vmem>>, vector<1x1x128xf32>
      tpu.vector_store %arg7[%swap3A, %swap3A_37, %swap3A_38], %add3A_36 {strides = array<i32>} : memref<1x1x128xf32, #tpu.memory_space<vmem>>, vector<1x1x128xf32>,
    } else {
    }
    return
  }
  func.func @transform_0(%arg0: i32, %arg1: i32) -> (i32, i32, i32) {
    %add3A = arith.constant 4 : i32
    %add3A_0 = arith.addi %arg0, %add3A : i32
    %c0_i32 = arith.constant 0 : i32
    %c0_i32_1 = arith.constant 0 : i32
    return %add3A_0, %arg1, %c0_i32 : i32, i32, i32
  }
  func.func @transform_1(%arg0: i32, %arg1: i32) -> (i32, i32, i32) {
    %c0_i32 = arith.constant 0 : i32
    %c0_i32_0 = arith.constant 0 : i32
    return %arg0, %arg1, %c0_i32 : i32, i32, i32
  }
  func.func @transform_2(%arg0: i32, %arg1: i32) -> (i32, i32) {
    %c0_i32 = arith.constant 0 : i32
    %c0_i32_0 = arith.constant 0 : i32
    %c0_i32_1 = arith.constant 0 : i32
    return %c0_i32, %c0_i32_0 : i32, i32
  }
  func.func @transform_3(%arg0: i32, %arg1: i32) -> (i32, i32) {
    %c0_i32 = arith.constant 0 : i32
    %c0_i32_0 = arith.constant 0 : i32
    %c0_i32_1 = arith.constant 0 : i32
    return %c0_i32, %c0_i32_0 : i32, i32
  }
  func.func @transform_4(%arg0: i32, %arg1: i32) -> (i32, i32) {
    %c0_i32 = arith.constant 0 : i32
    %c0_i32_0 = arith.constant 0 : i32
    %c0_i32_1 = arith.constant 0 : i32
    return %c0_i32, %c0_i32_0 : i32, i32
  }
  func.func @transform_5(%arg0: i32, %arg1: i32) -> (i32, i32, i32) {
    %c0_i32 = arith.constant 0 : i32
    %c0_i32_0 = arith.constant 0 : i32
    %c0_i32_1 = arith.constant 0 : i32
    return %arg0, %c0_i32, %c0_i32_0 : i32, i32, i32
  }
}

module attributes {stable_mosaic.version = 14 : i64} {
  func.func @_head_kernel(%arg0: memref<8x128xf32, #tpu.memory_space<vmem>>, %arg1: memref<8x64xf32, #tpu.memory_space<vmem>>, %arg2: memref<64x64xf32, #tpu.memory_space<vmem>>, %arg3: memref<1x64xf32, #tpu.memory_space<vmem>>, %arg4: memref<128x256xf32, #tpu.memory_space<vmem>>, %arg5: memref<64x256xf32, #tpu.memory_space<vmem>>, %arg6: memref<1x256xf32, #tpu.memory_space<vmem>>, %arg7: memref<256x2xf32, #tpu.memory_space<vmem>>, %arg8: memref<1x2xf32, #tpu.memory_space<vmem>>, %arg9: memref<8x2xf32, #tpu.memory_space<vmem>>) attributes {dimension_semantics = [], scalar_prefetch = 0 : i64, scratch_operands = 0 : i64, tpu.core_type = #tpu.core_type<tc>} {
    %get3A = arith.constant 0 : index
    %get3A_0 = arith.constant 0 : index
    %get3A_1 = vector.load %arg0[%get3A, %get3A_0] : memref<8x128xf32, #tpu.memory_space<vmem>>, vector<8x128xf32>
    %mul3A = arith.constant 2.44140625E-4 : f32
    %mul3A_2 = vector.broadcast %mul3A : f32 to vector<8x128xf32>
    %mul3A_3 = arith.mulf %get3A_1, %mul3A_2 : vector<8x128xf32>
    %get3A_4 = arith.constant 0 : index
    %get3A_5 = arith.constant 0 : index
    %get3A_6 = vector.load %arg1[%get3A_4, %get3A_5] : memref<8x64xf32, #tpu.memory_space<vmem>>, vector<8x64xf32>
    %get3A_7 = arith.constant 0 : index
    %get3A_8 = arith.constant 0 : index
    %get3A_9 = vector.load %arg2[%get3A_7, %get3A_8] : memref<64x64xf32, #tpu.memory_space<vmem>>, vector<64x64xf32>
    %dot_general3A = arith.constant dense<0.000000e+00> : vector<8x64xf32>
    %dot_general3A_10 = tpu.matmul %get3A_6, %get3A_9, %dot_general3A {dimension_numbers = #tpu.dot_dimension_numbers<[1], [0], [0], [1], [0, 0, 1, 1], [], []>, transpose_lhs_hint = false} : vector<8x64xf32>, vector<64x64xf32>, vector<8x64xf32> -> vector<8x64xf32>
    %get3A_11 = arith.constant 0 : index
    %get3A_12 = arith.constant 0 : index
    %get3A_13 = vector.load %arg3[%get3A_11, %get3A_12] : memref<1x64xf32, #tpu.memory_space<vmem>>, vector<1x64xf32>
    %add3A = vector.broadcast %get3A_13 : vector<1x64xf32> to vector<8x64xf32>
    %add3A_14 = arith.addf %dot_general3A_10, %add3A : vector<8x64xf32>
    %get3A_15 = arith.constant 0 : index
    %get3A_16 = arith.constant 0 : index
    %get3A_17 = vector.load %arg4[%get3A_15, %get3A_16] : memref<128x256xf32, #tpu.memory_space<vmem>>, vector<128x256xf32>
    %dot_general3A_18 = arith.constant dense<0.000000e+00> : vector<8x256xf32>
    %dot_general3A_19 = tpu.matmul %mul3A_3, %get3A_17, %dot_general3A_18 {dimension_numbers = #tpu.dot_dimension_numbers<[1], [0], [0], [1], [0, 0, 1, 1], [], []>, transpose_lhs_hint = false} : vector<8x128xf32>, vector<128x256xf32>, vector<8x256xf32> -> vector<8x256xf32>
    %get3A_20 = arith.constant 0 : index
    %get3A_21 = arith.constant 0 : index
    %get3A_22 = vector.load %arg5[%get3A_20, %get3A_21] : memref<64x256xf32, #tpu.memory_space<vmem>>, vector<64x256xf32>
    %dot_general3A_23 = arith.constant dense<0.000000e+00> : vector<8x256xf32>
    %dot_general3A_24 = tpu.matmul %add3A_14, %get3A_22, %dot_general3A_23 {dimension_numbers = #tpu.dot_dimension_numbers<[1], [0], [0], [1], [0, 0, 1, 1], [], []>, transpose_lhs_hint = false} : vector<8x64xf32>, vector<64x256xf32>, vector<8x256xf32> -> vector<8x256xf32>
    %add3A_25 = arith.addf %dot_general3A_19, %dot_general3A_24 : vector<8x256xf32>
    %get3A_26 = arith.constant 0 : index
    %get3A_27 = arith.constant 0 : index
    %get3A_28 = vector.load %arg6[%get3A_26, %get3A_27] : memref<1x256xf32, #tpu.memory_space<vmem>>, vector<1x256xf32>
    %add3A_29 = vector.broadcast %get3A_28 : vector<1x256xf32> to vector<8x256xf32>
    %add3A_30 = arith.addf %add3A_25, %add3A_29 : vector<8x256xf32>
    %max3A = arith.constant 0.000000e+00 : f32
    %max3A_31 = vector.broadcast %max3A : f32 to vector<8x256xf32>
    %max3A_32 = arith.maximumf %add3A_30, %max3A_31 : vector<8x256xf32>
    %get3A_33 = arith.constant 0 : index
    %get3A_34 = arith.constant 0 : index
    %get3A_35 = vector.load %arg7[%get3A_33, %get3A_34] : memref<256x2xf32, #tpu.memory_space<vmem>>, vector<256x2xf32>
    %dot_general3A_36 = arith.constant dense<0.000000e+00> : vector<8x2xf32>
    %dot_general3A_37 = tpu.matmul %max3A_32, %get3A_35, %dot_general3A_36 {dimension_numbers = #tpu.dot_dimension_numbers<[1], [0], [0], [1], [0, 0, 1, 1], [], []>, transpose_lhs_hint = false} : vector<8x256xf32>, vector<256x2xf32>, vector<8x2xf32> -> vector<8x2xf32>
    %get3A_38 = arith.constant 0 : index
    %get3A_39 = arith.constant 0 : index
    %get3A_40 = vector.load %arg8[%get3A_38, %get3A_39] : memref<1x2xf32, #tpu.memory_space<vmem>>, vector<1x2xf32>
    %add3A_41 = vector.broadcast %get3A_40 : vector<1x2xf32> to vector<8x2xf32>
    %add3A_42 = arith.addf %dot_general3A_37, %add3A_41 : vector<8x2xf32>
    %swap3A = arith.constant 0 : index
    %swap3A_43 = arith.constant 0 : index
    %swap3A_44 = vector.load %arg9[%swap3A, %swap3A_43] : memref<8x2xf32, #tpu.memory_space<vmem>>, vector<8x2xf32>
    tpu.vector_store %arg9[%swap3A, %swap3A_43], %add3A_42 {strides = array<i32>} : memref<8x2xf32, #tpu.memory_space<vmem>>, vector<8x2xf32>,
    return
  }
}

</mosaic_0001>

<sc_bundles>
// kernel: kernel.10.cloned.1.call-start
scs
__scs_entry_jumppad:
0x0: {  	(pc) =	sbr.rel $0x88, $3  }
0x1: {  	(tag) =	ssettag $0x0;
	lr =	simm.s32 $0x1  }
0x2: {  	[smem:$0x3F92] =	sst lr;
	_ =	strace $0xD0000000  }
0x3: {  	_ = 	snop  }
0x4: {  	_ = 	snop  }
0x5: {  	_ = 	snop  }
0x6: {  	_ = 	snop  }
0x7: {  	_ = 	snop  }
__scs_overlays_trampoline_lowered:
0x8: {  	[smem:$0x3FA1] =	sst s0  }
0x9: {  	[smem:$0x3FA2] =	sst s1  }
0xa: {  	[smem:$0x3FA3] =	sst s2  }
0xb: {  	[smem:$0x3FA4] =	sst s3  }
0xc: {  	[smem:$0x3FA5] =	sst s4  }
0xd: {  	[smem:$0x3FA6] =	sst s5  }
0xe: {  	[smem:$0x3FA7] =	sst s6  }
0xf: {  	[smem:$0x3FA8] =	sst s7  }
0x10: {  	[smem:$0x3FA9] =	sst s8  }
0x11: {  	[smem:$0x3FAA] =	sst s9;
	s0 =	simm.s32 @!p0 $0x0  }
0x12: {  	s1 =	sld [smem:$0x3F90];
	s0 =	simm.s32 @p0 $0x1  }
0x13: {  	[smem:$0x3FAB] =	sst s0;
	s0 =	simm.s32 @!p1 $0x0  }
0x14: {  	s2 =	sld [smem:$0x3F8F];
	s0 =	simm.s32 @p1 $0x1  }
0x15: {  	[smem:$0x3FAC] =	sst s0;
	s0 =	simm.s32 @!p2 $0x0  }
0x16: {  	s3 =	sld [smem:$0x3FDB];
	s0 =	simm.s32 @p2 $0x1  }
0x17: {  	s4 =	simm.s32 $0x1BF5;
	[smem:$0x3FAE] =	sst s0  }
0x18: {  	s0 =	sld [smem:$0x3F91];
	_ =	swait.ge [sflag:s4], $0x0  }
0x19: {  	s7 =	sld [smem:$0x3F92]  }
0x1a: {  	s8 =	sadd.s32 $0xFFFFE003, lr  }
0x1b: {  	s9 =	sadd.s32 $0xFFFFFEF7, lr;
	s5 =	simm.s32 $0xFFFFFFFF;
	p2 =	slt.u32 s8, $0xFFFFF086  }
0x1c: {  	p1 =	slt.u32 s9, $0xF7A;
	s5 =	simm.s32 @!p2 $0x0  }
0x1d: {  	s5 =	simm.s32 @p1 $0x1;
	p0 =	seq.s32 s7, s2  }
0x1e: {  	s7 =	smul.u32 @!p0 $0xF7A, s2;
	p2 =	seq.s32 @!p0 s5, $0x0  }
0x1f: {  	s9 =	smul.u32 $0xF7A, s1;
	s8 =	simm.s32 @!p0 $0x1BF5;
	p2 =	por !p2, p0  }
0x20: {  	[sflag:s8] =	ssyncset.s32 @!p0 $0xFFFFF086;
	s6 =	sadd.s32 @!p0 s3, s7;
	s7 =	simm.s32 @!p0 $0x108  }
0x21: {  	s3 =	sadd.s32 s3, s9;
	s6 =	sadd.s32 @!p0 $0x88, s6;
	s7 =	simm.s32 @p2 $0x1082  }
0x22: {  	[simem:s7], [sflag:s8] =	dma.local @!p0 [hbm:s6], $0xF7A  }
0x23: {  	s9 =	sor.u32 $0xD0000000, s2;
	s6 =	simm.s32 $0x108;
	_ =	swait.ge @!p0 [sflag:s8], $0x0  }
0x24: {  	s3 =	sadd.s32 $0x88, s3;
	s6 =	simm.s32 @!p1 $0x1082;
	[sflag:s4] =	ssyncset.s32 $0xFFFFF086  }
0x25: {  	[simem:s6], [sflag:s4] =	dma.local [hbm:s3], $0xF7A  }
0x26: {  	[smem:$0x3F92] =	sst s1;
	(tag) =	ssettag s2;
	_ =	strace s9  }
0x27: {  	s1 =	sld [smem:$0x3FA2]  }
0x28: {  	s2 =	sld [smem:$0x3FA3]  }
0x29: {  	s4 =	sld [smem:$0x3FA5]  }
0x2a: {  	p0 =	seq.s32 s5, $0x0;
	s5 =	sld [smem:$0x3FA6]  }
0x2b: {  	s6 =	sld [smem:$0x3FA7]  }
0x2c: {  	s7 =	sld [smem:$0x3FA8]  }
0x2d: {  	s3 =	simm.s32 $0x108;
	s8 =	sld [smem:$0x3FA9]  }
0x2e: {  	s3 =	simm.s32 @!p0 $0x1082;
	s9 =	sld [smem:$0x3FAA]  }
0x2f: {  	lr =	sadd.s32 s0, s3;
	s0 =	sld [smem:$0x3FA1]  }
0x30: {  	s3 =	sld [smem:$0x3FA4]  }
0x31: {  	[smem:$0x3FAD] =	sst s10  }
0x32: {  	s10 =	sld [smem:$0x3FAB];
	_ =	sdelay $0x3  }
0x33: {  	p0 =	seq.s32 s10, $0x1;
	s10 =	sld [smem:$0x3FAD];
	_ =	sdelay $0x3  }
0x34: {  	[smem:$0x3FAD] =	sst s10  }
0x35: {  	s10 =	sld [smem:$0x3FAC];
	_ =	sdelay $0x3  }
0x36: {  	p1 =	seq.s32 s10, $0x1;
	s10 =	sld [smem:$0x3FAD];
	_ =	sdelay $0x3  }
0x37: {  	[smem:$0x3FAD] =	sst s10  }
0x38: {  	s10 =	sld [smem:$0x3FAE]  }
0x39: {  	_ = 	snop;
	(pc) =	sbr.ind lr, $3  }
0x3a: {  	_ = 	snop  }
0x3b: {  	_ = 	snop  }
0x3c: {  	p2 =	seq.s32 s10, $0x1;
	s10 =	sld [smem:$0x3FAD]  }
0x3d: {  	_ =	shalt  }
0x3e: {  	_ =	shalt  }
0x3f: {  	_ =	shalt  }
0x40: {  	_ =	shalt  }
0x41: {  	_ =	shalt  }
0x42: {  	_ =	shalt  }
0x43: {  	_ =	shalt  }
0x44: {  	_ =	shalt  }
0x45: {  	_ =	shalt  }
0x46: {  	_ =	shalt  }
0x47: {  	_ =	shalt  }
0x48: {  	_ =	shalt  }
0x49: {  	_ =	shalt  }
0x4a: {  	_ =	shalt  }
0x4b: {  	_ =	shalt  }
0x4c: {  	_ =	shalt  }
0x4d: {  	_ =	shalt  }
0x4e: {  	_ =	shalt  }
0x4f: {  	_ =	shalt  }
0x50: {  	_ =	shalt  }
0x51: {  	_ =	shalt  }
0x52: {  	_ =	shalt  }
0x53: {  	_ =	shalt  }
0x54: {  	_ =	shalt  }
0x55: {  	_ =	shalt  }
0x56: {  	_ =	shalt  }
0x57: {  	_ =	shalt  }
0x58: {  	_ =	shalt  }
0x59: {  	_ =	shalt  }
0x5a: {  	_ =	shalt  }
0x5b: {  	_ =	shalt  }
0x5c: {  	_ =	shalt  }
0x5d: {  	_ =	shalt  }
0x5e: {  	_ =	shalt  }
0x5f: {  	_ =	shalt  }
0x60: {  	_ =	shalt  }
0x61: {  	_ =	shalt  }
0x62: {  	_ =	shalt  }
0x63: {  	_ =	shalt  }
0x64: {  	_ =	shalt  }
0x65: {  	_ =	shalt  }
0x66: {  	_ =	shalt  }
0x67: {  	_ =	shalt  }
0x68: {  	_ =	shalt  }
0x69: {  	_ =	shalt  }
0x6a: {  	_ =	shalt  }
0x6b: {  	_ =	shalt  }
0x6c: {  	_ =	shalt  }
0x6d: {  	_ =	shalt  }
0x6e: {  	_ =	shalt  }
0x6f: {  	_ =	shalt  }
0x70: {  	_ =	shalt  }
0x71: {  	_ =	shalt  }
0x72: {  	_ =	shalt  }
0x73: {  	_ =	shalt  }
0x74: {  	_ =	shalt  }
0x75: {  	_ =	shalt  }
0x76: {  	_ =	shalt  }
0x77: {  	_ =	shalt  }
0x78: {  	_ =	shalt  }
0x79: {  	_ =	shalt  }
0x7a: {  	_ =	shalt  }
0x7b: {  	_ =	shalt  }
0x7c: {  	_ =	shalt  }
0x7d: {  	_ =	shalt  }
0x7e: {  	_ =	shalt  }
0x7f: {  	_ =	shalt  }
0x80: {  	_ =	shalt  }
0x81: {  	_ =	shalt  }
0x82: {  	_ =	shalt  }
0x83: {  	_ =	shalt  }
0x84: {  	_ =	shalt  }
0x85: {  	_ =	shalt  }
0x86: {  	_ =	shalt  }
0x87: {  	_ =	shalt  }
.Lfunc_end0:
.L_simem_size_0:
called_computation_lowered:
.L_overlay_start_0:
0x88: {  	s2 =	sld [smem:$0x3FD9]  }
0x89: {  	s3 =	sld [smem:$0x3FFE];
	_ =	sdelay $0x1  }
0x8a: {  	s1 =	srdreg.scid  }
0x8b: {  	s0 =	sand.u32 $0x1, s1  }
0x8c: {  	s16 =	sshll.u32 s0, $0xA;
	s2 =	sadd.s32 s3, s2  }
0x8d: {  	s2 =	sadd.s32 s2, s16  }
0x8e: {  	[smem:$0x3FB9] =	sst s2  }
0x8f: {  	_ = 	snop  }
0x90: {  	(tm) =	ssettm $0x1  }
0x91: {  	s17 =	sld [smem:$0x3FFB];
	_ =	sdelay $0x3  }
0x92: {  	_ =	strace s17  }
0x93: {  	s2 =	sld [smem:$0x3FFC];
	_ =	sdelay $0x3  }
0x94: {  	_ =	strace s2  }
0x95: {  	s2 =	sld [smem:$0x3FFD];
	_ =	sdelay $0x3  }
0x96: {  	_ =	strace s2  }
0x97: {  	_ =	strace $0x8FFFFFFF  }
0x98: {  	s18 =	sld [smem:$0x3FDB];
	_ =	sdelay $0x1  }
0x99: {  	s19 =	simm.s32 $_scs_section_size  }
0x9a: {  	s4 =	simm.s32 $_size__tile_overlayer_lowered;
	s5 =	simm.s32 $_tile_overlayer_lowered  }
0x9b: {  	s22 =	simm.s32 $0x1BFF;
	s21 =	sshll.u32 s5, $0x1;
	s2 =	sadd.s32 s19, s18  }
0x9c: {  	s6 =	simm.s32 $0x0;
	s20 =	sshll.u32 s4, $0x1;
	s4 =	sadd.s32 s21, s2  }
0x9d: {  	[timem:s6], [sflag:s22] =	dma.local [hbm:s4], s20  }
0x9e: {  	_ =	swait.ge [sflag:s22], s20  }
0x9f: {  	s3 =	ssub.s32 $0x0, s20;
	[sflag:s22] =	ssyncset.done $0x0  }
0xa0: {  	[sflag:s22] =	ssyncadd.s32 s3;
	_ =	sdelay $0x1  }
0xa1: {  	s23 =	simm.s32 $0x1B8B  }
0xa2: {  	_ =	swait.ge [sflag:s23], $0x1  }
0xa3: {  	[sflag:s23] =	ssyncset.done $0x0  }
0xa4: {  	s25 =	simm.s32 $0x1B8E;
	s24 =	sld [smem:$0x3FFE];
	[sflag:s23] =	ssyncadd.s32 $0xFFFFFFFF  }
0xa5: {  	s26 =	simm.s32 $execute0_lowered;
	[smem:$0x3FD2] =	sst s25  }
0xa6: {  	s4 =	sshll.u32 s26, $0x1;
	_ =	strace $0x80000046;
	[dreg:$0x1] =	wrdreg $0xFFFFFFFF  }
0xa7: {  	s28 =	simm.s32 $_size_execute0_lowered;
	s2 =	sadd.s32 s2, s4;
	[dreg:$0x0] =	wrdreg $0x0  }
0xa8: {  	s4 =	sshll.u32 s28, $0x1;
	[dreg:$0x2] =	wrdreg s2  }
0xa9: {  	[dreg:$0x3] =	wrdreg s4  }
0xaa: {  	[dreg:$0x4] =	wrdreg $0xC0  }
0xab: {  	_ =	task [dreg:s6], $0x5FFFF  }
0xac: {  	[dreg:$0x1] =	wrdreg $0xFFFFFFFF  }
0xad: {  	[dreg:$0x0] =	wrdreg $0x60  }
0xae: {  	[dreg:$0x2] =	wrdreg s24  }
0xaf: {  	[dreg:$0x3] =	wrdreg $0x100000  }
0xb0: {  	[dreg:$0x4] =	wrdreg $0x9  }
0xb1: {  	_ =	task.clear_ibuf [dreg:s6], $0x5FFFF;
	_ =	strace $0x90000046  }
0xb2: {  	s29 =	simm.s32 $0x9;
	_ =	strace $0x80000048  }
0xb3: {  	_ =	swait.ge [sflag:s29], $0x1  }
0xb4: {  	[sflag:s29] =	ssyncadd.s32 $0xFFFFFFFF  }
0xb5: {  	_ =	strace $0x90000048  }
0xb6: {  	_ =	sfence  }
0xb7: {  	s30 =	sld [smem:$0x0];
	_ =	sdelay $0x2  }
0xb8: {  	s31 =	sshll.u32 s1, $0xD;
	s1 =	sshrl.u32 s1, $0x2  }
0xb9: {  	s3 =	sand.u32 $0x4000, s31;
	s1 =	sadd.s32 s1, s30  }
0xba: {  	s0 =	sor.u32 s3, s0;
	s1 =	sshll.u32 s1, $0x11  }
0xbb: {  	s0 =	sor.u32 s1, s0  }
0xbc: {  	s0 =	sadd.s32 $0x8F2B, s0  }
0xbd: {  	[sflag:s0] =	ssyncadd.remote.s32 $0x1  }
0xbe: {  	_ =	sfence.sel $0xFFFF  }
0xbf: {  	[dreg:$0x0] =	wrdreg $0xFFFFFFFF;
	(pc) =	sbr.abs _section_cstart, $3  }
0xc0: {  	[dreg:$0x1] =	wrdreg $0xFFFFFFFF  }
0xc1: {  	_ =	task.clear_ibuf [dreg:s6], $0x2FFFF;
	_ =	strace $0x9FFFFFFF  }
0xc2: {  	(tm) =	ssettm $0x7FFFFFFF  }
0xc3: {  	_ =	shalt  }
tec
execute0_lowered:
.L_overlay_start_1:
0x0: {  	(tag) =	ssettag $0x1  }
0x1: {  	s0 =	rddreg [dreg:$0x0]  }
0x2: {  	s1 =	rddreg [dreg:$0x1];
	s2 =	simm.s32 $0x0;
	s6 =	srdreg.scid  }
0x3: {  	s11 =	stileid.u32;
	s23 =	simm.s32 $0x2000;
	s28 =	simm.s32 $0x3  }
0x4: {  	s29 =	simm.s32 $0x2;
	s31 =	simm.s32 $0xE000;
	[smem:$0x7FF] =	sst s2  }
0x5: {  	s30 =	simm.s32 $0x4;
	s3 =	sadd.s32 $0x842A00, s0;
	s4 =	sadd.s32 $0x8C2A00, s0  }
0x6: {  	s5 =	sadd.s32 $0x802A00, s0;
	s12 =	sadd.s32 $0x822A00, s0;
	s6 =	sand.u32 $0x1, s6  }
0x7: {  	s13 =	sshll.u32 s11, $0xD;
	s0 =	sadd.s32 $0xCC2A00, s0;
	s19 =	sshll.u32 s11, $0xF  }
0x8: {  	s15 =	sshll.u32 s11, $0x8;
	s17 =	sshll.u32 s11, $0x10;
	_ =	strace $0x80000047  }
0x9: {  	s7 =	ssub.s32 $0x2, s6;
	s8 =	sshll.u32 s6, $0x12;
	s16 =	sshll.u32 s6, $0xD  }
0xa: {  	s21 =	sshll.u32 s6, $0x15;
	s6 =	sshllo.u32 s6, $0x1;
	s9 =	sshrl.u32 s7, $0x1  }
0xb: {  	s8 =	sor.u32 s13, s8;
	s11 =	sor.u32 s17, s21;
	s22 =	sshll.u32 s6, $0xC  }
0xc: {  	s21 =	simm.s32 $0x40;
	s14 =	ssub.s32 s7, s9;
	s18 =	sshrl.u32 s8, $0x3  }
0xd: {  	s11 =	sadd.s32 s4, s11;
	s25 =	sor.u32 s15, s22;
	s20 =	sadd.s32 s5, s18  }
0xe: {  	s7 =	sadd.s32 s12, s18;
	s18 =	sor.u32 s15, s16;
	[dreg:$0x3] =	wrdreg s20  }
0xf: {  	s26 =	sshll.u32 s25, $0x4;
	s25 =	simm.s32 $0xA000;
	[dreg:$0x4] =	wrdreg s7  }
0x10: {  	s7 =	sadd.s32 s19, s1;
	s18 =	sshll.u32 s18, $0x4;
	s19 =	sshll.u32 s6, $0x11  }
0x11: {  	s6 =	sshll.u32 s6, $0x14;
	s20 =	simm.s32 $0xC000;
	s8 =	sadd.s32 $0x2000, s7  }
0x12: {  	s9 =	sadd.s32 $0x4000, s7;
	s10 =	sadd.s32 $0x6000, s7;
	s18 =	sadd.s32 s0, s18  }
0x13: {  	s13 =	sor.u32 s13, s19;
	s24 =	sor.u32 s17, s6;
	s0 =	sadd.s32 s0, s26  }
0x14: {  	s17 =	smax.u32 s14, $0x1;
	s26 =	simm.s32 $0x1;
	[dreg:$0x5] =	wrdreg s18  }
0x15: {  	s13 =	sshrl.u32 s13, $0x3;
	s15 =	sadd.s32 s4, s24;
	[dreg:$0x8] =	wrdreg s0  }
0x16: {  	s18 =	simm.s32 $0x7;
	s24 =	simm.s32 $0x6000;
	s5 =	sadd.s32 s5, s13  }
0x17: {  	s0 =	simm.s32 $0x5;
	s12 =	sadd.s32 s12, s13;
	[dreg:$0x6] =	wrdreg s5  }
0x18: {  	v2 =	vimm.f32 $0.0e+00;
	v0 =	vmov s16;
	v1 =	vmov s22;
	s4 =	simm.s32 $0x6;
	[dreg:$0x7] =	wrdreg s12;
	s5 =	simm.s32 $0x0  }
.LBB2_1:
0x19: {  	s6 =	rddreg [dreg:$0x3]  }
0x1a: {  	[tilespmem:s2], [sflag:$0x7] =	stream.linear.gather [hbm4b:s6+s2], $0x2000, $0x38;
	[tilespmem:$0x18000] =	vst v63  }
0x1b: {  	_ =	swait.ge [sflag:s18], $0x2000  }
0x1c: {  	[sflag:s18] =	ssyncset.done $0x0  }
0x1d: {  	s22 =	rddreg [dreg:$0x4];
	[sflag:s18] =	ssyncadd.s32 $0xFFFFE000  }
0x1e: {  	[tilespmem:s23], [sflag:$0x7] =	stream.linear.gather [hbm4b:s22+s2], $0x2000, $0x38;
	[tilespmem:$0x18000] =	vst v63  }
0x1f: {  	_ =	swait.ge [sflag:s18], $0x2000  }
0x20: {  	[sflag:s18] =	ssyncset.done $0x0  }
0x21: {  	s6 =	simm.s32 $0x0;
	[sflag:s18] =	ssyncadd.s32 $0xFFFFE000  }
0x22: {  	v5 =	vld [tilespmem:s6+$0x0]  }
0x23: {  	v4 =	vld [tilespmem:s6+$0x10]  }
0x24: {  	s12 =	simm.s32 $0x200;
	v3 =	vld [tilespmem:s6+$0x20]  }
.LBB2_2:
0x25: {  	p0 =	sne.s32 s12, $0x7E00;
	v6 =	vld [tilespmem:s6+$0x30];
	_ =	sdelay $0x1  }
.Ltmp0:
0x26: {  	v5 =	vadd.s32 v0, v5;
	(pc) =	sbr.rel @p0 .LBB2_2-.Ltmp0, $4  }
0x27: {  	s13 =	sshra.s32 s12, $0x2;
	[tilespmem:s6+$0x0] =	vst v5;
	v4 =	vadd.s32 v0, v4  }
0x28: {  	v5 =	vld [tilespmem:s13+$0x0];
	[tilespmem:s6+$0x10] =	vst v4;
	v3 =	vadd.s32 v0, v3  }
0x29: {  	v4 =	vld [tilespmem:s13+$0x10];
	[tilespmem:s6+$0x20] =	vst v3;
	v6 =	vadd.s32 v0, v6  }
0x2a: {  	s12 =	sadd.s32 $0x200, s12;
	v3 =	vld [tilespmem:s13+$0x20];
	[tilespmem:s6+$0x30] =	vst v6;
	s6 =	smov.u32 s13  }
0x2b: {  	v6 =	vld [tilespmem:s6+$0x30];
	_ =	sdelay $0x1  }
0x2c: {  	v5 =	vadd.s32 v0, v5  }
0x2d: {  	[tilespmem:s6+$0x0] =	vst v5;
	v4 =	vadd.s32 v0, v4  }
0x2e: {  	[tilespmem:s6+$0x10] =	vst v4;
	v3 =	vadd.s32 v0, v3  }
0x2f: {  	[tilespmem:s6+$0x20] =	vst v3;
	v3 =	vadd.s32 v0, v6  }
0x30: {  	s12 =	simm.s32 $0x200;
	[tilespmem:s6+$0x30] =	vst v3;
	s6 =	simm.s32 $0x0  }
.LBB2_4:
0x31: {  	p0 =	sne.s32 s12, $0x7E00;
	[tilespmem:s6+$0xC070] =	vst v2  }
0x32: {  	[tilespmem:s6+$0xC000] =	vst v2  }
0x33: {  	[tilespmem:s6+$0xC010] =	vst v2  }
.Ltmp1:
0x34: {  	[tilespmem:s6+$0xC020] =	vst v2;
	(pc) =	sbr.rel @p0 .LBB2_4-.Ltmp1, $4  }
0x35: {  	[tilespmem:s6+$0xC030] =	vst v2  }
0x36: {  	[tilespmem:s6+$0xC040] =	vst v2  }
0x37: {  	[tilespmem:s6+$0xC050] =	vst v2  }
0x38: {  	[tilespmem:s6+$0xC060] =	vst v2;
	s6 =	sshra.s32 s12, $0x2;
	s12 =	sadd.s32 $0x200, s12  }
0x39: {  	[tilespmem:s6+$0xC070] =	vst v2  }
0x3a: {  	[tilespmem:s6+$0xC000] =	vst v2  }
0x3b: {  	[tilespmem:s6+$0xC010] =	vst v2  }
0x3c: {  	[tilespmem:s6+$0xC020] =	vst v2  }
0x3d: {  	[tilespmem:s6+$0xC030] =	vst v2  }
0x3e: {  	[tilespmem:s6+$0xC040] =	vst v2  }
0x3f: {  	[tilespmem:s6+$0xC050] =	vst v2  }
0x40: {  	[tilespmem:s6+$0xC060] =	vst v2  }
0x41: {  	[spmem:s7] =	stream.linear.scatter [tilespmem:s20], [sflag:$0x7], $0x2000, $0x38;
	[tilespmem:$0x18000] =	vst v63  }
0x42: {  	_ =	swait.ge [sflag:s18], $0x2000  }
0x43: {  	[sflag:s18] =	ssyncset.done $0x0  }
0x44: {  	[sflag:s18] =	ssyncadd.s32 $0xFFFFE000  }
0x45: {  	[spmem:s8] =	stream.linear.scatter [tilespmem:s20], [sflag:$0x7], $0x2000, $0x38;
	[tilespmem:$0x18000] =	vst v63  }
0x46: {  	_ =	swait.ge [sflag:s18], $0x2000  }
0x47: {  	[sflag:s18] =	ssyncset.done $0x0  }
0x48: {  	[sflag:s18] =	ssyncadd.s32 $0xFFFFE000  }
0x49: {  	[spmem:s9] =	stream.linear.scatter [tilespmem:s20], [sflag:$0x7], $0x2000, $0x38;
	[tilespmem:$0x18000] =	vst v63  }
0x4a: {  	_ =	swait.ge [sflag:s18], $0x2000  }
0x4b: {  	[sflag:s18] =	ssyncset.done $0x0  }
0x4c: {  	[sflag:s18] =	ssyncadd.s32 $0xFFFFE000  }
0x4d: {  	[spmem:s10] =	stream.linear.scatter [tilespmem:s20], [sflag:$0x7], $0x2000, $0x38;
	[tilespmem:$0x18000] =	vst v63  }
0x4e: {  	_ =	swait.ge [sflag:s18], $0x2000  }
0x4f: {  	[sflag:s18] =	ssyncset.done $0x0  }
0x50: {  	[sflag:s18] =	ssyncadd.s32 $0xFFFFE000  }
0x51: {  	s6 =	simm.s32 $0x0;
	s12 =	simm.s32 $0x4000;
	[bflag:$0x0] =	sbarrier.arrive $0xFFFF  }
0x52: {  	[tilespmem:s12], [sflag:$0x1] =	stream.indirect.gather [hbm4b:s3+s21], $0x80, s6, s21, $0xb8;
	[tilespmem:$0x18000] =	vst v63  }
0x53: {  	s22 =	simm.s32 $0x8000  }
0x54: {  	[tilespmem:s22], [sflag:$0x3] =	stream.linear.gather [hbm4b:s11+s6], $0x2000, $0x38;
	[tilespmem:$0x18000] =	vst v63  }
.LBB2_6:
0x55: {  	s13 =	sshllo.u32 s6, $0x1  }
0x56: {  	s12 =	sshll.u32 s13, $0x9  }
0x57: {  	s13 =	sshll.u32 s13, $0xA;
	s12 =	sshrl.u32 s12, $0x2  }
0x58: {  	[tilespmem:s24], [sflag:$0x2] =	stream.indirect.gather [hbm4b:s3+s21], $0x80, s12, s21, $0xb8;
	[tilespmem:$0x18000] =	vst v63  }
0x59: {  	s13 =	sadd.s32 s13, s11  }
0x5a: {  	[tilespmem:s25], [sflag:$0x4] =	stream.linear.gather [hbm4b:s13+s2], $0x2000, $0x38;
	[tilespmem:$0x18000] =	vst v63  }
0x5b: {  	_ =	swait.ge [sflag:s26], $0x2000  }
0x5c: {  	[sflag:s26] =	ssyncset.done $0x0  }
0x5d: {  	[sflag:s26] =	ssyncadd.s32 $0xFFFFE000  }
0x5e: {  	_ =	swait.ge [sflag:s28], $0x2000  }
0x5f: {  	p0 =	seq.s32 s6, $0x0;
	[sflag:s28] =	ssyncset.done $0x0  }
0x60: {  	s13 =	simm.s32 @!p0 $0x5;
	[sflag:s28] =	ssyncadd.s32 $0xFFFFE000  }
0x61: {  	_ =	swait.ge @!p0 [sflag:s13], $0x2000  }
0x62: {  	[sflag:s13] =	ssyncset.done @!p0 $0x0  }
0x63: {  	s22 =	simm.s32 $0x0;
	[sflag:s13] =	ssyncadd.s32 @!p0 $0xFFFFE000  }
0x64: {  	v3 =	vld [tilespmem:s22+$0x8030]  }
0x65: {  	v4 =	vld [tilespmem:s22+$0x4070]  }
0x66: {  	v5 =	vld [tilespmem:s22+$0x8000]  }
0x67: {  	v7 =	vld [tilespmem:s22+$0x8010]  }
0x68: {  	v10 =	vld [tilespmem:s22+$0x8020]  }
0x69: {  	v13 =	vld [tilespmem:s22+$0x4000]  }
0x6a: {  	v15 =	vld [tilespmem:s22+$0x4010];
	v6 =	vand.u32 $0xFFFF0000, v3  }
0x6b: {  	v8 =	vld [tilespmem:s22+$0x4020];
	v4 =	vadd.f32 v6, v4  }
0x6c: {  	v3 =	vshll.u32 v3, $0x10;
	v6 =	vld [tilespmem:s22+$0x4030]  }
0x6d: {  	v14 =	vshll.u32 v5, $0x10;
	v16 =	vand.u32 $0xFFFF0000, v5;
	v9 =	vmax.f32 v4, $0.0e+00;
	v4 =	vld [tilespmem:s22+$0x4040]  }
0x6e: {  	v12 =	vshll.u32 v7, $0x10;
	v11 =	vand.u32 $0xFFFF0000, v7;
	v7 =	vld [tilespmem:s22+$0x4050];
	v14 =	vadd.f32 v14, v13  }
0x6f: {  	s19 =	sshll.u32 s6, $0x1;
	s14 =	simm.s32 $0x400;
	s13 =	simm.s32 $0x80;
	v5 =	vand.u32 $0xFFFF0000, v10;
	v13 =	vadd.f32 v16, v15;
	[tilespmem:s22+$0xC070] =	vst v9;
	v9 =	vshll.u32 v10, $0x10;
	v10 =	vld [tilespmem:s22+$0x4060]  }
.LBB2_7:
0x70: {  	p1 =	sne.s32 s14, $0x7E00;
	v15 =	vld [tilespmem:s13+$0x8030];
	v14 =	vmax.f32 v14, $0.0e+00;
	v8 =	vadd.f32 v12, v8  }
0x71: {  	v12 =	vld [tilespmem:s13+$0x4070];
	[tilespmem:s22+$0xC000] =	vst v14;
	v13 =	vmax.f32 v13, $0.0e+00;
	v6 =	vadd.f32 v11, v6  }
0x72: {  	v11 =	vld [tilespmem:s13+$0x8000];
	[tilespmem:s22+$0xC010] =	vst v13;
	v8 =	vmax.f32 v8, $0.0e+00;
	v4 =	vadd.f32 v9, v4  }
0x73: {  	v9 =	vld [tilespmem:s13+$0x8010];
	[tilespmem:s22+$0xC020] =	vst v8;
	v6 =	vmax.f32 v6, $0.0e+00;
	v5 =	vadd.f32 v5, v7  }
0x74: {  	v7 =	vld [tilespmem:s13+$0x8020];
	[tilespmem:s22+$0xC030] =	vst v6;
	v4 =	vmax.f32 v4, $0.0e+00;
	v6 =	vadd.f32 v3, v10  }
0x75: {  	v10 =	vld [tilespmem:s13+$0x4000];
	v3 =	vshll.u32 v15, $0x10;
	v8 =	vand.u32 $0xFFFF0000, v15;
	[tilespmem:s22+$0xC040] =	vst v4;
	v4 =	vmax.f32 v5, $0.0e+00  }
0x76: {  	v13 =	vld [tilespmem:s13+$0x4010];
	v5 =	vadd.f32 v8, v12;
	[tilespmem:s22+$0xC050] =	vst v4;
	v4 =	vmax.f32 v6, $0.0e+00  }
.Ltmp2:
0x77: {  	v14 =	vshll.u32 v11, $0x10;
	v15 =	vand.u32 $0xFFFF0000, v11;
	v8 =	vld [tilespmem:s13+$0x4020];
	[tilespmem:s22+$0xC060] =	vst v4;
	s22 =	smov.u32 s13;
	(pc) =	sbr.rel @p1 .LBB2_7-.Ltmp2, $4  }
0x78: {  	v12 =	vshll.u32 v9, $0x10;
	v11 =	vand.u32 $0xFFFF0000, v9;
	v6 =	vld [tilespmem:s22+$0x4030];
	v16 =	vmax.f32 v5, $0.0e+00  }
0x79: {  	v9 =	vshll.u32 v7, $0x10;
	v5 =	vand.u32 $0xFFFF0000, v7;
	v4 =	vld [tilespmem:s22+$0x4040];
	[tilespmem:s22+$0xC070] =	vst v16  }
0x7a: {  	v14 =	vadd.f32 v14, v10;
	v7 =	vld [tilespmem:s22+$0x4050]  }
0x7b: {  	s13 =	sshra.s32 s14, $0x2;
	s14 =	sadd.s32 $0x200, s14;
	v13 =	vadd.f32 v15, v13;
	v10 =	vld [tilespmem:s22+$0x4060]  }
0x7c: {  	v15 =	vld [tilespmem:s13+$0x8030];
	v14 =	vmax.f32 v14, $0.0e+00;
	v8 =	vadd.f32 v12, v8  }
0x7d: {  	v16 =	vld [tilespmem:s13+$0x4070];
	[tilespmem:s22+$0xC000] =	vst v14;
	v12 =	vmax.f32 v13, $0.0e+00;
	v6 =	vadd.f32 v11, v6  }
0x7e: {  	v13 =	vld [tilespmem:s13+$0x8000];
	[tilespmem:s22+$0xC010] =	vst v12;
	v8 =	vmax.f32 v8, $0.0e+00;
	v4 =	vadd.f32 v9, v4  }
0x7f: {  	v11 =	vld [tilespmem:s13+$0x8010];
	[tilespmem:s22+$0xC020] =	vst v8;
	v6 =	vmax.f32 v6, $0.0e+00;
	v5 =	vadd.f32 v5, v7  }
0x80: {  	v8 =	vld [tilespmem:s13+$0x8020];
	[tilespmem:s22+$0xC030] =	vst v6;
	v4 =	vmax.f32 v4, $0.0e+00;
	v3 =	vadd.f32 v3, v10  }
0x81: {  	v6 =	vld [tilespmem:s13+$0x4000];
	[tilespmem:s22+$0xC040] =	vst v4;
	v4 =	vmax.f32 v5, $0.0e+00  }
0x82: {  	v5 =	vld [tilespmem:s13+$0x4010];
	[tilespmem:s22+$0xC050] =	vst v4;
	v4 =	vand.u32 $0xFFFF0000, v15;
	v3 =	vmax.f32 v3, $0.0e+00  }
0x83: {  	v7 =	vld [tilespmem:s13+$0x4020];
	v4 =	vadd.f32 v4, v16;
	[tilespmem:s22+$0xC060] =	vst v3  }
0x84: {  	v3 =	vld [tilespmem:s13+$0x4030]  }
0x85: {  	v10 =	vshll.u32 v13, $0x10;
	v9 =	vld [tilespmem:s13+$0x4040];
	v4 =	vmax.f32 v4, $0.0e+00  }
0x86: {  	[tilespmem:s13+$0xC070] =	vst v4;
	v4 =	vand.u32 $0xFFFF0000, v13;
	v6 =	vadd.f32 v10, v6;
	v10 =	vld [tilespmem:s13+$0x4050]  }
0x87: {  	v12 =	vshll.u32 v11, $0x10;
	v4 =	vadd.f32 v4, v5;
	v5 =	vld [tilespmem:s13+$0x4060]  }
0x88: {  	v11 =	vand.u32 $0xFFFF0000, v11;
	v6 =	vmax.f32 v6, $0.0e+00;
	v7 =	vadd.f32 v12, v7  }
0x89: {  	v12 =	vshll.u32 v8, $0x10;
	[tilespmem:s13+$0xC000] =	vst v6;
	v4 =	vmax.f32 v4, $0.0e+00;
	v3 =	vadd.f32 v11, v3  }
0x8a: {  	v6 =	vand.u32 $0xFFFF0000, v8;
	[tilespmem:s13+$0xC010] =	vst v4;
	v4 =	vmax.f32 v7, $0.0e+00;
	v7 =	vadd.f32 v12, v9  }
0x8b: {  	v8 =	vshll.u32 v15, $0x10;
	[tilespmem:s13+$0xC020] =	vst v4;
	v3 =	vmax.f32 v3, $0.0e+00;
	v4 =	vadd.f32 v6, v10  }
0x8c: {  	[tilespmem:s13+$0xC030] =	vst v3;
	v3 =	vmax.f32 v7, $0.0e+00;
	v5 =	vadd.f32 v8, v5  }
0x8d: {  	s14 =	sshll.u32 s6, $0x8;
	[tilespmem:s13+$0xC040] =	vst v3;
	v3 =	vmax.f32 v4, $0.0e+00  }
0x8e: {  	p1 =	seq.s32 s6, $0x1F;
	s14 =	sand.u32 $0x3FFFFF00, s14;
	[tilespmem:s13+$0xC050] =	vst v3;
	v3 =	vmax.f32 v5, $0.0e+00  }
0x8f: {  	s22 =	sadd.s32 $0x2000, s14;
	[tilespmem:s13+$0xC060] =	vst v3;
	s13 =	sadd.s32 @!p1 $0x2, s19  }
0x90: {  	[spmem:s1] =	stream.indirect.scatter.add.f32 [tilespmem:s20], [sflag:$0x5], $0x80, s22, s21, $0xb8;
	[tilespmem:$0x18000] =	vst v63  }
0x91: {  	s16 =	simm.s32 @!p1 $0x40;
	s14 =	sshll.u32 @!p1 s13, $0x7  }
0x92: {  	s19 =	simm.s32 @!p1 $0x4000;
	s13 =	sshll.u32 @!p1 s13, $0xA;
	s14 =	sand.u32 @!p1 $0x3FFFFF80, s14  }
0x93: {  	[tilespmem:s19], [sflag:$0x1] =	stream.indirect.gather @!p1 [hbm4b:s3+s16], $0x80, s14, s16, $0xb8;
	[tilespmem:$0x18000] =	vst v63  }
0x94: {  	s13 =	sadd.s32 @!p1 s13, s11;
	s14 =	simm.s32 @!p1 $0x0;
	s16 =	simm.s32 @!p1 $0x8000  }
0x95: {  	[tilespmem:s16], [sflag:$0x3] =	stream.linear.gather @!p1 [hbm4b:s13+s14], $0x2000, $0x38;
	[tilespmem:$0x18000] =	vst v63  }
0x96: {  	_ =	swait.ge [sflag:s29], $0x2000  }
0x97: {  	[sflag:s29] =	ssyncset.done $0x0  }
0x98: {  	[sflag:s29] =	ssyncadd.s32 $0xFFFFE000  }
0x99: {  	_ =	swait.ge [sflag:s30], $0x2000  }
0x9a: {  	[sflag:s30] =	ssyncset.done $0x0  }
0x9b: {  	s13 =	simm.s32 @!p0 $0x6;
	[sflag:s30] =	ssyncadd.s32 $0xFFFFE000  }
0x9c: {  	_ =	swait.ge @!p0 [sflag:s13], $0x2000  }
0x9d: {  	[sflag:s13] =	ssyncset.done @!p0 $0x0  }
0x9e: {  	[sflag:s13] =	ssyncadd.s32 @!p0 $0xFFFFE000;
	s13 =	simm.s32 $0x0  }
0x9f: {  	v3 =	vld [tilespmem:s13+$0xA030]  }
0xa0: {  	v4 =	vld [tilespmem:s13+$0x6070]  }
0xa1: {  	v7 =	vld [tilespmem:s13+$0xA000]  }
0xa2: {  	v9 =	vld [tilespmem:s13+$0xA010]  }
0xa3: {  	v10 =	vld [tilespmem:s13+$0xA020]  }
0xa4: {  	v13 =	vld [tilespmem:s13+$0x6000]  }
0xa5: {  	v15 =	vld [tilespmem:s13+$0x6010]  }
0xa6: {  	v8 =	vld [tilespmem:s13+$0x6020];
	v5 =	vand.u32 $0xFFFF0000, v3  }
0xa7: {  	v6 =	vld [tilespmem:s13+$0x6030];
	v3 =	vshll.u32 v3, $0x10;
	v4 =	vadd.f32 v5, v4  }
0xa8: {  	v14 =	vshll.u32 v7, $0x10;
	v63 =	vand.u32 $0xFFFF0000, v7;
	v12 =	vshll.u32 v9, $0x10;
	v5 =	vld [tilespmem:s13+$0x6040]  }
0xa9: {  	v11 =	vand.u32 $0xFFFF0000, v9;
	v7 =	vld [tilespmem:s13+$0x6050];
	v14 =	vadd.f32 v14, v13;
	v4 =	vmax.f32 v4, $0.0e+00  }
0xaa: {  	s19 =	simm.s32 $0x400;
	s14 =	simm.s32 $0x80;
	v9 =	vshll.u32 v10, $0x10;
	v13 =	vadd.f32 v63, v15;
	[tilespmem:s13+$0xE070] =	vst v4;
	v4 =	vand.u32 $0xFFFF0000, v10;
	v10 =	vld [tilespmem:s13+$0x6060]  }
.LBB2_9:
0xab: {  	p0 =	sne.s32 s19, $0x7E00;
	v15 =	vld [tilespmem:s14+$0xA030];
	v14 =	vmax.f32 v14, $0.0e+00;
	v8 =	vadd.f32 v12, v8  }
0xac: {  	v12 =	vld [tilespmem:s14+$0x6070];
	[tilespmem:s13+$0xE000] =	vst v14;
	v13 =	vmax.f32 v13, $0.0e+00;
	v6 =	vadd.f32 v11, v6  }
0xad: {  	v11 =	vld [tilespmem:s14+$0xA000];
	[tilespmem:s13+$0xE010] =	vst v13;
	v8 =	vmax.f32 v8, $0.0e+00;
	v5 =	vadd.f32 v9, v5  }
0xae: {  	v9 =	vld [tilespmem:s14+$0xA010];
	[tilespmem:s13+$0xE020] =	vst v8;
	v6 =	vmax.f32 v6, $0.0e+00;
	v4 =	vadd.f32 v4, v7  }
0xaf: {  	v7 =	vld [tilespmem:s14+$0xA020];
	[tilespmem:s13+$0xE030] =	vst v6;
	v5 =	vmax.f32 v5, $0.0e+00;
	v6 =	vadd.f32 v3, v10  }
0xb0: {  	v10 =	vld [tilespmem:s14+$0x6000];
	v3 =	vshll.u32 v15, $0x10;
	v8 =	vand.u32 $0xFFFF0000, v15;
	[tilespmem:s13+$0xE040] =	vst v5;
	v4 =	vmax.f32 v4, $0.0e+00  }
0xb1: {  	v13 =	vld [tilespmem:s14+$0x6010];
	v5 =	vadd.f32 v8, v12;
	[tilespmem:s13+$0xE050] =	vst v4;
	v4 =	vmax.f32 v6, $0.0e+00  }
.Ltmp3:
0xb2: {  	v14 =	vshll.u32 v11, $0x10;
	v15 =	vand.u32 $0xFFFF0000, v11;
	v8 =	vld [tilespmem:s14+$0x6020];
	[tilespmem:s13+$0xE060] =	vst v4;
	s13 =	smov.u32 s14;
	(pc) =	sbr.rel @p0 .LBB2_9-.Ltmp3, $4  }
0xb3: {  	v12 =	vshll.u32 v9, $0x10;
	v11 =	vand.u32 $0xFFFF0000, v9;
	v6 =	vld [tilespmem:s13+$0x6030];
	v16 =	vmax.f32 v5, $0.0e+00  }
0xb4: {  	v9 =	vshll.u32 v7, $0x10;
	v4 =	vand.u32 $0xFFFF0000, v7;
	v5 =	vld [tilespmem:s13+$0x6040];
	[tilespmem:s13+$0xE070] =	vst v16  }
0xb5: {  	v14 =	vadd.f32 v14, v10;
	v7 =	vld [tilespmem:s13+$0x6050]  }
0xb6: {  	s14 =	sshra.s32 s19, $0x2;
	s19 =	sadd.s32 $0x200, s19;
	v13 =	vadd.f32 v15, v13;
	v10 =	vld [tilespmem:s13+$0x6060]  }
0xb7: {  	v15 =	vld [tilespmem:s14+$0xA030];
	v14 =	vmax.f32 v14, $0.0e+00;
	v8 =	vadd.f32 v12, v8  }
0xb8: {  	v16 =	vld [tilespmem:s14+$0x6070];
	[tilespmem:s13+$0xE000] =	vst v14;
	v47 =	vmax.f32 v13, $0.0e+00;
	v6 =	vadd.f32 v11, v6  }
0xb9: {  	v48 =	vld [tilespmem:s14+$0xA000];
	[tilespmem:s13+$0xE010] =	vst v47;
	v8 =	vmax.f32 v8, $0.0e+00;
	v5 =	vadd.f32 v9, v5  }
0xba: {  	v49 =	vld [tilespmem:s14+$0xA010];
	[tilespmem:s13+$0xE020] =	vst v8;
	v6 =	vmax.f32 v6, $0.0e+00;
	v4 =	vadd.f32 v4, v7  }
0xbb: {  	v8 =	vld [tilespmem:s14+$0xA020];
	[tilespmem:s13+$0xE030] =	vst v6;
	v5 =	vmax.f32 v5, $0.0e+00;
	v3 =	vadd.f32 v3, v10  }
0xbc: {  	v6 =	vld [tilespmem:s14+$0x6000];
	[tilespmem:s13+$0xE040] =	vst v5;
	v4 =	vmax.f32 v4, $0.0e+00  }
0xbd: {  	v5 =	vld [tilespmem:s14+$0x6010];
	[tilespmem:s13+$0xE050] =	vst v4;
	v3 =	vmax.f32 v3, $0.0e+00  }
0xbe: {  	v50 =	vand.u32 $0xFFFF0000, v15;
	v51 =	vld [tilespmem:s14+$0x6020];
	[tilespmem:s13+$0xE060] =	vst v3  }
0xbf: {  	v4 =	vadd.f32 v50, v16;
	v3 =	vld [tilespmem:s14+$0x6030]  }
0xc0: {  	v53 =	vshll.u32 v48, $0x10;
	v52 =	vld [tilespmem:s14+$0x6040]  }
0xc1: {  	v54 =	vand.u32 $0xFFFF0000, v48;
	v4 =	vmax.f32 v4, $0.0e+00;
	v55 =	vld [tilespmem:s14+$0x6050];
	v6 =	vadd.f32 v53, v6  }
0xc2: {  	v56 =	vshll.u32 v49, $0x10;
	v57 =	vld [tilespmem:s14+$0x6060];
	[tilespmem:s14+$0xE070] =	vst v4;
	v4 =	vadd.f32 v54, v5  }
0xc3: {  	v11 =	vand.u32 $0xFFFF0000, v49;
	v6 =	vmax.f32 v6, $0.0e+00;
	v7 =	vadd.f32 v56, v51  }
0xc4: {  	v58 =	vshll.u32 v8, $0x10;
	[tilespmem:s14+$0xE000] =	vst v6;
	v4 =	vmax.f32 v4, $0.0e+00;
	v3 =	vadd.f32 v11, v3  }
0xc5: {  	s6 =	sadd.s32 $0x1, s6;
	v59 =	vand.u32 $0xFFFF0000, v8;
	v61 =	vadd.f32 v58, v52;
	[tilespmem:s14+$0xE010] =	vst v4;
	v60 =	vmax.f32 v7, $0.0e+00  }
0xc6: {  	p0 =	sne.s32 s6, $0x20;
	v62 =	vshll.u32 v15, $0x10;
	v63 =	vadd.f32 v59, v55;
	[tilespmem:s14+$0xE020] =	vst v60;
	v3 =	vmax.f32 v3, $0.0e+00  }
.Ltmp4:
0xc7: {  	v5 =	vadd.f32 v62, v57;
	[tilespmem:s14+$0xE030] =	vst v3;
	v3 =	vmax.f32 v61, $0.0e+00;
	(pc) =	sbr.rel @p0 .LBB2_6-.Ltmp4, $4  }
0xc8: {  	[tilespmem:s14+$0xE040] =	vst v3;
	v3 =	vmax.f32 v63, $0.0e+00  }
0xc9: {  	[tilespmem:s14+$0xE050] =	vst v3;
	v3 =	vmax.f32 v5, $0.0e+00  }
0xca: {  	s12 =	sadd.s32 $0x2000, s12;
	[tilespmem:s14+$0xE060] =	vst v3  }
0xcb: {  	[spmem:s1] =	stream.indirect.scatter.add.f32 [tilespmem:s31], [sflag:$0x6], $0x80, s12, s21, $0xb8;
	[tilespmem:$0x18000] =	vst v63  }
0xcc: {  	_ =	swait.ge [sflag:s0], $0x2000  }
0xcd: {  	[sflag:s0] =	ssyncset.done $0x0  }
0xce: {  	[sflag:s0] =	ssyncadd.s32 $0xFFFFE000  }
0xcf: {  	_ =	swait.ge [sflag:s4], $0x2000  }
0xd0: {  	[sflag:s4] =	ssyncset.done $0x0  }
0xd1: {  	s6 =	stileid.u32;
	[sflag:s4] =	ssyncadd.s32 $0xFFFFE000  }
0xd2: {  	s6 =	sshll.u32 s6, $0x6;
	[bflag:$0x0] =	sbarrier.arrive $0xFFFF  }
0xd3: {  	s19 =	sshrl.u32 s7, $0x3;
	s6 =	sor.u32 $0x1C07, s6;
	s12 =	rddreg [dreg:$0x5]  }
0xd4: {  	[hbm:s12], [sflag:s6] =	dma.local [spmem:s19], $0x1000  }
0xd5: {  	_ =	swait.ge [sflag:s18], $0x1000  }
0xd6: {  	[sflag:s18] =	ssyncset.done $0x0  }
0xd7: {  	[sflag:s18] =	ssyncadd.s32 $0xFFFFF000  }
0xd8: {  	[bflag:$0x0] =	sbarrier.arrive $0xFFFF  }
0xd9: {  	s16 =	simm.s32 $0x0;
	s13 =	rddreg [dreg:$0x6]  }
0xda: {  	[tilespmem:s16], [sflag:$0x7] =	stream.linear.gather [hbm4b:s13+s16], $0x2000, $0x38;
	[tilespmem:$0x18000] =	vst v63  }
0xdb: {  	_ =	swait.ge [sflag:s18], $0x2000  }
0xdc: {  	[sflag:s18] =	ssyncset.done $0x0  }
0xdd: {  	s22 =	rddreg [dreg:$0x7];
	[sflag:s18] =	ssyncadd.s32 $0xFFFFE000  }
0xde: {  	[tilespmem:s23], [sflag:$0x7] =	stream.linear.gather [hbm4b:s22+s16], $0x2000, $0x38;
	[tilespmem:$0x18000] =	vst v63  }
0xdf: {  	_ =	swait.ge [sflag:s18], $0x2000  }
0xe0: {  	[sflag:s18] =	ssyncset.done $0x0  }
0xe1: {  	s12 =	simm.s32 $0x0;
	[sflag:s18] =	ssyncadd.s32 $0xFFFFE000  }
0xe2: {  	v5 =	vld [tilespmem:s12+$0x0]  }
0xe3: {  	v4 =	vld [tilespmem:s12+$0x10]  }
0xe4: {  	s14 =	simm.s32 $0x200;
	s13 =	simm.s32 $0x0;
	v3 =	vld [tilespmem:s12+$0x20]  }
.LBB2_12:
0xe5: {  	p0 =	sne.s32 s14, $0x7E00;
	v6 =	vld [tilespmem:s13+$0x30];
	_ =	sdelay $0x1  }
.Ltmp5:
0xe6: {  	v5 =	vadd.s32 v1, v5;
	(pc) =	sbr.rel @p0 .LBB2_12-.Ltmp5, $4  }
0xe7: {  	s16 =	sshra.s32 s14, $0x2;
	[tilespmem:s13+$0x0] =	vst v5;
	v4 =	vadd.s32 v1, v4  }
0xe8: {  	v5 =	vld [tilespmem:s16+$0x0];
	[tilespmem:s13+$0x10] =	vst v4;
	v3 =	vadd.s32 v1, v3  }
0xe9: {  	v4 =	vld [tilespmem:s16+$0x10];
	[tilespmem:s13+$0x20] =	vst v3;
	v6 =	vadd.s32 v1, v6  }
0xea: {  	s14 =	sadd.s32 $0x200, s14;
	v3 =	vld [tilespmem:s16+$0x20];
	[tilespmem:s13+$0x30] =	vst v6;
	s13 =	smov.u32 s16  }
0xeb: {  	v6 =	vld [tilespmem:s13+$0x30];
	_ =	sdelay $0x1  }
0xec: {  	v5 =	vadd.s32 v1, v5  }
0xed: {  	[tilespmem:s13+$0x0] =	vst v5;
	v4 =	vadd.s32 v1, v4  }
0xee: {  	[tilespmem:s13+$0x10] =	vst v4;
	v3 =	vadd.s32 v1, v3  }
0xef: {  	[tilespmem:s13+$0x20] =	vst v3;
	v3 =	vadd.s32 v1, v6  }
0xf0: {  	[tilespmem:s13+$0x30] =	vst v3;
	s13 =	simm.s32 $0x200  }
.LBB2_14:
0xf1: {  	p0 =	sne.s32 s13, $0x7E00;
	[tilespmem:s12+$0xC070] =	vst v2  }
0xf2: {  	[tilespmem:s12+$0xC000] =	vst v2  }
0xf3: {  	[tilespmem:s12+$0xC010] =	vst v2  }
.Ltmp6:
0xf4: {  	[tilespmem:s12+$0xC020] =	vst v2;
	(pc) =	sbr.rel @p0 .LBB2_14-.Ltmp6, $4  }
0xf5: {  	[tilespmem:s12+$0xC030] =	vst v2  }
0xf6: {  	[tilespmem:s12+$0xC040] =	vst v2  }
0xf7: {  	[tilespmem:s12+$0xC050] =	vst v2  }
0xf8: {  	[tilespmem:s12+$0xC060] =	vst v2;
	s12 =	sshra.s32 s13, $0x2;
	s13 =	sadd.s32 $0x200, s13  }
0xf9: {  	[tilespmem:s12+$0xC070] =	vst v2  }
0xfa: {  	[tilespmem:s12+$0xC000] =	vst v2  }
0xfb: {  	[tilespmem:s12+$0xC010] =	vst v2  }
0xfc: {  	[tilespmem:s12+$0xC020] =	vst v2  }
0xfd: {  	[tilespmem:s12+$0xC030] =	vst v2  }
0xfe: {  	[tilespmem:s12+$0xC040] =	vst v2  }
0xff: {  	[tilespmem:s12+$0xC050] =	vst v2  }
0x100: {  	[tilespmem:s12+$0xC060] =	vst v2  }
0x101: {  	[spmem:s7] =	stream.linear.scatter [tilespmem:s20], [sflag:$0x7], $0x2000, $0x38;
	[tilespmem:$0x18000] =	vst v63  }
0x102: {  	_ =	swait.ge [sflag:s18], $0x2000  }
0x103: {  	[sflag:s18] =	ssyncset.done $0x0  }
0x104: {  	[sflag:s18] =	ssyncadd.s32 $0xFFFFE000  }
0x105: {  	[spmem:s8] =	stream.linear.scatter [tilespmem:s20], [sflag:$0x7], $0x2000, $0x38;
	[tilespmem:$0x18000] =	vst v63  }
0x106: {  	_ =	swait.ge [sflag:s18], $0x2000  }
0x107: {  	[sflag:s18] =	ssyncset.done $0x0  }
0x108: {  	[sflag:s18] =	ssyncadd.s32 $0xFFFFE000  }
0x109: {  	[spmem:s9] =	stream.linear.scatter [tilespmem:s20], [sflag:$0x7], $0x2000, $0x38;
	[tilespmem:$0x18000] =	vst v63  }
0x10a: {  	_ =	swait.ge [sflag:s18], $0x2000  }
0x10b: {  	[sflag:s18] =	ssyncset.done $0x0  }
0x10c: {  	[sflag:s18] =	ssyncadd.s32 $0xFFFFE000  }
0x10d: {  	[spmem:s10] =	stream.linear.scatter [tilespmem:s20], [sflag:$0x7], $0x2000, $0x38;
	[tilespmem:$0x18000] =	vst v63  }
0x10e: {  	_ =	swait.ge [sflag:s18], $0x2000  }
0x10f: {  	[sflag:s18] =	ssyncset.done $0x0  }
0x110: {  	[sflag:s18] =	ssyncadd.s32 $0xFFFFE000  }
0x111: {  	s12 =	simm.s32 $0x0;
	s13 =	simm.s32 $0x4000;
	[bflag:$0x0] =	sbarrier.arrive $0xFFFF  }
0x112: {  	[tilespmem:s13], [sflag:$0x1] =	stream.indirect.gather [hbm4b:s3+s21], $0x80, s12, s21, $0xb8;
	[tilespmem:$0x18000] =	vst v63  }
0x113: {  	s23 =	simm.s32 $0x8000  }
0x114: {  	[tilespmem:s23], [sflag:$0x3] =	stream.linear.gather [hbm4b:s15+s12], $0x2000, $0x38;
	[tilespmem:$0x18000] =	vst v63  }
.LBB2_16:
0x115: {  	s13 =	sshllo.u32 s12, $0x1  }
0x116: {  	s14 =	sshll.u32 s13, $0x9  }
0x117: {  	s13 =	sshll.u32 s13, $0xA;
	s22 =	sshrl.u32 s14, $0x2  }
0x118: {  	[tilespmem:s24], [sflag:$0x2] =	stream.indirect.gather [hbm4b:s3+s21], $0x80, s22, s21, $0xb8;
	[tilespmem:$0x18000] =	vst v63  }
0x119: {  	s13 =	sadd.s32 s13, s15  }
0x11a: {  	[tilespmem:s25], [sflag:$0x4] =	stream.linear.gather [hbm4b:s13+s2], $0x2000, $0x38;
	[tilespmem:$0x18000] =	vst v63  }
0x11b: {  	_ =	swait.ge [sflag:s26], $0x2000  }
0x11c: {  	[sflag:s26] =	ssyncset.done $0x0  }
0x11d: {  	[sflag:s26] =	ssyncadd.s32 $0xFFFFE000  }
0x11e: {  	_ =	swait.ge [sflag:s28], $0x2000  }
0x11f: {  	p0 =	seq.s32 s12, $0x0;
	[sflag:s28] =	ssyncset.done $0x0  }
0x120: {  	s13 =	simm.s32 @!p0 $0x5;
	[sflag:s28] =	ssyncadd.s32 $0xFFFFE000  }
0x121: {  	_ =	swait.ge @!p0 [sflag:s13], $0x2000  }
0x122: {  	[sflag:s13] =	ssyncset.done @!p0 $0x0  }
0x123: {  	[sflag:s13] =	ssyncadd.s32 @!p0 $0xFFFFE000;
	s13 =	simm.s32 $0x0  }
0x124: {  	v3 =	vld [tilespmem:s13+$0x8030]  }
0x125: {  	v4 =	vld [tilespmem:s13+$0x4070]  }
0x126: {  	v5 =	vld [tilespmem:s13+$0x8000]  }
0x127: {  	v7 =	vld [tilespmem:s13+$0x8010]  }
0x128: {  	v10 =	vld [tilespmem:s13+$0x8020]  }
0x129: {  	v13 =	vld [tilespmem:s13+$0x4000]  }
0x12a: {  	v15 =	vld [tilespmem:s13+$0x4010];
	v6 =	vand.u32 $0xFFFF0000, v3  }
0x12b: {  	v8 =	vld [tilespmem:s13+$0x4020];
	v4 =	vadd.f32 v6, v4  }
0x12c: {  	v3 =	vshll.u32 v3, $0x10;
	v6 =	vld [tilespmem:s13+$0x4030]  }
0x12d: {  	v14 =	vshll.u32 v5, $0x10;
	v16 =	vand.u32 $0xFFFF0000, v5;
	v9 =	vmax.f32 v4, $0.0e+00;
	v4 =	vld [tilespmem:s13+$0x4040]  }
0x12e: {  	v12 =	vshll.u32 v7, $0x10;
	v11 =	vand.u32 $0xFFFF0000, v7;
	v7 =	vld [tilespmem:s13+$0x4050];
	v14 =	vadd.f32 v14, v13  }
0x12f: {  	s23 =	sshll.u32 s12, $0x1;
	s16 =	simm.s32 $0x400;
	s14 =	simm.s32 $0x80;
	v5 =	vand.u32 $0xFFFF0000, v10;
	v13 =	vadd.f32 v16, v15;
	[tilespmem:s13+$0xC070] =	vst v9;
	v9 =	vshll.u32 v10, $0x10;
	v10 =	vld [tilespmem:s13+$0x4060]  }
.LBB2_17:
0x130: {  	p1 =	sne.s32 s16, $0x7E00;
	v15 =	vld [tilespmem:s14+$0x8030];
	v14 =	vmax.f32 v14, $0.0e+00;
	v8 =	vadd.f32 v12, v8  }
0x131: {  	v12 =	vld [tilespmem:s14+$0x4070];
	[tilespmem:s13+$0xC000] =	vst v14;
	v13 =	vmax.f32 v13, $0.0e+00;
	v6 =	vadd.f32 v11, v6  }
0x132: {  	v11 =	vld [tilespmem:s14+$0x8000];
	[tilespmem:s13+$0xC010] =	vst v13;
	v8 =	vmax.f32 v8, $0.0e+00;
	v4 =	vadd.f32 v9, v4  }
0x133: {  	v9 =	vld [tilespmem:s14+$0x8010];
	[tilespmem:s13+$0xC020] =	vst v8;
	v6 =	vmax.f32 v6, $0.0e+00;
	v5 =	vadd.f32 v5, v7  }
0x134: {  	v7 =	vld [tilespmem:s14+$0x8020];
	[tilespmem:s13+$0xC030] =	vst v6;
	v4 =	vmax.f32 v4, $0.0e+00;
	v6 =	vadd.f32 v3, v10  }
0x135: {  	v10 =	vld [tilespmem:s14+$0x4000];
	v3 =	vshll.u32 v15, $0x10;
	v8 =	vand.u32 $0xFFFF0000, v15;
	[tilespmem:s13+$0xC040] =	vst v4;
	v4 =	vmax.f32 v5, $0.0e+00  }
0x136: {  	v13 =	vld [tilespmem:s14+$0x4010];
	v5 =	vadd.f32 v8, v12;
	[tilespmem:s13+$0xC050] =	vst v4;
	v4 =	vmax.f32 v6, $0.0e+00  }
.Ltmp7:
0x137: {  	v14 =	vshll.u32 v11, $0x10;
	v15 =	vand.u32 $0xFFFF0000, v11;
	v8 =	vld [tilespmem:s14+$0x4020];
	[tilespmem:s13+$0xC060] =	vst v4;
	s13 =	smov.u32 s14;
	(pc) =	sbr.rel @p1 .LBB2_17-.Ltmp7, $4  }
0x138: {  	v12 =	vshll.u32 v9, $0x10;
	v11 =	vand.u32 $0xFFFF0000, v9;
	v6 =	vld [tilespmem:s13+$0x4030];
	v16 =	vmax.f32 v5, $0.0e+00  }
0x139: {  	v9 =	vshll.u32 v7, $0x10;
	v5 =	vand.u32 $0xFFFF0000, v7;
	v4 =	vld [tilespmem:s13+$0x4040];
	[tilespmem:s13+$0xC070] =	vst v16  }
0x13a: {  	v14 =	vadd.f32 v14, v10;
	v7 =	vld [tilespmem:s13+$0x4050]  }
0x13b: {  	s14 =	sshra.s32 s16, $0x2;
	s16 =	sadd.s32 $0x200, s16;
	v13 =	vadd.f32 v15, v13;
	v10 =	vld [tilespmem:s13+$0x4060]  }
0x13c: {  	v15 =	vld [tilespmem:s14+$0x8030];
	v14 =	vmax.f32 v14, $0.0e+00;
	v8 =	vadd.f32 v12, v8  }
0x13d: {  	v16 =	vld [tilespmem:s14+$0x4070];
	[tilespmem:s13+$0xC000] =	vst v14;
	v12 =	vmax.f32 v13, $0.0e+00;
	v6 =	vadd.f32 v11, v6  }
0x13e: {  	v13 =	vld [tilespmem:s14+$0x8000];
	[tilespmem:s13+$0xC010] =	vst v12;
	v8 =	vmax.f32 v8, $0.0e+00;
	v4 =	vadd.f32 v9, v4  }
0x13f: {  	v11 =	vld [tilespmem:s14+$0x8010];
	[tilespmem:s13+$0xC020] =	vst v8;
	v6 =	vmax.f32 v6, $0.0e+00;
	v5 =	vadd.f32 v5, v7  }
0x140: {  	v8 =	vld [tilespmem:s14+$0x8020];
	[tilespmem:s13+$0xC030] =	vst v6;
	v4 =	vmax.f32 v4, $0.0e+00;
	v3 =	vadd.f32 v3, v10  }
0x141: {  	v6 =	vld [tilespmem:s14+$0x4000];
	[tilespmem:s13+$0xC040] =	vst v4;
	v4 =	vmax.f32 v5, $0.0e+00  }
0x142: {  	v5 =	vld [tilespmem:s14+$0x4010];
	[tilespmem:s13+$0xC050] =	vst v4;
	v4 =	vand.u32 $0xFFFF0000, v15;
	v3 =	vmax.f32 v3, $0.0e+00  }
0x143: {  	v7 =	vld [tilespmem:s14+$0x4020];
	v4 =	vadd.f32 v4, v16;
	[tilespmem:s13+$0xC060] =	vst v3  }
0x144: {  	v3 =	vld [tilespmem:s14+$0x4030]  }
0x145: {  	v10 =	vshll.u32 v13, $0x10;
	v9 =	vld [tilespmem:s14+$0x4040];
	v4 =	vmax.f32 v4, $0.0e+00  }
0x146: {  	[tilespmem:s14+$0xC070] =	vst v4;
	v4 =	vand.u32 $0xFFFF0000, v13;
	v6 =	vadd.f32 v10, v6;
	v10 =	vld [tilespmem:s14+$0x4050]  }
0x147: {  	v12 =	vshll.u32 v11, $0x10;
	v4 =	vadd.f32 v4, v5;
	v5 =	vld [tilespmem:s14+$0x4060]  }
0x148: {  	v11 =	vand.u32 $0xFFFF0000, v11;
	v6 =	vmax.f32 v6, $0.0e+00;
	v7 =	vadd.f32 v12, v7  }
0x149: {  	v12 =	vshll.u32 v8, $0x10;
	[tilespmem:s14+$0xC000] =	vst v6;
	v4 =	vmax.f32 v4, $0.0e+00;
	v3 =	vadd.f32 v11, v3  }
0x14a: {  	v6 =	vand.u32 $0xFFFF0000, v8;
	[tilespmem:s14+$0xC010] =	vst v4;
	v4 =	vmax.f32 v7, $0.0e+00;
	v7 =	vadd.f32 v12, v9  }
0x14b: {  	v8 =	vshll.u32 v15, $0x10;
	[tilespmem:s14+$0xC020] =	vst v4;
	v3 =	vmax.f32 v3, $0.0e+00;
	v4 =	vadd.f32 v6, v10  }
0x14c: {  	[tilespmem:s14+$0xC030] =	vst v3;
	v3 =	vmax.f32 v7, $0.0e+00;
	v5 =	vadd.f32 v8, v5  }
0x14d: {  	s16 =	sshll.u32 s12, $0x8;
	[tilespmem:s14+$0xC040] =	vst v3;
	v3 =	vmax.f32 v4, $0.0e+00  }
0x14e: {  	s13 =	sand.u32 $0x3FFFFF00, s16;
	[tilespmem:s14+$0xC050] =	vst v3;
	v3 =	vmax.f32 v5, $0.0e+00  }
0x14f: {  	p1 =	seq.s32 s12, $0x1F;
	s13 =	sadd.s32 $0x2000, s13;
	[tilespmem:s14+$0xC060] =	vst v3  }
0x150: {  	[spmem:s1] =	stream.indirect.scatter.add.f32 [tilespmem:s20], [sflag:$0x5], $0x80, s13, s21, $0xb8;
	[tilespmem:$0x18000] =	vst v63  }
0x151: {  	s13 =	sadd.s32 @!p1 $0x2, s23  }
0x152: {  	s16 =	simm.s32 @!p1 $0x40;
	s14 =	sshll.u32 @!p1 s13, $0x7  }
0x153: {  	s23 =	simm.s32 @!p1 $0x4000;
	s13 =	sshll.u32 @!p1 s13, $0xA;
	s14 =	sand.u32 @!p1 $0x3FFFFF80, s14  }
0x154: {  	[tilespmem:s23], [sflag:$0x1] =	stream.indirect.gather @!p1 [hbm4b:s3+s16], $0x80, s14, s16, $0xb8;
	[tilespmem:$0x18000] =	vst v63  }
0x155: {  	s13 =	sadd.s32 @!p1 s13, s15;
	s14 =	simm.s32 @!p1 $0x0;
	s16 =	simm.s32 @!p1 $0x8000  }
0x156: {  	[tilespmem:s16], [sflag:$0x3] =	stream.linear.gather @!p1 [hbm4b:s13+s14], $0x2000, $0x38;
	[tilespmem:$0x18000] =	vst v63  }
0x157: {  	_ =	swait.ge [sflag:s29], $0x2000  }
0x158: {  	[sflag:s29] =	ssyncset.done $0x0  }
0x159: {  	[sflag:s29] =	ssyncadd.s32 $0xFFFFE000  }
0x15a: {  	_ =	swait.ge [sflag:s30], $0x2000  }
0x15b: {  	[sflag:s30] =	ssyncset.done $0x0  }
0x15c: {  	s13 =	simm.s32 @!p0 $0x6;
	[sflag:s30] =	ssyncadd.s32 $0xFFFFE000  }
0x15d: {  	_ =	swait.ge @!p0 [sflag:s13], $0x2000  }
0x15e: {  	[sflag:s13] =	ssyncset.done @!p0 $0x0  }
0x15f: {  	[sflag:s13] =	ssyncadd.s32 @!p0 $0xFFFFE000;
	s13 =	simm.s32 $0x0  }
0x160: {  	v3 =	vld [tilespmem:s13+$0xA030]  }
0x161: {  	v4 =	vld [tilespmem:s13+$0x6070]  }
0x162: {  	v7 =	vld [tilespmem:s13+$0xA000]  }
0x163: {  	v9 =	vld [tilespmem:s13+$0xA010]  }
0x164: {  	v10 =	vld [tilespmem:s13+$0xA020]  }
0x165: {  	v13 =	vld [tilespmem:s13+$0x6000]  }
0x166: {  	v15 =	vld [tilespmem:s13+$0x6010]  }
0x167: {  	v8 =	vld [tilespmem:s13+$0x6020];
	v5 =	vand.u32 $0xFFFF0000, v3  }
0x168: {  	v6 =	vld [tilespmem:s13+$0x6030];
	v3 =	vshll.u32 v3, $0x10;
	v4 =	vadd.f32 v5, v4  }
0x169: {  	v14 =	vshll.u32 v7, $0x10;
	v63 =	vand.u32 $0xFFFF0000, v7;
	v12 =	vshll.u32 v9, $0x10;
	v5 =	vld [tilespmem:s13+$0x6040]  }
0x16a: {  	v11 =	vand.u32 $0xFFFF0000, v9;
	v7 =	vld [tilespmem:s13+$0x6050];
	v14 =	vadd.f32 v14, v13;
	v4 =	vmax.f32 v4, $0.0e+00  }
0x16b: {  	s14 =	simm.s32 $0x80;
	s16 =	simm.s32 $0x400;
	v9 =	vshll.u32 v10, $0x10;
	v13 =	vadd.f32 v63, v15;
	[tilespmem:s13+$0xE070] =	vst v4;
	v4 =	vand.u32 $0xFFFF0000, v10;
	v10 =	vld [tilespmem:s13+$0x6060]  }
.LBB2_19:
0x16c: {  	p0 =	sne.s32 s16, $0x7E00;
	v15 =	vld [tilespmem:s14+$0xA030];
	v14 =	vmax.f32 v14, $0.0e+00;
	v8 =	vadd.f32 v12, v8  }
0x16d: {  	v12 =	vld [tilespmem:s14+$0x6070];
	[tilespmem:s13+$0xE000] =	vst v14;
	v13 =	vmax.f32 v13, $0.0e+00;
	v6 =	vadd.f32 v11, v6  }
0x16e: {  	v11 =	vld [tilespmem:s14+$0xA000];
	[tilespmem:s13+$0xE010] =	vst v13;
	v8 =	vmax.f32 v8, $0.0e+00;
	v5 =	vadd.f32 v9, v5  }
0x16f: {  	v9 =	vld [tilespmem:s14+$0xA010];
	[tilespmem:s13+$0xE020] =	vst v8;
	v6 =	vmax.f32 v6, $0.0e+00;
	v4 =	vadd.f32 v4, v7  }
0x170: {  	v7 =	vld [tilespmem:s14+$0xA020];
	[tilespmem:s13+$0xE030] =	vst v6;
	v5 =	vmax.f32 v5, $0.0e+00;
	v6 =	vadd.f32 v3, v10  }
0x171: {  	v10 =	vld [tilespmem:s14+$0x6000];
	v3 =	vshll.u32 v15, $0x10;
	v8 =	vand.u32 $0xFFFF0000, v15;
	[tilespmem:s13+$0xE040] =	vst v5;
	v4 =	vmax.f32 v4, $0.0e+00  }
0x172: {  	v13 =	vld [tilespmem:s14+$0x6010];
	v5 =	vadd.f32 v8, v12;
	[tilespmem:s13+$0xE050] =	vst v4;
	v4 =	vmax.f32 v6, $0.0e+00  }
.Ltmp8:
0x173: {  	v14 =	vshll.u32 v11, $0x10;
	v15 =	vand.u32 $0xFFFF0000, v11;
	v8 =	vld [tilespmem:s14+$0x6020];
	[tilespmem:s13+$0xE060] =	vst v4;
	s13 =	smov.u32 s14;
	(pc) =	sbr.rel @p0 .LBB2_19-.Ltmp8, $4  }
0x174: {  	v12 =	vshll.u32 v9, $0x10;
	v11 =	vand.u32 $0xFFFF0000, v9;
	v6 =	vld [tilespmem:s13+$0x6030];
	v16 =	vmax.f32 v5, $0.0e+00  }
0x175: {  	v9 =	vshll.u32 v7, $0x10;
	v4 =	vand.u32 $0xFFFF0000, v7;
	v5 =	vld [tilespmem:s13+$0x6040];
	[tilespmem:s13+$0xE070] =	vst v16  }
0x176: {  	v14 =	vadd.f32 v14, v10;
	v7 =	vld [tilespmem:s13+$0x6050]  }
0x177: {  	s14 =	sshra.s32 s16, $0x2;
	s16 =	sadd.s32 $0x200, s16;
	v13 =	vadd.f32 v15, v13;
	v10 =	vld [tilespmem:s13+$0x6060]  }
0x178: {  	v15 =	vld [tilespmem:s14+$0xA030];
	v14 =	vmax.f32 v14, $0.0e+00;
	v8 =	vadd.f32 v12, v8  }
0x179: {  	v16 =	vld [tilespmem:s14+$0x6070];
	[tilespmem:s13+$0xE000] =	vst v14;
	v47 =	vmax.f32 v13, $0.0e+00;
	v6 =	vadd.f32 v11, v6  }
0x17a: {  	v48 =	vld [tilespmem:s14+$0xA000];
	[tilespmem:s13+$0xE010] =	vst v47;
	v8 =	vmax.f32 v8, $0.0e+00;
	v5 =	vadd.f32 v9, v5  }
0x17b: {  	v49 =	vld [tilespmem:s14+$0xA010];
	[tilespmem:s13+$0xE020] =	vst v8;
	v6 =	vmax.f32 v6, $0.0e+00;
	v4 =	vadd.f32 v4, v7  }
0x17c: {  	v8 =	vld [tilespmem:s14+$0xA020];
	[tilespmem:s13+$0xE030] =	vst v6;
	v5 =	vmax.f32 v5, $0.0e+00;
	v3 =	vadd.f32 v3, v10  }
0x17d: {  	v6 =	vld [tilespmem:s14+$0x6000];
	[tilespmem:s13+$0xE040] =	vst v5;
	v4 =	vmax.f32 v4, $0.0e+00  }
0x17e: {  	v5 =	vld [tilespmem:s14+$0x6010];
	[tilespmem:s13+$0xE050] =	vst v4;
	v3 =	vmax.f32 v3, $0.0e+00  }
0x17f: {  	v50 =	vand.u32 $0xFFFF0000, v15;
	v51 =	vld [tilespmem:s14+$0x6020];
	[tilespmem:s13+$0xE060] =	vst v3  }
0x180: {  	v4 =	vadd.f32 v50, v16;
	v3 =	vld [tilespmem:s14+$0x6030]  }
0x181: {  	v53 =	vshll.u32 v48, $0x10;
	v52 =	vld [tilespmem:s14+$0x6040]  }
0x182: {  	v54 =	vand.u32 $0xFFFF0000, v48;
	v4 =	vmax.f32 v4, $0.0e+00;
	v55 =	vld [tilespmem:s14+$0x6050];
	v6 =	vadd.f32 v53, v6  }
0x183: {  	v56 =	vshll.u32 v49, $0x10;
	v57 =	vld [tilespmem:s14+$0x6060];
	[tilespmem:s14+$0xE070] =	vst v4;
	v4 =	vadd.f32 v54, v5  }
0x184: {  	v11 =	vand.u32 $0xFFFF0000, v49;
	v6 =	vmax.f32 v6, $0.0e+00;
	v7 =	vadd.f32 v56, v51  }
0x185: {  	v58 =	vshll.u32 v8, $0x10;
	[tilespmem:s14+$0xE000] =	vst v6;
	v4 =	vmax.f32 v4, $0.0e+00;
	v3 =	vadd.f32 v11, v3  }
0x186: {  	s12 =	sadd.s32 $0x1, s12;
	v59 =	vand.u32 $0xFFFF0000, v8;
	v61 =	vadd.f32 v58, v52;
	[tilespmem:s14+$0xE010] =	vst v4;
	v60 =	vmax.f32 v7, $0.0e+00  }
0x187: {  	p0 =	sne.s32 s12, $0x20;
	v62 =	vshll.u32 v15, $0x10;
	v63 =	vadd.f32 v59, v55;
	[tilespmem:s14+$0xE020] =	vst v60;
	v3 =	vmax.f32 v3, $0.0e+00  }
.Ltmp9:
0x188: {  	v5 =	vadd.f32 v62, v57;
	[tilespmem:s14+$0xE030] =	vst v3;
	v3 =	vmax.f32 v61, $0.0e+00;
	(pc) =	sbr.rel @p0 .LBB2_16-.Ltmp9, $4  }
0x189: {  	[tilespmem:s14+$0xE040] =	vst v3;
	v3 =	vmax.f32 v63, $0.0e+00  }
0x18a: {  	[tilespmem:s14+$0xE050] =	vst v3;
	v3 =	vmax.f32 v5, $0.0e+00  }
0x18b: {  	s23 =	sadd.s32 $0x2000, s22;
	[tilespmem:s14+$0xE060] =	vst v3  }
0x18c: {  	[spmem:s1] =	stream.indirect.scatter.add.f32 [tilespmem:s31], [sflag:$0x6], $0x80, s23, s21, $0xb8;
	[tilespmem:$0x18000] =	vst v63  }
0x18d: {  	_ =	swait.ge [sflag:s0], $0x2000  }
0x18e: {  	[sflag:s0] =	ssyncset.done $0x0  }
0x18f: {  	[sflag:s0] =	ssyncadd.s32 $0xFFFFE000  }
0x190: {  	_ =	swait.ge [sflag:s4], $0x2000  }
0x191: {  	[sflag:s4] =	ssyncset.done $0x0  }
0x192: {  	[sflag:s4] =	ssyncadd.s32 $0xFFFFE000  }
0x193: {  	s5 =	sadd.s32 $0x1, s5;
	[bflag:$0x0] =	sbarrier.arrive $0xFFFF  }
0x194: {  	p0 =	sne.s32 s5, s17;
	s12 =	rddreg [dreg:$0x8]  }
0x195: {  	[hbm:s12], [sflag:s6] =	dma.local [spmem:s19], $0x1000  }
.Ltmp10:
0x196: {  	_ =	swait.ge [sflag:s18], $0x1000;
	(pc) =	sbr.rel @p0 .LBB2_1-.Ltmp10, $4  }
0x197: {  	[sflag:s18] =	ssyncset.done $0x0  }
0x198: {  	[sflag:s18] =	ssyncadd.s32 $0xFFFFF000  }
0x199: {  	[bflag:$0x0] =	sbarrier.arrive $0xFFFF  }
0x19a: {  	s23 =	simm.s32 $0x2000  }
0x19b: {  	_ =	sfence.sel $0x180000  }
0x19c: {  	[bflag:$0x0] =	sbarrier.arrive $0xFFFF  }
0x19d: {  	_ =	strace $0x90000047  }
0x19e: {  	s0 =	stileid.u32;
	[bflag:$0x2] =	sbarrier.arrive $0xFFFF  }
0x19f: {  	p0 =	sne.s32 s0, $0x0;
	s0 =	rddreg [dreg:$0x2]  }
0x1a0: {  	s0 =	sadd.s32 @!p0 $0x100000, s0  }
0x1a1: {  	[sflag:s0] =	ssyncadd.tile.s32 @!p0 $0x1;
	_ =	shalt  }
.Lfunc_end2:
_tile_overlayer_lowered:
.L_overlay_start_2:
0x1a2: {  	(tag) =	ssettag $0x2  }
0x1a3: {  	s0 =	rddreg [dreg:$0x0];
	s2 =	stileid.u32  }
0x1a4: {  	s1 =	rddreg [dreg:$0x1];
	p0 =	sne.s32 s2, $0x0  }
0x1a5: {  	s3 =	rddreg [dreg:$0x2];
	[bflag:$0x3] =	sbarrier.arrive $0xFFFF;
	s2 =	simm.s32 @!p0 $0x1C07  }
0x1a6: {  	[timem:s3], [sflag:s2] =	dma.local @!p0 [hbm:s0], s1  }
0x1a7: {  	s0 =	simm.s32 @!p0 $0x7  }
0x1a8: {  	_ =	swait.ge @!p0 [sflag:s0], s1  }
0x1a9: {  	s1 =	ssub.s32 @!p0 $0x0, s1;
	[sflag:s0] =	ssyncset.done @!p0 $0x0  }
0x1aa: {  	[sflag:s0] =	ssyncadd.s32 @!p0 s1  }
0x1ab: {  	[bflag:$0x3] =	sbarrier.arrive $0xFFFF  }
0x1ac: {  	_ =	shalt  }

// kernel: kernel.13.cloned.1.call-start
scs
__scs_entry_jumppad:
0x0: {  	(pc) =	sbr.rel $0x88, $3  }
0x1: {  	(tag) =	ssettag $0x0;
	lr =	simm.s32 $0x1  }
0x2: {  	[smem:$0x3F92] =	sst lr;
	_ =	strace $0xD0000000  }
0x3: {  	_ = 	snop  }
0x4: {  	_ = 	snop  }
0x5: {  	_ = 	snop  }
0x6: {  	_ = 	snop  }
0x7: {  	_ = 	snop  }
__scs_overlays_trampoline_lowered:
0x8: {  	[smem:$0x3FA1] =	sst s0  }
0x9: {  	[smem:$0x3FA2] =	sst s1  }
0xa: {  	[smem:$0x3FA3] =	sst s2  }
0xb: {  	[smem:$0x3FA4] =	sst s3  }
0xc: {  	[smem:$0x3FA5] =	sst s4  }
0xd: {  	[smem:$0x3FA6] =	sst s5  }
0xe: {  	[smem:$0x3FA7] =	sst s6  }
0xf: {  	[smem:$0x3FA8] =	sst s7  }
0x10: {  	[smem:$0x3FA9] =	sst s8  }
0x11: {  	[smem:$0x3FAA] =	sst s9;
	s0 =	simm.s32 @!p0 $0x0  }
0x12: {  	s1 =	sld [smem:$0x3F90];
	s0 =	simm.s32 @p0 $0x1  }
0x13: {  	[smem:$0x3FAB] =	sst s0;
	s0 =	simm.s32 @!p1 $0x0  }
0x14: {  	s2 =	sld [smem:$0x3F8F];
	s0 =	simm.s32 @p1 $0x1  }
0x15: {  	[smem:$0x3FAC] =	sst s0;
	s0 =	simm.s32 @!p2 $0x0  }
0x16: {  	s3 =	sld [smem:$0x3FDB];
	s0 =	simm.s32 @p2 $0x1  }
0x17: {  	s4 =	simm.s32 $0x1BF5;
	[smem:$0x3FAE] =	sst s0  }
0x18: {  	s0 =	sld [smem:$0x3F91];
	_ =	swait.ge [sflag:s4], $0x0  }
0x19: {  	s7 =	sld [smem:$0x3F92]  }
0x1a: {  	s8 =	sadd.s32 $0xFFFFE003, lr  }
0x1b: {  	s9 =	sadd.s32 $0xFFFFFEF7, lr;
	s5 =	simm.s32 $0xFFFFFFFF;
	p2 =	slt.u32 s8, $0xFFFFF086  }
0x1c: {  	p1 =	slt.u32 s9, $0xF7A;
	s5 =	simm.s32 @!p2 $0x0  }
0x1d: {  	s5 =	simm.s32 @p1 $0x1;
	p0 =	seq.s32 s7, s2  }
0x1e: {  	s7 =	smul.u32 @!p0 $0xF7A, s2;
	p2 =	seq.s32 @!p0 s5, $0x0  }
0x1f: {  	s9 =	smul.u32 $0xF7A, s1;
	s8 =	simm.s32 @!p0 $0x1BF5;
	p2 =	por !p2, p0  }
0x20: {  	[sflag:s8] =	ssyncset.s32 @!p0 $0xFFFFF086;
	s6 =	sadd.s32 @!p0 s3, s7;
	s7 =	simm.s32 @!p0 $0x108  }
0x21: {  	s3 =	sadd.s32 s3, s9;
	s6 =	sadd.s32 @!p0 $0x88, s6;
	s7 =	simm.s32 @p2 $0x1082  }
0x22: {  	[simem:s7], [sflag:s8] =	dma.local @!p0 [hbm:s6], $0xF7A  }
0x23: {  	s9 =	sor.u32 $0xD0000000, s2;
	s6 =	simm.s32 $0x108;
	_ =	swait.ge @!p0 [sflag:s8], $0x0  }
0x24: {  	s3 =	sadd.s32 $0x88, s3;
	s6 =	simm.s32 @!p1 $0x1082;
	[sflag:s4] =	ssyncset.s32 $0xFFFFF086  }
0x25: {  	[simem:s6], [sflag:s4] =	dma.local [hbm:s3], $0xF7A  }
0x26: {  	[smem:$0x3F92] =	sst s1;
	(tag) =	ssettag s2;
	_ =	strace s9  }
0x27: {  	s1 =	sld [smem:$0x3FA2]  }
0x28: {  	s2 =	sld [smem:$0x3FA3]  }
0x29: {  	s4 =	sld [smem:$0x3FA5]  }
0x2a: {  	p0 =	seq.s32 s5, $0x0;
	s5 =	sld [smem:$0x3FA6]  }
0x2b: {  	s6 =	sld [smem:$0x3FA7]  }
0x2c: {  	s7 =	sld [smem:$0x3FA8]  }
0x2d: {  	s3 =	simm.s32 $0x108;
	s8 =	sld [smem:$0x3FA9]  }
0x2e: {  	s3 =	simm.s32 @!p0 $0x1082;
	s9 =	sld [smem:$0x3FAA]  }
0x2f: {  	lr =	sadd.s32 s0, s3;
	s0 =	sld [smem:$0x3FA1]  }
0x30: {  	s3 =	sld [smem:$0x3FA4]  }
0x31: {  	[smem:$0x3FAD] =	sst s10  }
0x32: {  	s10 =	sld [smem:$0x3FAB];
	_ =	sdelay $0x3  }
0x33: {  	p0 =	seq.s32 s10, $0x1;
	s10 =	sld [smem:$0x3FAD];
	_ =	sdelay $0x3  }
0x34: {  	[smem:$0x3FAD] =	sst s10  }
0x35: {  	s10 =	sld [smem:$0x3FAC];
	_ =	sdelay $0x3  }
0x36: {  	p1 =	seq.s32 s10, $0x1;
	s10 =	sld [smem:$0x3FAD];
	_ =	sdelay $0x3  }
0x37: {  	[smem:$0x3FAD] =	sst s10  }
0x38: {  	s10 =	sld [smem:$0x3FAE]  }
0x39: {  	_ = 	snop;
	(pc) =	sbr.ind lr, $3  }
0x3a: {  	_ = 	snop  }
0x3b: {  	_ = 	snop  }
0x3c: {  	p2 =	seq.s32 s10, $0x1;
	s10 =	sld [smem:$0x3FAD]  }
0x3d: {  	_ =	shalt  }
0x3e: {  	_ =	shalt  }
0x3f: {  	_ =	shalt  }
0x40: {  	_ =	shalt  }
0x41: {  	_ =	shalt  }
0x42: {  	_ =	shalt  }
0x43: {  	_ =	shalt  }
0x44: {  	_ =	shalt  }
0x45: {  	_ =	shalt  }
0x46: {  	_ =	shalt  }
0x47: {  	_ =	shalt  }
0x48: {  	_ =	shalt  }
0x49: {  	_ =	shalt  }
0x4a: {  	_ =	shalt  }
0x4b: {  	_ =	shalt  }
0x4c: {  	_ =	shalt  }
0x4d: {  	_ =	shalt  }
0x4e: {  	_ =	shalt  }
0x4f: {  	_ =	shalt  }
0x50: {  	_ =	shalt  }
0x51: {  	_ =	shalt  }
0x52: {  	_ =	shalt  }
0x53: {  	_ =	shalt  }
0x54: {  	_ =	shalt  }
0x55: {  	_ =	shalt  }
0x56: {  	_ =	shalt  }
0x57: {  	_ =	shalt  }
0x58: {  	_ =	shalt  }
0x59: {  	_ =	shalt  }
0x5a: {  	_ =	shalt  }
0x5b: {  	_ =	shalt  }
0x5c: {  	_ =	shalt  }
0x5d: {  	_ =	shalt  }
0x5e: {  	_ =	shalt  }
0x5f: {  	_ =	shalt  }
0x60: {  	_ =	shalt  }
0x61: {  	_ =	shalt  }
0x62: {  	_ =	shalt  }
0x63: {  	_ =	shalt  }
0x64: {  	_ =	shalt  }
0x65: {  	_ =	shalt  }
0x66: {  	_ =	shalt  }
0x67: {  	_ =	shalt  }
0x68: {  	_ =	shalt  }
0x69: {  	_ =	shalt  }
0x6a: {  	_ =	shalt  }
0x6b: {  	_ =	shalt  }
0x6c: {  	_ =	shalt  }
0x6d: {  	_ =	shalt  }
0x6e: {  	_ =	shalt  }
0x6f: {  	_ =	shalt  }
0x70: {  	_ =	shalt  }
0x71: {  	_ =	shalt  }
0x72: {  	_ =	shalt  }
0x73: {  	_ =	shalt  }
0x74: {  	_ =	shalt  }
0x75: {  	_ =	shalt  }
0x76: {  	_ =	shalt  }
0x77: {  	_ =	shalt  }
0x78: {  	_ =	shalt  }
0x79: {  	_ =	shalt  }
0x7a: {  	_ =	shalt  }
0x7b: {  	_ =	shalt  }
0x7c: {  	_ =	shalt  }
0x7d: {  	_ =	shalt  }
0x7e: {  	_ =	shalt  }
0x7f: {  	_ =	shalt  }
0x80: {  	_ =	shalt  }
0x81: {  	_ =	shalt  }
0x82: {  	_ =	shalt  }
0x83: {  	_ =	shalt  }
0x84: {  	_ =	shalt  }
0x85: {  	_ =	shalt  }
0x86: {  	_ =	shalt  }
0x87: {  	_ =	shalt  }
.Lfunc_end0:
.L_simem_size_0:
called_computation.1_lowered:
.L_overlay_start_0:
0x88: {  	s2 =	sld [smem:$0x3FD9]  }
0x89: {  	s3 =	sld [smem:$0x3FFE];
	_ =	sdelay $0x1  }
0x8a: {  	s1 =	srdreg.scid  }
0x8b: {  	s0 =	sand.u32 $0x1, s1  }
0x8c: {  	s17 =	sshll.u32 s0, $0xA;
	s2 =	sadd.s32 s3, s2  }
0x8d: {  	s2 =	sadd.s32 s2, s17  }
0x8e: {  	[smem:$0x3FB9] =	sst s2  }
0x8f: {  	_ = 	snop  }
0x90: {  	(tm) =	ssettm $0x1  }
0x91: {  	s18 =	sld [smem:$0x3FFB];
	_ =	sdelay $0x3  }
0x92: {  	_ =	strace s18  }
0x93: {  	s2 =	sld [smem:$0x3FFC];
	_ =	sdelay $0x3  }
0x94: {  	_ =	strace s2  }
0x95: {  	s2 =	sld [smem:$0x3FFD];
	_ =	sdelay $0x3  }
0x96: {  	_ =	strace s2  }
0x97: {  	_ =	strace $0x8FFFFFFF  }
0x98: {  	s19 =	sld [smem:$0x3FDB];
	_ =	sdelay $0x1  }
0x99: {  	s20 =	simm.s32 $_scs_section_size  }
0x9a: {  	s4 =	simm.s32 $_size__tile_overlayer_lowered;
	s5 =	simm.s32 $_tile_overlayer_lowered  }
0x9b: {  	s6 =	simm.s32 $0x1BFF;
	s21 =	sshll.u32 s5, $0x1;
	s3 =	sadd.s32 s20, s19  }
0x9c: {  	s22 =	simm.s32 $0x0;
	s4 =	sshll.u32 s4, $0x1;
	s5 =	sadd.s32 s21, s3  }
0x9d: {  	[timem:s22], [sflag:s6] =	dma.local [hbm:s5], s4  }
0x9e: {  	_ =	swait.ge [sflag:s6], s4  }
0x9f: {  	s4 =	ssub.s32 $0x0, s4;
	[sflag:s6] =	ssyncset.done $0x0  }
0xa0: {  	[sflag:s6] =	ssyncadd.s32 s4;
	_ =	sdelay $0x1  }
0xa1: {  	s23 =	simm.s32 $0x1B8B  }
0xa2: {  	_ =	swait.ge [sflag:s23], $0x1  }
0xa3: {  	[sflag:s23] =	ssyncset.done $0x0  }
0xa4: {  	[sflag:s23] =	ssyncadd.s32 $0xFFFFFFFF  }
0xa5: {  	s4 =	sld [smem:$0x0]  }
0xa6: {  	s5 =	sand.u32 $0xFFFFFFFE, s1  }
0xa7: {  	p0 =	sne.s32 s1, s5  }
0xa8: {  	s5 =	sshll.u32 @p0 s5, $0xE  }
0xa9: {  	s5 =	sadd.s32 @p0 $0x11B8D, s5;
	s6 =	sshll.u32 @p0 s4, $0x11  }
0xaa: {  	s5 =	sor.u32 @p0 s6, s5  }
0xab: {  	[sflag:s5] =	ssyncadd.remote.s32 @p0 $0x1;
	_ =	sdelay $0x1  }
0xac: {  	s5 =	simm.s32 @p0 $0x1B8D  }
0xad: {  	_ =	swait.eq @p0 [sflag:s5], $0x1  }
0xae: {  	[sflag:s5] =	ssyncadd.s32 @p0 $0xFFFFFFFF  }
0xaf: {  	s6 =	sshll.u32 @!p0 s1, $0xE  }
0xb0: {  	s6 =	sor.u32 @!p0 $0x4000, s6;
	s5 =	simm.s32 @!p0 $0x1B8D  }
0xb1: {  	s4 =	sshll.u32 @!p0 s4, $0x11;
	s6 =	sadd.s32 @!p0 $0x11B8D, s6;
	_ =	swait.eq @!p0 [sflag:s5], $0x1  }
0xb2: {  	s4 =	sor.u32 @!p0 s4, s6;
	[sflag:s5] =	ssyncadd.s32 @!p0 $0xFFFFFFFF  }
0xb3: {  	s25 =	simm.s32 $0x1B8E;
	s24 =	sld [smem:$0x3FFE];
	[sflag:s4] =	ssyncadd.remote.s32 @!p0 $0x1  }
0xb4: {  	s26 =	simm.s32 $execute0_lowered;
	[smem:$0x3FD2] =	sst s25  }
0xb5: {  	s5 =	sshll.u32 s26, $0x1;
	_ =	strace $0x80000049;
	[dreg:$0x1] =	wrdreg $0xFFFFFFFF  }
0xb6: {  	s28 =	simm.s32 $_size_execute0_lowered;
	s3 =	sadd.s32 s3, s5;
	[dreg:$0x0] =	wrdreg $0x0  }
0xb7: {  	s5 =	sshll.u32 s28, $0x1;
	[dreg:$0x2] =	wrdreg s3  }
0xb8: {  	[dreg:$0x3] =	wrdreg s5  }
0xb9: {  	[dreg:$0x4] =	wrdreg $0xC0  }
0xba: {  	_ =	task [dreg:s22], $0x5FFFF  }
0xbb: {  	[dreg:$0x1] =	wrdreg $0xFFFFFFFF  }
0xbc: {  	[dreg:$0x0] =	wrdreg $0x60  }
0xbd: {  	[dreg:$0x2] =	wrdreg s24  }
0xbe: {  	[dreg:$0x3] =	wrdreg $0x100000  }
0xbf: {  	[dreg:$0x4] =	wrdreg $0xA  }
0xc0: {  	_ =	task.clear_ibuf [dreg:s22], $0x5FFFF;
	_ =	strace $0x90000049  }
0xc1: {  	s29 =	simm.s32 $0xA;
	_ =	strace $0x8000004B  }
0xc2: {  	_ =	swait.ge [sflag:s29], $0x1  }
0xc3: {  	[sflag:s29] =	ssyncadd.s32 $0xFFFFFFFF  }
0xc4: {  	_ =	strace $0x9000004B  }
0xc5: {  	_ =	sfence  }
0xc6: {  	s30 =	sld [smem:$0x0];
	_ =	sdelay $0x2  }
0xc7: {  	s31 =	sshll.u32 s1, $0xD;
	s1 =	sshrl.u32 s1, $0x2  }
0xc8: {  	s4 =	sand.u32 $0x4000, s31;
	s1 =	sadd.s32 s1, s30  }
0xc9: {  	s0 =	sor.u32 s4, s0;
	s1 =	sshll.u32 s1, $0x11  }
0xca: {  	s0 =	sor.u32 s1, s0  }
0xcb: {  	s0 =	sadd.s32 $0x8F2B, s0  }
0xcc: {  	[sflag:s0] =	ssyncadd.remote.s32 $0x1  }
0xcd: {  	_ =	sfence.sel $0xFFFF  }
0xce: {  	[dreg:$0x0] =	wrdreg $0xFFFFFFFF;
	(pc) =	sbr.abs _section_cstart, $3  }
0xcf: {  	[dreg:$0x1] =	wrdreg $0xFFFFFFFF  }
0xd0: {  	_ =	task.clear_ibuf [dreg:s22], $0x2FFFF;
	_ =	strace $0x9FFFFFFF  }
0xd1: {  	(tm) =	ssettm $0x7FFFFFFF  }
tec
execute0_lowered:
.L_overlay_start_1:
0x0: {  	(tag) =	ssettag $0x1  }
0x1: {  	s0 =	rddreg [dreg:$0x0]  }
0x2: {  	s1 =	rddreg [dreg:$0x1]  }
0x3: {  	s2 =	simm.s32 $0x0;
	s3 =	srdreg.scid;
	s17 =	stileid.u32  }
0x4: {  	s23 =	simm.s32 $0x2000;
	s21 =	simm.s32 $0x40;
	s28 =	simm.s32 $0x3  }
0x5: {  	s29 =	simm.s32 $0x2;
	s31 =	simm.s32 $0xE000;
	[smem:$0x7FF] =	sst s2  }
0x6: {  	s30 =	simm.s32 $0x4;
	s4 =	sadd.s32 $0x842A00, s0;
	s5 =	sadd.s32 $0xD02A00, s0  }
0x7: {  	s3 =	sand.u32 $0x1, s3;
	s12 =	sadd.s32 $0x802A00, s0;
	s13 =	sadd.s32 $0x822A00, s0  }
0x8: {  	s14 =	sshll.u32 s17, $0xD;
	s0 =	sadd.s32 $0x2A00, s0;
	s15 =	sshll.u32 s17, $0xF  }
0x9: {  	s17 =	sshll.u32 s17, $0x10;
	_ =	strace $0x8000004A;
	s7 =	sshll.u32 s3, $0x1  }
0xa: {  	s9 =	ssub.s32 $0x2, s3;
	s25 =	sshll.u32 s3, $0x15;
	s18 =	sshll.u32 s3, $0x14  }
0xb: {  	s3 =	sshllo.u32 s3, $0x1;
	s8 =	sor.u32 $0x4, s7;
	s10 =	sshrl.u32 s9, $0x1  }
0xc: {  	s7 =	sor.u32 $0x5, s7;
	s18 =	sor.u32 s15, s18;
	s26 =	sshll.u32 s3, $0x14  }
0xd: {  	s3 =	sshll.u32 s3, $0x13;
	s6 =	sshll.u32 s8, $0x11;
	s16 =	ssub.s32 s9, s10  }
0xe: {  	s19 =	sshll.u32 s8, $0xC;
	s20 =	sshll.u32 s7, $0x11;
	s18 =	sshrl.u32 s18, $0x3  }
0xf: {  	s3 =	sor.u32 s15, s3;
	s7 =	sshll.u32 s7, $0xC;
	s6 =	sor.u32 s14, s6  }
0x10: {  	s14 =	sor.u32 s14, s20;
	s18 =	sadd.s32 s0, s18;
	s3 =	sshrl.u32 s3, $0x3  }
0x11: {  	s20 =	simm.s32 $0xC000;
	s11 =	sshrl.u32 s6, $0x3;
	[dreg:$0x5] =	wrdreg s18  }
0x12: {  	s14 =	sshrl.u32 s14, $0x3;
	s0 =	sadd.s32 s0, s3;
	s18 =	simm.s32 $0x7  }
0x13: {  	s3 =	simm.s32 $0x6;
	s6 =	sadd.s32 s12, s11;
	[dreg:$0x8] =	wrdreg s0  }
0x14: {  	s24 =	sadd.s32 s13, s11;
	s11 =	sor.u32 s17, s25;
	[dreg:$0x3] =	wrdreg s6  }
0x15: {  	s12 =	sadd.s32 s12, s14;
	s13 =	sadd.s32 s13, s14;
	[dreg:$0x4] =	wrdreg s24  }
0x16: {  	s25 =	simm.s32 $0xA000;
	s0 =	simm.s32 $0x5;
	[dreg:$0x6] =	wrdreg s12  }
0x17: {  	s6 =	sadd.s32 s15, s1;
	s11 =	sadd.s32 s5, s11;
	[dreg:$0x7] =	wrdreg s13  }
0x18: {  	s12 =	sor.u32 s17, s26;
	s17 =	smax.u32 s16, $0x1;
	s24 =	simm.s32 $0x6000  }
0x19: {  	s26 =	simm.s32 $0x1;
	s8 =	sadd.s32 $0x2000, s6;
	s9 =	sadd.s32 $0x4000, s6  }
0x1a: {  	v2 =	vimm.f32 $0.0e+00;
	v0 =	vmov s19;
	v1 =	vmov s7;
	s10 =	sadd.s32 $0x6000, s6;
	s15 =	sadd.s32 s5, s12;
	s5 =	simm.s32 $0x0  }
.LBB2_1:
0x1b: {  	s7 =	rddreg [dreg:$0x3]  }
0x1c: {  	[tilespmem:s2], [sflag:$0x7] =	stream.linear.gather [hbm4b:s7+s2], $0x2000, $0x38;
	[tilespmem:$0x18000] =	vst v63  }
0x1d: {  	_ =	swait.ge [sflag:s18], $0x2000  }
0x1e: {  	[sflag:s18] =	ssyncset.done $0x0  }
0x1f: {  	s22 =	rddreg [dreg:$0x4];
	[sflag:s18] =	ssyncadd.s32 $0xFFFFE000  }
0x20: {  	[tilespmem:s23], [sflag:$0x7] =	stream.linear.gather [hbm4b:s22+s2], $0x2000, $0x38;
	[tilespmem:$0x18000] =	vst v63  }
0x21: {  	_ =	swait.ge [sflag:s18], $0x2000  }
0x22: {  	[sflag:s18] =	ssyncset.done $0x0  }
0x23: {  	s7 =	simm.s32 $0x0;
	[sflag:s18] =	ssyncadd.s32 $0xFFFFE000  }
0x24: {  	v5 =	vld [tilespmem:s7+$0x0]  }
0x25: {  	v4 =	vld [tilespmem:s7+$0x10]  }
0x26: {  	s12 =	simm.s32 $0x200;
	v3 =	vld [tilespmem:s7+$0x20]  }
.LBB2_2:
0x27: {  	p0 =	sne.s32 s12, $0x7E00;
	v6 =	vld [tilespmem:s7+$0x30];
	_ =	sdelay $0x1  }
.Ltmp0:
0x28: {  	v5 =	vadd.s32 v0, v5;
	(pc) =	sbr.rel @p0 .LBB2_2-.Ltmp0, $4  }
0x29: {  	s13 =	sshra.s32 s12, $0x2;
	[tilespmem:s7+$0x0] =	vst v5;
	v4 =	vadd.s32 v0, v4  }
0x2a: {  	v5 =	vld [tilespmem:s13+$0x0];
	[tilespmem:s7+$0x10] =	vst v4;
	v3 =	vadd.s32 v0, v3  }
0x2b: {  	v4 =	vld [tilespmem:s13+$0x10];
	[tilespmem:s7+$0x20] =	vst v3;
	v6 =	vadd.s32 v0, v6  }
0x2c: {  	s12 =	sadd.s32 $0x200, s12;
	v3 =	vld [tilespmem:s13+$0x20];
	[tilespmem:s7+$0x30] =	vst v6;
	s7 =	smov.u32 s13  }
0x2d: {  	v6 =	vld [tilespmem:s7+$0x30];
	_ =	sdelay $0x1  }
0x2e: {  	v5 =	vadd.s32 v0, v5  }
0x2f: {  	[tilespmem:s7+$0x0] =	vst v5;
	v4 =	vadd.s32 v0, v4  }
0x30: {  	[tilespmem:s7+$0x10] =	vst v4;
	v3 =	vadd.s32 v0, v3  }
0x31: {  	[tilespmem:s7+$0x20] =	vst v3;
	v3 =	vadd.s32 v0, v6  }
0x32: {  	s12 =	simm.s32 $0x200;
	[tilespmem:s7+$0x30] =	vst v3;
	s7 =	simm.s32 $0x0  }
.LBB2_4:
0x33: {  	p0 =	sne.s32 s12, $0x7E00;
	[tilespmem:s7+$0xC070] =	vst v2  }
0x34: {  	[tilespmem:s7+$0xC000] =	vst v2  }
0x35: {  	[tilespmem:s7+$0xC010] =	vst v2  }
.Ltmp1:
0x36: {  	[tilespmem:s7+$0xC020] =	vst v2;
	(pc) =	sbr.rel @p0 .LBB2_4-.Ltmp1, $4  }
0x37: {  	[tilespmem:s7+$0xC030] =	vst v2  }
0x38: {  	[tilespmem:s7+$0xC040] =	vst v2  }
0x39: {  	[tilespmem:s7+$0xC050] =	vst v2  }
0x3a: {  	[tilespmem:s7+$0xC060] =	vst v2;
	s7 =	sshra.s32 s12, $0x2;
	s12 =	sadd.s32 $0x200, s12  }
0x3b: {  	[tilespmem:s7+$0xC070] =	vst v2  }
0x3c: {  	[tilespmem:s7+$0xC000] =	vst v2  }
0x3d: {  	[tilespmem:s7+$0xC010] =	vst v2  }
0x3e: {  	[tilespmem:s7+$0xC020] =	vst v2  }
0x3f: {  	[tilespmem:s7+$0xC030] =	vst v2  }
0x40: {  	[tilespmem:s7+$0xC040] =	vst v2  }
0x41: {  	[tilespmem:s7+$0xC050] =	vst v2  }
0x42: {  	[tilespmem:s7+$0xC060] =	vst v2  }
0x43: {  	[spmem:s6] =	stream.linear.scatter [tilespmem:s20], [sflag:$0x7], $0x2000, $0x38;
	[tilespmem:$0x18000] =	vst v63  }
0x44: {  	_ =	swait.ge [sflag:s18], $0x2000  }
0x45: {  	[sflag:s18] =	ssyncset.done $0x0  }
0x46: {  	[sflag:s18] =	ssyncadd.s32 $0xFFFFE000  }
0x47: {  	[spmem:s8] =	stream.linear.scatter [tilespmem:s20], [sflag:$0x7], $0x2000, $0x38;
	[tilespmem:$0x18000] =	vst v63  }
0x48: {  	_ =	swait.ge [sflag:s18], $0x2000  }
0x49: {  	[sflag:s18] =	ssyncset.done $0x0  }
0x4a: {  	[sflag:s18] =	ssyncadd.s32 $0xFFFFE000  }
0x4b: {  	[spmem:s9] =	stream.linear.scatter [tilespmem:s20], [sflag:$0x7], $0x2000, $0x38;
	[tilespmem:$0x18000] =	vst v63  }
0x4c: {  	_ =	swait.ge [sflag:s18], $0x2000  }
0x4d: {  	[sflag:s18] =	ssyncset.done $0x0  }
0x4e: {  	[sflag:s18] =	ssyncadd.s32 $0xFFFFE000  }
0x4f: {  	[spmem:s10] =	stream.linear.scatter [tilespmem:s20], [sflag:$0x7], $0x2000, $0x38;
	[tilespmem:$0x18000] =	vst v63  }
0x50: {  	_ =	swait.ge [sflag:s18], $0x2000  }
0x51: {  	[sflag:s18] =	ssyncset.done $0x0  }
0x52: {  	[sflag:s18] =	ssyncadd.s32 $0xFFFFE000  }
0x53: {  	s7 =	simm.s32 $0x0;
	s12 =	simm.s32 $0x4000;
	[bflag:$0x0] =	sbarrier.arrive $0xFFFF  }
0x54: {  	[tilespmem:s12], [sflag:$0x1] =	stream.indirect.gather [hbm4b:s4+s21], $0x80, s7, s21, $0xb8;
	[tilespmem:$0x18000] =	vst v63  }
0x55: {  	s22 =	simm.s32 $0x8000  }
0x56: {  	[tilespmem:s22], [sflag:$0x3] =	stream.linear.gather [hbm4b:s11+s7], $0x2000, $0x38;
	[tilespmem:$0x18000] =	vst v63  }
.LBB2_6:
0x57: {  	s13 =	sshllo.u32 s7, $0x1  }
0x58: {  	s12 =	sshll.u32 s13, $0x9  }
0x59: {  	s13 =	sshll.u32 s13, $0xA;
	s12 =	sshrl.u32 s12, $0x2  }
0x5a: {  	[tilespmem:s24], [sflag:$0x2] =	stream.indirect.gather [hbm4b:s4+s21], $0x80, s12, s21, $0xb8;
	[tilespmem:$0x18000] =	vst v63  }
0x5b: {  	s13 =	sadd.s32 s13, s11  }
0x5c: {  	[tilespmem:s25], [sflag:$0x4] =	stream.linear.gather [hbm4b:s13+s2], $0x2000, $0x38;
	[tilespmem:$0x18000] =	vst v63  }
0x5d: {  	_ =	swait.ge [sflag:s26], $0x2000  }
0x5e: {  	[sflag:s26] =	ssyncset.done $0x0  }
0x5f: {  	[sflag:s26] =	ssyncadd.s32 $0xFFFFE000  }
0x60: {  	_ =	swait.ge [sflag:s28], $0x2000  }
0x61: {  	p0 =	seq.s32 s7, $0x0;
	[sflag:s28] =	ssyncset.done $0x0  }
0x62: {  	s13 =	simm.s32 @!p0 $0x5;
	[sflag:s28] =	ssyncadd.s32 $0xFFFFE000  }
0x63: {  	_ =	swait.ge @!p0 [sflag:s13], $0x2000  }
0x64: {  	[sflag:s13] =	ssyncset.done @!p0 $0x0  }
0x65: {  	[sflag:s13] =	ssyncadd.s32 @!p0 $0xFFFFE000;
	s13 =	simm.s32 $0x0  }
0x66: {  	v3 =	vld [tilespmem:s13+$0x8030]  }
0x67: {  	v4 =	vld [tilespmem:s13+$0x4070]  }
0x68: {  	v5 =	vld [tilespmem:s13+$0x8000]  }
0x69: {  	v7 =	vld [tilespmem:s13+$0x8010]  }
0x6a: {  	v10 =	vld [tilespmem:s13+$0x8020]  }
0x6b: {  	v13 =	vld [tilespmem:s13+$0x4000]  }
0x6c: {  	v15 =	vld [tilespmem:s13+$0x4010];
	v6 =	vand.u32 $0xFFFF0000, v3  }
0x6d: {  	v8 =	vld [tilespmem:s13+$0x4020];
	v4 =	vadd.f32 v6, v4  }
0x6e: {  	v3 =	vshll.u32 v3, $0x10;
	v6 =	vld [tilespmem:s13+$0x4030]  }
0x6f: {  	v14 =	vshll.u32 v5, $0x10;
	v16 =	vand.u32 $0xFFFF0000, v5;
	v9 =	vmax.f32 v4, $0.0e+00;
	v4 =	vld [tilespmem:s13+$0x4040]  }
0x70: {  	v12 =	vshll.u32 v7, $0x10;
	v11 =	vand.u32 $0xFFFF0000, v7;
	v7 =	vld [tilespmem:s13+$0x4050];
	v14 =	vadd.f32 v14, v13  }
0x71: {  	s19 =	sshll.u32 s7, $0x1;
	s22 =	simm.s32 $0x80;
	s14 =	simm.s32 $0x400;
	v5 =	vand.u32 $0xFFFF0000, v10;
	v13 =	vadd.f32 v16, v15;
	[tilespmem:s13+$0xC070] =	vst v9;
	v9 =	vshll.u32 v10, $0x10;
	v10 =	vld [tilespmem:s13+$0x4060]  }
.LBB2_7:
0x72: {  	p1 =	sne.s32 s14, $0x7E00;
	v15 =	vld [tilespmem:s22+$0x8030];
	v14 =	vmax.f32 v14, $0.0e+00;
	v8 =	vadd.f32 v12, v8  }
0x73: {  	v12 =	vld [tilespmem:s22+$0x4070];
	[tilespmem:s13+$0xC000] =	vst v14;
	v13 =	vmax.f32 v13, $0.0e+00;
	v6 =	vadd.f32 v11, v6  }
0x74: {  	v11 =	vld [tilespmem:s22+$0x8000];
	[tilespmem:s13+$0xC010] =	vst v13;
	v8 =	vmax.f32 v8, $0.0e+00;
	v4 =	vadd.f32 v9, v4  }
0x75: {  	v9 =	vld [tilespmem:s22+$0x8010];
	[tilespmem:s13+$0xC020] =	vst v8;
	v6 =	vmax.f32 v6, $0.0e+00;
	v5 =	vadd.f32 v5, v7  }
0x76: {  	v7 =	vld [tilespmem:s22+$0x8020];
	[tilespmem:s13+$0xC030] =	vst v6;
	v4 =	vmax.f32 v4, $0.0e+00;
	v6 =	vadd.f32 v3, v10  }
0x77: {  	v10 =	vld [tilespmem:s22+$0x4000];
	v3 =	vshll.u32 v15, $0x10;
	v8 =	vand.u32 $0xFFFF0000, v15;
	[tilespmem:s13+$0xC040] =	vst v4;
	v4 =	vmax.f32 v5, $0.0e+00  }
0x78: {  	v13 =	vld [tilespmem:s22+$0x4010];
	v5 =	vadd.f32 v8, v12;
	[tilespmem:s13+$0xC050] =	vst v4;
	v4 =	vmax.f32 v6, $0.0e+00  }
.Ltmp2:
0x79: {  	v14 =	vshll.u32 v11, $0x10;
	v15 =	vand.u32 $0xFFFF0000, v11;
	v8 =	vld [tilespmem:s22+$0x4020];
	[tilespmem:s13+$0xC060] =	vst v4;
	s13 =	smov.u32 s22;
	(pc) =	sbr.rel @p1 .LBB2_7-.Ltmp2, $4  }
0x7a: {  	v12 =	vshll.u32 v9, $0x10;
	v11 =	vand.u32 $0xFFFF0000, v9;
	v6 =	vld [tilespmem:s13+$0x4030];
	v16 =	vmax.f32 v5, $0.0e+00  }
0x7b: {  	v9 =	vshll.u32 v7, $0x10;
	v5 =	vand.u32 $0xFFFF0000, v7;
	v4 =	vld [tilespmem:s13+$0x4040];
	[tilespmem:s13+$0xC070] =	vst v16  }
0x7c: {  	v14 =	vadd.f32 v14, v10;
	v7 =	vld [tilespmem:s13+$0x4050]  }
0x7d: {  	s22 =	sshra.s32 s14, $0x2;
	s14 =	sadd.s32 $0x200, s14;
	v13 =	vadd.f32 v15, v13;
	v10 =	vld [tilespmem:s13+$0x4060]  }
0x7e: {  	v15 =	vld [tilespmem:s22+$0x8030];
	v14 =	vmax.f32 v14, $0.0e+00;
	v8 =	vadd.f32 v12, v8  }
0x7f: {  	v16 =	vld [tilespmem:s22+$0x4070];
	[tilespmem:s13+$0xC000] =	vst v14;
	v12 =	vmax.f32 v13, $0.0e+00;
	v6 =	vadd.f32 v11, v6  }
0x80: {  	v13 =	vld [tilespmem:s22+$0x8000];
	[tilespmem:s13+$0xC010] =	vst v12;
	v8 =	vmax.f32 v8, $0.0e+00;
	v4 =	vadd.f32 v9, v4  }
0x81: {  	v11 =	vld [tilespmem:s22+$0x8010];
	[tilespmem:s13+$0xC020] =	vst v8;
	v6 =	vmax.f32 v6, $0.0e+00;
	v5 =	vadd.f32 v5, v7  }
0x82: {  	v8 =	vld [tilespmem:s22+$0x8020];
	[tilespmem:s13+$0xC030] =	vst v6;
	v4 =	vmax.f32 v4, $0.0e+00;
	v3 =	vadd.f32 v3, v10  }
0x83: {  	v6 =	vld [tilespmem:s22+$0x4000];
	[tilespmem:s13+$0xC040] =	vst v4;
	v4 =	vmax.f32 v5, $0.0e+00  }
0x84: {  	v5 =	vld [tilespmem:s22+$0x4010];
	[tilespmem:s13+$0xC050] =	vst v4;
	v4 =	vand.u32 $0xFFFF0000, v15;
	v3 =	vmax.f32 v3, $0.0e+00  }
0x85: {  	v7 =	vld [tilespmem:s22+$0x4020];
	v4 =	vadd.f32 v4, v16;
	[tilespmem:s13+$0xC060] =	vst v3  }
0x86: {  	v3 =	vld [tilespmem:s22+$0x4030]  }
0x87: {  	v10 =	vshll.u32 v13, $0x10;
	v9 =	vld [tilespmem:s22+$0x4040];
	v4 =	vmax.f32 v4, $0.0e+00  }
0x88: {  	[tilespmem:s22+$0xC070] =	vst v4;
	v4 =	vand.u32 $0xFFFF0000, v13;
	v6 =	vadd.f32 v10, v6;
	v10 =	vld [tilespmem:s22+$0x4050]  }
0x89: {  	v12 =	vshll.u32 v11, $0x10;
	v4 =	vadd.f32 v4, v5;
	v5 =	vld [tilespmem:s22+$0x4060]  }
0x8a: {  	v11 =	vand.u32 $0xFFFF0000, v11;
	v6 =	vmax.f32 v6, $0.0e+00;
	v7 =	vadd.f32 v12, v7  }
0x8b: {  	v12 =	vshll.u32 v8, $0x10;
	[tilespmem:s22+$0xC000] =	vst v6;
	v4 =	vmax.f32 v4, $0.0e+00;
	v3 =	vadd.f32 v11, v3  }
0x8c: {  	v6 =	vand.u32 $0xFFFF0000, v8;
	[tilespmem:s22+$0xC010] =	vst v4;
	v4 =	vmax.f32 v7, $0.0e+00;
	v7 =	vadd.f32 v12, v9  }
0x8d: {  	v8 =	vshll.u32 v15, $0x10;
	[tilespmem:s22+$0xC020] =	vst v4;
	v3 =	vmax.f32 v3, $0.0e+00;
	v4 =	vadd.f32 v6, v10  }
0x8e: {  	[tilespmem:s22+$0xC030] =	vst v3;
	v3 =	vmax.f32 v7, $0.0e+00;
	v5 =	vadd.f32 v8, v5  }
0x8f: {  	s16 =	sshll.u32 s7, $0x8;
	[tilespmem:s22+$0xC040] =	vst v3;
	v3 =	vmax.f32 v4, $0.0e+00  }
0x90: {  	s13 =	sand.u32 $0x3FFFFF00, s16;
	[tilespmem:s22+$0xC050] =	vst v3;
	v3 =	vmax.f32 v5, $0.0e+00  }
0x91: {  	p1 =	seq.s32 s7, $0x1F;
	s13 =	sadd.s32 $0x2000, s13;
	[tilespmem:s22+$0xC060] =	vst v3  }
0x92: {  	[spmem:s1] =	stream.indirect.scatter.add.f32 [tilespmem:s20], [sflag:$0x5], $0x80, s13, s21, $0xb8;
	[tilespmem:$0x18000] =	vst v63  }
0x93: {  	s13 =	sadd.s32 @!p1 $0x2, s19  }
0x94: {  	s16 =	simm.s32 @!p1 $0x40;
	s14 =	sshll.u32 @!p1 s13, $0x7  }
0x95: {  	s19 =	simm.s32 @!p1 $0x4000;
	s13 =	sshll.u32 @!p1 s13, $0xA;
	s14 =	sand.u32 @!p1 $0x3FFFFF80, s14  }
0x96: {  	[tilespmem:s19], [sflag:$0x1] =	stream.indirect.gather @!p1 [hbm4b:s4+s16], $0x80, s14, s16, $0xb8;
	[tilespmem:$0x18000] =	vst v63  }
0x97: {  	s13 =	sadd.s32 @!p1 s13, s11;
	s14 =	simm.s32 @!p1 $0x0;
	s16 =	simm.s32 @!p1 $0x8000  }
0x98: {  	[tilespmem:s16], [sflag:$0x3] =	stream.linear.gather @!p1 [hbm4b:s13+s14], $0x2000, $0x38;
	[tilespmem:$0x18000] =	vst v63  }
0x99: {  	_ =	swait.ge [sflag:s29], $0x2000  }
0x9a: {  	[sflag:s29] =	ssyncset.done $0x0  }
0x9b: {  	[sflag:s29] =	ssyncadd.s32 $0xFFFFE000  }
0x9c: {  	_ =	swait.ge [sflag:s30], $0x2000  }
0x9d: {  	[sflag:s30] =	ssyncset.done $0x0  }
0x9e: {  	s13 =	simm.s32 @!p0 $0x6;
	[sflag:s30] =	ssyncadd.s32 $0xFFFFE000  }
0x9f: {  	_ =	swait.ge @!p0 [sflag:s13], $0x2000  }
0xa0: {  	[sflag:s13] =	ssyncset.done @!p0 $0x0  }
0xa1: {  	[sflag:s13] =	ssyncadd.s32 @!p0 $0xFFFFE000;
	s13 =	simm.s32 $0x0  }
0xa2: {  	v3 =	vld [tilespmem:s13+$0xA030]  }
0xa3: {  	v4 =	vld [tilespmem:s13+$0x6070]  }
0xa4: {  	v7 =	vld [tilespmem:s13+$0xA000]  }
0xa5: {  	v9 =	vld [tilespmem:s13+$0xA010]  }
0xa6: {  	v10 =	vld [tilespmem:s13+$0xA020]  }
0xa7: {  	v13 =	vld [tilespmem:s13+$0x6000]  }
0xa8: {  	v15 =	vld [tilespmem:s13+$0x6010]  }
0xa9: {  	v8 =	vld [tilespmem:s13+$0x6020];
	v5 =	vand.u32 $0xFFFF0000, v3  }
0xaa: {  	v6 =	vld [tilespmem:s13+$0x6030];
	v3 =	vshll.u32 v3, $0x10;
	v4 =	vadd.f32 v5, v4  }
0xab: {  	v14 =	vshll.u32 v7, $0x10;
	v63 =	vand.u32 $0xFFFF0000, v7;
	v12 =	vshll.u32 v9, $0x10;
	v5 =	vld [tilespmem:s13+$0x6040]  }
0xac: {  	v11 =	vand.u32 $0xFFFF0000, v9;
	v7 =	vld [tilespmem:s13+$0x6050];
	v14 =	vadd.f32 v14, v13;
	v4 =	vmax.f32 v4, $0.0e+00  }
0xad: {  	s19 =	simm.s32 $0x400;
	s14 =	simm.s32 $0x80;
	v9 =	vshll.u32 v10, $0x10;
	v13 =	vadd.f32 v63, v15;
	[tilespmem:s13+$0xE070] =	vst v4;
	v4 =	vand.u32 $0xFFFF0000, v10;
	v10 =	vld [tilespmem:s13+$0x6060]  }
.LBB2_9:
0xae: {  	p0 =	sne.s32 s19, $0x7E00;
	v15 =	vld [tilespmem:s14+$0xA030];
	v14 =	vmax.f32 v14, $0.0e+00;
	v8 =	vadd.f32 v12, v8  }
0xaf: {  	v12 =	vld [tilespmem:s14+$0x6070];
	[tilespmem:s13+$0xE000] =	vst v14;
	v13 =	vmax.f32 v13, $0.0e+00;
	v6 =	vadd.f32 v11, v6  }
0xb0: {  	v11 =	vld [tilespmem:s14+$0xA000];
	[tilespmem:s13+$0xE010] =	vst v13;
	v8 =	vmax.f32 v8, $0.0e+00;
	v5 =	vadd.f32 v9, v5  }
0xb1: {  	v9 =	vld [tilespmem:s14+$0xA010];
	[tilespmem:s13+$0xE020] =	vst v8;
	v6 =	vmax.f32 v6, $0.0e+00;
	v4 =	vadd.f32 v4, v7  }
0xb2: {  	v7 =	vld [tilespmem:s14+$0xA020];
	[tilespmem:s13+$0xE030] =	vst v6;
	v5 =	vmax.f32 v5, $0.0e+00;
	v6 =	vadd.f32 v3, v10  }
0xb3: {  	v10 =	vld [tilespmem:s14+$0x6000];
	v3 =	vshll.u32 v15, $0x10;
	v8 =	vand.u32 $0xFFFF0000, v15;
	[tilespmem:s13+$0xE040] =	vst v5;
	v4 =	vmax.f32 v4, $0.0e+00  }
0xb4: {  	v13 =	vld [tilespmem:s14+$0x6010];
	v5 =	vadd.f32 v8, v12;
	[tilespmem:s13+$0xE050] =	vst v4;
	v4 =	vmax.f32 v6, $0.0e+00  }
.Ltmp3:
0xb5: {  	v14 =	vshll.u32 v11, $0x10;
	v15 =	vand.u32 $0xFFFF0000, v11;
	v8 =	vld [tilespmem:s14+$0x6020];
	[tilespmem:s13+$0xE060] =	vst v4;
	s13 =	smov.u32 s14;
	(pc) =	sbr.rel @p0 .LBB2_9-.Ltmp3, $4  }
0xb6: {  	v12 =	vshll.u32 v9, $0x10;
	v11 =	vand.u32 $0xFFFF0000, v9;
	v6 =	vld [tilespmem:s13+$0x6030];
	v16 =	vmax.f32 v5, $0.0e+00  }
0xb7: {  	v9 =	vshll.u32 v7, $0x10;
	v4 =	vand.u32 $0xFFFF0000, v7;
	v5 =	vld [tilespmem:s13+$0x6040];
	[tilespmem:s13+$0xE070] =	vst v16  }
0xb8: {  	v14 =	vadd.f32 v14, v10;
	v7 =	vld [tilespmem:s13+$0x6050]  }
0xb9: {  	s14 =	sshra.s32 s19, $0x2;
	s19 =	sadd.s32 $0x200, s19;
	v13 =	vadd.f32 v15, v13;
	v10 =	vld [tilespmem:s13+$0x6060]  }
0xba: {  	v15 =	vld [tilespmem:s14+$0xA030];
	v14 =	vmax.f32 v14, $0.0e+00;
	v8 =	vadd.f32 v12, v8  }
0xbb: {  	v16 =	vld [tilespmem:s14+$0x6070];
	[tilespmem:s13+$0xE000] =	vst v14;
	v47 =	vmax.f32 v13, $0.0e+00;
	v6 =	vadd.f32 v11, v6  }
0xbc: {  	v48 =	vld [tilespmem:s14+$0xA000];
	[tilespmem:s13+$0xE010] =	vst v47;
	v8 =	vmax.f32 v8, $0.0e+00;
	v5 =	vadd.f32 v9, v5  }
0xbd: {  	v49 =	vld [tilespmem:s14+$0xA010];
	[tilespmem:s13+$0xE020] =	vst v8;
	v6 =	vmax.f32 v6, $0.0e+00;
	v4 =	vadd.f32 v4, v7  }
0xbe: {  	v8 =	vld [tilespmem:s14+$0xA020];
	[tilespmem:s13+$0xE030] =	vst v6;
	v5 =	vmax.f32 v5, $0.0e+00;
	v3 =	vadd.f32 v3, v10  }
0xbf: {  	v6 =	vld [tilespmem:s14+$0x6000];
	[tilespmem:s13+$0xE040] =	vst v5;
	v4 =	vmax.f32 v4, $0.0e+00  }
0xc0: {  	v5 =	vld [tilespmem:s14+$0x6010];
	[tilespmem:s13+$0xE050] =	vst v4;
	v3 =	vmax.f32 v3, $0.0e+00  }
0xc1: {  	v50 =	vand.u32 $0xFFFF0000, v15;
	v51 =	vld [tilespmem:s14+$0x6020];
	[tilespmem:s13+$0xE060] =	vst v3  }
0xc2: {  	v4 =	vadd.f32 v50, v16;
	v3 =	vld [tilespmem:s14+$0x6030]  }
0xc3: {  	v53 =	vshll.u32 v48, $0x10;
	v52 =	vld [tilespmem:s14+$0x6040]  }
0xc4: {  	v54 =	vand.u32 $0xFFFF0000, v48;
	v4 =	vmax.f32 v4, $0.0e+00;
	v55 =	vld [tilespmem:s14+$0x6050];
	v6 =	vadd.f32 v53, v6  }
0xc5: {  	v56 =	vshll.u32 v49, $0x10;
	v57 =	vld [tilespmem:s14+$0x6060];
	[tilespmem:s14+$0xE070] =	vst v4;
	v4 =	vadd.f32 v54, v5  }
0xc6: {  	v11 =	vand.u32 $0xFFFF0000, v49;
	v6 =	vmax.f32 v6, $0.0e+00;
	v7 =	vadd.f32 v56, v51  }
0xc7: {  	v58 =	vshll.u32 v8, $0x10;
	[tilespmem:s14+$0xE000] =	vst v6;
	v4 =	vmax.f32 v4, $0.0e+00;
	v3 =	vadd.f32 v11, v3  }
0xc8: {  	s7 =	sadd.s32 $0x1, s7;
	v59 =	vand.u32 $0xFFFF0000, v8;
	v61 =	vadd.f32 v58, v52;
	[tilespmem:s14+$0xE010] =	vst v4;
	v60 =	vmax.f32 v7, $0.0e+00  }
0xc9: {  	p0 =	sne.s32 s7, $0x20;
	v62 =	vshll.u32 v15, $0x10;
	v63 =	vadd.f32 v59, v55;
	[tilespmem:s14+$0xE020] =	vst v60;
	v3 =	vmax.f32 v3, $0.0e+00  }
.Ltmp4:
0xca: {  	v5 =	vadd.f32 v62, v57;
	[tilespmem:s14+$0xE030] =	vst v3;
	v3 =	vmax.f32 v61, $0.0e+00;
	(pc) =	sbr.rel @p0 .LBB2_6-.Ltmp4, $4  }
0xcb: {  	[tilespmem:s14+$0xE040] =	vst v3;
	v3 =	vmax.f32 v63, $0.0e+00  }
0xcc: {  	[tilespmem:s14+$0xE050] =	vst v3;
	v3 =	vmax.f32 v5, $0.0e+00  }
0xcd: {  	s12 =	sadd.s32 $0x2000, s12;
	[tilespmem:s14+$0xE060] =	vst v3  }
0xce: {  	[spmem:s1] =	stream.indirect.scatter.add.f32 [tilespmem:s31], [sflag:$0x6], $0x80, s12, s21, $0xb8;
	[tilespmem:$0x18000] =	vst v63  }
0xcf: {  	_ =	swait.ge [sflag:s0], $0x2000  }
0xd0: {  	[sflag:s0] =	ssyncset.done $0x0  }
0xd1: {  	[sflag:s0] =	ssyncadd.s32 $0xFFFFE000  }
0xd2: {  	_ =	swait.ge [sflag:s3], $0x2000  }
0xd3: {  	[sflag:s3] =	ssyncset.done $0x0  }
0xd4: {  	s7 =	stileid.u32;
	[sflag:s3] =	ssyncadd.s32 $0xFFFFE000  }
0xd5: {  	s7 =	sshll.u32 s7, $0x6;
	[bflag:$0x0] =	sbarrier.arrive $0xFFFF  }
0xd6: {  	s19 =	sshrl.u32 s6, $0x3;
	s7 =	sor.u32 $0x1C07, s7;
	s12 =	rddreg [dreg:$0x5]  }
0xd7: {  	[hbm:s12], [sflag:s7] =	dma.local [spmem:s19], $0x1000  }
0xd8: {  	_ =	swait.ge [sflag:s18], $0x1000  }
0xd9: {  	[sflag:s18] =	ssyncset.done $0x0  }
0xda: {  	[sflag:s18] =	ssyncadd.s32 $0xFFFFF000  }
0xdb: {  	[bflag:$0x0] =	sbarrier.arrive $0xFFFF  }
0xdc: {  	s16 =	simm.s32 $0x0;
	s13 =	rddreg [dreg:$0x6]  }
0xdd: {  	[tilespmem:s16], [sflag:$0x7] =	stream.linear.gather [hbm4b:s13+s16], $0x2000, $0x38;
	[tilespmem:$0x18000] =	vst v63  }
0xde: {  	_ =	swait.ge [sflag:s18], $0x2000  }
0xdf: {  	[sflag:s18] =	ssyncset.done $0x0  }
0xe0: {  	s22 =	rddreg [dreg:$0x7];
	[sflag:s18] =	ssyncadd.s32 $0xFFFFE000  }
0xe1: {  	[tilespmem:s23], [sflag:$0x7] =	stream.linear.gather [hbm4b:s22+s16], $0x2000, $0x38;
	[tilespmem:$0x18000] =	vst v63  }
0xe2: {  	_ =	swait.ge [sflag:s18], $0x2000  }
0xe3: {  	[sflag:s18] =	ssyncset.done $0x0  }
0xe4: {  	s12 =	simm.s32 $0x0;
	[sflag:s18] =	ssyncadd.s32 $0xFFFFE000  }
0xe5: {  	v5 =	vld [tilespmem:s12+$0x0]  }
0xe6: {  	v4 =	vld [tilespmem:s12+$0x10]  }
0xe7: {  	s14 =	simm.s32 $0x200;
	s13 =	simm.s32 $0x0;
	v3 =	vld [tilespmem:s12+$0x20]  }
.LBB2_12:
0xe8: {  	p0 =	sne.s32 s14, $0x7E00;
	v6 =	vld [tilespmem:s13+$0x30];
	_ =	sdelay $0x1  }
.Ltmp5:
0xe9: {  	v5 =	vadd.s32 v1, v5;
	(pc) =	sbr.rel @p0 .LBB2_12-.Ltmp5, $4  }
0xea: {  	s16 =	sshra.s32 s14, $0x2;
	[tilespmem:s13+$0x0] =	vst v5;
	v4 =	vadd.s32 v1, v4  }
0xeb: {  	v5 =	vld [tilespmem:s16+$0x0];
	[tilespmem:s13+$0x10] =	vst v4;
	v3 =	vadd.s32 v1, v3  }
0xec: {  	v4 =	vld [tilespmem:s16+$0x10];
	[tilespmem:s13+$0x20] =	vst v3;
	v6 =	vadd.s32 v1, v6  }
0xed: {  	s14 =	sadd.s32 $0x200, s14;
	v3 =	vld [tilespmem:s16+$0x20];
	[tilespmem:s13+$0x30] =	vst v6;
	s13 =	smov.u32 s16  }
0xee: {  	v6 =	vld [tilespmem:s13+$0x30];
	_ =	sdelay $0x1  }
0xef: {  	v5 =	vadd.s32 v1, v5  }
0xf0: {  	[tilespmem:s13+$0x0] =	vst v5;
	v4 =	vadd.s32 v1, v4  }
0xf1: {  	[tilespmem:s13+$0x10] =	vst v4;
	v3 =	vadd.s32 v1, v3  }
0xf2: {  	[tilespmem:s13+$0x20] =	vst v3;
	v3 =	vadd.s32 v1, v6  }
0xf3: {  	[tilespmem:s13+$0x30] =	vst v3;
	s13 =	simm.s32 $0x200  }
.LBB2_14:
0xf4: {  	p0 =	sne.s32 s13, $0x7E00;
	[tilespmem:s12+$0xC070] =	vst v2  }
0xf5: {  	[tilespmem:s12+$0xC000] =	vst v2  }
0xf6: {  	[tilespmem:s12+$0xC010] =	vst v2  }
.Ltmp6:
0xf7: {  	[tilespmem:s12+$0xC020] =	vst v2;
	(pc) =	sbr.rel @p0 .LBB2_14-.Ltmp6, $4  }
0xf8: {  	[tilespmem:s12+$0xC030] =	vst v2  }
0xf9: {  	[tilespmem:s12+$0xC040] =	vst v2  }
0xfa: {  	[tilespmem:s12+$0xC050] =	vst v2  }
0xfb: {  	[tilespmem:s12+$0xC060] =	vst v2;
	s12 =	sshra.s32 s13, $0x2;
	s13 =	sadd.s32 $0x200, s13  }
0xfc: {  	[tilespmem:s12+$0xC070] =	vst v2  }
0xfd: {  	[tilespmem:s12+$0xC000] =	vst v2  }
0xfe: {  	[tilespmem:s12+$0xC010] =	vst v2  }
0xff: {  	[tilespmem:s12+$0xC020] =	vst v2  }
0x100: {  	[tilespmem:s12+$0xC030] =	vst v2  }
0x101: {  	[tilespmem:s12+$0xC040] =	vst v2  }
0x102: {  	[tilespmem:s12+$0xC050] =	vst v2  }
0x103: {  	[tilespmem:s12+$0xC060] =	vst v2  }
0x104: {  	[spmem:s6] =	stream.linear.scatter [tilespmem:s20], [sflag:$0x7], $0x2000, $0x38;
	[tilespmem:$0x18000] =	vst v63  }
0x105: {  	_ =	swait.ge [sflag:s18], $0x2000  }
0x106: {  	[sflag:s18] =	ssyncset.done $0x0  }
0x107: {  	[sflag:s18] =	ssyncadd.s32 $0xFFFFE000  }
0x108: {  	[spmem:s8] =	stream.linear.scatter [tilespmem:s20], [sflag:$0x7], $0x2000, $0x38;
	[tilespmem:$0x18000] =	vst v63  }
0x109: {  	_ =	swait.ge [sflag:s18], $0x2000  }
0x10a: {  	[sflag:s18] =	ssyncset.done $0x0  }
0x10b: {  	[sflag:s18] =	ssyncadd.s32 $0xFFFFE000  }
0x10c: {  	[spmem:s9] =	stream.linear.scatter [tilespmem:s20], [sflag:$0x7], $0x2000, $0x38;
	[tilespmem:$0x18000] =	vst v63  }
0x10d: {  	_ =	swait.ge [sflag:s18], $0x2000  }
0x10e: {  	[sflag:s18] =	ssyncset.done $0x0  }
0x10f: {  	[sflag:s18] =	ssyncadd.s32 $0xFFFFE000  }
0x110: {  	[spmem:s10] =	stream.linear.scatter [tilespmem:s20], [sflag:$0x7], $0x2000, $0x38;
	[tilespmem:$0x18000] =	vst v63  }
0x111: {  	_ =	swait.ge [sflag:s18], $0x2000  }
0x112: {  	[sflag:s18] =	ssyncset.done $0x0  }
0x113: {  	[sflag:s18] =	ssyncadd.s32 $0xFFFFE000  }
0x114: {  	s12 =	simm.s32 $0x0;
	s13 =	simm.s32 $0x4000;
	[bflag:$0x0] =	sbarrier.arrive $0xFFFF  }
0x115: {  	[tilespmem:s13], [sflag:$0x1] =	stream.indirect.gather [hbm4b:s4+s21], $0x80, s12, s21, $0xb8;
	[tilespmem:$0x18000] =	vst v63  }
0x116: {  	s23 =	simm.s32 $0x8000  }
0x117: {  	[tilespmem:s23], [sflag:$0x3] =	stream.linear.gather [hbm4b:s15+s12], $0x2000, $0x38;
	[tilespmem:$0x18000] =	vst v63  }
.LBB2_16:
0x118: {  	s13 =	sshllo.u32 s12, $0x1  }
0x119: {  	s14 =	sshll.u32 s13, $0x9  }
0x11a: {  	s13 =	sshll.u32 s13, $0xA;
	s22 =	sshrl.u32 s14, $0x2  }
0x11b: {  	[tilespmem:s24], [sflag:$0x2] =	stream.indirect.gather [hbm4b:s4+s21], $0x80, s22, s21, $0xb8;
	[tilespmem:$0x18000] =	vst v63  }
0x11c: {  	s13 =	sadd.s32 s13, s15  }
0x11d: {  	[tilespmem:s25], [sflag:$0x4] =	stream.linear.gather [hbm4b:s13+s2], $0x2000, $0x38;
	[tilespmem:$0x18000] =	vst v63  }
0x11e: {  	_ =	swait.ge [sflag:s26], $0x2000  }
0x11f: {  	[sflag:s26] =	ssyncset.done $0x0  }
0x120: {  	[sflag:s26] =	ssyncadd.s32 $0xFFFFE000  }
0x121: {  	_ =	swait.ge [sflag:s28], $0x2000  }
0x122: {  	p0 =	seq.s32 s12, $0x0;
	[sflag:s28] =	ssyncset.done $0x0  }
0x123: {  	s13 =	simm.s32 @!p0 $0x5;
	[sflag:s28] =	ssyncadd.s32 $0xFFFFE000  }
0x124: {  	_ =	swait.ge @!p0 [sflag:s13], $0x2000  }
0x125: {  	[sflag:s13] =	ssyncset.done @!p0 $0x0  }
0x126: {  	s23 =	simm.s32 $0x0;
	[sflag:s13] =	ssyncadd.s32 @!p0 $0xFFFFE000  }
0x127: {  	v3 =	vld [tilespmem:s23+$0x8030]  }
0x128: {  	v4 =	vld [tilespmem:s23+$0x4070]  }
0x129: {  	v5 =	vld [tilespmem:s23+$0x8000]  }
0x12a: {  	v7 =	vld [tilespmem:s23+$0x8010]  }
0x12b: {  	v10 =	vld [tilespmem:s23+$0x8020]  }
0x12c: {  	v13 =	vld [tilespmem:s23+$0x4000]  }
0x12d: {  	v15 =	vld [tilespmem:s23+$0x4010];
	v6 =	vand.u32 $0xFFFF0000, v3  }
0x12e: {  	v8 =	vld [tilespmem:s23+$0x4020];
	v4 =	vadd.f32 v6, v4  }
0x12f: {  	v3 =	vshll.u32 v3, $0x10;
	v6 =	vld [tilespmem:s23+$0x4030]  }
0x130: {  	v14 =	vshll.u32 v5, $0x10;
	v16 =	vand.u32 $0xFFFF0000, v5;
	v9 =	vmax.f32 v4, $0.0e+00;
	v4 =	vld [tilespmem:s23+$0x4040]  }
0x131: {  	v12 =	vshll.u32 v7, $0x10;
	v11 =	vand.u32 $0xFFFF0000, v7;
	v7 =	vld [tilespmem:s23+$0x4050];
	v14 =	vadd.f32 v14, v13  }
0x132: {  	s16 =	simm.s32 $0x400;
	s14 =	simm.s32 $0x80;
	s13 =	sshll.u32 s12, $0x1;
	v5 =	vand.u32 $0xFFFF0000, v10;
	v13 =	vadd.f32 v16, v15;
	[tilespmem:s23+$0xC070] =	vst v9;
	v9 =	vshll.u32 v10, $0x10;
	v10 =	vld [tilespmem:s23+$0x4060]  }
.LBB2_17:
0x133: {  	p1 =	sne.s32 s16, $0x7E00;
	v15 =	vld [tilespmem:s14+$0x8030];
	v14 =	vmax.f32 v14, $0.0e+00;
	v8 =	vadd.f32 v12, v8  }
0x134: {  	v12 =	vld [tilespmem:s14+$0x4070];
	[tilespmem:s23+$0xC000] =	vst v14;
	v13 =	vmax.f32 v13, $0.0e+00;
	v6 =	vadd.f32 v11, v6  }
0x135: {  	v11 =	vld [tilespmem:s14+$0x8000];
	[tilespmem:s23+$0xC010] =	vst v13;
	v8 =	vmax.f32 v8, $0.0e+00;
	v4 =	vadd.f32 v9, v4  }
0x136: {  	v9 =	vld [tilespmem:s14+$0x8010];
	[tilespmem:s23+$0xC020] =	vst v8;
	v6 =	vmax.f32 v6, $0.0e+00;
	v5 =	vadd.f32 v5, v7  }
0x137: {  	v7 =	vld [tilespmem:s14+$0x8020];
	[tilespmem:s23+$0xC030] =	vst v6;
	v4 =	vmax.f32 v4, $0.0e+00;
	v6 =	vadd.f32 v3, v10  }
0x138: {  	v10 =	vld [tilespmem:s14+$0x4000];
	v3 =	vshll.u32 v15, $0x10;
	v8 =	vand.u32 $0xFFFF0000, v15;
	[tilespmem:s23+$0xC040] =	vst v4;
	v4 =	vmax.f32 v5, $0.0e+00  }
0x139: {  	v13 =	vld [tilespmem:s14+$0x4010];
	v5 =	vadd.f32 v8, v12;
	[tilespmem:s23+$0xC050] =	vst v4;
	v4 =	vmax.f32 v6, $0.0e+00  }
.Ltmp7:
0x13a: {  	v14 =	vshll.u32 v11, $0x10;
	v15 =	vand.u32 $0xFFFF0000, v11;
	v8 =	vld [tilespmem:s14+$0x4020];
	[tilespmem:s23+$0xC060] =	vst v4;
	s23 =	smov.u32 s14;
	(pc) =	sbr.rel @p1 .LBB2_17-.Ltmp7, $4  }
0x13b: {  	v12 =	vshll.u32 v9, $0x10;
	v11 =	vand.u32 $0xFFFF0000, v9;
	v6 =	vld [tilespmem:s23+$0x4030];
	v16 =	vmax.f32 v5, $0.0e+00  }
0x13c: {  	v9 =	vshll.u32 v7, $0x10;
	v5 =	vand.u32 $0xFFFF0000, v7;
	v4 =	vld [tilespmem:s23+$0x4040];
	[tilespmem:s23+$0xC070] =	vst v16  }
0x13d: {  	v14 =	vadd.f32 v14, v10;
	v7 =	vld [tilespmem:s23+$0x4050]  }
0x13e: {  	s14 =	sshra.s32 s16, $0x2;
	s16 =	sadd.s32 $0x200, s16;
	v13 =	vadd.f32 v15, v13;
	v10 =	vld [tilespmem:s23+$0x4060]  }
0x13f: {  	v15 =	vld [tilespmem:s14+$0x8030];
	v14 =	vmax.f32 v14, $0.0e+00;
	v8 =	vadd.f32 v12, v8  }
0x140: {  	v16 =	vld [tilespmem:s14+$0x4070];
	[tilespmem:s23+$0xC000] =	vst v14;
	v12 =	vmax.f32 v13, $0.0e+00;
	v6 =	vadd.f32 v11, v6  }
0x141: {  	v13 =	vld [tilespmem:s14+$0x8000];
	[tilespmem:s23+$0xC010] =	vst v12;
	v8 =	vmax.f32 v8, $0.0e+00;
	v4 =	vadd.f32 v9, v4  }
0x142: {  	v11 =	vld [tilespmem:s14+$0x8010];
	[tilespmem:s23+$0xC020] =	vst v8;
	v6 =	vmax.f32 v6, $0.0e+00;
	v5 =	vadd.f32 v5, v7  }
0x143: {  	v8 =	vld [tilespmem:s14+$0x8020];
	[tilespmem:s23+$0xC030] =	vst v6;
	v4 =	vmax.f32 v4, $0.0e+00;
	v3 =	vadd.f32 v3, v10  }
0x144: {  	v6 =	vld [tilespmem:s14+$0x4000];
	[tilespmem:s23+$0xC040] =	vst v4;
	v4 =	vmax.f32 v5, $0.0e+00  }
0x145: {  	v5 =	vld [tilespmem:s14+$0x4010];
	[tilespmem:s23+$0xC050] =	vst v4;
	v4 =	vand.u32 $0xFFFF0000, v15;
	v3 =	vmax.f32 v3, $0.0e+00  }
0x146: {  	v7 =	vld [tilespmem:s14+$0x4020];
	v4 =	vadd.f32 v4, v16;
	[tilespmem:s23+$0xC060] =	vst v3  }
0x147: {  	v3 =	vld [tilespmem:s14+$0x4030]  }
0x148: {  	v10 =	vshll.u32 v13, $0x10;
	v9 =	vld [tilespmem:s14+$0x4040];
	v4 =	vmax.f32 v4, $0.0e+00  }
0x149: {  	[tilespmem:s14+$0xC070] =	vst v4;
	v4 =	vand.u32 $0xFFFF0000, v13;
	v6 =	vadd.f32 v10, v6;
	v10 =	vld [tilespmem:s14+$0x4050]  }
0x14a: {  	v12 =	vshll.u32 v11, $0x10;
	v4 =	vadd.f32 v4, v5;
	v5 =	vld [tilespmem:s14+$0x4060]  }
0x14b: {  	v11 =	vand.u32 $0xFFFF0000, v11;
	v6 =	vmax.f32 v6, $0.0e+00;
	v7 =	vadd.f32 v12, v7  }
0x14c: {  	v12 =	vshll.u32 v8, $0x10;
	[tilespmem:s14+$0xC000] =	vst v6;
	v4 =	vmax.f32 v4, $0.0e+00;
	v3 =	vadd.f32 v11, v3  }
0x14d: {  	v6 =	vand.u32 $0xFFFF0000, v8;
	[tilespmem:s14+$0xC010] =	vst v4;
	v4 =	vmax.f32 v7, $0.0e+00;
	v7 =	vadd.f32 v12, v9  }
0x14e: {  	v8 =	vshll.u32 v15, $0x10;
	[tilespmem:s14+$0xC020] =	vst v4;
	v3 =	vmax.f32 v3, $0.0e+00;
	v4 =	vadd.f32 v6, v10  }
0x14f: {  	[tilespmem:s14+$0xC030] =	vst v3;
	v3 =	vmax.f32 v7, $0.0e+00;
	v5 =	vadd.f32 v8, v5  }
0x150: {  	s16 =	sshll.u32 s12, $0x8;
	p1 =	seq.s32 s12, $0x1F;
	[tilespmem:s14+$0xC040] =	vst v3;
	v3 =	vmax.f32 v4, $0.0e+00  }
0x151: {  	s16 =	sand.u32 $0x3FFFFF00, s16;
	s13 =	sadd.s32 @!p1 $0x2, s13;
	[tilespmem:s14+$0xC050] =	vst v3;
	v3 =	vmax.f32 v5, $0.0e+00  }
0x152: {  	s23 =	sadd.s32 $0x2000, s16;
	s16 =	simm.s32 @!p1 $0x40;
	[tilespmem:s14+$0xC060] =	vst v3;
	s14 =	sshll.u32 @!p1 s13, $0x7  }
0x153: {  	[spmem:s1] =	stream.indirect.scatter.add.f32 [tilespmem:s20], [sflag:$0x5], $0x80, s23, s21, $0xb8;
	[tilespmem:$0x18000] =	vst v63  }
0x154: {  	s13 =	sshll.u32 @!p1 s13, $0xA;
	s14 =	sand.u32 @!p1 $0x3FFFFF80, s14;
	s23 =	simm.s32 @!p1 $0x4000  }
0x155: {  	[tilespmem:s23], [sflag:$0x1] =	stream.indirect.gather @!p1 [hbm4b:s4+s16], $0x80, s14, s16, $0xb8;
	[tilespmem:$0x18000] =	vst v63  }
0x156: {  	s13 =	sadd.s32 @!p1 s13, s15;
	s14 =	simm.s32 @!p1 $0x0;
	s16 =	simm.s32 @!p1 $0x8000  }
0x157: {  	[tilespmem:s16], [sflag:$0x3] =	stream.linear.gather @!p1 [hbm4b:s13+s14], $0x2000, $0x38;
	[tilespmem:$0x18000] =	vst v63  }
0x158: {  	_ =	swait.ge [sflag:s29], $0x2000  }
0x159: {  	[sflag:s29] =	ssyncset.done $0x0  }
0x15a: {  	[sflag:s29] =	ssyncadd.s32 $0xFFFFE000  }
0x15b: {  	_ =	swait.ge [sflag:s30], $0x2000  }
0x15c: {  	[sflag:s30] =	ssyncset.done $0x0  }
0x15d: {  	s13 =	simm.s32 @!p0 $0x6;
	[sflag:s30] =	ssyncadd.s32 $0xFFFFE000  }
0x15e: {  	_ =	swait.ge @!p0 [sflag:s13], $0x2000  }
0x15f: {  	[sflag:s13] =	ssyncset.done @!p0 $0x0  }
0x160: {  	[sflag:s13] =	ssyncadd.s32 @!p0 $0xFFFFE000;
	s13 =	simm.s32 $0x0  }
0x161: {  	v3 =	vld [tilespmem:s13+$0xA030]  }
0x162: {  	v4 =	vld [tilespmem:s13+$0x6070]  }
0x163: {  	v7 =	vld [tilespmem:s13+$0xA000]  }
0x164: {  	v9 =	vld [tilespmem:s13+$0xA010]  }
0x165: {  	v10 =	vld [tilespmem:s13+$0xA020]  }
0x166: {  	v13 =	vld [tilespmem:s13+$0x6000]  }
0x167: {  	v15 =	vld [tilespmem:s13+$0x6010]  }
0x168: {  	v8 =	vld [tilespmem:s13+$0x6020];
	v5 =	vand.u32 $0xFFFF0000, v3  }
0x169: {  	v6 =	vld [tilespmem:s13+$0x6030];
	v3 =	vshll.u32 v3, $0x10;
	v4 =	vadd.f32 v5, v4  }
0x16a: {  	v14 =	vshll.u32 v7, $0x10;
	v63 =	vand.u32 $0xFFFF0000, v7;
	v12 =	vshll.u32 v9, $0x10;
	v5 =	vld [tilespmem:s13+$0x6040]  }
0x16b: {  	v11 =	vand.u32 $0xFFFF0000, v9;
	v7 =	vld [tilespmem:s13+$0x6050];
	v14 =	vadd.f32 v14, v13;
	v4 =	vmax.f32 v4, $0.0e+00  }
0x16c: {  	s14 =	simm.s32 $0x80;
	s16 =	simm.s32 $0x400;
	v9 =	vshll.u32 v10, $0x10;
	v13 =	vadd.f32 v63, v15;
	[tilespmem:s13+$0xE070] =	vst v4;
	v4 =	vand.u32 $0xFFFF0000, v10;
	v10 =	vld [tilespmem:s13+$0x6060]  }
.LBB2_19:
0x16d: {  	p0 =	sne.s32 s16, $0x7E00;
	v15 =	vld [tilespmem:s14+$0xA030];
	v14 =	vmax.f32 v14, $0.0e+00;
	v8 =	vadd.f32 v12, v8  }
0x16e: {  	v12 =	vld [tilespmem:s14+$0x6070];
	[tilespmem:s13+$0xE000] =	vst v14;
	v13 =	vmax.f32 v13, $0.0e+00;
	v6 =	vadd.f32 v11, v6  }
0x16f: {  	v11 =	vld [tilespmem:s14+$0xA000];
	[tilespmem:s13+$0xE010] =	vst v13;
	v8 =	vmax.f32 v8, $0.0e+00;
	v5 =	vadd.f32 v9, v5  }
0x170: {  	v9 =	vld [tilespmem:s14+$0xA010];
	[tilespmem:s13+$0xE020] =	vst v8;
	v6 =	vmax.f32 v6, $0.0e+00;
	v4 =	vadd.f32 v4, v7  }
0x171: {  	v7 =	vld [tilespmem:s14+$0xA020];
	[tilespmem:s13+$0xE030] =	vst v6;
	v5 =	vmax.f32 v5, $0.0e+00;
	v6 =	vadd.f32 v3, v10  }
0x172: {  	v10 =	vld [tilespmem:s14+$0x6000];
	v3 =	vshll.u32 v15, $0x10;
	v8 =	vand.u32 $0xFFFF0000, v15;
	[tilespmem:s13+$0xE040] =	vst v5;
	v4 =	vmax.f32 v4, $0.0e+00  }
0x173: {  	v13 =	vld [tilespmem:s14+$0x6010];
	v5 =	vadd.f32 v8, v12;
	[tilespmem:s13+$0xE050] =	vst v4;
	v4 =	vmax.f32 v6, $0.0e+00  }
.Ltmp8:
0x174: {  	v14 =	vshll.u32 v11, $0x10;
	v15 =	vand.u32 $0xFFFF0000, v11;
	v8 =	vld [tilespmem:s14+$0x6020];
	[tilespmem:s13+$0xE060] =	vst v4;
	s13 =	smov.u32 s14;
	(pc) =	sbr.rel @p0 .LBB2_19-.Ltmp8, $4  }
0x175: {  	v12 =	vshll.u32 v9, $0x10;
	v11 =	vand.u32 $0xFFFF0000, v9;
	v6 =	vld [tilespmem:s13+$0x6030];
	v16 =	vmax.f32 v5, $0.0e+00  }
0x176: {  	v9 =	vshll.u32 v7, $0x10;
	v4 =	vand.u32 $0xFFFF0000, v7;
	v5 =	vld [tilespmem:s13+$0x6040];
	[tilespmem:s13+$0xE070] =	vst v16  }
0x177: {  	v14 =	vadd.f32 v14, v10;
	v7 =	vld [tilespmem:s13+$0x6050]  }
0x178: {  	s14 =	sshra.s32 s16, $0x2;
	s16 =	sadd.s32 $0x200, s16;
	v13 =	vadd.f32 v15, v13;
	v10 =	vld [tilespmem:s13+$0x6060]  }
0x179: {  	v15 =	vld [tilespmem:s14+$0xA030];
	v14 =	vmax.f32 v14, $0.0e+00;
	v8 =	vadd.f32 v12, v8  }
0x17a: {  	v16 =	vld [tilespmem:s14+$0x6070];
	[tilespmem:s13+$0xE000] =	vst v14;
	v47 =	vmax.f32 v13, $0.0e+00;
	v6 =	vadd.f32 v11, v6  }
0x17b: {  	v48 =	vld [tilespmem:s14+$0xA000];
	[tilespmem:s13+$0xE010] =	vst v47;
	v8 =	vmax.f32 v8, $0.0e+00;
	v5 =	vadd.f32 v9, v5  }
0x17c: {  	v49 =	vld [tilespmem:s14+$0xA010];
	[tilespmem:s13+$0xE020] =	vst v8;
	v6 =	vmax.f32 v6, $0.0e+00;
	v4 =	vadd.f32 v4, v7  }
0x17d: {  	v8 =	vld [tilespmem:s14+$0xA020];
	[tilespmem:s13+$0xE030] =	vst v6;
	v5 =	vmax.f32 v5, $0.0e+00;
	v3 =	vadd.f32 v3, v10  }
0x17e: {  	v6 =	vld [tilespmem:s14+$0x6000];
	[tilespmem:s13+$0xE040] =	vst v5;
	v4 =	vmax.f32 v4, $0.0e+00  }
0x17f: {  	v5 =	vld [tilespmem:s14+$0x6010];
	[tilespmem:s13+$0xE050] =	vst v4;
	v3 =	vmax.f32 v3, $0.0e+00  }
0x180: {  	v50 =	vand.u32 $0xFFFF0000, v15;
	v51 =	vld [tilespmem:s14+$0x6020];
	[tilespmem:s13+$0xE060] =	vst v3  }
0x181: {  	v4 =	vadd.f32 v50, v16;
	v3 =	vld [tilespmem:s14+$0x6030]  }
0x182: {  	v53 =	vshll.u32 v48, $0x10;
	v52 =	vld [tilespmem:s14+$0x6040]  }
0x183: {  	v54 =	vand.u32 $0xFFFF0000, v48;
	v4 =	vmax.f32 v4, $0.0e+00;
	v55 =	vld [tilespmem:s14+$0x6050];
	v6 =	vadd.f32 v53, v6  }
0x184: {  	v56 =	vshll.u32 v49, $0x10;
	v57 =	vld [tilespmem:s14+$0x6060];
	[tilespmem:s14+$0xE070] =	vst v4;
	v4 =	vadd.f32 v54, v5  }
0x185: {  	v11 =	vand.u32 $0xFFFF0000, v49;
	v6 =	vmax.f32 v6, $0.0e+00;
	v7 =	vadd.f32 v56, v51  }
0x186: {  	v58 =	vshll.u32 v8, $0x10;
	[tilespmem:s14+$0xE000] =	vst v6;
	v4 =	vmax.f32 v4, $0.0e+00;
	v3 =	vadd.f32 v11, v3  }
0x187: {  	s12 =	sadd.s32 $0x1, s12;
	v59 =	vand.u32 $0xFFFF0000, v8;
	v61 =	vadd.f32 v58, v52;
	[tilespmem:s14+$0xE010] =	vst v4;
	v60 =	vmax.f32 v7, $0.0e+00  }
0x188: {  	p0 =	sne.s32 s12, $0x20;
	v62 =	vshll.u32 v15, $0x10;
	v63 =	vadd.f32 v59, v55;
	[tilespmem:s14+$0xE020] =	vst v60;
	v3 =	vmax.f32 v3, $0.0e+00  }
.Ltmp9:
0x189: {  	v5 =	vadd.f32 v62, v57;
	[tilespmem:s14+$0xE030] =	vst v3;
	v3 =	vmax.f32 v61, $0.0e+00;
	(pc) =	sbr.rel @p0 .LBB2_16-.Ltmp9, $4  }
0x18a: {  	[tilespmem:s14+$0xE040] =	vst v3;
	v3 =	vmax.f32 v63, $0.0e+00  }
0x18b: {  	[tilespmem:s14+$0xE050] =	vst v3;
	v3 =	vmax.f32 v5, $0.0e+00  }
0x18c: {  	s23 =	sadd.s32 $0x2000, s22;
	[tilespmem:s14+$0xE060] =	vst v3  }
0x18d: {  	[spmem:s1] =	stream.indirect.scatter.add.f32 [tilespmem:s31], [sflag:$0x6], $0x80, s23, s21, $0xb8;
	[tilespmem:$0x18000] =	vst v63  }
0x18e: {  	_ =	swait.ge [sflag:s0], $0x2000  }
0x18f: {  	[sflag:s0] =	ssyncset.done $0x0  }
0x190: {  	[sflag:s0] =	ssyncadd.s32 $0xFFFFE000  }
0x191: {  	_ =	swait.ge [sflag:s3], $0x2000  }
0x192: {  	[sflag:s3] =	ssyncset.done $0x0  }
0x193: {  	[sflag:s3] =	ssyncadd.s32 $0xFFFFE000  }
0x194: {  	s5 =	sadd.s32 $0x1, s5;
	[bflag:$0x0] =	sbarrier.arrive $0xFFFF  }
0x195: {  	p0 =	sne.s32 s5, s17;
	s12 =	rddreg [dreg:$0x8]  }
0x196: {  	[hbm:s12], [sflag:s7] =	dma.local [spmem:s19], $0x1000  }
.Ltmp10:
0x197: {  	_ =	swait.ge [sflag:s18], $0x1000;
	(pc) =	sbr.rel @p0 .LBB2_1-.Ltmp10, $4  }
0x198: {  	[sflag:s18] =	ssyncset.done $0x0  }
0x199: {  	[sflag:s18] =	ssyncadd.s32 $0xFFFFF000  }
0x19a: {  	[bflag:$0x0] =	sbarrier.arrive $0xFFFF  }
0x19b: {  	s23 =	simm.s32 $0x2000  }
0x19c: {  	_ =	sfence.sel $0x180000  }
0x19d: {  	[bflag:$0x0] =	sbarrier.arrive $0xFFFF  }
0x19e: {  	_ =	strace $0x9000004A  }
0x19f: {  	s0 =	stileid.u32;
	[bflag:$0x2] =	sbarrier.arrive $0xFFFF  }
0x1a0: {  	p0 =	sne.s32 s0, $0x0;
	s0 =	rddreg [dreg:$0x2]  }
0x1a1: {  	s0 =	sadd.s32 @!p0 $0x100000, s0  }
0x1a2: {  	[sflag:s0] =	ssyncadd.tile.s32 @!p0 $0x1;
	_ =	shalt  }
.Lfunc_end2:
_tile_overlayer_lowered:
.L_overlay_start_2:
0x1a3: {  	(tag) =	ssettag $0x2  }
0x1a4: {  	s0 =	rddreg [dreg:$0x0];
	s2 =	stileid.u32  }
0x1a5: {  	s1 =	rddreg [dreg:$0x1];
	p0 =	sne.s32 s2, $0x0  }
0x1a6: {  	s3 =	rddreg [dreg:$0x2];
	[bflag:$0x3] =	sbarrier.arrive $0xFFFF;
	s2 =	simm.s32 @!p0 $0x1C07  }
0x1a7: {  	[timem:s3], [sflag:s2] =	dma.local @!p0 [hbm:s0], s1  }
0x1a8: {  	s0 =	simm.s32 @!p0 $0x7  }
0x1a9: {  	_ =	swait.ge @!p0 [sflag:s0], s1  }
0x1aa: {  	s1 =	ssub.s32 @!p0 $0x0, s1;
	[sflag:s0] =	ssyncset.done @!p0 $0x0  }
0x1ab: {  	[sflag:s0] =	ssyncadd.s32 @!p0 s1  }
0x1ac: {  	[bflag:$0x3] =	sbarrier.arrive $0xFFFF  }
0x1ad: {  	_ =	shalt  }

</sc_bundles>
